<compile_context>
chip_gen: v7x
topology: tpu7x:2x2x1
jax: 0.10.2.dev20260603
libtpu: 0.0.44.dev20260713+nightly
codegen_flags: <defaults>
</compile_context>

<pallas_src>
import functools

import jax
import jax.numpy as jnp
from jax import lax
from jax.experimental import pallas as pl
from jax.experimental.pallas import tpu as pltpu
from jax.experimental.pallas import tpu_sc as plsc

N_NODES = 10000
N_EDGES = 160000
NODE_DIM = 128
BOND_DIM = 16
CONV_DIM = 16
INTERNAL_DIM = 128
FP_DIM = 2048
NUM_GRAPHS = 64

NC = 2
NS = 16
NW = NC * NS
CHUNK = 128
PER_TILE = N_EDGES // NW
NFULL = PER_TILE // CHUNK
TAIL = PER_TILE - NFULL * CHUNK
GROUP = 8
ROWS_PER_TILE = N_NODES // NS

EB = 2000
NE_BLOCKS = N_EDGES // EB
NB = 1000
NN_BLOCKS = N_NODES // NB

_f32 = jnp.float32

_sc_mesh = plsc.VectorSubcoreMesh(core_axis_name="c", subcore_axis_name="s")
_sc_params = pltpu.CompilerParams(use_tc_tiling_on_sc=False)


@functools.partial(
    pl.kernel,
    mesh=_sc_mesh,
    out_type=jax.ShapeDtypeStruct((N_EDGES, CONV_DIM), _f32),
    scratch_types=[
        pltpu.VMEM((PER_TILE,), jnp.int32),
        pltpu.VMEM((GROUP * CHUNK, CONV_DIM), _f32),
        pltpu.SemaphoreType.DMA,
    ],
    compiler_params=_sc_params,
)
def _sc_gather(table_hbm, idx_hbm, out_hbm, idx_v, rows_v, sem):
    wid = lax.axis_index("c") * NS + lax.axis_index("s")
    base = wid * PER_TILE
    pltpu.sync_copy(idx_hbm.at[pl.ds(base, PER_TILE)], idx_v)

    def grp(g, carry):
        copies = []
        for j in range(GROUP):
            cp = pltpu.async_copy(
                table_hbm.at[idx_v.at[pl.ds((g * GROUP + j) * CHUNK, CHUNK)]],
                rows_v.at[pl.ds(j * CHUNK, CHUNK)],
                sem,
            )
            copies.append(cp)
        for cp in copies:
            cp.wait()
        pltpu.sync_copy(
            rows_v.at[pl.ds(0, GROUP * CHUNK)],
            out_hbm.at[pl.ds(base + g * (GROUP * CHUNK), GROUP * CHUNK)],
        )
        return carry

    lax.fori_loop(0, NFULL // GROUP, grp, 0)
    rest = NFULL - (NFULL // GROUP) * GROUP
    done = (NFULL // GROUP) * GROUP * CHUNK
    copies = []
    for j in range(rest):
        copies.append(pltpu.async_copy(
            table_hbm.at[idx_v.at[pl.ds(done + j * CHUNK, CHUNK)]],
            rows_v.at[pl.ds(j * CHUNK, CHUNK)], sem))
    copies.append(pltpu.async_copy(
        table_hbm.at[idx_v.at[pl.ds(done + rest * CHUNK, TAIL)]],
        rows_v.at[pl.ds(rest * CHUNK, TAIL)], sem))
    for cp in copies:
        cp.wait()
    pltpu.sync_copy(
        rows_v.at[pl.ds(0, rest * CHUNK + TAIL)],
        out_hbm.at[pl.ds(base + done, rest * CHUNK + TAIL)],
    )


@functools.partial(
    pl.kernel,
    mesh=_sc_mesh,
    out_type=jax.ShapeDtypeStruct((NC, N_NODES, CONV_DIM), _f32),
    scratch_types=[
        pltpu.VMEM((NFULL, CHUNK), jnp.int32),
        pltpu.VMEM((TAIL,), jnp.int32),
        pltpu.VMEM((CHUNK, CONV_DIM), _f32),
        pltpu.VMEM((ROWS_PER_TILE, CONV_DIM), _f32),
        pltpu.VMEM_SHARED((N_NODES, CONV_DIM), _f32),
        pltpu.SemaphoreType.DMA,
    ],
    compiler_params=_sc_params,
)
def _sc_scatter(m_hbm, idx2_hbm, idx_hbm, zeros_hbm, out_hbm,
                idx_v, idxt_v, m_v, bounce_v, acc_sh, sem):
    cid = lax.axis_index("c")
    sid = lax.axis_index("s")
    wid = cid * NS + sid
    base = wid * PER_TILE
    rows = pl.ds(sid * ROWS_PER_TILE, ROWS_PER_TILE)
    pltpu.sync_copy(zeros_hbm.at[rows], bounce_v)
    pltpu.sync_copy(bounce_v, acc_sh.at[rows])
    plsc.subcore_barrier()

    pltpu.sync_copy(idx2_hbm.at[pl.ds(wid * NFULL, NFULL)], idx_v)
    pltpu.sync_copy(idx_hbm.at[pl.ds(base + NFULL * CHUNK, TAIL)], idxt_v)

    def chunk(j, carry):
        pltpu.sync_copy(m_hbm.at[pl.ds(base + j * CHUNK, CHUNK)], m_v)
        pltpu.sync_copy(m_v, acc_sh.at[idx_v.at[j]], add=True)
        return carry

    lax.fori_loop(0, NFULL, chunk, 0)
    pltpu.sync_copy(m_hbm.at[pl.ds(base + NFULL * CHUNK, TAIL)],
                    m_v.at[pl.ds(0, TAIL)])
    pltpu.sync_copy(m_v.at[pl.ds(0, TAIL)], acc_sh.at[idxt_v], add=True)
    plsc.subcore_barrier()

    pltpu.sync_copy(acc_sh.at[rows], bounce_v)
    pltpu.sync_copy(bounce_v, out_hbm.at[cid, rows])


def _msg0_body(x_ref, wa_ref, ba_ref, o_ref):
    o_ref[...] = jnp.maximum(
        jnp.dot(x_ref[...], wa_ref[...], preferred_element_type=_f32) + ba_ref[...],
        0.0,
    )


def _edge_body(ea_ref, g_ref, we1_ref, be1_ref, we2_ref, be2_ref, r_ref, s_ref,
               m_ref, *, masked):
    ea = ea_ref[...]
    h = jnp.maximum(
        jnp.dot(ea, we1_ref[...], preferred_element_type=_f32) + be1_ref[...], 0.0)
    we = jnp.dot(h, we2_ref[...], preferred_element_type=_f32) + be2_ref[...]
    g = g_ref[...]
    if masked:
        g = g * (ea[:, BOND_DIM - 1:BOND_DIM] == 0.0).astype(_f32)
    p = jnp.dot(g, r_ref[...], preferred_element_type=_f32) * we
    m_ref[...] = jnp.dot(p, s_ref[...], preferred_element_type=_f32)


def _update_body(msg_ref, wr_ref, br_ref, p_ref, o_ref, *, scale):
    agg = p_ref[0] + p_ref[1]
    lin = jnp.dot(msg_ref[...], wr_ref[...], preferred_element_type=_f32) + br_ref[...]
    o_ref[...] = jnp.maximum(scale * lin + agg, 0.0)


def _fp_body(msg_ref, b_ref, wfp_ref, bfp_ref, o_ref):
    i = pl.program_id(0)
    y = jnp.maximum(
        jnp.dot(msg_ref[...], wfp_ref[...], preferred_element_type=_f32)
        + bfp_ref[...], 0.0)
    gids = lax.broadcasted_iota(jnp.int32, (NUM_GRAPHS, NB), 0)
    oh = (b_ref[0] == gids).astype(_f32)
    contrib = jnp.dot(oh, y, preferred_element_type=_f32)

    @pl.when(i == 0)
    def _():
        o_ref[...] = contrib

    @pl.when(i > 0)
    def _():
        o_ref[...] += contrib


def _edge_kernel(masked):
    full = lambda shape: pl.BlockSpec(shape, lambda i: (0,) * len(shape))
    eb16 = pl.BlockSpec((EB, CONV_DIM), lambda i: (i, 0))
    return pl.pallas_call(
        functools.partial(_edge_body, masked=masked),
        grid=(NE_BLOCKS,),
        in_specs=[eb16, eb16, full((BOND_DIM, INTERNAL_DIM)),
                  full((1, INTERNAL_DIM)),
                  full((INTERNAL_DIM, CONV_DIM * CONV_DIM)),
                  full((1, CONV_DIM * CONV_DIM)),
                  full((CONV_DIM, CONV_DIM * CONV_DIM)),
                  full((CONV_DIM * CONV_DIM, CONV_DIM))],
        out_specs=eb16,
        out_shape=jax.ShapeDtypeStruct((N_EDGES, CONV_DIM), _f32),
    )


def kernel(x, edge_index, edge_attr, batch, W_atom, b_atom, W_e1, b_e1, W_e2, b_e2,
           W_root, b_root, W_fp, b_fp):
    src = edge_index[0]
    dst = edge_index[1]
    dst2 = dst.reshape(NW, PER_TILE)[:, :NFULL * CHUNK].reshape(NW * NFULL, CHUNK)
    zeros_nt = jnp.zeros((N_NODES, CONV_DIM), _f32)
    batch3 = batch.reshape(NN_BLOCKS, 1, NB)

    ba = b_atom.reshape(1, CONV_DIM)
    be1 = b_e1.reshape(1, INTERNAL_DIM)
    be2 = b_e2.reshape(1, CONV_DIM * CONV_DIM)
    br = b_root.reshape(1, CONV_DIM)
    bfp = b_fp.reshape(1, FP_DIM)

    cols = jnp.arange(CONV_DIM * CONV_DIM)
    r_sel = (cols[None, :] // CONV_DIM == jnp.arange(CONV_DIM)[:, None]).astype(_f32)
    s_sel = (cols[:, None] % CONV_DIM == jnp.arange(CONV_DIM)[None, :]).astype(_f32)

    msg0 = pl.pallas_call(
        _msg0_body,
        out_shape=jax.ShapeDtypeStruct((N_NODES, CONV_DIM), _f32),
    )(x, W_atom, ba)

    g0 = _sc_gather(msg0, src)
    m0 = _edge_kernel(masked=True)(edge_attr, g0, W_e1, be1, W_e2, be2, r_sel, s_sel)
    parts0 = _sc_scatter(m0, dst2, dst, zeros_nt)
    msg1 = pl.pallas_call(
        functools.partial(_update_body, scale=1.0),
        out_shape=jax.ShapeDtypeStruct((N_NODES, CONV_DIM), _f32),
    )(msg0, W_root, br, parts0)

    g1 = _sc_gather(msg1, src)
    m1 = _edge_kernel(masked=False)(edge_attr, g1, W_e1, be1, W_e2, be2, r_sel, s_sel)
    parts1 = _sc_scatter(m1, dst2, dst, zeros_nt)
    msg2 = pl.pallas_call(
        functools.partial(_update_body, scale=2.0),
        out_shape=jax.ShapeDtypeStruct((N_NODES, CONV_DIM), _f32),
    )(msg1, W_root, br, parts1)

    full = lambda shape: pl.BlockSpec(shape, lambda i: (0,) * len(shape))
    fingerprint = pl.pallas_call(
        _fp_body,
        grid=(NN_BLOCKS,),
        in_specs=[pl.BlockSpec((NB, CONV_DIM), lambda i: (i, 0)),
                  pl.BlockSpec((1, 1, NB), lambda i: (i, 0, 0)),
                  full((CONV_DIM, FP_DIM)), full((1, FP_DIM))],
        out_specs=pl.BlockSpec((NUM_GRAPHS, FP_DIM), lambda i: (0, 0)),
        out_shape=jax.ShapeDtypeStruct((NUM_GRAPHS, FP_DIM), _f32),
    )(msg2, batch3, W_fp, bfp)
    return fingerprint

# --- scband reference (transcript-rebuilt; emitter-appended) ---
"""Pipeline reference for scband-pfpencoder-11012296147740 (READ-ONLY COPY).

The authoritative reference and input builder live on the scoring server;
editing this copy changes nothing except your own understanding.
"""

import jax, jax.numpy as jnp
import numpy as np

N_NODES = 10000
N_EDGES = 160000
NODE_DIM = 128
BOND_DIM = 16
CONV_DIM = 16
INTERNAL_DIM = 128
FP_DIM = 2048
NUM_GRAPHS = 64
DEPTH = 2
COV_ONLY_DEPTH = 1


def setup_inputs(seed: int = 0):
    key = jax.random.key(seed)
    ks = jax.random.split(key, 12)
    x = jax.random.normal(ks[0], (N_NODES, NODE_DIM), dtype=jnp.float32)
    edge_index = jax.random.randint(ks[1], (2, N_EDGES), 0, N_NODES, dtype=jnp.int32)
    edge_attr = jax.random.uniform(ks[2], (N_EDGES, BOND_DIM), dtype=jnp.float32)
    bond_type = jax.random.randint(ks[3], (N_EDGES,), 0, 2).astype(jnp.float32)
    edge_attr = edge_attr.at[:, -1].set(bond_type)
    batch = jnp.sort(jax.random.randint(ks[4], (N_NODES,), 0, NUM_GRAPHS, dtype=jnp.int32))

    def lin(k, fi, fo):
        return jax.random.normal(k, (fi, fo), dtype=jnp.float32) / np.sqrt(fi)

    W_atom = lin(ks[5], NODE_DIM, CONV_DIM)
    b_atom = jnp.zeros((CONV_DIM,), jnp.float32)
    W_e1 = lin(ks[6], BOND_DIM, INTERNAL_DIM)
    b_e1 = jnp.zeros((INTERNAL_DIM,), jnp.float32)
    W_e2 = lin(ks[7], INTERNAL_DIM, CONV_DIM * CONV_DIM)
    b_e2 = jnp.zeros((CONV_DIM * CONV_DIM,), jnp.float32)
    W_root = lin(ks[8], CONV_DIM, CONV_DIM)
    b_root = jnp.zeros((CONV_DIM,), jnp.float32)
    W_fp = lin(ks[9], CONV_DIM, FP_DIM)
    b_fp = jnp.zeros((FP_DIM,), jnp.float32)
    return {"x": x, "edge_index": edge_index, "edge_attr": edge_attr, "batch": batch,
            "W_atom": W_atom, "b_atom": b_atom, "W_e1": W_e1, "b_e1": b_e1,
            "W_e2": W_e2, "b_e2": b_e2, "W_root": W_root, "b_root": b_root,
            "W_fp": W_fp, "b_fp": b_fp}


def _nn_conv(msg, src, dst, ea, mask, W_e1, b_e1, W_e2, b_e2, W_root, b_root):
    # NNConv (ECC): per-edge weight matrix from the edge-feature MLP (dropout p=0 -> identity)
    h = jax.nn.relu(ea @ W_e1 + b_e1)
    We = (h @ W_e2 + b_e2).reshape(-1, CONV_DIM, CONV_DIM)
    m = jnp.einsum('ei,eio->eo', msg[src], We) * mask[:, None]
    agg = jnp.zeros((msg.shape[0], CONV_DIM), msg.dtype).at[dst].add(m)  # aggr='add'
    return msg @ W_root + b_root + agg


def reference(x, edge_index, edge_attr, batch, W_atom, b_atom, W_e1, b_e1, W_e2, b_e2, W_root, b_root, W_fp, b_fp):
    mask_c = (edge_attr[:, -1] == 0.0).astype(x.dtype)
    mask_s = (edge_attr[:, -1] == 1.0).astype(x.dtype)
    src, dst = edge_index[0], edge_index[1]

    fingerprint = jnp.zeros((FP_DIM,), jnp.float32)
    message = jax.nn.relu(x @ W_atom + b_atom)  # atom_expand_nn
    for i in range(DEPTH):
        cov = _nn_conv(message, src, dst, edge_attr, mask_c, W_e1, b_e1, W_e2, b_e2, W_root, b_root)
        if i < COV_ONLY_DEPTH:
            message = jax.nn.relu(cov)
        else:
            spa = _nn_conv(message, src, dst, edge_attr, mask_s, W_e1, b_e1, W_e2, b_e2, W_root, b_root)
            message = jax.nn.relu(cov + spa)
        # expand_to_fp_nn ends in ReLU; forward applies F.relu again
        expanded = jax.nn.relu(jax.nn.relu(message @ W_fp + b_fp))
        readout = jax.ops.segment_sum(expanded, batch, num_segments=NUM_GRAPHS)  # global_add_pool
        # sparsify with sparse_type='none' -> identity
        if i == DEPTH - 1:  # skip_connections=False
            fingerprint = fingerprint + readout
    return fingerprint  # [NUM_GRAPHS, FP_DIM]; fp_norm=False

if __name__ == "__main__":
    import jax
    _d = setup_inputs()
    print(jax.jit(kernel)(*tuple(_d.values())))

</pallas_src>

<mosaic_0001>
#map = affine_map<(d0, d1) -> (0, 0)>
#map1 = affine_map<(d0, d1) -> (0)>
#map2 = affine_map<(d0, d1) -> (0, 0, 0)>
module attributes {stable_mosaic.version = 14 : i64} {
  func.func @_sc_scatter(%arg0: i32, %arg1: i32, %arg2: memref<160000x16xf32, #tpu.memory_space<hbm>>, %arg3: memref<1248x128xi32, #tpu.memory_space<hbm>>, %arg4: memref<160000xi32, #tpu.memory_space<hbm>>, %arg5: memref<10000x16xf32, #tpu.memory_space<hbm>>, %arg6: memref<2x10000x16xf32, #tpu.memory_space<hbm>>, %arg7: memref<39x128xi32, #tpu.memory_space<vmem>>, %arg8: memref<8xi32, #tpu.memory_space<vmem>>, %arg9: memref<128x16xf32, #tpu.memory_space<vmem>>, %arg10: memref<625x16xf32, #tpu.memory_space<vmem>>, %arg11: memref<10000x16xf32, #tpu.memory_space<vmem_shared>>, %arg12: memref<!tpu.dma_semaphore, #tpu.memory_space<semaphore_mem>>) attributes {dimension_semantics = [#tpu.dimension_semantics<core_parallel>, #tpu.dimension_semantics<subcore_parallel>], iteration_bounds = array<i64: 2, 16>, scalar_prefetch = 0 : i64, scratch_operands = 6 : i64, tpu.core_type = #tpu.core_type<sc_vector_subcore>, window_params = [{transform_indices = #map}, {transform_indices = #map}, {transform_indices = #map1}, {transform_indices = #map}, {transform_indices = #map2}]} {
    %mul3A = arith.constant 16 : i32
    %mul3A_0 = arith.muli %arg0, %mul3A : i32
    %add3A = arith.addi %mul3A_0, %arg1 : i32
    %mul3A_1 = arith.constant 5000 : i32
    %mul3A_2 = arith.muli %add3A, %mul3A_1 : i32
    %mul3A_3 = arith.constant 625 : i32
    %mul3A_4 = arith.muli %arg1, %mul3A_3 : i32
    "tpu.region"() ({
      %run_scoped3A = tpu.sem_alloc : memref<!tpu.dma_semaphore, #tpu.memory_space<semaphore_mem>>
      %dma_start3A = arith.constant 0 : i32
      %dma_start3A_17 = tpu.memref_slice %arg5[%mul3A_4, %dma_start3A] : memref<10000x16xf32, #tpu.memory_space<hbm>> -> memref<625x16xf32, #tpu.memory_space<hbm>>
      %dma_start3A_18 = arith.constant 0 : i32
      %dma_start3A_19 = tpu.memref_slice %arg5[%mul3A_4, %dma_start3A_18] : memref<10000x16xf32, #tpu.memory_space<hbm>> -> memref<625x16xf32, #tpu.memory_space<hbm>>
      tpu.enqueue_dma source(%dma_start3A_19 : memref<625x16xf32, #tpu.memory_space<hbm>>) target(%arg10 : memref<625x16xf32, #tpu.memory_space<vmem>>) target_semaphore(%run_scoped3A : memref<!tpu.dma_semaphore, #tpu.memory_space<semaphore_mem>>)
      %dma_wait3A = arith.constant 0 : i32
      %dma_wait3A_20 = tpu.memref_slice %arg5[%mul3A_4, %dma_wait3A] : memref<10000x16xf32, #tpu.memory_space<hbm>> -> memref<625x16xf32, #tpu.memory_space<hbm>>
      %dma_wait3A_21 = arith.constant 0 : i32
      %dma_wait3A_22 = tpu.memref_slice %arg5[%mul3A_4, %dma_wait3A_21] : memref<10000x16xf32, #tpu.memory_space<hbm>> -> memref<625x16xf32, #tpu.memory_space<hbm>>
      tpu.wait_dma2 semaphore(%run_scoped3A : memref<!tpu.dma_semaphore, #tpu.memory_space<semaphore_mem>>) src(%dma_wait3A_22 : memref<625x16xf32, #tpu.memory_space<hbm>>) dst(%arg10 : memref<625x16xf32, #tpu.memory_space<vmem>>)
      tpu.yield
    }) : () -> ()
    "tpu.region"() ({
      %run_scoped3A = tpu.sem_alloc : memref<!tpu.dma_semaphore, #tpu.memory_space<semaphore_mem>>
      %dma_start3A = arith.constant 0 : i32
      %dma_start3A_17 = tpu.memref_slice %arg11[%mul3A_4, %dma_start3A] : memref<10000x16xf32, #tpu.memory_space<vmem_shared>> -> memref<625x16xf32, #tpu.memory_space<vmem_shared>>
      %dma_start3A_18 = arith.constant 0 : i32
      %dma_start3A_19 = tpu.memref_slice %arg11[%mul3A_4, %dma_start3A_18] : memref<10000x16xf32, #tpu.memory_space<vmem_shared>> -> memref<625x16xf32, #tpu.memory_space<vmem_shared>>
      tpu.enqueue_dma source(%arg10 : memref<625x16xf32, #tpu.memory_space<vmem>>) target(%dma_start3A_19 : memref<625x16xf32, #tpu.memory_space<vmem_shared>>) target_semaphore(%run_scoped3A : memref<!tpu.dma_semaphore, #tpu.memory_space<semaphore_mem>>)
      %dma_wait3A = arith.constant 0 : i32
      %dma_wait3A_20 = tpu.memref_slice %arg11[%mul3A_4, %dma_wait3A] : memref<10000x16xf32, #tpu.memory_space<vmem_shared>> -> memref<625x16xf32, #tpu.memory_space<vmem_shared>>
      %dma_wait3A_21 = arith.constant 0 : i32
      %dma_wait3A_22 = tpu.memref_slice %arg11[%mul3A_4, %dma_wait3A_21] : memref<10000x16xf32, #tpu.memory_space<vmem_shared>> -> memref<625x16xf32, #tpu.memory_space<vmem_shared>>
      tpu.wait_dma2 semaphore(%run_scoped3A : memref<!tpu.dma_semaphore, #tpu.memory_space<semaphore_mem>>) src(%arg10 : memref<625x16xf32, #tpu.memory_space<vmem>>) dst(%dma_wait3A_22 : memref<625x16xf32, #tpu.memory_space<vmem_shared>>)
      tpu.yield
    }) : () -> ()
    %barrier3A = arith.constant 0 : index
    tpu.barrier barrier_id(%barrier3A)
    %mul3A_5 = arith.constant 39 : i32
    %mul3A_6 = arith.muli %add3A, %mul3A_5 : i32
    "tpu.region"() ({
      %run_scoped3A = tpu.sem_alloc : memref<!tpu.dma_semaphore, #tpu.memory_space<semaphore_mem>>
      %dma_start3A = arith.constant 0 : i32
      %dma_start3A_17 = tpu.memref_slice %arg3[%mul3A_6, %dma_start3A] : memref<1248x128xi32, #tpu.memory_space<hbm>> -> memref<39x128xi32, #tpu.memory_space<hbm>>
      %dma_start3A_18 = arith.constant 0 : i32
      %dma_start3A_19 = tpu.memref_slice %arg3[%mul3A_6, %dma_start3A_18] : memref<1248x128xi32, #tpu.memory_space<hbm>> -> memref<39x128xi32, #tpu.memory_space<hbm>>
      tpu.enqueue_dma source(%dma_start3A_19 : memref<39x128xi32, #tpu.memory_space<hbm>>) target(%arg7 : memref<39x128xi32, #tpu.memory_space<vmem>>) target_semaphore(%run_scoped3A : memref<!tpu.dma_semaphore, #tpu.memory_space<semaphore_mem>>)
      %dma_wait3A = arith.constant 0 : i32
      %dma_wait3A_20 = tpu.memref_slice %arg3[%mul3A_6, %dma_wait3A] : memref<1248x128xi32, #tpu.memory_space<hbm>> -> memref<39x128xi32, #tpu.memory_space<hbm>>
      %dma_wait3A_21 = arith.constant 0 : i32
      %dma_wait3A_22 = tpu.memref_slice %arg3[%mul3A_6, %dma_wait3A_21] : memref<1248x128xi32, #tpu.memory_space<hbm>> -> memref<39x128xi32, #tpu.memory_space<hbm>>
      tpu.wait_dma2 semaphore(%run_scoped3A : memref<!tpu.dma_semaphore, #tpu.memory_space<semaphore_mem>>) src(%dma_wait3A_22 : memref<39x128xi32, #tpu.memory_space<hbm>>) dst(%arg7 : memref<39x128xi32, #tpu.memory_space<vmem>>)
      tpu.yield
    }) : () -> ()
    %add3A_7 = arith.constant 4992 : i32
    %add3A_8 = arith.addi %mul3A_2, %add3A_7 : i32
    "tpu.region"() ({
      %run_scoped3A = tpu.sem_alloc : memref<!tpu.dma_semaphore, #tpu.memory_space<semaphore_mem>>
      %dma_start3A = tpu.memref_slice %arg4[%add3A_8] : memref<160000xi32, #tpu.memory_space<hbm>> -> memref<8xi32, #tpu.memory_space<hbm>>
      %dma_start3A_17 = tpu.memref_slice %arg4[%add3A_8] : memref<160000xi32, #tpu.memory_space<hbm>> -> memref<8xi32, #tpu.memory_space<hbm>>
      tpu.enqueue_dma source(%dma_start3A_17 : memref<8xi32, #tpu.memory_space<hbm>>) target(%arg8 : memref<8xi32, #tpu.memory_space<vmem>>) target_semaphore(%run_scoped3A : memref<!tpu.dma_semaphore, #tpu.memory_space<semaphore_mem>>)
      %dma_wait3A = tpu.memref_slice %arg4[%add3A_8] : memref<160000xi32, #tpu.memory_space<hbm>> -> memref<8xi32, #tpu.memory_space<hbm>>
      %dma_wait3A_18 = tpu.memref_slice %arg4[%add3A_8] : memref<160000xi32, #tpu.memory_space<hbm>> -> memref<8xi32, #tpu.memory_space<hbm>>
      tpu.wait_dma2 semaphore(%run_scoped3A : memref<!tpu.dma_semaphore, #tpu.memory_space<semaphore_mem>>) src(%dma_wait3A_18 : memref<8xi32, #tpu.memory_space<hbm>>) dst(%arg8 : memref<8xi32, #tpu.memory_space<vmem>>)
      tpu.yield
    }) : () -> ()
    %scan3A = arith.constant 0 : i32
    %scan3A_9 = arith.constant 0 : i32
    %scan3A_10 = arith.constant 39 : i32
    %scan3A_11 = arith.addi %scan3A_9, %scan3A_10 : i32
    %scan3A_12 = arith.constant 1 : i32
    scf.for %scan3A_17 = %scan3A_9 to %scan3A_11 step %scan3A_12  : i32 {
      %mul3A_18 = arith.constant 128 : i32
      %mul3A_19 = arith.muli %scan3A_17, %mul3A_18 : i32
      %add3A_20 = arith.addi %mul3A_2, %mul3A_19 : i32
      "tpu.region"() ({
        %run_scoped3A = tpu.sem_alloc : memref<!tpu.dma_semaphore, #tpu.memory_space<semaphore_mem>>
        %dma_start3A = arith.constant 0 : i32
        %dma_start3A_21 = tpu.memref_slice %arg2[%add3A_20, %dma_start3A] : memref<160000x16xf32, #tpu.memory_space<hbm>> -> memref<128x16xf32, #tpu.memory_space<hbm>>
        %dma_start3A_22 = arith.constant 0 : i32
        %dma_start3A_23 = tpu.memref_slice %arg2[%add3A_20, %dma_start3A_22] : memref<160000x16xf32, #tpu.memory_space<hbm>> -> memref<128x16xf32, #tpu.memory_space<hbm>>
        tpu.enqueue_dma source(%dma_start3A_23 : memref<128x16xf32, #tpu.memory_space<hbm>>) target(%arg9 : memref<128x16xf32, #tpu.memory_space<vmem>>) target_semaphore(%run_scoped3A : memref<!tpu.dma_semaphore, #tpu.memory_space<semaphore_mem>>)
        %dma_wait3A = arith.constant 0 : i32
        %dma_wait3A_24 = tpu.memref_slice %arg2[%add3A_20, %dma_wait3A] : memref<160000x16xf32, #tpu.memory_space<hbm>> -> memref<128x16xf32, #tpu.memory_space<hbm>>
        %dma_wait3A_25 = arith.constant 0 : i32
        %dma_wait3A_26 = tpu.memref_slice %arg2[%add3A_20, %dma_wait3A_25] : memref<160000x16xf32, #tpu.memory_space<hbm>> -> memref<128x16xf32, #tpu.memory_space<hbm>>
        tpu.wait_dma2 semaphore(%run_scoped3A : memref<!tpu.dma_semaphore, #tpu.memory_space<semaphore_mem>>) src(%dma_wait3A_26 : memref<128x16xf32, #tpu.memory_space<hbm>>) dst(%arg9 : memref<128x16xf32, #tpu.memory_space<vmem>>)
        tpu.yield
      }) : () -> ()
      "tpu.region"() ({
        %run_scoped3A = tpu.sem_alloc : memref<!tpu.dma_semaphore, #tpu.memory_space<semaphore_mem>>
        %dma_start3A = arith.constant 0 : i32
        %dma_start3A_21 = tpu.memref_slice %arg7[%scan3A_17, %dma_start3A] : memref<39x128xi32, #tpu.memory_space<vmem>> -> memref<1x128xi32, #tpu.memory_space<vmem>>
        %dma_start3A_22 = tpu.memref_squeeze %dma_start3A_21 : memref<1x128xi32, #tpu.memory_space<vmem>> -> memref<128xi32, #tpu.memory_space<vmem>>
        %dma_start3A_23 = arith.constant 0 : i32
        %dma_start3A_24 = arith.constant 0 : i32
        %dma_start3A_25 = tpu.memref_slice %arg11[%dma_start3A_23, %dma_start3A_24] : memref<10000x16xf32, #tpu.memory_space<vmem_shared>> -> memref<10000x16xf32, #tpu.memory_space<vmem_shared>>
        tpu.enqueue_indirect_dma source(%arg9 : memref<128x16xf32, #tpu.memory_space<vmem>>) target(%dma_start3A_25 : memref<10000x16xf32, #tpu.memory_space<vmem_shared>>) offsets(%dma_start3A_22 : memref<128xi32, #tpu.memory_space<vmem>>) semaphore(%run_scoped3A : memref<!tpu.dma_semaphore, #tpu.memory_space<semaphore_mem>>) {add = true}
        %dma_wait3A = arith.constant 0 : i32
        %dma_wait3A_26 = tpu.memref_slice %arg7[%scan3A_17, %dma_wait3A] : memref<39x128xi32, #tpu.memory_space<vmem>> -> memref<1x128xi32, #tpu.memory_space<vmem>>
        %dma_wait3A_27 = tpu.memref_squeeze %dma_wait3A_26 : memref<1x128xi32, #tpu.memory_space<vmem>> -> memref<128xi32, #tpu.memory_space<vmem>>
        %dma_wait3A_28 = arith.constant 0 : i32
        %dma_wait3A_29 = arith.constant 0 : i32
        %dma_wait3A_30 = tpu.memref_slice %arg11[%dma_wait3A_28, %dma_wait3A_29] : memref<10000x16xf32, #tpu.memory_space<vmem_shared>> -> memref<10000x16xf32, #tpu.memory_space<vmem_shared>>
        tpu.wait_indirect_dma semaphore(%run_scoped3A : memref<!tpu.dma_semaphore, #tpu.memory_space<semaphore_mem>>) src(%arg9 : memref<128x16xf32, #tpu.memory_space<vmem>>) dst(%dma_wait3A_30 : memref<10000x16xf32, #tpu.memory_space<vmem_shared>>)
        tpu.yield
      }) : () -> ()
    }
    %scan3A_13 = arith.constant 39 : i32
    %add3A_14 = arith.constant 4992 : i32
    %add3A_15 = arith.addi %mul3A_2, %add3A_14 : i32
    "tpu.region"() ({
      %run_scoped3A = tpu.sem_alloc : memref<!tpu.dma_semaphore, #tpu.memory_space<semaphore_mem>>
      %dma_start3A = arith.constant 0 : i32
      %dma_start3A_17 = arith.constant 0 : i32
      %dma_start3A_18 = tpu.memref_slice %arg9[%dma_start3A, %dma_start3A_17] : memref<128x16xf32, #tpu.memory_space<vmem>> -> memref<8x16xf32, #tpu.memory_space<vmem>>
      %dma_start3A_19 = arith.constant 0 : i32
      %dma_start3A_20 = tpu.memref_slice %arg2[%add3A_15, %dma_start3A_19] : memref<160000x16xf32, #tpu.memory_space<hbm>> -> memref<8x16xf32, #tpu.memory_space<hbm>>
      %dma_start3A_21 = arith.constant 0 : i32
      %dma_start3A_22 = arith.constant 0 : i32
      %dma_start3A_23 = tpu.memref_slice %arg9[%dma_start3A_21, %dma_start3A_22] : memref<128x16xf32, #tpu.memory_space<vmem>> -> memref<8x16xf32, #tpu.memory_space<vmem>>
      %dma_start3A_24 = arith.constant 0 : i32
      %dma_start3A_25 = tpu.memref_slice %arg2[%add3A_15, %dma_start3A_24] : memref<160000x16xf32, #tpu.memory_space<hbm>> -> memref<8x16xf32, #tpu.memory_space<hbm>>
      tpu.enqueue_dma source(%dma_start3A_25 : memref<8x16xf32, #tpu.memory_space<hbm>>) target(%dma_start3A_23 : memref<8x16xf32, #tpu.memory_space<vmem>>) target_semaphore(%run_scoped3A : memref<!tpu.dma_semaphore, #tpu.memory_space<semaphore_mem>>)
      %dma_wait3A = arith.constant 0 : i32
      %dma_wait3A_26 = arith.constant 0 : i32
      %dma_wait3A_27 = tpu.memref_slice %arg9[%dma_wait3A, %dma_wait3A_26] : memref<128x16xf32, #tpu.memory_space<vmem>> -> memref<8x16xf32, #tpu.memory_space<vmem>>
      %dma_wait3A_28 = arith.constant 0 : i32
      %dma_wait3A_29 = tpu.memref_slice %arg2[%add3A_15, %dma_wait3A_28] : memref<160000x16xf32, #tpu.memory_space<hbm>> -> memref<8x16xf32, #tpu.memory_space<hbm>>
      %dma_wait3A_30 = arith.constant 0 : i32
      %dma_wait3A_31 = arith.constant 0 : i32
      %dma_wait3A_32 = tpu.memref_slice %arg9[%dma_wait3A_30, %dma_wait3A_31] : memref<128x16xf32, #tpu.memory_space<vmem>> -> memref<8x16xf32, #tpu.memory_space<vmem>>
      %dma_wait3A_33 = arith.constant 0 : i32
      %dma_wait3A_34 = tpu.memref_slice %arg2[%add3A_15, %dma_wait3A_33] : memref<160000x16xf32, #tpu.memory_space<hbm>> -> memref<8x16xf32, #tpu.memory_space<hbm>>
      tpu.wait_dma2 semaphore(%run_scoped3A : memref<!tpu.dma_semaphore, #tpu.memory_space<semaphore_mem>>) src(%dma_wait3A_34 : memref<8x16xf32, #tpu.memory_space<hbm>>) dst(%dma_wait3A_32 : memref<8x16xf32, #tpu.memory_space<vmem>>)
      tpu.yield
    }) : () -> ()
    "tpu.region"() ({
      %run_scoped3A = tpu.sem_alloc : memref<!tpu.dma_semaphore, #tpu.memory_space<semaphore_mem>>
      %dma_start3A = arith.constant 0 : i32
      %dma_start3A_17 = arith.constant 0 : i32
      %dma_start3A_18 = tpu.memref_slice %arg9[%dma_start3A, %dma_start3A_17] : memref<128x16xf32, #tpu.memory_space<vmem>> -> memref<8x16xf32, #tpu.memory_space<vmem>>
      %dma_start3A_19 = arith.constant 0 : i32
      %dma_start3A_20 = arith.constant 0 : i32
      %dma_start3A_21 = tpu.memref_slice %arg11[%dma_start3A_19, %dma_start3A_20] : memref<10000x16xf32, #tpu.memory_space<vmem_shared>> -> memref<10000x16xf32, #tpu.memory_space<vmem_shared>>
      tpu.enqueue_indirect_dma source(%dma_start3A_18 : memref<8x16xf32, #tpu.memory_space<vmem>>) target(%dma_start3A_21 : memref<10000x16xf32, #tpu.memory_space<vmem_shared>>) offsets(%arg8 : memref<8xi32, #tpu.memory_space<vmem>>) semaphore(%run_scoped3A : memref<!tpu.dma_semaphore, #tpu.memory_space<semaphore_mem>>) {add = true}
      %dma_wait3A = arith.constant 0 : i32
      %dma_wait3A_22 = arith.constant 0 : i32
      %dma_wait3A_23 = tpu.memref_slice %arg9[%dma_wait3A, %dma_wait3A_22] : memref<128x16xf32, #tpu.memory_space<vmem>> -> memref<8x16xf32, #tpu.memory_space<vmem>>
      %dma_wait3A_24 = arith.constant 0 : i32
      %dma_wait3A_25 = arith.constant 0 : i32
      %dma_wait3A_26 = tpu.memref_slice %arg11[%dma_wait3A_24, %dma_wait3A_25] : memref<10000x16xf32, #tpu.memory_space<vmem_shared>> -> memref<10000x16xf32, #tpu.memory_space<vmem_shared>>
      tpu.wait_indirect_dma semaphore(%run_scoped3A : memref<!tpu.dma_semaphore, #tpu.memory_space<semaphore_mem>>) src(%dma_wait3A_23 : memref<8x16xf32, #tpu.memory_space<vmem>>) dst(%dma_wait3A_26 : memref<10000x16xf32, #tpu.memory_space<vmem_shared>>)
      tpu.yield
    }) : () -> ()
    %barrier3A_16 = arith.constant 0 : index
    tpu.barrier barrier_id(%barrier3A_16)
    "tpu.region"() ({
      %run_scoped3A = tpu.sem_alloc : memref<!tpu.dma_semaphore, #tpu.memory_space<semaphore_mem>>
      %dma_start3A = arith.constant 0 : i32
      %dma_start3A_17 = tpu.memref_slice %arg11[%mul3A_4, %dma_start3A] : memref<10000x16xf32, #tpu.memory_space<vmem_shared>> -> memref<625x16xf32, #tpu.memory_space<vmem_shared>>
      %dma_start3A_18 = arith.constant 0 : i32
      %dma_start3A_19 = tpu.memref_slice %arg11[%mul3A_4, %dma_start3A_18] : memref<10000x16xf32, #tpu.memory_space<vmem_shared>> -> memref<625x16xf32, #tpu.memory_space<vmem_shared>>
      tpu.enqueue_dma source(%dma_start3A_19 : memref<625x16xf32, #tpu.memory_space<vmem_shared>>) target(%arg10 : memref<625x16xf32, #tpu.memory_space<vmem>>) target_semaphore(%run_scoped3A : memref<!tpu.dma_semaphore, #tpu.memory_space<semaphore_mem>>)
      %dma_wait3A = arith.constant 0 : i32
      %dma_wait3A_20 = tpu.memref_slice %arg11[%mul3A_4, %dma_wait3A] : memref<10000x16xf32, #tpu.memory_space<vmem_shared>> -> memref<625x16xf32, #tpu.memory_space<vmem_shared>>
      %dma_wait3A_21 = arith.constant 0 : i32
      %dma_wait3A_22 = tpu.memref_slice %arg11[%mul3A_4, %dma_wait3A_21] : memref<10000x16xf32, #tpu.memory_space<vmem_shared>> -> memref<625x16xf32, #tpu.memory_space<vmem_shared>>
      tpu.wait_dma2 semaphore(%run_scoped3A : memref<!tpu.dma_semaphore, #tpu.memory_space<semaphore_mem>>) src(%dma_wait3A_22 : memref<625x16xf32, #tpu.memory_space<vmem_shared>>) dst(%arg10 : memref<625x16xf32, #tpu.memory_space<vmem>>)
      tpu.yield
    }) : () -> ()
    "tpu.region"() ({
      %run_scoped3A = tpu.sem_alloc : memref<!tpu.dma_semaphore, #tpu.memory_space<semaphore_mem>>
      %dma_start3A = arith.constant 0 : i32
      %dma_start3A_17 = tpu.memref_slice %arg6[%arg0, %mul3A_4, %dma_start3A] : memref<2x10000x16xf32, #tpu.memory_space<hbm>> -> memref<1x625x16xf32, #tpu.memory_space<hbm>>
      %dma_start3A_18 = tpu.memref_squeeze %dma_start3A_17 : memref<1x625x16xf32, #tpu.memory_space<hbm>> -> memref<625x16xf32, #tpu.memory_space<hbm>>
      %dma_start3A_19 = arith.constant 0 : i32
      %dma_start3A_20 = tpu.memref_slice %arg6[%arg0, %mul3A_4, %dma_start3A_19] : memref<2x10000x16xf32, #tpu.memory_space<hbm>> -> memref<1x625x16xf32, #tpu.memory_space<hbm>>
      %dma_start3A_21 = tpu.memref_squeeze %dma_start3A_20 : memref<1x625x16xf32, #tpu.memory_space<hbm>> -> memref<625x16xf32, #tpu.memory_space<hbm>>
      tpu.enqueue_dma source(%arg10 : memref<625x16xf32, #tpu.memory_space<vmem>>) target(%dma_start3A_21 : memref<625x16xf32, #tpu.memory_space<hbm>>) target_semaphore(%run_scoped3A : memref<!tpu.dma_semaphore, #tpu.memory_space<semaphore_mem>>)
      %dma_wait3A = arith.constant 0 : i32
      %dma_wait3A_22 = tpu.memref_slice %arg6[%arg0, %mul3A_4, %dma_wait3A] : memref<2x10000x16xf32, #tpu.memory_space<hbm>> -> memref<1x625x16xf32, #tpu.memory_space<hbm>>
      %dma_wait3A_23 = tpu.memref_squeeze %dma_wait3A_22 : memref<1x625x16xf32, #tpu.memory_space<hbm>> -> memref<625x16xf32, #tpu.memory_space<hbm>>
      %dma_wait3A_24 = arith.constant 0 : i32
      %dma_wait3A_25 = tpu.memref_slice %arg6[%arg0, %mul3A_4, %dma_wait3A_24] : memref<2x10000x16xf32, #tpu.memory_space<hbm>> -> memref<1x625x16xf32, #tpu.memory_space<hbm>>
      %dma_wait3A_26 = tpu.memref_squeeze %dma_wait3A_25 : memref<1x625x16xf32, #tpu.memory_space<hbm>> -> memref<625x16xf32, #tpu.memory_space<hbm>>
      tpu.wait_dma2 semaphore(%run_scoped3A : memref<!tpu.dma_semaphore, #tpu.memory_space<semaphore_mem>>) src(%arg10 : memref<625x16xf32, #tpu.memory_space<vmem>>) dst(%dma_wait3A_26 : memref<625x16xf32, #tpu.memory_space<hbm>>)
      tpu.yield
    }) : () -> ()
    return
  }
}

#map = affine_map<(d0, d1) -> (0, 0)>
#map1 = affine_map<(d0, d1) -> (0)>
module attributes {stable_mosaic.version = 14 : i64} {
  func.func @_sc_gather(%arg0: i32, %arg1: i32, %arg2: memref<10000x16xf32, #tpu.memory_space<hbm>>, %arg3: memref<160000xi32, #tpu.memory_space<hbm>>, %arg4: memref<160000x16xf32, #tpu.memory_space<hbm>>, %arg5: memref<5000xi32, #tpu.memory_space<vmem>>, %arg6: memref<1024x16xf32, #tpu.memory_space<vmem>>, %arg7: memref<!tpu.dma_semaphore, #tpu.memory_space<semaphore_mem>>) attributes {dimension_semantics = [#tpu.dimension_semantics<core_parallel>, #tpu.dimension_semantics<subcore_parallel>], iteration_bounds = array<i64: 2, 16>, scalar_prefetch = 0 : i64, scratch_operands = 3 : i64, tpu.core_type = #tpu.core_type<sc_vector_subcore>, window_params = [{transform_indices = #map}, {transform_indices = #map1}, {transform_indices = #map}]} {
    %mul3A = arith.constant 16 : i32
    %mul3A_0 = arith.muli %arg0, %mul3A : i32
    %add3A = arith.addi %mul3A_0, %arg1 : i32
    %mul3A_1 = arith.constant 5000 : i32
    %mul3A_2 = arith.muli %add3A, %mul3A_1 : i32
    "tpu.region"() ({
      %run_scoped3A = tpu.sem_alloc : memref<!tpu.dma_semaphore, #tpu.memory_space<semaphore_mem>>
      %dma_start3A_136 = tpu.memref_slice %arg3[%mul3A_2] : memref<160000xi32, #tpu.memory_space<hbm>> -> memref<5000xi32, #tpu.memory_space<hbm>>
      %dma_start3A_137 = tpu.memref_slice %arg3[%mul3A_2] : memref<160000xi32, #tpu.memory_space<hbm>> -> memref<5000xi32, #tpu.memory_space<hbm>>
      tpu.enqueue_dma source(%dma_start3A_137 : memref<5000xi32, #tpu.memory_space<hbm>>) target(%arg5 : memref<5000xi32, #tpu.memory_space<vmem>>) target_semaphore(%run_scoped3A : memref<!tpu.dma_semaphore, #tpu.memory_space<semaphore_mem>>)
      %dma_wait3A_138 = tpu.memref_slice %arg3[%mul3A_2] : memref<160000xi32, #tpu.memory_space<hbm>> -> memref<5000xi32, #tpu.memory_space<hbm>>
      %dma_wait3A_139 = tpu.memref_slice %arg3[%mul3A_2] : memref<160000xi32, #tpu.memory_space<hbm>> -> memref<5000xi32, #tpu.memory_space<hbm>>
      tpu.wait_dma2 semaphore(%run_scoped3A : memref<!tpu.dma_semaphore, #tpu.memory_space<semaphore_mem>>) src(%dma_wait3A_139 : memref<5000xi32, #tpu.memory_space<hbm>>) dst(%arg5 : memref<5000xi32, #tpu.memory_space<vmem>>)
      tpu.yield
    }) : () -> ()
    %scan3A = arith.constant 0 : i32
    %scan3A_3 = arith.constant 0 : i32
    %scan3A_4 = arith.constant 4 : i32
    %scan3A_5 = arith.addi %scan3A_3, %scan3A_4 : i32
    %scan3A_6 = arith.constant 1 : i32
    scf.for %scan3A_136 = %scan3A_3 to %scan3A_5 step %scan3A_6  : i32 {
      %mul3A_137 = arith.constant 8 : i32
      %mul3A_138 = arith.muli %scan3A_136, %mul3A_137 : i32
      %add3A_139 = arith.constant 0 : i32
      %add3A_140 = arith.addi %mul3A_138, %add3A_139 : i32
      %mul3A_141 = arith.constant 128 : i32
      %mul3A_142 = arith.muli %add3A_140, %mul3A_141 : i32
      %dma_start3A_143 = arith.constant 0 : i32
      %dma_start3A_144 = arith.constant 0 : i32
      %dma_start3A_145 = tpu.memref_slice %arg6[%dma_start3A_143, %dma_start3A_144] : memref<1024x16xf32, #tpu.memory_space<vmem>> -> memref<128x16xf32, #tpu.memory_space<vmem>>
      %dma_start3A_146 = tpu.memref_slice %arg5[%mul3A_142] : memref<5000xi32, #tpu.memory_space<vmem>> -> memref<128xi32, #tpu.memory_space<vmem>>
      %dma_start3A_147 = arith.constant 0 : i32
      %dma_start3A_148 = arith.constant 0 : i32
      %dma_start3A_149 = tpu.memref_slice %arg2[%dma_start3A_147, %dma_start3A_148] : memref<10000x16xf32, #tpu.memory_space<hbm>> -> memref<10000x16xf32, #tpu.memory_space<hbm>>
      tpu.enqueue_indirect_dma source(%dma_start3A_149 : memref<10000x16xf32, #tpu.memory_space<hbm>>) target(%dma_start3A_145 : memref<128x16xf32, #tpu.memory_space<vmem>>) offsets(%dma_start3A_146 : memref<128xi32, #tpu.memory_space<vmem>>) semaphore(%arg7 : memref<!tpu.dma_semaphore, #tpu.memory_space<semaphore_mem>>)
      %mul3A_150 = arith.constant 8 : i32
      %mul3A_151 = arith.muli %scan3A_136, %mul3A_150 : i32
      %add3A_152 = arith.constant 1 : i32
      %add3A_153 = arith.addi %mul3A_151, %add3A_152 : i32
      %mul3A_154 = arith.constant 128 : i32
      %mul3A_155 = arith.muli %add3A_153, %mul3A_154 : i32
      %dma_start3A_156 = arith.constant 128 : i32
      %dma_start3A_157 = arith.constant 0 : i32
      %dma_start3A_158 = tpu.memref_slice %arg6[%dma_start3A_156, %dma_start3A_157] : memref<1024x16xf32, #tpu.memory_space<vmem>> -> memref<128x16xf32, #tpu.memory_space<vmem>>
      %dma_start3A_159 = tpu.memref_slice %arg5[%mul3A_155] : memref<5000xi32, #tpu.memory_space<vmem>> -> memref<128xi32, #tpu.memory_space<vmem>>
      %dma_start3A_160 = arith.constant 0 : i32
      %dma_start3A_161 = arith.constant 0 : i32
      %dma_start3A_162 = tpu.memref_slice %arg2[%dma_start3A_160, %dma_start3A_161] : memref<10000x16xf32, #tpu.memory_space<hbm>> -> memref<10000x16xf32, #tpu.memory_space<hbm>>
      tpu.enqueue_indirect_dma source(%dma_start3A_162 : memref<10000x16xf32, #tpu.memory_space<hbm>>) target(%dma_start3A_158 : memref<128x16xf32, #tpu.memory_space<vmem>>) offsets(%dma_start3A_159 : memref<128xi32, #tpu.memory_space<vmem>>) semaphore(%arg7 : memref<!tpu.dma_semaphore, #tpu.memory_space<semaphore_mem>>)
      %mul3A_163 = arith.constant 8 : i32
      %mul3A_164 = arith.muli %scan3A_136, %mul3A_163 : i32
      %add3A_165 = arith.constant 2 : i32
      %add3A_166 = arith.addi %mul3A_164, %add3A_165 : i32
      %mul3A_167 = arith.constant 128 : i32
      %mul3A_168 = arith.muli %add3A_166, %mul3A_167 : i32
      %dma_start3A_169 = arith.constant 256 : i32
      %dma_start3A_170 = arith.constant 0 : i32
      %dma_start3A_171 = tpu.memref_slice %arg6[%dma_start3A_169, %dma_start3A_170] : memref<1024x16xf32, #tpu.memory_space<vmem>> -> memref<128x16xf32, #tpu.memory_space<vmem>>
      %dma_start3A_172 = tpu.memref_slice %arg5[%mul3A_168] : memref<5000xi32, #tpu.memory_space<vmem>> -> memref<128xi32, #tpu.memory_space<vmem>>
      %dma_start3A_173 = arith.constant 0 : i32
      %dma_start3A_174 = arith.constant 0 : i32
      %dma_start3A_175 = tpu.memref_slice %arg2[%dma_start3A_173, %dma_start3A_174] : memref<10000x16xf32, #tpu.memory_space<hbm>> -> memref<10000x16xf32, #tpu.memory_space<hbm>>
      tpu.enqueue_indirect_dma source(%dma_start3A_175 : memref<10000x16xf32, #tpu.memory_space<hbm>>) target(%dma_start3A_171 : memref<128x16xf32, #tpu.memory_space<vmem>>) offsets(%dma_start3A_172 : memref<128xi32, #tpu.memory_space<vmem>>) semaphore(%arg7 : memref<!tpu.dma_semaphore, #tpu.memory_space<semaphore_mem>>)
      %mul3A_176 = arith.constant 8 : i32
      %mul3A_177 = arith.muli %scan3A_136, %mul3A_176 : i32
      %add3A_178 = arith.constant 3 : i32
      %add3A_179 = arith.addi %mul3A_177, %add3A_178 : i32
      %mul3A_180 = arith.constant 128 : i32
      %mul3A_181 = arith.muli %add3A_179, %mul3A_180 : i32
      %dma_start3A_182 = arith.constant 384 : i32
      %dma_start3A_183 = arith.constant 0 : i32
      %dma_start3A_184 = tpu.memref_slice %arg6[%dma_start3A_182, %dma_start3A_183] : memref<1024x16xf32, #tpu.memory_space<vmem>> -> memref<128x16xf32, #tpu.memory_space<vmem>>
      %dma_start3A_185 = tpu.memref_slice %arg5[%mul3A_181] : memref<5000xi32, #tpu.memory_space<vmem>> -> memref<128xi32, #tpu.memory_space<vmem>>
      %dma_start3A_186 = arith.constant 0 : i32
      %dma_start3A_187 = arith.constant 0 : i32
      %dma_start3A_188 = tpu.memref_slice %arg2[%dma_start3A_186, %dma_start3A_187] : memref<10000x16xf32, #tpu.memory_space<hbm>> -> memref<10000x16xf32, #tpu.memory_space<hbm>>
      tpu.enqueue_indirect_dma source(%dma_start3A_188 : memref<10000x16xf32, #tpu.memory_space<hbm>>) target(%dma_start3A_184 : memref<128x16xf32, #tpu.memory_space<vmem>>) offsets(%dma_start3A_185 : memref<128xi32, #tpu.memory_space<vmem>>) semaphore(%arg7 : memref<!tpu.dma_semaphore, #tpu.memory_space<semaphore_mem>>)
      %mul3A_189 = arith.constant 8 : i32
      %mul3A_190 = arith.muli %scan3A_136, %mul3A_189 : i32
      %add3A_191 = arith.constant 4 : i32
      %add3A_192 = arith.addi %mul3A_190, %add3A_191 : i32
      %mul3A_193 = arith.constant 128 : i32
      %mul3A_194 = arith.muli %add3A_192, %mul3A_193 : i32
      %dma_start3A_195 = arith.constant 512 : i32
      %dma_start3A_196 = arith.constant 0 : i32
      %dma_start3A_197 = tpu.memref_slice %arg6[%dma_start3A_195, %dma_start3A_196] : memref<1024x16xf32, #tpu.memory_space<vmem>> -> memref<128x16xf32, #tpu.memory_space<vmem>>
      %dma_start3A_198 = tpu.memref_slice %arg5[%mul3A_194] : memref<5000xi32, #tpu.memory_space<vmem>> -> memref<128xi32, #tpu.memory_space<vmem>>
      %dma_start3A_199 = arith.constant 0 : i32
      %dma_start3A_200 = arith.constant 0 : i32
      %dma_start3A_201 = tpu.memref_slice %arg2[%dma_start3A_199, %dma_start3A_200] : memref<10000x16xf32, #tpu.memory_space<hbm>> -> memref<10000x16xf32, #tpu.memory_space<hbm>>
      tpu.enqueue_indirect_dma source(%dma_start3A_201 : memref<10000x16xf32, #tpu.memory_space<hbm>>) target(%dma_start3A_197 : memref<128x16xf32, #tpu.memory_space<vmem>>) offsets(%dma_start3A_198 : memref<128xi32, #tpu.memory_space<vmem>>) semaphore(%arg7 : memref<!tpu.dma_semaphore, #tpu.memory_space<semaphore_mem>>)
      %mul3A_202 = arith.constant 8 : i32
      %mul3A_203 = arith.muli %scan3A_136, %mul3A_202 : i32
      %add3A_204 = arith.constant 5 : i32
      %add3A_205 = arith.addi %mul3A_203, %add3A_204 : i32
      %mul3A_206 = arith.constant 128 : i32
      %mul3A_207 = arith.muli %add3A_205, %mul3A_206 : i32
      %dma_start3A_208 = arith.constant 640 : i32
      %dma_start3A_209 = arith.constant 0 : i32
      %dma_start3A_210 = tpu.memref_slice %arg6[%dma_start3A_208, %dma_start3A_209] : memref<1024x16xf32, #tpu.memory_space<vmem>> -> memref<128x16xf32, #tpu.memory_space<vmem>>
      %dma_start3A_211 = tpu.memref_slice %arg5[%mul3A_207] : memref<5000xi32, #tpu.memory_space<vmem>> -> memref<128xi32, #tpu.memory_space<vmem>>
      %dma_start3A_212 = arith.constant 0 : i32
      %dma_start3A_213 = arith.constant 0 : i32
      %dma_start3A_214 = tpu.memref_slice %arg2[%dma_start3A_212, %dma_start3A_213] : memref<10000x16xf32, #tpu.memory_space<hbm>> -> memref<10000x16xf32, #tpu.memory_space<hbm>>
      tpu.enqueue_indirect_dma source(%dma_start3A_214 : memref<10000x16xf32, #tpu.memory_space<hbm>>) target(%dma_start3A_210 : memref<128x16xf32, #tpu.memory_space<vmem>>) offsets(%dma_start3A_211 : memref<128xi32, #tpu.memory_space<vmem>>) semaphore(%arg7 : memref<!tpu.dma_semaphore, #tpu.memory_space<semaphore_mem>>)
      %mul3A_215 = arith.constant 8 : i32
      %mul3A_216 = arith.muli %scan3A_136, %mul3A_215 : i32
      %add3A_217 = arith.constant 6 : i32
      %add3A_218 = arith.addi %mul3A_216, %add3A_217 : i32
      %mul3A_219 = arith.constant 128 : i32
      %mul3A_220 = arith.muli %add3A_218, %mul3A_219 : i32
      %dma_start3A_221 = arith.constant 768 : i32
      %dma_start3A_222 = arith.constant 0 : i32
      %dma_start3A_223 = tpu.memref_slice %arg6[%dma_start3A_221, %dma_start3A_222] : memref<1024x16xf32, #tpu.memory_space<vmem>> -> memref<128x16xf32, #tpu.memory_space<vmem>>
      %dma_start3A_224 = tpu.memref_slice %arg5[%mul3A_220] : memref<5000xi32, #tpu.memory_space<vmem>> -> memref<128xi32, #tpu.memory_space<vmem>>
      %dma_start3A_225 = arith.constant 0 : i32
      %dma_start3A_226 = arith.constant 0 : i32
      %dma_start3A_227 = tpu.memref_slice %arg2[%dma_start3A_225, %dma_start3A_226] : memref<10000x16xf32, #tpu.memory_space<hbm>> -> memref<10000x16xf32, #tpu.memory_space<hbm>>
      tpu.enqueue_indirect_dma source(%dma_start3A_227 : memref<10000x16xf32, #tpu.memory_space<hbm>>) target(%dma_start3A_223 : memref<128x16xf32, #tpu.memory_space<vmem>>) offsets(%dma_start3A_224 : memref<128xi32, #tpu.memory_space<vmem>>) semaphore(%arg7 : memref<!tpu.dma_semaphore, #tpu.memory_space<semaphore_mem>>)
      %mul3A_228 = arith.constant 8 : i32
      %mul3A_229 = arith.muli %scan3A_136, %mul3A_228 : i32
      %add3A_230 = arith.constant 7 : i32
      %add3A_231 = arith.addi %mul3A_229, %add3A_230 : i32
      %mul3A_232 = arith.constant 128 : i32
      %mul3A_233 = arith.muli %add3A_231, %mul3A_232 : i32
      %dma_start3A_234 = arith.constant 896 : i32
      %dma_start3A_235 = arith.constant 0 : i32
      %dma_start3A_236 = tpu.memref_slice %arg6[%dma_start3A_234, %dma_start3A_235] : memref<1024x16xf32, #tpu.memory_space<vmem>> -> memref<128x16xf32, #tpu.memory_space<vmem>>
      %dma_start3A_237 = tpu.memref_slice %arg5[%mul3A_233] : memref<5000xi32, #tpu.memory_space<vmem>> -> memref<128xi32, #tpu.memory_space<vmem>>
      %dma_start3A_238 = arith.constant 0 : i32
      %dma_start3A_239 = arith.constant 0 : i32
      %dma_start3A_240 = tpu.memref_slice %arg2[%dma_start3A_238, %dma_start3A_239] : memref<10000x16xf32, #tpu.memory_space<hbm>> -> memref<10000x16xf32, #tpu.memory_space<hbm>>
      tpu.enqueue_indirect_dma source(%dma_start3A_240 : memref<10000x16xf32, #tpu.memory_space<hbm>>) target(%dma_start3A_236 : memref<128x16xf32, #tpu.memory_space<vmem>>) offsets(%dma_start3A_237 : memref<128xi32, #tpu.memory_space<vmem>>) semaphore(%arg7 : memref<!tpu.dma_semaphore, #tpu.memory_space<semaphore_mem>>)
      %dma_wait3A_241 = arith.constant 0 : i32
      %dma_wait3A_242 = arith.constant 0 : i32
      %dma_wait3A_243 = tpu.memref_slice %arg6[%dma_wait3A_241, %dma_wait3A_242] : memref<1024x16xf32, #tpu.memory_space<vmem>> -> memref<128x16xf32, #tpu.memory_space<vmem>>
      %dma_wait3A_244 = tpu.memref_slice %arg5[%mul3A_142] : memref<5000xi32, #tpu.memory_space<vmem>> -> memref<128xi32, #tpu.memory_space<vmem>>
      %dma_wait3A_245 = arith.constant 0 : i32
      %dma_wait3A_246 = arith.constant 0 : i32
      %dma_wait3A_247 = tpu.memref_slice %arg2[%dma_wait3A_245, %dma_wait3A_246] : memref<10000x16xf32, #tpu.memory_space<hbm>> -> memref<10000x16xf32, #tpu.memory_space<hbm>>
      tpu.wait_indirect_dma semaphore(%arg7 : memref<!tpu.dma_semaphore, #tpu.memory_space<semaphore_mem>>) src(%dma_wait3A_247 : memref<10000x16xf32, #tpu.memory_space<hbm>>) dst(%dma_wait3A_243 : memref<128x16xf32, #tpu.memory_space<vmem>>)
      %dma_wait3A_248 = arith.constant 128 : i32
      %dma_wait3A_249 = arith.constant 0 : i32
      %dma_wait3A_250 = tpu.memref_slice %arg6[%dma_wait3A_248, %dma_wait3A_249] : memref<1024x16xf32, #tpu.memory_space<vmem>> -> memref<128x16xf32, #tpu.memory_space<vmem>>
      %dma_wait3A_251 = tpu.memref_slice %arg5[%mul3A_155] : memref<5000xi32, #tpu.memory_space<vmem>> -> memref<128xi32, #tpu.memory_space<vmem>>
      %dma_wait3A_252 = arith.constant 0 : i32
      %dma_wait3A_253 = arith.constant 0 : i32
      %dma_wait3A_254 = tpu.memref_slice %arg2[%dma_wait3A_252, %dma_wait3A_253] : memref<10000x16xf32, #tpu.memory_space<hbm>> -> memref<10000x16xf32, #tpu.memory_space<hbm>>
      tpu.wait_indirect_dma semaphore(%arg7 : memref<!tpu.dma_semaphore, #tpu.memory_space<semaphore_mem>>) src(%dma_wait3A_254 : memref<10000x16xf32, #tpu.memory_space<hbm>>) dst(%dma_wait3A_250 : memref<128x16xf32, #tpu.memory_space<vmem>>)
      %dma_wait3A_255 = arith.constant 256 : i32
      %dma_wait3A_256 = arith.constant 0 : i32
      %dma_wait3A_257 = tpu.memref_slice %arg6[%dma_wait3A_255, %dma_wait3A_256] : memref<1024x16xf32, #tpu.memory_space<vmem>> -> memref<128x16xf32, #tpu.memory_space<vmem>>
      %dma_wait3A_258 = tpu.memref_slice %arg5[%mul3A_168] : memref<5000xi32, #tpu.memory_space<vmem>> -> memref<128xi32, #tpu.memory_space<vmem>>
      %dma_wait3A_259 = arith.constant 0 : i32
      %dma_wait3A_260 = arith.constant 0 : i32
      %dma_wait3A_261 = tpu.memref_slice %arg2[%dma_wait3A_259, %dma_wait3A_260] : memref<10000x16xf32, #tpu.memory_space<hbm>> -> memref<10000x16xf32, #tpu.memory_space<hbm>>
      tpu.wait_indirect_dma semaphore(%arg7 : memref<!tpu.dma_semaphore, #tpu.memory_space<semaphore_mem>>) src(%dma_wait3A_261 : memref<10000x16xf32, #tpu.memory_space<hbm>>) dst(%dma_wait3A_257 : memref<128x16xf32, #tpu.memory_space<vmem>>)
      %dma_wait3A_262 = arith.constant 384 : i32
      %dma_wait3A_263 = arith.constant 0 : i32
      %dma_wait3A_264 = tpu.memref_slice %arg6[%dma_wait3A_262, %dma_wait3A_263] : memref<1024x16xf32, #tpu.memory_space<vmem>> -> memref<128x16xf32, #tpu.memory_space<vmem>>
      %dma_wait3A_265 = tpu.memref_slice %arg5[%mul3A_181] : memref<5000xi32, #tpu.memory_space<vmem>> -> memref<128xi32, #tpu.memory_space<vmem>>
      %dma_wait3A_266 = arith.constant 0 : i32
      %dma_wait3A_267 = arith.constant 0 : i32
      %dma_wait3A_268 = tpu.memref_slice %arg2[%dma_wait3A_266, %dma_wait3A_267] : memref<10000x16xf32, #tpu.memory_space<hbm>> -> memref<10000x16xf32, #tpu.memory_space<hbm>>
      tpu.wait_indirect_dma semaphore(%arg7 : memref<!tpu.dma_semaphore, #tpu.memory_space<semaphore_mem>>) src(%dma_wait3A_268 : memref<10000x16xf32, #tpu.memory_space<hbm>>) dst(%dma_wait3A_264 : memref<128x16xf32, #tpu.memory_space<vmem>>)
      %dma_wait3A_269 = arith.constant 512 : i32
      %dma_wait3A_270 = arith.constant 0 : i32
      %dma_wait3A_271 = tpu.memref_slice %arg6[%dma_wait3A_269, %dma_wait3A_270] : memref<1024x16xf32, #tpu.memory_space<vmem>> -> memref<128x16xf32, #tpu.memory_space<vmem>>
      %dma_wait3A_272 = tpu.memref_slice %arg5[%mul3A_194] : memref<5000xi32, #tpu.memory_space<vmem>> -> memref<128xi32, #tpu.memory_space<vmem>>
      %dma_wait3A_273 = arith.constant 0 : i32
      %dma_wait3A_274 = arith.constant 0 : i32
      %dma_wait3A_275 = tpu.memref_slice %arg2[%dma_wait3A_273, %dma_wait3A_274] : memref<10000x16xf32, #tpu.memory_space<hbm>> -> memref<10000x16xf32, #tpu.memory_space<hbm>>
      tpu.wait_indirect_dma semaphore(%arg7 : memref<!tpu.dma_semaphore, #tpu.memory_space<semaphore_mem>>) src(%dma_wait3A_275 : memref<10000x16xf32, #tpu.memory_space<hbm>>) dst(%dma_wait3A_271 : memref<128x16xf32, #tpu.memory_space<vmem>>)
      %dma_wait3A_276 = arith.constant 640 : i32
      %dma_wait3A_277 = arith.constant 0 : i32
      %dma_wait3A_278 = tpu.memref_slice %arg6[%dma_wait3A_276, %dma_wait3A_277] : memref<1024x16xf32, #tpu.memory_space<vmem>> -> memref<128x16xf32, #tpu.memory_space<vmem>>
      %dma_wait3A_279 = tpu.memref_slice %arg5[%mul3A_207] : memref<5000xi32, #tpu.memory_space<vmem>> -> memref<128xi32, #tpu.memory_space<vmem>>
      %dma_wait3A_280 = arith.constant 0 : i32
      %dma_wait3A_281 = arith.constant 0 : i32
      %dma_wait3A_282 = tpu.memref_slice %arg2[%dma_wait3A_280, %dma_wait3A_281] : memref<10000x16xf32, #tpu.memory_space<hbm>> -> memref<10000x16xf32, #tpu.memory_space<hbm>>
      tpu.wait_indirect_dma semaphore(%arg7 : memref<!tpu.dma_semaphore, #tpu.memory_space<semaphore_mem>>) src(%dma_wait3A_282 : memref<10000x16xf32, #tpu.memory_space<hbm>>) dst(%dma_wait3A_278 : memref<128x16xf32, #tpu.memory_space<vmem>>)
      %dma_wait3A_283 = arith.constant 768 : i32
      %dma_wait3A_284 = arith.constant 0 : i32
      %dma_wait3A_285 = tpu.memref_slice %arg6[%dma_wait3A_283, %dma_wait3A_284] : memref<1024x16xf32, #tpu.memory_space<vmem>> -> memref<128x16xf32, #tpu.memory_space<vmem>>
      %dma_wait3A_286 = tpu.memref_slice %arg5[%mul3A_220] : memref<5000xi32, #tpu.memory_space<vmem>> -> memref<128xi32, #tpu.memory_space<vmem>>
      %dma_wait3A_287 = arith.constant 0 : i32
      %dma_wait3A_288 = arith.constant 0 : i32
      %dma_wait3A_289 = tpu.memref_slice %arg2[%dma_wait3A_287, %dma_wait3A_288] : memref<10000x16xf32, #tpu.memory_space<hbm>> -> memref<10000x16xf32, #tpu.memory_space<hbm>>
      tpu.wait_indirect_dma semaphore(%arg7 : memref<!tpu.dma_semaphore, #tpu.memory_space<semaphore_mem>>) src(%dma_wait3A_289 : memref<10000x16xf32, #tpu.memory_space<hbm>>) dst(%dma_wait3A_285 : memref<128x16xf32, #tpu.memory_space<vmem>>)
      %dma_wait3A_290 = arith.constant 896 : i32
      %dma_wait3A_291 = arith.constant 0 : i32
      %dma_wait3A_292 = tpu.memref_slice %arg6[%dma_wait3A_290, %dma_wait3A_291] : memref<1024x16xf32, #tpu.memory_space<vmem>> -> memref<128x16xf32, #tpu.memory_space<vmem>>
      %dma_wait3A_293 = tpu.memref_slice %arg5[%mul3A_233] : memref<5000xi32, #tpu.memory_space<vmem>> -> memref<128xi32, #tpu.memory_space<vmem>>
      %dma_wait3A_294 = arith.constant 0 : i32
      %dma_wait3A_295 = arith.constant 0 : i32
      %dma_wait3A_296 = tpu.memref_slice %arg2[%dma_wait3A_294, %dma_wait3A_295] : memref<10000x16xf32, #tpu.memory_space<hbm>> -> memref<10000x16xf32, #tpu.memory_space<hbm>>
      tpu.wait_indirect_dma semaphore(%arg7 : memref<!tpu.dma_semaphore, #tpu.memory_space<semaphore_mem>>) src(%dma_wait3A_296 : memref<10000x16xf32, #tpu.memory_space<hbm>>) dst(%dma_wait3A_292 : memref<128x16xf32, #tpu.memory_space<vmem>>)
      %mul3A_297 = arith.constant 1024 : i32
      %mul3A_298 = arith.muli %scan3A_136, %mul3A_297 : i32
      %add3A_299 = arith.addi %mul3A_2, %mul3A_298 : i32
      "tpu.region"() ({
        %run_scoped3A = tpu.sem_alloc : memref<!tpu.dma_semaphore, #tpu.memory_space<semaphore_mem>>
        %dma_start3A_300 = arith.constant 0 : i32
        %dma_start3A_301 = arith.constant 0 : i32
        %dma_start3A_302 = tpu.memref_slice %arg6[%dma_start3A_300, %dma_start3A_301] : memref<1024x16xf32, #tpu.memory_space<vmem>> -> memref<1024x16xf32, #tpu.memory_space<vmem>>
        %dma_start3A_303 = arith.constant 0 : i32
        %dma_start3A_304 = tpu.memref_slice %arg4[%add3A_299, %dma_start3A_303] : memref<160000x16xf32, #tpu.memory_space<hbm>> -> memref<1024x16xf32, #tpu.memory_space<hbm>>
        %dma_start3A_305 = arith.constant 0 : i32
        %dma_start3A_306 = tpu.memref_slice %arg4[%add3A_299, %dma_start3A_305] : memref<160000x16xf32, #tpu.memory_space<hbm>> -> memref<1024x16xf32, #tpu.memory_space<hbm>>
        %dma_start3A_307 = arith.constant 0 : i32
        %dma_start3A_308 = arith.constant 0 : i32
        %dma_start3A_309 = tpu.memref_slice %arg6[%dma_start3A_307, %dma_start3A_308] : memref<1024x16xf32, #tpu.memory_space<vmem>> -> memref<1024x16xf32, #tpu.memory_space<vmem>>
        tpu.enqueue_dma source(%dma_start3A_309 : memref<1024x16xf32, #tpu.memory_space<vmem>>) target(%dma_start3A_306 : memref<1024x16xf32, #tpu.memory_space<hbm>>) target_semaphore(%run_scoped3A : memref<!tpu.dma_semaphore, #tpu.memory_space<semaphore_mem>>)
        %dma_wait3A_310 = arith.constant 0 : i32
        %dma_wait3A_311 = arith.constant 0 : i32
        %dma_wait3A_312 = tpu.memref_slice %arg6[%dma_wait3A_310, %dma_wait3A_311] : memref<1024x16xf32, #tpu.memory_space<vmem>> -> memref<1024x16xf32, #tpu.memory_space<vmem>>
        %dma_wait3A_313 = arith.constant 0 : i32
        %dma_wait3A_314 = tpu.memref_slice %arg4[%add3A_299, %dma_wait3A_313] : memref<160000x16xf32, #tpu.memory_space<hbm>> -> memref<1024x16xf32, #tpu.memory_space<hbm>>
        %dma_wait3A_315 = arith.constant 0 : i32
        %dma_wait3A_316 = tpu.memref_slice %arg4[%add3A_299, %dma_wait3A_315] : memref<160000x16xf32, #tpu.memory_space<hbm>> -> memref<1024x16xf32, #tpu.memory_space<hbm>>
        %dma_wait3A_317 = arith.constant 0 : i32
        %dma_wait3A_318 = arith.constant 0 : i32
        %dma_wait3A_319 = tpu.memref_slice %arg6[%dma_wait3A_317, %dma_wait3A_318] : memref<1024x16xf32, #tpu.memory_space<vmem>> -> memref<1024x16xf32, #tpu.memory_space<vmem>>
        tpu.wait_dma2 semaphore(%run_scoped3A : memref<!tpu.dma_semaphore, #tpu.memory_space<semaphore_mem>>) src(%dma_wait3A_319 : memref<1024x16xf32, #tpu.memory_space<vmem>>) dst(%dma_wait3A_316 : memref<1024x16xf32, #tpu.memory_space<hbm>>)
        tpu.yield
      }) : () -> ()
    }
    %scan3A_7 = arith.constant 4 : i32
    %dma_start3A = arith.constant 0 : i32
    %dma_start3A_8 = arith.constant 0 : i32
    %dma_start3A_9 = tpu.memref_slice %arg6[%dma_start3A, %dma_start3A_8] : memref<1024x16xf32, #tpu.memory_space<vmem>> -> memref<128x16xf32, #tpu.memory_space<vmem>>
    %dma_start3A_10 = arith.constant 4096 : i32
    %dma_start3A_11 = tpu.memref_slice %arg5[%dma_start3A_10] : memref<5000xi32, #tpu.memory_space<vmem>> -> memref<128xi32, #tpu.memory_space<vmem>>
    %dma_start3A_12 = arith.constant 0 : i32
    %dma_start3A_13 = arith.constant 0 : i32
    %dma_start3A_14 = tpu.memref_slice %arg2[%dma_start3A_12, %dma_start3A_13] : memref<10000x16xf32, #tpu.memory_space<hbm>> -> memref<10000x16xf32, #tpu.memory_space<hbm>>
    tpu.enqueue_indirect_dma source(%dma_start3A_14 : memref<10000x16xf32, #tpu.memory_space<hbm>>) target(%dma_start3A_9 : memref<128x16xf32, #tpu.memory_space<vmem>>) offsets(%dma_start3A_11 : memref<128xi32, #tpu.memory_space<vmem>>) semaphore(%arg7 : memref<!tpu.dma_semaphore, #tpu.memory_space<semaphore_mem>>)
    %dma_start3A_15 = arith.constant 128 : i32
    %dma_start3A_16 = arith.constant 0 : i32
    %dma_start3A_17 = tpu.memref_slice %arg6[%dma_start3A_15, %dma_start3A_16] : memref<1024x16xf32, #tpu.memory_space<vmem>> -> memref<128x16xf32, #tpu.memory_space<vmem>>
    %dma_start3A_18 = arith.constant 4224 : i32
    %dma_start3A_19 = tpu.memref_slice %arg5[%dma_start3A_18] : memref<5000xi32, #tpu.memory_space<vmem>> -> memref<128xi32, #tpu.memory_space<vmem>>
    %dma_start3A_20 = arith.constant 0 : i32
    %dma_start3A_21 = arith.constant 0 : i32
    %dma_start3A_22 = tpu.memref_slice %arg2[%dma_start3A_20, %dma_start3A_21] : memref<10000x16xf32, #tpu.memory_space<hbm>> -> memref<10000x16xf32, #tpu.memory_space<hbm>>
    tpu.enqueue_indirect_dma source(%dma_start3A_22 : memref<10000x16xf32, #tpu.memory_space<hbm>>) target(%dma_start3A_17 : memref<128x16xf32, #tpu.memory_space<vmem>>) offsets(%dma_start3A_19 : memref<128xi32, #tpu.memory_space<vmem>>) semaphore(%arg7 : memref<!tpu.dma_semaphore, #tpu.memory_space<semaphore_mem>>)
    %dma_start3A_23 = arith.constant 256 : i32
    %dma_start3A_24 = arith.constant 0 : i32
    %dma_start3A_25 = tpu.memref_slice %arg6[%dma_start3A_23, %dma_start3A_24] : memref<1024x16xf32, #tpu.memory_space<vmem>> -> memref<128x16xf32, #tpu.memory_space<vmem>>
    %dma_start3A_26 = arith.constant 4352 : i32
    %dma_start3A_27 = tpu.memref_slice %arg5[%dma_start3A_26] : memref<5000xi32, #tpu.memory_space<vmem>> -> memref<128xi32, #tpu.memory_space<vmem>>
    %dma_start3A_28 = arith.constant 0 : i32
    %dma_start3A_29 = arith.constant 0 : i32
    %dma_start3A_30 = tpu.memref_slice %arg2[%dma_start3A_28, %dma_start3A_29] : memref<10000x16xf32, #tpu.memory_space<hbm>> -> memref<10000x16xf32, #tpu.memory_space<hbm>>
    tpu.enqueue_indirect_dma source(%dma_start3A_30 : memref<10000x16xf32, #tpu.memory_space<hbm>>) target(%dma_start3A_25 : memref<128x16xf32, #tpu.memory_space<vmem>>) offsets(%dma_start3A_27 : memref<128xi32, #tpu.memory_space<vmem>>) semaphore(%arg7 : memref<!tpu.dma_semaphore, #tpu.memory_space<semaphore_mem>>)
    %dma_start3A_31 = arith.constant 384 : i32
    %dma_start3A_32 = arith.constant 0 : i32
    %dma_start3A_33 = tpu.memref_slice %arg6[%dma_start3A_31, %dma_start3A_32] : memref<1024x16xf32, #tpu.memory_space<vmem>> -> memref<128x16xf32, #tpu.memory_space<vmem>>
    %dma_start3A_34 = arith.constant 4480 : i32
    %dma_start3A_35 = tpu.memref_slice %arg5[%dma_start3A_34] : memref<5000xi32, #tpu.memory_space<vmem>> -> memref<128xi32, #tpu.memory_space<vmem>>
    %dma_start3A_36 = arith.constant 0 : i32
    %dma_start3A_37 = arith.constant 0 : i32
    %dma_start3A_38 = tpu.memref_slice %arg2[%dma_start3A_36, %dma_start3A_37] : memref<10000x16xf32, #tpu.memory_space<hbm>> -> memref<10000x16xf32, #tpu.memory_space<hbm>>
    tpu.enqueue_indirect_dma source(%dma_start3A_38 : memref<10000x16xf32, #tpu.memory_space<hbm>>) target(%dma_start3A_33 : memref<128x16xf32, #tpu.memory_space<vmem>>) offsets(%dma_start3A_35 : memref<128xi32, #tpu.memory_space<vmem>>) semaphore(%arg7 : memref<!tpu.dma_semaphore, #tpu.memory_space<semaphore_mem>>)
    %dma_start3A_39 = arith.constant 512 : i32
    %dma_start3A_40 = arith.constant 0 : i32
    %dma_start3A_41 = tpu.memref_slice %arg6[%dma_start3A_39, %dma_start3A_40] : memref<1024x16xf32, #tpu.memory_space<vmem>> -> memref<128x16xf32, #tpu.memory_space<vmem>>
    %dma_start3A_42 = arith.constant 4608 : i32
    %dma_start3A_43 = tpu.memref_slice %arg5[%dma_start3A_42] : memref<5000xi32, #tpu.memory_space<vmem>> -> memref<128xi32, #tpu.memory_space<vmem>>
    %dma_start3A_44 = arith.constant 0 : i32
    %dma_start3A_45 = arith.constant 0 : i32
    %dma_start3A_46 = tpu.memref_slice %arg2[%dma_start3A_44, %dma_start3A_45] : memref<10000x16xf32, #tpu.memory_space<hbm>> -> memref<10000x16xf32, #tpu.memory_space<hbm>>
    tpu.enqueue_indirect_dma source(%dma_start3A_46 : memref<10000x16xf32, #tpu.memory_space<hbm>>) target(%dma_start3A_41 : memref<128x16xf32, #tpu.memory_space<vmem>>) offsets(%dma_start3A_43 : memref<128xi32, #tpu.memory_space<vmem>>) semaphore(%arg7 : memref<!tpu.dma_semaphore, #tpu.memory_space<semaphore_mem>>)
    %dma_start3A_47 = arith.constant 640 : i32
    %dma_start3A_48 = arith.constant 0 : i32
    %dma_start3A_49 = tpu.memref_slice %arg6[%dma_start3A_47, %dma_start3A_48] : memref<1024x16xf32, #tpu.memory_space<vmem>> -> memref<128x16xf32, #tpu.memory_space<vmem>>
    %dma_start3A_50 = arith.constant 4736 : i32
    %dma_start3A_51 = tpu.memref_slice %arg5[%dma_start3A_50] : memref<5000xi32, #tpu.memory_space<vmem>> -> memref<128xi32, #tpu.memory_space<vmem>>
    %dma_start3A_52 = arith.constant 0 : i32
    %dma_start3A_53 = arith.constant 0 : i32
    %dma_start3A_54 = tpu.memref_slice %arg2[%dma_start3A_52, %dma_start3A_53] : memref<10000x16xf32, #tpu.memory_space<hbm>> -> memref<10000x16xf32, #tpu.memory_space<hbm>>
    tpu.enqueue_indirect_dma source(%dma_start3A_54 : memref<10000x16xf32, #tpu.memory_space<hbm>>) target(%dma_start3A_49 : memref<128x16xf32, #tpu.memory_space<vmem>>) offsets(%dma_start3A_51 : memref<128xi32, #tpu.memory_space<vmem>>) semaphore(%arg7 : memref<!tpu.dma_semaphore, #tpu.memory_space<semaphore_mem>>)
    %dma_start3A_55 = arith.constant 768 : i32
    %dma_start3A_56 = arith.constant 0 : i32
    %dma_start3A_57 = tpu.memref_slice %arg6[%dma_start3A_55, %dma_start3A_56] : memref<1024x16xf32, #tpu.memory_space<vmem>> -> memref<128x16xf32, #tpu.memory_space<vmem>>
    %dma_start3A_58 = arith.constant 4864 : i32
    %dma_start3A_59 = tpu.memref_slice %arg5[%dma_start3A_58] : memref<5000xi32, #tpu.memory_space<vmem>> -> memref<128xi32, #tpu.memory_space<vmem>>
    %dma_start3A_60 = arith.constant 0 : i32
    %dma_start3A_61 = arith.constant 0 : i32
    %dma_start3A_62 = tpu.memref_slice %arg2[%dma_start3A_60, %dma_start3A_61] : memref<10000x16xf32, #tpu.memory_space<hbm>> -> memref<10000x16xf32, #tpu.memory_space<hbm>>
    tpu.enqueue_indirect_dma source(%dma_start3A_62 : memref<10000x16xf32, #tpu.memory_space<hbm>>) target(%dma_start3A_57 : memref<128x16xf32, #tpu.memory_space<vmem>>) offsets(%dma_start3A_59 : memref<128xi32, #tpu.memory_space<vmem>>) semaphore(%arg7 : memref<!tpu.dma_semaphore, #tpu.memory_space<semaphore_mem>>)
    %dma_start3A_63 = arith.constant 896 : i32
    %dma_start3A_64 = arith.constant 0 : i32
    %dma_start3A_65 = tpu.memref_slice %arg6[%dma_start3A_63, %dma_start3A_64] : memref<1024x16xf32, #tpu.memory_space<vmem>> -> memref<8x16xf32, #tpu.memory_space<vmem>>
    %dma_start3A_66 = arith.constant 4992 : i32
    %dma_start3A_67 = tpu.memref_slice %arg5[%dma_start3A_66] : memref<5000xi32, #tpu.memory_space<vmem>> -> memref<8xi32, #tpu.memory_space<vmem>>
    %dma_start3A_68 = arith.constant 0 : i32
    %dma_start3A_69 = arith.constant 0 : i32
    %dma_start3A_70 = tpu.memref_slice %arg2[%dma_start3A_68, %dma_start3A_69] : memref<10000x16xf32, #tpu.memory_space<hbm>> -> memref<10000x16xf32, #tpu.memory_space<hbm>>
    tpu.enqueue_indirect_dma source(%dma_start3A_70 : memref<10000x16xf32, #tpu.memory_space<hbm>>) target(%dma_start3A_65 : memref<8x16xf32, #tpu.memory_space<vmem>>) offsets(%dma_start3A_67 : memref<8xi32, #tpu.memory_space<vmem>>) semaphore(%arg7 : memref<!tpu.dma_semaphore, #tpu.memory_space<semaphore_mem>>)
    %dma_wait3A = arith.constant 0 : i32
    %dma_wait3A_71 = arith.constant 0 : i32
    %dma_wait3A_72 = tpu.memref_slice %arg6[%dma_wait3A, %dma_wait3A_71] : memref<1024x16xf32, #tpu.memory_space<vmem>> -> memref<128x16xf32, #tpu.memory_space<vmem>>
    %dma_wait3A_73 = arith.constant 4096 : i32
    %dma_wait3A_74 = tpu.memref_slice %arg5[%dma_wait3A_73] : memref<5000xi32, #tpu.memory_space<vmem>> -> memref<128xi32, #tpu.memory_space<vmem>>
    %dma_wait3A_75 = arith.constant 0 : i32
    %dma_wait3A_76 = arith.constant 0 : i32
    %dma_wait3A_77 = tpu.memref_slice %arg2[%dma_wait3A_75, %dma_wait3A_76] : memref<10000x16xf32, #tpu.memory_space<hbm>> -> memref<10000x16xf32, #tpu.memory_space<hbm>>
    tpu.wait_indirect_dma semaphore(%arg7 : memref<!tpu.dma_semaphore, #tpu.memory_space<semaphore_mem>>) src(%dma_wait3A_77 : memref<10000x16xf32, #tpu.memory_space<hbm>>) dst(%dma_wait3A_72 : memref<128x16xf32, #tpu.memory_space<vmem>>)
    %dma_wait3A_78 = arith.constant 128 : i32
    %dma_wait3A_79 = arith.constant 0 : i32
    %dma_wait3A_80 = tpu.memref_slice %arg6[%dma_wait3A_78, %dma_wait3A_79] : memref<1024x16xf32, #tpu.memory_space<vmem>> -> memref<128x16xf32, #tpu.memory_space<vmem>>
    %dma_wait3A_81 = arith.constant 4224 : i32
    %dma_wait3A_82 = tpu.memref_slice %arg5[%dma_wait3A_81] : memref<5000xi32, #tpu.memory_space<vmem>> -> memref<128xi32, #tpu.memory_space<vmem>>
    %dma_wait3A_83 = arith.constant 0 : i32
    %dma_wait3A_84 = arith.constant 0 : i32
    %dma_wait3A_85 = tpu.memref_slice %arg2[%dma_wait3A_83, %dma_wait3A_84] : memref<10000x16xf32, #tpu.memory_space<hbm>> -> memref<10000x16xf32, #tpu.memory_space<hbm>>
    tpu.wait_indirect_dma semaphore(%arg7 : memref<!tpu.dma_semaphore, #tpu.memory_space<semaphore_mem>>) src(%dma_wait3A_85 : memref<10000x16xf32, #tpu.memory_space<hbm>>) dst(%dma_wait3A_80 : memref<128x16xf32, #tpu.memory_space<vmem>>)
    %dma_wait3A_86 = arith.constant 256 : i32
    %dma_wait3A_87 = arith.constant 0 : i32
    %dma_wait3A_88 = tpu.memref_slice %arg6[%dma_wait3A_86, %dma_wait3A_87] : memref<1024x16xf32, #tpu.memory_space<vmem>> -> memref<128x16xf32, #tpu.memory_space<vmem>>
    %dma_wait3A_89 = arith.constant 4352 : i32
    %dma_wait3A_90 = tpu.memref_slice %arg5[%dma_wait3A_89] : memref<5000xi32, #tpu.memory_space<vmem>> -> memref<128xi32, #tpu.memory_space<vmem>>
    %dma_wait3A_91 = arith.constant 0 : i32
    %dma_wait3A_92 = arith.constant 0 : i32
    %dma_wait3A_93 = tpu.memref_slice %arg2[%dma_wait3A_91, %dma_wait3A_92] : memref<10000x16xf32, #tpu.memory_space<hbm>> -> memref<10000x16xf32, #tpu.memory_space<hbm>>
    tpu.wait_indirect_dma semaphore(%arg7 : memref<!tpu.dma_semaphore, #tpu.memory_space<semaphore_mem>>) src(%dma_wait3A_93 : memref<10000x16xf32, #tpu.memory_space<hbm>>) dst(%dma_wait3A_88 : memref<128x16xf32, #tpu.memory_space<vmem>>)
    %dma_wait3A_94 = arith.constant 384 : i32
    %dma_wait3A_95 = arith.constant 0 : i32
    %dma_wait3A_96 = tpu.memref_slice %arg6[%dma_wait3A_94, %dma_wait3A_95] : memref<1024x16xf32, #tpu.memory_space<vmem>> -> memref<128x16xf32, #tpu.memory_space<vmem>>
    %dma_wait3A_97 = arith.constant 4480 : i32
    %dma_wait3A_98 = tpu.memref_slice %arg5[%dma_wait3A_97] : memref<5000xi32, #tpu.memory_space<vmem>> -> memref<128xi32, #tpu.memory_space<vmem>>
    %dma_wait3A_99 = arith.constant 0 : i32
    %dma_wait3A_100 = arith.constant 0 : i32
    %dma_wait3A_101 = tpu.memref_slice %arg2[%dma_wait3A_99, %dma_wait3A_100] : memref<10000x16xf32, #tpu.memory_space<hbm>> -> memref<10000x16xf32, #tpu.memory_space<hbm>>
    tpu.wait_indirect_dma semaphore(%arg7 : memref<!tpu.dma_semaphore, #tpu.memory_space<semaphore_mem>>) src(%dma_wait3A_101 : memref<10000x16xf32, #tpu.memory_space<hbm>>) dst(%dma_wait3A_96 : memref<128x16xf32, #tpu.memory_space<vmem>>)
    %dma_wait3A_102 = arith.constant 512 : i32
    %dma_wait3A_103 = arith.constant 0 : i32
    %dma_wait3A_104 = tpu.memref_slice %arg6[%dma_wait3A_102, %dma_wait3A_103] : memref<1024x16xf32, #tpu.memory_space<vmem>> -> memref<128x16xf32, #tpu.memory_space<vmem>>
    %dma_wait3A_105 = arith.constant 4608 : i32
    %dma_wait3A_106 = tpu.memref_slice %arg5[%dma_wait3A_105] : memref<5000xi32, #tpu.memory_space<vmem>> -> memref<128xi32, #tpu.memory_space<vmem>>
    %dma_wait3A_107 = arith.constant 0 : i32
    %dma_wait3A_108 = arith.constant 0 : i32
    %dma_wait3A_109 = tpu.memref_slice %arg2[%dma_wait3A_107, %dma_wait3A_108] : memref<10000x16xf32, #tpu.memory_space<hbm>> -> memref<10000x16xf32, #tpu.memory_space<hbm>>
    tpu.wait_indirect_dma semaphore(%arg7 : memref<!tpu.dma_semaphore, #tpu.memory_space<semaphore_mem>>) src(%dma_wait3A_109 : memref<10000x16xf32, #tpu.memory_space<hbm>>) dst(%dma_wait3A_104 : memref<128x16xf32, #tpu.memory_space<vmem>>)
    %dma_wait3A_110 = arith.constant 640 : i32
    %dma_wait3A_111 = arith.constant 0 : i32
    %dma_wait3A_112 = tpu.memref_slice %arg6[%dma_wait3A_110, %dma_wait3A_111] : memref<1024x16xf32, #tpu.memory_space<vmem>> -> memref<128x16xf32, #tpu.memory_space<vmem>>
    %dma_wait3A_113 = arith.constant 4736 : i32
    %dma_wait3A_114 = tpu.memref_slice %arg5[%dma_wait3A_113] : memref<5000xi32, #tpu.memory_space<vmem>> -> memref<128xi32, #tpu.memory_space<vmem>>
    %dma_wait3A_115 = arith.constant 0 : i32
    %dma_wait3A_116 = arith.constant 0 : i32
    %dma_wait3A_117 = tpu.memref_slice %arg2[%dma_wait3A_115, %dma_wait3A_116] : memref<10000x16xf32, #tpu.memory_space<hbm>> -> memref<10000x16xf32, #tpu.memory_space<hbm>>
    tpu.wait_indirect_dma semaphore(%arg7 : memref<!tpu.dma_semaphore, #tpu.memory_space<semaphore_mem>>) src(%dma_wait3A_117 : memref<10000x16xf32, #tpu.memory_space<hbm>>) dst(%dma_wait3A_112 : memref<128x16xf32, #tpu.memory_space<vmem>>)
    %dma_wait3A_118 = arith.constant 768 : i32
    %dma_wait3A_119 = arith.constant 0 : i32
    %dma_wait3A_120 = tpu.memref_slice %arg6[%dma_wait3A_118, %dma_wait3A_119] : memref<1024x16xf32, #tpu.memory_space<vmem>> -> memref<128x16xf32, #tpu.memory_space<vmem>>
    %dma_wait3A_121 = arith.constant 4864 : i32
    %dma_wait3A_122 = tpu.memref_slice %arg5[%dma_wait3A_121] : memref<5000xi32, #tpu.memory_space<vmem>> -> memref<128xi32, #tpu.memory_space<vmem>>
    %dma_wait3A_123 = arith.constant 0 : i32
    %dma_wait3A_124 = arith.constant 0 : i32
    %dma_wait3A_125 = tpu.memref_slice %arg2[%dma_wait3A_123, %dma_wait3A_124] : memref<10000x16xf32, #tpu.memory_space<hbm>> -> memref<10000x16xf32, #tpu.memory_space<hbm>>
    tpu.wait_indirect_dma semaphore(%arg7 : memref<!tpu.dma_semaphore, #tpu.memory_space<semaphore_mem>>) src(%dma_wait3A_125 : memref<10000x16xf32, #tpu.memory_space<hbm>>) dst(%dma_wait3A_120 : memref<128x16xf32, #tpu.memory_space<vmem>>)
    %dma_wait3A_126 = arith.constant 896 : i32
    %dma_wait3A_127 = arith.constant 0 : i32
    %dma_wait3A_128 = tpu.memref_slice %arg6[%dma_wait3A_126, %dma_wait3A_127] : memref<1024x16xf32, #tpu.memory_space<vmem>> -> memref<8x16xf32, #tpu.memory_space<vmem>>
    %dma_wait3A_129 = arith.constant 4992 : i32
    %dma_wait3A_130 = tpu.memref_slice %arg5[%dma_wait3A_129] : memref<5000xi32, #tpu.memory_space<vmem>> -> memref<8xi32, #tpu.memory_space<vmem>>
    %dma_wait3A_131 = arith.constant 0 : i32
    %dma_wait3A_132 = arith.constant 0 : i32
    %dma_wait3A_133 = tpu.memref_slice %arg2[%dma_wait3A_131, %dma_wait3A_132] : memref<10000x16xf32, #tpu.memory_space<hbm>> -> memref<10000x16xf32, #tpu.memory_space<hbm>>
    tpu.wait_indirect_dma semaphore(%arg7 : memref<!tpu.dma_semaphore, #tpu.memory_space<semaphore_mem>>) src(%dma_wait3A_133 : memref<10000x16xf32, #tpu.memory_space<hbm>>) dst(%dma_wait3A_128 : memref<8x16xf32, #tpu.memory_space<vmem>>)
    %add3A_134 = arith.constant 4096 : i32
    %add3A_135 = arith.addi %mul3A_2, %add3A_134 : i32
    "tpu.region"() ({
      %run_scoped3A = tpu.sem_alloc : memref<!tpu.dma_semaphore, #tpu.memory_space<semaphore_mem>>
      %dma_start3A_136 = arith.constant 0 : i32
      %dma_start3A_137 = arith.constant 0 : i32
      %dma_start3A_138 = tpu.memref_slice %arg6[%dma_start3A_136, %dma_start3A_137] : memref<1024x16xf32, #tpu.memory_space<vmem>> -> memref<904x16xf32, #tpu.memory_space<vmem>>
      %dma_start3A_139 = arith.constant 0 : i32
      %dma_start3A_140 = tpu.memref_slice %arg4[%add3A_135, %dma_start3A_139] : memref<160000x16xf32, #tpu.memory_space<hbm>> -> memref<904x16xf32, #tpu.memory_space<hbm>>
      %dma_start3A_141 = arith.constant 0 : i32
      %dma_start3A_142 = tpu.memref_slice %arg4[%add3A_135, %dma_start3A_141] : memref<160000x16xf32, #tpu.memory_space<hbm>> -> memref<904x16xf32, #tpu.memory_space<hbm>>
      %dma_start3A_143 = arith.constant 0 : i32
      %dma_start3A_144 = arith.constant 0 : i32
      %dma_start3A_145 = tpu.memref_slice %arg6[%dma_start3A_143, %dma_start3A_144] : memref<1024x16xf32, #tpu.memory_space<vmem>> -> memref<904x16xf32, #tpu.memory_space<vmem>>
      tpu.enqueue_dma source(%dma_start3A_145 : memref<904x16xf32, #tpu.memory_space<vmem>>) target(%dma_start3A_142 : memref<904x16xf32, #tpu.memory_space<hbm>>) target_semaphore(%run_scoped3A : memref<!tpu.dma_semaphore, #tpu.memory_space<semaphore_mem>>)
      %dma_wait3A_146 = arith.constant 0 : i32
      %dma_wait3A_147 = arith.constant 0 : i32
      %dma_wait3A_148 = tpu.memref_slice %arg6[%dma_wait3A_146, %dma_wait3A_147] : memref<1024x16xf32, #tpu.memory_space<vmem>> -> memref<904x16xf32, #tpu.memory_space<vmem>>
      %dma_wait3A_149 = arith.constant 0 : i32
      %dma_wait3A_150 = tpu.memref_slice %arg4[%add3A_135, %dma_wait3A_149] : memref<160000x16xf32, #tpu.memory_space<hbm>> -> memref<904x16xf32, #tpu.memory_space<hbm>>
      %dma_wait3A_151 = arith.constant 0 : i32
      %dma_wait3A_152 = tpu.memref_slice %arg4[%add3A_135, %dma_wait3A_151] : memref<160000x16xf32, #tpu.memory_space<hbm>> -> memref<904x16xf32, #tpu.memory_space<hbm>>
      %dma_wait3A_153 = arith.constant 0 : i32
      %dma_wait3A_154 = arith.constant 0 : i32
      %dma_wait3A_155 = tpu.memref_slice %arg6[%dma_wait3A_153, %dma_wait3A_154] : memref<1024x16xf32, #tpu.memory_space<vmem>> -> memref<904x16xf32, #tpu.memory_space<vmem>>
      tpu.wait_dma2 semaphore(%run_scoped3A : memref<!tpu.dma_semaphore, #tpu.memory_space<semaphore_mem>>) src(%dma_wait3A_155 : memref<904x16xf32, #tpu.memory_space<vmem>>) dst(%dma_wait3A_152 : memref<904x16xf32, #tpu.memory_space<hbm>>)
      tpu.yield
    }) : () -> ()
    return
  }
}

#map = affine_map<(d0, d1) -> (0, 0)>
#map1 = affine_map<(d0, d1) -> (0)>
#map2 = affine_map<(d0, d1) -> (0, 0, 0)>
module attributes {stable_mosaic.version = 14 : i64} {
  func.func @_sc_scatter(%arg0: i32, %arg1: i32, %arg2: memref<160000x16xf32, #tpu.memory_space<hbm>>, %arg3: memref<1248x128xi32, #tpu.memory_space<hbm>>, %arg4: memref<160000xi32, #tpu.memory_space<hbm>>, %arg5: memref<10000x16xf32, #tpu.memory_space<hbm>>, %arg6: memref<2x10000x16xf32, #tpu.memory_space<hbm>>, %arg7: memref<39x128xi32, #tpu.memory_space<vmem>>, %arg8: memref<8xi32, #tpu.memory_space<vmem>>, %arg9: memref<128x16xf32, #tpu.memory_space<vmem>>, %arg10: memref<625x16xf32, #tpu.memory_space<vmem>>, %arg11: memref<10000x16xf32, #tpu.memory_space<vmem_shared>>, %arg12: memref<!tpu.dma_semaphore, #tpu.memory_space<semaphore_mem>>) attributes {dimension_semantics = [#tpu.dimension_semantics<core_parallel>, #tpu.dimension_semantics<subcore_parallel>], iteration_bounds = array<i64: 2, 16>, scalar_prefetch = 0 : i64, scratch_operands = 6 : i64, tpu.core_type = #tpu.core_type<sc_vector_subcore>, window_params = [{transform_indices = #map}, {transform_indices = #map}, {transform_indices = #map1}, {transform_indices = #map}, {transform_indices = #map2}]} {
    %mul3A = arith.constant 16 : i32
    %mul3A_0 = arith.muli %arg0, %mul3A : i32
    %add3A = arith.addi %mul3A_0, %arg1 : i32
    %mul3A_1 = arith.constant 5000 : i32
    %mul3A_2 = arith.muli %add3A, %mul3A_1 : i32
    %mul3A_3 = arith.constant 625 : i32
    %mul3A_4 = arith.muli %arg1, %mul3A_3 : i32
    "tpu.region"() ({
      %run_scoped3A = tpu.sem_alloc : memref<!tpu.dma_semaphore, #tpu.memory_space<semaphore_mem>>
      %dma_start3A = arith.constant 0 : i32
      %dma_start3A_17 = tpu.memref_slice %arg5[%mul3A_4, %dma_start3A] : memref<10000x16xf32, #tpu.memory_space<hbm>> -> memref<625x16xf32, #tpu.memory_space<hbm>>
      %dma_start3A_18 = arith.constant 0 : i32
      %dma_start3A_19 = tpu.memref_slice %arg5[%mul3A_4, %dma_start3A_18] : memref<10000x16xf32, #tpu.memory_space<hbm>> -> memref<625x16xf32, #tpu.memory_space<hbm>>
      tpu.enqueue_dma source(%dma_start3A_19 : memref<625x16xf32, #tpu.memory_space<hbm>>) target(%arg10 : memref<625x16xf32, #tpu.memory_space<vmem>>) target_semaphore(%run_scoped3A : memref<!tpu.dma_semaphore, #tpu.memory_space<semaphore_mem>>)
      %dma_wait3A = arith.constant 0 : i32
      %dma_wait3A_20 = tpu.memref_slice %arg5[%mul3A_4, %dma_wait3A] : memref<10000x16xf32, #tpu.memory_space<hbm>> -> memref<625x16xf32, #tpu.memory_space<hbm>>
      %dma_wait3A_21 = arith.constant 0 : i32
      %dma_wait3A_22 = tpu.memref_slice %arg5[%mul3A_4, %dma_wait3A_21] : memref<10000x16xf32, #tpu.memory_space<hbm>> -> memref<625x16xf32, #tpu.memory_space<hbm>>
      tpu.wait_dma2 semaphore(%run_scoped3A : memref<!tpu.dma_semaphore, #tpu.memory_space<semaphore_mem>>) src(%dma_wait3A_22 : memref<625x16xf32, #tpu.memory_space<hbm>>) dst(%arg10 : memref<625x16xf32, #tpu.memory_space<vmem>>)
      tpu.yield
    }) : () -> ()
    "tpu.region"() ({
      %run_scoped3A = tpu.sem_alloc : memref<!tpu.dma_semaphore, #tpu.memory_space<semaphore_mem>>
      %dma_start3A = arith.constant 0 : i32
      %dma_start3A_17 = tpu.memref_slice %arg11[%mul3A_4, %dma_start3A] : memref<10000x16xf32, #tpu.memory_space<vmem_shared>> -> memref<625x16xf32, #tpu.memory_space<vmem_shared>>
      %dma_start3A_18 = arith.constant 0 : i32
      %dma_start3A_19 = tpu.memref_slice %arg11[%mul3A_4, %dma_start3A_18] : memref<10000x16xf32, #tpu.memory_space<vmem_shared>> -> memref<625x16xf32, #tpu.memory_space<vmem_shared>>
      tpu.enqueue_dma source(%arg10 : memref<625x16xf32, #tpu.memory_space<vmem>>) target(%dma_start3A_19 : memref<625x16xf32, #tpu.memory_space<vmem_shared>>) target_semaphore(%run_scoped3A : memref<!tpu.dma_semaphore, #tpu.memory_space<semaphore_mem>>)
      %dma_wait3A = arith.constant 0 : i32
      %dma_wait3A_20 = tpu.memref_slice %arg11[%mul3A_4, %dma_wait3A] : memref<10000x16xf32, #tpu.memory_space<vmem_shared>> -> memref<625x16xf32, #tpu.memory_space<vmem_shared>>
      %dma_wait3A_21 = arith.constant 0 : i32
      %dma_wait3A_22 = tpu.memref_slice %arg11[%mul3A_4, %dma_wait3A_21] : memref<10000x16xf32, #tpu.memory_space<vmem_shared>> -> memref<625x16xf32, #tpu.memory_space<vmem_shared>>
      tpu.wait_dma2 semaphore(%run_scoped3A : memref<!tpu.dma_semaphore, #tpu.memory_space<semaphore_mem>>) src(%arg10 : memref<625x16xf32, #tpu.memory_space<vmem>>) dst(%dma_wait3A_22 : memref<625x16xf32, #tpu.memory_space<vmem_shared>>)
      tpu.yield
    }) : () -> ()
    %barrier3A = arith.constant 0 : index
    tpu.barrier barrier_id(%barrier3A)
    %mul3A_5 = arith.constant 39 : i32
    %mul3A_6 = arith.muli %add3A, %mul3A_5 : i32
    "tpu.region"() ({
      %run_scoped3A = tpu.sem_alloc : memref<!tpu.dma_semaphore, #tpu.memory_space<semaphore_mem>>
      %dma_start3A = arith.constant 0 : i32
      %dma_start3A_17 = tpu.memref_slice %arg3[%mul3A_6, %dma_start3A] : memref<1248x128xi32, #tpu.memory_space<hbm>> -> memref<39x128xi32, #tpu.memory_space<hbm>>
      %dma_start3A_18 = arith.constant 0 : i32
      %dma_start3A_19 = tpu.memref_slice %arg3[%mul3A_6, %dma_start3A_18] : memref<1248x128xi32, #tpu.memory_space<hbm>> -> memref<39x128xi32, #tpu.memory_space<hbm>>
      tpu.enqueue_dma source(%dma_start3A_19 : memref<39x128xi32, #tpu.memory_space<hbm>>) target(%arg7 : memref<39x128xi32, #tpu.memory_space<vmem>>) target_semaphore(%run_scoped3A : memref<!tpu.dma_semaphore, #tpu.memory_space<semaphore_mem>>)
      %dma_wait3A = arith.constant 0 : i32
      %dma_wait3A_20 = tpu.memref_slice %arg3[%mul3A_6, %dma_wait3A] : memref<1248x128xi32, #tpu.memory_space<hbm>> -> memref<39x128xi32, #tpu.memory_space<hbm>>
      %dma_wait3A_21 = arith.constant 0 : i32
      %dma_wait3A_22 = tpu.memref_slice %arg3[%mul3A_6, %dma_wait3A_21] : memref<1248x128xi32, #tpu.memory_space<hbm>> -> memref<39x128xi32, #tpu.memory_space<hbm>>
      tpu.wait_dma2 semaphore(%run_scoped3A : memref<!tpu.dma_semaphore, #tpu.memory_space<semaphore_mem>>) src(%dma_wait3A_22 : memref<39x128xi32, #tpu.memory_space<hbm>>) dst(%arg7 : memref<39x128xi32, #tpu.memory_space<vmem>>)
      tpu.yield
    }) : () -> ()
    %add3A_7 = arith.constant 4992 : i32
    %add3A_8 = arith.addi %mul3A_2, %add3A_7 : i32
    "tpu.region"() ({
      %run_scoped3A = tpu.sem_alloc : memref<!tpu.dma_semaphore, #tpu.memory_space<semaphore_mem>>
      %dma_start3A = tpu.memref_slice %arg4[%add3A_8] : memref<160000xi32, #tpu.memory_space<hbm>> -> memref<8xi32, #tpu.memory_space<hbm>>
      %dma_start3A_17 = tpu.memref_slice %arg4[%add3A_8] : memref<160000xi32, #tpu.memory_space<hbm>> -> memref<8xi32, #tpu.memory_space<hbm>>
      tpu.enqueue_dma source(%dma_start3A_17 : memref<8xi32, #tpu.memory_space<hbm>>) target(%arg8 : memref<8xi32, #tpu.memory_space<vmem>>) target_semaphore(%run_scoped3A : memref<!tpu.dma_semaphore, #tpu.memory_space<semaphore_mem>>)
      %dma_wait3A = tpu.memref_slice %arg4[%add3A_8] : memref<160000xi32, #tpu.memory_space<hbm>> -> memref<8xi32, #tpu.memory_space<hbm>>
      %dma_wait3A_18 = tpu.memref_slice %arg4[%add3A_8] : memref<160000xi32, #tpu.memory_space<hbm>> -> memref<8xi32, #tpu.memory_space<hbm>>
      tpu.wait_dma2 semaphore(%run_scoped3A : memref<!tpu.dma_semaphore, #tpu.memory_space<semaphore_mem>>) src(%dma_wait3A_18 : memref<8xi32, #tpu.memory_space<hbm>>) dst(%arg8 : memref<8xi32, #tpu.memory_space<vmem>>)
      tpu.yield
    }) : () -> ()
    %scan3A = arith.constant 0 : i32
    %scan3A_9 = arith.constant 0 : i32
    %scan3A_10 = arith.constant 39 : i32
    %scan3A_11 = arith.addi %scan3A_9, %scan3A_10 : i32
    %scan3A_12 = arith.constant 1 : i32
    scf.for %scan3A_17 = %scan3A_9 to %scan3A_11 step %scan3A_12  : i32 {
      %mul3A_18 = arith.constant 128 : i32
      %mul3A_19 = arith.muli %scan3A_17, %mul3A_18 : i32
      %add3A_20 = arith.addi %mul3A_2, %mul3A_19 : i32
      "tpu.region"() ({
        %run_scoped3A = tpu.sem_alloc : memref<!tpu.dma_semaphore, #tpu.memory_space<semaphore_mem>>
        %dma_start3A = arith.constant 0 : i32
        %dma_start3A_21 = tpu.memref_slice %arg2[%add3A_20, %dma_start3A] : memref<160000x16xf32, #tpu.memory_space<hbm>> -> memref<128x16xf32, #tpu.memory_space<hbm>>
        %dma_start3A_22 = arith.constant 0 : i32
        %dma_start3A_23 = tpu.memref_slice %arg2[%add3A_20, %dma_start3A_22] : memref<160000x16xf32, #tpu.memory_space<hbm>> -> memref<128x16xf32, #tpu.memory_space<hbm>>
        tpu.enqueue_dma source(%dma_start3A_23 : memref<128x16xf32, #tpu.memory_space<hbm>>) target(%arg9 : memref<128x16xf32, #tpu.memory_space<vmem>>) target_semaphore(%run_scoped3A : memref<!tpu.dma_semaphore, #tpu.memory_space<semaphore_mem>>)
        %dma_wait3A = arith.constant 0 : i32
        %dma_wait3A_24 = tpu.memref_slice %arg2[%add3A_20, %dma_wait3A] : memref<160000x16xf32, #tpu.memory_space<hbm>> -> memref<128x16xf32, #tpu.memory_space<hbm>>
        %dma_wait3A_25 = arith.constant 0 : i32
        %dma_wait3A_26 = tpu.memref_slice %arg2[%add3A_20, %dma_wait3A_25] : memref<160000x16xf32, #tpu.memory_space<hbm>> -> memref<128x16xf32, #tpu.memory_space<hbm>>
        tpu.wait_dma2 semaphore(%run_scoped3A : memref<!tpu.dma_semaphore, #tpu.memory_space<semaphore_mem>>) src(%dma_wait3A_26 : memref<128x16xf32, #tpu.memory_space<hbm>>) dst(%arg9 : memref<128x16xf32, #tpu.memory_space<vmem>>)
        tpu.yield
      }) : () -> ()
      "tpu.region"() ({
        %run_scoped3A = tpu.sem_alloc : memref<!tpu.dma_semaphore, #tpu.memory_space<semaphore_mem>>
        %dma_start3A = arith.constant 0 : i32
        %dma_start3A_21 = tpu.memref_slice %arg7[%scan3A_17, %dma_start3A] : memref<39x128xi32, #tpu.memory_space<vmem>> -> memref<1x128xi32, #tpu.memory_space<vmem>>
        %dma_start3A_22 = tpu.memref_squeeze %dma_start3A_21 : memref<1x128xi32, #tpu.memory_space<vmem>> -> memref<128xi32, #tpu.memory_space<vmem>>
        %dma_start3A_23 = arith.constant 0 : i32
        %dma_start3A_24 = arith.constant 0 : i32
        %dma_start3A_25 = tpu.memref_slice %arg11[%dma_start3A_23, %dma_start3A_24] : memref<10000x16xf32, #tpu.memory_space<vmem_shared>> -> memref<10000x16xf32, #tpu.memory_space<vmem_shared>>
        tpu.enqueue_indirect_dma source(%arg9 : memref<128x16xf32, #tpu.memory_space<vmem>>) target(%dma_start3A_25 : memref<10000x16xf32, #tpu.memory_space<vmem_shared>>) offsets(%dma_start3A_22 : memref<128xi32, #tpu.memory_space<vmem>>) semaphore(%run_scoped3A : memref<!tpu.dma_semaphore, #tpu.memory_space<semaphore_mem>>) {add = true}
        %dma_wait3A = arith.constant 0 : i32
        %dma_wait3A_26 = tpu.memref_slice %arg7[%scan3A_17, %dma_wait3A] : memref<39x128xi32, #tpu.memory_space<vmem>> -> memref<1x128xi32, #tpu.memory_space<vmem>>
        %dma_wait3A_27 = tpu.memref_squeeze %dma_wait3A_26 : memref<1x128xi32, #tpu.memory_space<vmem>> -> memref<128xi32, #tpu.memory_space<vmem>>
        %dma_wait3A_28 = arith.constant 0 : i32
        %dma_wait3A_29 = arith.constant 0 : i32
        %dma_wait3A_30 = tpu.memref_slice %arg11[%dma_wait3A_28, %dma_wait3A_29] : memref<10000x16xf32, #tpu.memory_space<vmem_shared>> -> memref<10000x16xf32, #tpu.memory_space<vmem_shared>>
        tpu.wait_indirect_dma semaphore(%run_scoped3A : memref<!tpu.dma_semaphore, #tpu.memory_space<semaphore_mem>>) src(%arg9 : memref<128x16xf32, #tpu.memory_space<vmem>>) dst(%dma_wait3A_30 : memref<10000x16xf32, #tpu.memory_space<vmem_shared>>)
        tpu.yield
      }) : () -> ()
    }
    %scan3A_13 = arith.constant 39 : i32
    %add3A_14 = arith.constant 4992 : i32
    %add3A_15 = arith.addi %mul3A_2, %add3A_14 : i32
    "tpu.region"() ({
      %run_scoped3A = tpu.sem_alloc : memref<!tpu.dma_semaphore, #tpu.memory_space<semaphore_mem>>
      %dma_start3A = arith.constant 0 : i32
      %dma_start3A_17 = arith.constant 0 : i32
      %dma_start3A_18 = tpu.memref_slice %arg9[%dma_start3A, %dma_start3A_17] : memref<128x16xf32, #tpu.memory_space<vmem>> -> memref<8x16xf32, #tpu.memory_space<vmem>>
      %dma_start3A_19 = arith.constant 0 : i32
      %dma_start3A_20 = tpu.memref_slice %arg2[%add3A_15, %dma_start3A_19] : memref<160000x16xf32, #tpu.memory_space<hbm>> -> memref<8x16xf32, #tpu.memory_space<hbm>>
      %dma_start3A_21 = arith.constant 0 : i32
      %dma_start3A_22 = arith.constant 0 : i32
      %dma_start3A_23 = tpu.memref_slice %arg9[%dma_start3A_21, %dma_start3A_22] : memref<128x16xf32, #tpu.memory_space<vmem>> -> memref<8x16xf32, #tpu.memory_space<vmem>>
      %dma_start3A_24 = arith.constant 0 : i32
      %dma_start3A_25 = tpu.memref_slice %arg2[%add3A_15, %dma_start3A_24] : memref<160000x16xf32, #tpu.memory_space<hbm>> -> memref<8x16xf32, #tpu.memory_space<hbm>>
      tpu.enqueue_dma source(%dma_start3A_25 : memref<8x16xf32, #tpu.memory_space<hbm>>) target(%dma_start3A_23 : memref<8x16xf32, #tpu.memory_space<vmem>>) target_semaphore(%run_scoped3A : memref<!tpu.dma_semaphore, #tpu.memory_space<semaphore_mem>>)
      %dma_wait3A = arith.constant 0 : i32
      %dma_wait3A_26 = arith.constant 0 : i32
      %dma_wait3A_27 = tpu.memref_slice %arg9[%dma_wait3A, %dma_wait3A_26] : memref<128x16xf32, #tpu.memory_space<vmem>> -> memref<8x16xf32, #tpu.memory_space<vmem>>
      %dma_wait3A_28 = arith.constant 0 : i32
      %dma_wait3A_29 = tpu.memref_slice %arg2[%add3A_15, %dma_wait3A_28] : memref<160000x16xf32, #tpu.memory_space<hbm>> -> memref<8x16xf32, #tpu.memory_space<hbm>>
      %dma_wait3A_30 = arith.constant 0 : i32
      %dma_wait3A_31 = arith.constant 0 : i32
      %dma_wait3A_32 = tpu.memref_slice %arg9[%dma_wait3A_30, %dma_wait3A_31] : memref<128x16xf32, #tpu.memory_space<vmem>> -> memref<8x16xf32, #tpu.memory_space<vmem>>
      %dma_wait3A_33 = arith.constant 0 : i32
      %dma_wait3A_34 = tpu.memref_slice %arg2[%add3A_15, %dma_wait3A_33] : memref<160000x16xf32, #tpu.memory_space<hbm>> -> memref<8x16xf32, #tpu.memory_space<hbm>>
      tpu.wait_dma2 semaphore(%run_scoped3A : memref<!tpu.dma_semaphore, #tpu.memory_space<semaphore_mem>>) src(%dma_wait3A_34 : memref<8x16xf32, #tpu.memory_space<hbm>>) dst(%dma_wait3A_32 : memref<8x16xf32, #tpu.memory_space<vmem>>)
      tpu.yield
    }) : () -> ()
    "tpu.region"() ({
      %run_scoped3A = tpu.sem_alloc : memref<!tpu.dma_semaphore, #tpu.memory_space<semaphore_mem>>
      %dma_start3A = arith.constant 0 : i32
      %dma_start3A_17 = arith.constant 0 : i32
      %dma_start3A_18 = tpu.memref_slice %arg9[%dma_start3A, %dma_start3A_17] : memref<128x16xf32, #tpu.memory_space<vmem>> -> memref<8x16xf32, #tpu.memory_space<vmem>>
      %dma_start3A_19 = arith.constant 0 : i32
      %dma_start3A_20 = arith.constant 0 : i32
      %dma_start3A_21 = tpu.memref_slice %arg11[%dma_start3A_19, %dma_start3A_20] : memref<10000x16xf32, #tpu.memory_space<vmem_shared>> -> memref<10000x16xf32, #tpu.memory_space<vmem_shared>>
      tpu.enqueue_indirect_dma source(%dma_start3A_18 : memref<8x16xf32, #tpu.memory_space<vmem>>) target(%dma_start3A_21 : memref<10000x16xf32, #tpu.memory_space<vmem_shared>>) offsets(%arg8 : memref<8xi32, #tpu.memory_space<vmem>>) semaphore(%run_scoped3A : memref<!tpu.dma_semaphore, #tpu.memory_space<semaphore_mem>>) {add = true}
      %dma_wait3A = arith.constant 0 : i32
      %dma_wait3A_22 = arith.constant 0 : i32
      %dma_wait3A_23 = tpu.memref_slice %arg9[%dma_wait3A, %dma_wait3A_22] : memref<128x16xf32, #tpu.memory_space<vmem>> -> memref<8x16xf32, #tpu.memory_space<vmem>>
      %dma_wait3A_24 = arith.constant 0 : i32
      %dma_wait3A_25 = arith.constant 0 : i32
      %dma_wait3A_26 = tpu.memref_slice %arg11[%dma_wait3A_24, %dma_wait3A_25] : memref<10000x16xf32, #tpu.memory_space<vmem_shared>> -> memref<10000x16xf32, #tpu.memory_space<vmem_shared>>
      tpu.wait_indirect_dma semaphore(%run_scoped3A : memref<!tpu.dma_semaphore, #tpu.memory_space<semaphore_mem>>) src(%dma_wait3A_23 : memref<8x16xf32, #tpu.memory_space<vmem>>) dst(%dma_wait3A_26 : memref<10000x16xf32, #tpu.memory_space<vmem_shared>>)
      tpu.yield
    }) : () -> ()
    %barrier3A_16 = arith.constant 0 : index
    tpu.barrier barrier_id(%barrier3A_16)
    "tpu.region"() ({
      %run_scoped3A = tpu.sem_alloc : memref<!tpu.dma_semaphore, #tpu.memory_space<semaphore_mem>>
      %dma_start3A = arith.constant 0 : i32
      %dma_start3A_17 = tpu.memref_slice %arg11[%mul3A_4, %dma_start3A] : memref<10000x16xf32, #tpu.memory_space<vmem_shared>> -> memref<625x16xf32, #tpu.memory_space<vmem_shared>>
      %dma_start3A_18 = arith.constant 0 : i32
      %dma_start3A_19 = tpu.memref_slice %arg11[%mul3A_4, %dma_start3A_18] : memref<10000x16xf32, #tpu.memory_space<vmem_shared>> -> memref<625x16xf32, #tpu.memory_space<vmem_shared>>
      tpu.enqueue_dma source(%dma_start3A_19 : memref<625x16xf32, #tpu.memory_space<vmem_shared>>) target(%arg10 : memref<625x16xf32, #tpu.memory_space<vmem>>) target_semaphore(%run_scoped3A : memref<!tpu.dma_semaphore, #tpu.memory_space<semaphore_mem>>)
      %dma_wait3A = arith.constant 0 : i32
      %dma_wait3A_20 = tpu.memref_slice %arg11[%mul3A_4, %dma_wait3A] : memref<10000x16xf32, #tpu.memory_space<vmem_shared>> -> memref<625x16xf32, #tpu.memory_space<vmem_shared>>
      %dma_wait3A_21 = arith.constant 0 : i32
      %dma_wait3A_22 = tpu.memref_slice %arg11[%mul3A_4, %dma_wait3A_21] : memref<10000x16xf32, #tpu.memory_space<vmem_shared>> -> memref<625x16xf32, #tpu.memory_space<vmem_shared>>
      tpu.wait_dma2 semaphore(%run_scoped3A : memref<!tpu.dma_semaphore, #tpu.memory_space<semaphore_mem>>) src(%dma_wait3A_22 : memref<625x16xf32, #tpu.memory_space<vmem_shared>>) dst(%arg10 : memref<625x16xf32, #tpu.memory_space<vmem>>)
      tpu.yield
    }) : () -> ()
    "tpu.region"() ({
      %run_scoped3A = tpu.sem_alloc : memref<!tpu.dma_semaphore, #tpu.memory_space<semaphore_mem>>
      %dma_start3A = arith.constant 0 : i32
      %dma_start3A_17 = tpu.memref_slice %arg6[%arg0, %mul3A_4, %dma_start3A] : memref<2x10000x16xf32, #tpu.memory_space<hbm>> -> memref<1x625x16xf32, #tpu.memory_space<hbm>>
      %dma_start3A_18 = tpu.memref_squeeze %dma_start3A_17 : memref<1x625x16xf32, #tpu.memory_space<hbm>> -> memref<625x16xf32, #tpu.memory_space<hbm>>
      %dma_start3A_19 = arith.constant 0 : i32
      %dma_start3A_20 = tpu.memref_slice %arg6[%arg0, %mul3A_4, %dma_start3A_19] : memref<2x10000x16xf32, #tpu.memory_space<hbm>> -> memref<1x625x16xf32, #tpu.memory_space<hbm>>
      %dma_start3A_21 = tpu.memref_squeeze %dma_start3A_20 : memref<1x625x16xf32, #tpu.memory_space<hbm>> -> memref<625x16xf32, #tpu.memory_space<hbm>>
      tpu.enqueue_dma source(%arg10 : memref<625x16xf32, #tpu.memory_space<vmem>>) target(%dma_start3A_21 : memref<625x16xf32, #tpu.memory_space<hbm>>) target_semaphore(%run_scoped3A : memref<!tpu.dma_semaphore, #tpu.memory_space<semaphore_mem>>)
      %dma_wait3A = arith.constant 0 : i32
      %dma_wait3A_22 = tpu.memref_slice %arg6[%arg0, %mul3A_4, %dma_wait3A] : memref<2x10000x16xf32, #tpu.memory_space<hbm>> -> memref<1x625x16xf32, #tpu.memory_space<hbm>>
      %dma_wait3A_23 = tpu.memref_squeeze %dma_wait3A_22 : memref<1x625x16xf32, #tpu.memory_space<hbm>> -> memref<625x16xf32, #tpu.memory_space<hbm>>
      %dma_wait3A_24 = arith.constant 0 : i32
      %dma_wait3A_25 = tpu.memref_slice %arg6[%arg0, %mul3A_4, %dma_wait3A_24] : memref<2x10000x16xf32, #tpu.memory_space<hbm>> -> memref<1x625x16xf32, #tpu.memory_space<hbm>>
      %dma_wait3A_26 = tpu.memref_squeeze %dma_wait3A_25 : memref<1x625x16xf32, #tpu.memory_space<hbm>> -> memref<625x16xf32, #tpu.memory_space<hbm>>
      tpu.wait_dma2 semaphore(%run_scoped3A : memref<!tpu.dma_semaphore, #tpu.memory_space<semaphore_mem>>) src(%arg10 : memref<625x16xf32, #tpu.memory_space<vmem>>) dst(%dma_wait3A_26 : memref<625x16xf32, #tpu.memory_space<hbm>>)
      tpu.yield
    }) : () -> ()
    return
  }
}

#map = affine_map<(d0, d1) -> (0, 0)>
#map1 = affine_map<(d0, d1) -> (0)>
module attributes {stable_mosaic.version = 14 : i64} {
  func.func @_sc_gather(%arg0: i32, %arg1: i32, %arg2: memref<10000x16xf32, #tpu.memory_space<hbm>>, %arg3: memref<160000xi32, #tpu.memory_space<hbm>>, %arg4: memref<160000x16xf32, #tpu.memory_space<hbm>>, %arg5: memref<5000xi32, #tpu.memory_space<vmem>>, %arg6: memref<1024x16xf32, #tpu.memory_space<vmem>>, %arg7: memref<!tpu.dma_semaphore, #tpu.memory_space<semaphore_mem>>) attributes {dimension_semantics = [#tpu.dimension_semantics<core_parallel>, #tpu.dimension_semantics<subcore_parallel>], iteration_bounds = array<i64: 2, 16>, scalar_prefetch = 0 : i64, scratch_operands = 3 : i64, tpu.core_type = #tpu.core_type<sc_vector_subcore>, window_params = [{transform_indices = #map}, {transform_indices = #map1}, {transform_indices = #map}]} {
    %mul3A = arith.constant 16 : i32
    %mul3A_0 = arith.muli %arg0, %mul3A : i32
    %add3A = arith.addi %mul3A_0, %arg1 : i32
    %mul3A_1 = arith.constant 5000 : i32
    %mul3A_2 = arith.muli %add3A, %mul3A_1 : i32
    "tpu.region"() ({
      %run_scoped3A = tpu.sem_alloc : memref<!tpu.dma_semaphore, #tpu.memory_space<semaphore_mem>>
      %dma_start3A_136 = tpu.memref_slice %arg3[%mul3A_2] : memref<160000xi32, #tpu.memory_space<hbm>> -> memref<5000xi32, #tpu.memory_space<hbm>>
      %dma_start3A_137 = tpu.memref_slice %arg3[%mul3A_2] : memref<160000xi32, #tpu.memory_space<hbm>> -> memref<5000xi32, #tpu.memory_space<hbm>>
      tpu.enqueue_dma source(%dma_start3A_137 : memref<5000xi32, #tpu.memory_space<hbm>>) target(%arg5 : memref<5000xi32, #tpu.memory_space<vmem>>) target_semaphore(%run_scoped3A : memref<!tpu.dma_semaphore, #tpu.memory_space<semaphore_mem>>)
      %dma_wait3A_138 = tpu.memref_slice %arg3[%mul3A_2] : memref<160000xi32, #tpu.memory_space<hbm>> -> memref<5000xi32, #tpu.memory_space<hbm>>
      %dma_wait3A_139 = tpu.memref_slice %arg3[%mul3A_2] : memref<160000xi32, #tpu.memory_space<hbm>> -> memref<5000xi32, #tpu.memory_space<hbm>>
      tpu.wait_dma2 semaphore(%run_scoped3A : memref<!tpu.dma_semaphore, #tpu.memory_space<semaphore_mem>>) src(%dma_wait3A_139 : memref<5000xi32, #tpu.memory_space<hbm>>) dst(%arg5 : memref<5000xi32, #tpu.memory_space<vmem>>)
      tpu.yield
    }) : () -> ()
    %scan3A = arith.constant 0 : i32
    %scan3A_3 = arith.constant 0 : i32
    %scan3A_4 = arith.constant 4 : i32
    %scan3A_5 = arith.addi %scan3A_3, %scan3A_4 : i32
    %scan3A_6 = arith.constant 1 : i32
    scf.for %scan3A_136 = %scan3A_3 to %scan3A_5 step %scan3A_6  : i32 {
      %mul3A_137 = arith.constant 8 : i32
      %mul3A_138 = arith.muli %scan3A_136, %mul3A_137 : i32
      %add3A_139 = arith.constant 0 : i32
      %add3A_140 = arith.addi %mul3A_138, %add3A_139 : i32
      %mul3A_141 = arith.constant 128 : i32
      %mul3A_142 = arith.muli %add3A_140, %mul3A_141 : i32
      %dma_start3A_143 = arith.constant 0 : i32
      %dma_start3A_144 = arith.constant 0 : i32
      %dma_start3A_145 = tpu.memref_slice %arg6[%dma_start3A_143, %dma_start3A_144] : memref<1024x16xf32, #tpu.memory_space<vmem>> -> memref<128x16xf32, #tpu.memory_space<vmem>>
      %dma_start3A_146 = tpu.memref_slice %arg5[%mul3A_142] : memref<5000xi32, #tpu.memory_space<vmem>> -> memref<128xi32, #tpu.memory_space<vmem>>
      %dma_start3A_147 = arith.constant 0 : i32
      %dma_start3A_148 = arith.constant 0 : i32
      %dma_start3A_149 = tpu.memref_slice %arg2[%dma_start3A_147, %dma_start3A_148] : memref<10000x16xf32, #tpu.memory_space<hbm>> -> memref<10000x16xf32, #tpu.memory_space<hbm>>
      tpu.enqueue_indirect_dma source(%dma_start3A_149 : memref<10000x16xf32, #tpu.memory_space<hbm>>) target(%dma_start3A_145 : memref<128x16xf32, #tpu.memory_space<vmem>>) offsets(%dma_start3A_146 : memref<128xi32, #tpu.memory_space<vmem>>) semaphore(%arg7 : memref<!tpu.dma_semaphore, #tpu.memory_space<semaphore_mem>>)
      %mul3A_150 = arith.constant 8 : i32
      %mul3A_151 = arith.muli %scan3A_136, %mul3A_150 : i32
      %add3A_152 = arith.constant 1 : i32
      %add3A_153 = arith.addi %mul3A_151, %add3A_152 : i32
      %mul3A_154 = arith.constant 128 : i32
      %mul3A_155 = arith.muli %add3A_153, %mul3A_154 : i32
      %dma_start3A_156 = arith.constant 128 : i32
      %dma_start3A_157 = arith.constant 0 : i32
      %dma_start3A_158 = tpu.memref_slice %arg6[%dma_start3A_156, %dma_start3A_157] : memref<1024x16xf32, #tpu.memory_space<vmem>> -> memref<128x16xf32, #tpu.memory_space<vmem>>
      %dma_start3A_159 = tpu.memref_slice %arg5[%mul3A_155] : memref<5000xi32, #tpu.memory_space<vmem>> -> memref<128xi32, #tpu.memory_space<vmem>>
      %dma_start3A_160 = arith.constant 0 : i32
      %dma_start3A_161 = arith.constant 0 : i32
      %dma_start3A_162 = tpu.memref_slice %arg2[%dma_start3A_160, %dma_start3A_161] : memref<10000x16xf32, #tpu.memory_space<hbm>> -> memref<10000x16xf32, #tpu.memory_space<hbm>>
      tpu.enqueue_indirect_dma source(%dma_start3A_162 : memref<10000x16xf32, #tpu.memory_space<hbm>>) target(%dma_start3A_158 : memref<128x16xf32, #tpu.memory_space<vmem>>) offsets(%dma_start3A_159 : memref<128xi32, #tpu.memory_space<vmem>>) semaphore(%arg7 : memref<!tpu.dma_semaphore, #tpu.memory_space<semaphore_mem>>)
      %mul3A_163 = arith.constant 8 : i32
      %mul3A_164 = arith.muli %scan3A_136, %mul3A_163 : i32
      %add3A_165 = arith.constant 2 : i32
      %add3A_166 = arith.addi %mul3A_164, %add3A_165 : i32
      %mul3A_167 = arith.constant 128 : i32
      %mul3A_168 = arith.muli %add3A_166, %mul3A_167 : i32
      %dma_start3A_169 = arith.constant 256 : i32
      %dma_start3A_170 = arith.constant 0 : i32
      %dma_start3A_171 = tpu.memref_slice %arg6[%dma_start3A_169, %dma_start3A_170] : memref<1024x16xf32, #tpu.memory_space<vmem>> -> memref<128x16xf32, #tpu.memory_space<vmem>>
      %dma_start3A_172 = tpu.memref_slice %arg5[%mul3A_168] : memref<5000xi32, #tpu.memory_space<vmem>> -> memref<128xi32, #tpu.memory_space<vmem>>
      %dma_start3A_173 = arith.constant 0 : i32
      %dma_start3A_174 = arith.constant 0 : i32
      %dma_start3A_175 = tpu.memref_slice %arg2[%dma_start3A_173, %dma_start3A_174] : memref<10000x16xf32, #tpu.memory_space<hbm>> -> memref<10000x16xf32, #tpu.memory_space<hbm>>
      tpu.enqueue_indirect_dma source(%dma_start3A_175 : memref<10000x16xf32, #tpu.memory_space<hbm>>) target(%dma_start3A_171 : memref<128x16xf32, #tpu.memory_space<vmem>>) offsets(%dma_start3A_172 : memref<128xi32, #tpu.memory_space<vmem>>) semaphore(%arg7 : memref<!tpu.dma_semaphore, #tpu.memory_space<semaphore_mem>>)
      %mul3A_176 = arith.constant 8 : i32
      %mul3A_177 = arith.muli %scan3A_136, %mul3A_176 : i32
      %add3A_178 = arith.constant 3 : i32
      %add3A_179 = arith.addi %mul3A_177, %add3A_178 : i32
      %mul3A_180 = arith.constant 128 : i32
      %mul3A_181 = arith.muli %add3A_179, %mul3A_180 : i32
      %dma_start3A_182 = arith.constant 384 : i32
      %dma_start3A_183 = arith.constant 0 : i32
      %dma_start3A_184 = tpu.memref_slice %arg6[%dma_start3A_182, %dma_start3A_183] : memref<1024x16xf32, #tpu.memory_space<vmem>> -> memref<128x16xf32, #tpu.memory_space<vmem>>
      %dma_start3A_185 = tpu.memref_slice %arg5[%mul3A_181] : memref<5000xi32, #tpu.memory_space<vmem>> -> memref<128xi32, #tpu.memory_space<vmem>>
      %dma_start3A_186 = arith.constant 0 : i32
      %dma_start3A_187 = arith.constant 0 : i32
      %dma_start3A_188 = tpu.memref_slice %arg2[%dma_start3A_186, %dma_start3A_187] : memref<10000x16xf32, #tpu.memory_space<hbm>> -> memref<10000x16xf32, #tpu.memory_space<hbm>>
      tpu.enqueue_indirect_dma source(%dma_start3A_188 : memref<10000x16xf32, #tpu.memory_space<hbm>>) target(%dma_start3A_184 : memref<128x16xf32, #tpu.memory_space<vmem>>) offsets(%dma_start3A_185 : memref<128xi32, #tpu.memory_space<vmem>>) semaphore(%arg7 : memref<!tpu.dma_semaphore, #tpu.memory_space<semaphore_mem>>)
      %mul3A_189 = arith.constant 8 : i32
      %mul3A_190 = arith.muli %scan3A_136, %mul3A_189 : i32
      %add3A_191 = arith.constant 4 : i32
      %add3A_192 = arith.addi %mul3A_190, %add3A_191 : i32
      %mul3A_193 = arith.constant 128 : i32
      %mul3A_194 = arith.muli %add3A_192, %mul3A_193 : i32
      %dma_start3A_195 = arith.constant 512 : i32
      %dma_start3A_196 = arith.constant 0 : i32
      %dma_start3A_197 = tpu.memref_slice %arg6[%dma_start3A_195, %dma_start3A_196] : memref<1024x16xf32, #tpu.memory_space<vmem>> -> memref<128x16xf32, #tpu.memory_space<vmem>>
      %dma_start3A_198 = tpu.memref_slice %arg5[%mul3A_194] : memref<5000xi32, #tpu.memory_space<vmem>> -> memref<128xi32, #tpu.memory_space<vmem>>
      %dma_start3A_199 = arith.constant 0 : i32
      %dma_start3A_200 = arith.constant 0 : i32
      %dma_start3A_201 = tpu.memref_slice %arg2[%dma_start3A_199, %dma_start3A_200] : memref<10000x16xf32, #tpu.memory_space<hbm>> -> memref<10000x16xf32, #tpu.memory_space<hbm>>
      tpu.enqueue_indirect_dma source(%dma_start3A_201 : memref<10000x16xf32, #tpu.memory_space<hbm>>) target(%dma_start3A_197 : memref<128x16xf32, #tpu.memory_space<vmem>>) offsets(%dma_start3A_198 : memref<128xi32, #tpu.memory_space<vmem>>) semaphore(%arg7 : memref<!tpu.dma_semaphore, #tpu.memory_space<semaphore_mem>>)
      %mul3A_202 = arith.constant 8 : i32
      %mul3A_203 = arith.muli %scan3A_136, %mul3A_202 : i32
      %add3A_204 = arith.constant 5 : i32
      %add3A_205 = arith.addi %mul3A_203, %add3A_204 : i32
      %mul3A_206 = arith.constant 128 : i32
      %mul3A_207 = arith.muli %add3A_205, %mul3A_206 : i32
      %dma_start3A_208 = arith.constant 640 : i32
      %dma_start3A_209 = arith.constant 0 : i32
      %dma_start3A_210 = tpu.memref_slice %arg6[%dma_start3A_208, %dma_start3A_209] : memref<1024x16xf32, #tpu.memory_space<vmem>> -> memref<128x16xf32, #tpu.memory_space<vmem>>
      %dma_start3A_211 = tpu.memref_slice %arg5[%mul3A_207] : memref<5000xi32, #tpu.memory_space<vmem>> -> memref<128xi32, #tpu.memory_space<vmem>>
      %dma_start3A_212 = arith.constant 0 : i32
      %dma_start3A_213 = arith.constant 0 : i32
      %dma_start3A_214 = tpu.memref_slice %arg2[%dma_start3A_212, %dma_start3A_213] : memref<10000x16xf32, #tpu.memory_space<hbm>> -> memref<10000x16xf32, #tpu.memory_space<hbm>>
      tpu.enqueue_indirect_dma source(%dma_start3A_214 : memref<10000x16xf32, #tpu.memory_space<hbm>>) target(%dma_start3A_210 : memref<128x16xf32, #tpu.memory_space<vmem>>) offsets(%dma_start3A_211 : memref<128xi32, #tpu.memory_space<vmem>>) semaphore(%arg7 : memref<!tpu.dma_semaphore, #tpu.memory_space<semaphore_mem>>)
      %mul3A_215 = arith.constant 8 : i32
      %mul3A_216 = arith.muli %scan3A_136, %mul3A_215 : i32
      %add3A_217 = arith.constant 6 : i32
      %add3A_218 = arith.addi %mul3A_216, %add3A_217 : i32
      %mul3A_219 = arith.constant 128 : i32
      %mul3A_220 = arith.muli %add3A_218, %mul3A_219 : i32
      %dma_start3A_221 = arith.constant 768 : i32
      %dma_start3A_222 = arith.constant 0 : i32
      %dma_start3A_223 = tpu.memref_slice %arg6[%dma_start3A_221, %dma_start3A_222] : memref<1024x16xf32, #tpu.memory_space<vmem>> -> memref<128x16xf32, #tpu.memory_space<vmem>>
      %dma_start3A_224 = tpu.memref_slice %arg5[%mul3A_220] : memref<5000xi32, #tpu.memory_space<vmem>> -> memref<128xi32, #tpu.memory_space<vmem>>
      %dma_start3A_225 = arith.constant 0 : i32
      %dma_start3A_226 = arith.constant 0 : i32
      %dma_start3A_227 = tpu.memref_slice %arg2[%dma_start3A_225, %dma_start3A_226] : memref<10000x16xf32, #tpu.memory_space<hbm>> -> memref<10000x16xf32, #tpu.memory_space<hbm>>
      tpu.enqueue_indirect_dma source(%dma_start3A_227 : memref<10000x16xf32, #tpu.memory_space<hbm>>) target(%dma_start3A_223 : memref<128x16xf32, #tpu.memory_space<vmem>>) offsets(%dma_start3A_224 : memref<128xi32, #tpu.memory_space<vmem>>) semaphore(%arg7 : memref<!tpu.dma_semaphore, #tpu.memory_space<semaphore_mem>>)
      %mul3A_228 = arith.constant 8 : i32
      %mul3A_229 = arith.muli %scan3A_136, %mul3A_228 : i32
      %add3A_230 = arith.constant 7 : i32
      %add3A_231 = arith.addi %mul3A_229, %add3A_230 : i32
      %mul3A_232 = arith.constant 128 : i32
      %mul3A_233 = arith.muli %add3A_231, %mul3A_232 : i32
      %dma_start3A_234 = arith.constant 896 : i32
      %dma_start3A_235 = arith.constant 0 : i32
      %dma_start3A_236 = tpu.memref_slice %arg6[%dma_start3A_234, %dma_start3A_235] : memref<1024x16xf32, #tpu.memory_space<vmem>> -> memref<128x16xf32, #tpu.memory_space<vmem>>
      %dma_start3A_237 = tpu.memref_slice %arg5[%mul3A_233] : memref<5000xi32, #tpu.memory_space<vmem>> -> memref<128xi32, #tpu.memory_space<vmem>>
      %dma_start3A_238 = arith.constant 0 : i32
      %dma_start3A_239 = arith.constant 0 : i32
      %dma_start3A_240 = tpu.memref_slice %arg2[%dma_start3A_238, %dma_start3A_239] : memref<10000x16xf32, #tpu.memory_space<hbm>> -> memref<10000x16xf32, #tpu.memory_space<hbm>>
      tpu.enqueue_indirect_dma source(%dma_start3A_240 : memref<10000x16xf32, #tpu.memory_space<hbm>>) target(%dma_start3A_236 : memref<128x16xf32, #tpu.memory_space<vmem>>) offsets(%dma_start3A_237 : memref<128xi32, #tpu.memory_space<vmem>>) semaphore(%arg7 : memref<!tpu.dma_semaphore, #tpu.memory_space<semaphore_mem>>)
      %dma_wait3A_241 = arith.constant 0 : i32
      %dma_wait3A_242 = arith.constant 0 : i32
      %dma_wait3A_243 = tpu.memref_slice %arg6[%dma_wait3A_241, %dma_wait3A_242] : memref<1024x16xf32, #tpu.memory_space<vmem>> -> memref<128x16xf32, #tpu.memory_space<vmem>>
      %dma_wait3A_244 = tpu.memref_slice %arg5[%mul3A_142] : memref<5000xi32, #tpu.memory_space<vmem>> -> memref<128xi32, #tpu.memory_space<vmem>>
      %dma_wait3A_245 = arith.constant 0 : i32
      %dma_wait3A_246 = arith.constant 0 : i32
      %dma_wait3A_247 = tpu.memref_slice %arg2[%dma_wait3A_245, %dma_wait3A_246] : memref<10000x16xf32, #tpu.memory_space<hbm>> -> memref<10000x16xf32, #tpu.memory_space<hbm>>
      tpu.wait_indirect_dma semaphore(%arg7 : memref<!tpu.dma_semaphore, #tpu.memory_space<semaphore_mem>>) src(%dma_wait3A_247 : memref<10000x16xf32, #tpu.memory_space<hbm>>) dst(%dma_wait3A_243 : memref<128x16xf32, #tpu.memory_space<vmem>>)
      %dma_wait3A_248 = arith.constant 128 : i32
      %dma_wait3A_249 = arith.constant 0 : i32
      %dma_wait3A_250 = tpu.memref_slice %arg6[%dma_wait3A_248, %dma_wait3A_249] : memref<1024x16xf32, #tpu.memory_space<vmem>> -> memref<128x16xf32, #tpu.memory_space<vmem>>
      %dma_wait3A_251 = tpu.memref_slice %arg5[%mul3A_155] : memref<5000xi32, #tpu.memory_space<vmem>> -> memref<128xi32, #tpu.memory_space<vmem>>
      %dma_wait3A_252 = arith.constant 0 : i32
      %dma_wait3A_253 = arith.constant 0 : i32
      %dma_wait3A_254 = tpu.memref_slice %arg2[%dma_wait3A_252, %dma_wait3A_253] : memref<10000x16xf32, #tpu.memory_space<hbm>> -> memref<10000x16xf32, #tpu.memory_space<hbm>>
      tpu.wait_indirect_dma semaphore(%arg7 : memref<!tpu.dma_semaphore, #tpu.memory_space<semaphore_mem>>) src(%dma_wait3A_254 : memref<10000x16xf32, #tpu.memory_space<hbm>>) dst(%dma_wait3A_250 : memref<128x16xf32, #tpu.memory_space<vmem>>)
      %dma_wait3A_255 = arith.constant 256 : i32
      %dma_wait3A_256 = arith.constant 0 : i32
      %dma_wait3A_257 = tpu.memref_slice %arg6[%dma_wait3A_255, %dma_wait3A_256] : memref<1024x16xf32, #tpu.memory_space<vmem>> -> memref<128x16xf32, #tpu.memory_space<vmem>>
      %dma_wait3A_258 = tpu.memref_slice %arg5[%mul3A_168] : memref<5000xi32, #tpu.memory_space<vmem>> -> memref<128xi32, #tpu.memory_space<vmem>>
      %dma_wait3A_259 = arith.constant 0 : i32
      %dma_wait3A_260 = arith.constant 0 : i32
      %dma_wait3A_261 = tpu.memref_slice %arg2[%dma_wait3A_259, %dma_wait3A_260] : memref<10000x16xf32, #tpu.memory_space<hbm>> -> memref<10000x16xf32, #tpu.memory_space<hbm>>
      tpu.wait_indirect_dma semaphore(%arg7 : memref<!tpu.dma_semaphore, #tpu.memory_space<semaphore_mem>>) src(%dma_wait3A_261 : memref<10000x16xf32, #tpu.memory_space<hbm>>) dst(%dma_wait3A_257 : memref<128x16xf32, #tpu.memory_space<vmem>>)
      %dma_wait3A_262 = arith.constant 384 : i32
      %dma_wait3A_263 = arith.constant 0 : i32
      %dma_wait3A_264 = tpu.memref_slice %arg6[%dma_wait3A_262, %dma_wait3A_263] : memref<1024x16xf32, #tpu.memory_space<vmem>> -> memref<128x16xf32, #tpu.memory_space<vmem>>
      %dma_wait3A_265 = tpu.memref_slice %arg5[%mul3A_181] : memref<5000xi32, #tpu.memory_space<vmem>> -> memref<128xi32, #tpu.memory_space<vmem>>
      %dma_wait3A_266 = arith.constant 0 : i32
      %dma_wait3A_267 = arith.constant 0 : i32
      %dma_wait3A_268 = tpu.memref_slice %arg2[%dma_wait3A_266, %dma_wait3A_267] : memref<10000x16xf32, #tpu.memory_space<hbm>> -> memref<10000x16xf32, #tpu.memory_space<hbm>>
      tpu.wait_indirect_dma semaphore(%arg7 : memref<!tpu.dma_semaphore, #tpu.memory_space<semaphore_mem>>) src(%dma_wait3A_268 : memref<10000x16xf32, #tpu.memory_space<hbm>>) dst(%dma_wait3A_264 : memref<128x16xf32, #tpu.memory_space<vmem>>)
      %dma_wait3A_269 = arith.constant 512 : i32
      %dma_wait3A_270 = arith.constant 0 : i32
      %dma_wait3A_271 = tpu.memref_slice %arg6[%dma_wait3A_269, %dma_wait3A_270] : memref<1024x16xf32, #tpu.memory_space<vmem>> -> memref<128x16xf32, #tpu.memory_space<vmem>>
      %dma_wait3A_272 = tpu.memref_slice %arg5[%mul3A_194] : memref<5000xi32, #tpu.memory_space<vmem>> -> memref<128xi32, #tpu.memory_space<vmem>>
      %dma_wait3A_273 = arith.constant 0 : i32
      %dma_wait3A_274 = arith.constant 0 : i32
      %dma_wait3A_275 = tpu.memref_slice %arg2[%dma_wait3A_273, %dma_wait3A_274] : memref<10000x16xf32, #tpu.memory_space<hbm>> -> memref<10000x16xf32, #tpu.memory_space<hbm>>
      tpu.wait_indirect_dma semaphore(%arg7 : memref<!tpu.dma_semaphore, #tpu.memory_space<semaphore_mem>>) src(%dma_wait3A_275 : memref<10000x16xf32, #tpu.memory_space<hbm>>) dst(%dma_wait3A_271 : memref<128x16xf32, #tpu.memory_space<vmem>>)
      %dma_wait3A_276 = arith.constant 640 : i32
      %dma_wait3A_277 = arith.constant 0 : i32
      %dma_wait3A_278 = tpu.memref_slice %arg6[%dma_wait3A_276, %dma_wait3A_277] : memref<1024x16xf32, #tpu.memory_space<vmem>> -> memref<128x16xf32, #tpu.memory_space<vmem>>
      %dma_wait3A_279 = tpu.memref_slice %arg5[%mul3A_207] : memref<5000xi32, #tpu.memory_space<vmem>> -> memref<128xi32, #tpu.memory_space<vmem>>
      %dma_wait3A_280 = arith.constant 0 : i32
      %dma_wait3A_281 = arith.constant 0 : i32
      %dma_wait3A_282 = tpu.memref_slice %arg2[%dma_wait3A_280, %dma_wait3A_281] : memref<10000x16xf32, #tpu.memory_space<hbm>> -> memref<10000x16xf32, #tpu.memory_space<hbm>>
      tpu.wait_indirect_dma semaphore(%arg7 : memref<!tpu.dma_semaphore, #tpu.memory_space<semaphore_mem>>) src(%dma_wait3A_282 : memref<10000x16xf32, #tpu.memory_space<hbm>>) dst(%dma_wait3A_278 : memref<128x16xf32, #tpu.memory_space<vmem>>)
      %dma_wait3A_283 = arith.constant 768 : i32
      %dma_wait3A_284 = arith.constant 0 : i32
      %dma_wait3A_285 = tpu.memref_slice %arg6[%dma_wait3A_283, %dma_wait3A_284] : memref<1024x16xf32, #tpu.memory_space<vmem>> -> memref<128x16xf32, #tpu.memory_space<vmem>>
      %dma_wait3A_286 = tpu.memref_slice %arg5[%mul3A_220] : memref<5000xi32, #tpu.memory_space<vmem>> -> memref<128xi32, #tpu.memory_space<vmem>>
      %dma_wait3A_287 = arith.constant 0 : i32
      %dma_wait3A_288 = arith.constant 0 : i32
      %dma_wait3A_289 = tpu.memref_slice %arg2[%dma_wait3A_287, %dma_wait3A_288] : memref<10000x16xf32, #tpu.memory_space<hbm>> -> memref<10000x16xf32, #tpu.memory_space<hbm>>
      tpu.wait_indirect_dma semaphore(%arg7 : memref<!tpu.dma_semaphore, #tpu.memory_space<semaphore_mem>>) src(%dma_wait3A_289 : memref<10000x16xf32, #tpu.memory_space<hbm>>) dst(%dma_wait3A_285 : memref<128x16xf32, #tpu.memory_space<vmem>>)
      %dma_wait3A_290 = arith.constant 896 : i32
      %dma_wait3A_291 = arith.constant 0 : i32
      %dma_wait3A_292 = tpu.memref_slice %arg6[%dma_wait3A_290, %dma_wait3A_291] : memref<1024x16xf32, #tpu.memory_space<vmem>> -> memref<128x16xf32, #tpu.memory_space<vmem>>
      %dma_wait3A_293 = tpu.memref_slice %arg5[%mul3A_233] : memref<5000xi32, #tpu.memory_space<vmem>> -> memref<128xi32, #tpu.memory_space<vmem>>
      %dma_wait3A_294 = arith.constant 0 : i32
      %dma_wait3A_295 = arith.constant 0 : i32
      %dma_wait3A_296 = tpu.memref_slice %arg2[%dma_wait3A_294, %dma_wait3A_295] : memref<10000x16xf32, #tpu.memory_space<hbm>> -> memref<10000x16xf32, #tpu.memory_space<hbm>>
      tpu.wait_indirect_dma semaphore(%arg7 : memref<!tpu.dma_semaphore, #tpu.memory_space<semaphore_mem>>) src(%dma_wait3A_296 : memref<10000x16xf32, #tpu.memory_space<hbm>>) dst(%dma_wait3A_292 : memref<128x16xf32, #tpu.memory_space<vmem>>)
      %mul3A_297 = arith.constant 1024 : i32
      %mul3A_298 = arith.muli %scan3A_136, %mul3A_297 : i32
      %add3A_299 = arith.addi %mul3A_2, %mul3A_298 : i32
      "tpu.region"() ({
        %run_scoped3A = tpu.sem_alloc : memref<!tpu.dma_semaphore, #tpu.memory_space<semaphore_mem>>
        %dma_start3A_300 = arith.constant 0 : i32
        %dma_start3A_301 = arith.constant 0 : i32
        %dma_start3A_302 = tpu.memref_slice %arg6[%dma_start3A_300, %dma_start3A_301] : memref<1024x16xf32, #tpu.memory_space<vmem>> -> memref<1024x16xf32, #tpu.memory_space<vmem>>
        %dma_start3A_303 = arith.constant 0 : i32
        %dma_start3A_304 = tpu.memref_slice %arg4[%add3A_299, %dma_start3A_303] : memref<160000x16xf32, #tpu.memory_space<hbm>> -> memref<1024x16xf32, #tpu.memory_space<hbm>>
        %dma_start3A_305 = arith.constant 0 : i32
        %dma_start3A_306 = tpu.memref_slice %arg4[%add3A_299, %dma_start3A_305] : memref<160000x16xf32, #tpu.memory_space<hbm>> -> memref<1024x16xf32, #tpu.memory_space<hbm>>
        %dma_start3A_307 = arith.constant 0 : i32
        %dma_start3A_308 = arith.constant 0 : i32
        %dma_start3A_309 = tpu.memref_slice %arg6[%dma_start3A_307, %dma_start3A_308] : memref<1024x16xf32, #tpu.memory_space<vmem>> -> memref<1024x16xf32, #tpu.memory_space<vmem>>
        tpu.enqueue_dma source(%dma_start3A_309 : memref<1024x16xf32, #tpu.memory_space<vmem>>) target(%dma_start3A_306 : memref<1024x16xf32, #tpu.memory_space<hbm>>) target_semaphore(%run_scoped3A : memref<!tpu.dma_semaphore, #tpu.memory_space<semaphore_mem>>)
        %dma_wait3A_310 = arith.constant 0 : i32
        %dma_wait3A_311 = arith.constant 0 : i32
        %dma_wait3A_312 = tpu.memref_slice %arg6[%dma_wait3A_310, %dma_wait3A_311] : memref<1024x16xf32, #tpu.memory_space<vmem>> -> memref<1024x16xf32, #tpu.memory_space<vmem>>
        %dma_wait3A_313 = arith.constant 0 : i32
        %dma_wait3A_314 = tpu.memref_slice %arg4[%add3A_299, %dma_wait3A_313] : memref<160000x16xf32, #tpu.memory_space<hbm>> -> memref<1024x16xf32, #tpu.memory_space<hbm>>
        %dma_wait3A_315 = arith.constant 0 : i32
        %dma_wait3A_316 = tpu.memref_slice %arg4[%add3A_299, %dma_wait3A_315] : memref<160000x16xf32, #tpu.memory_space<hbm>> -> memref<1024x16xf32, #tpu.memory_space<hbm>>
        %dma_wait3A_317 = arith.constant 0 : i32
        %dma_wait3A_318 = arith.constant 0 : i32
        %dma_wait3A_319 = tpu.memref_slice %arg6[%dma_wait3A_317, %dma_wait3A_318] : memref<1024x16xf32, #tpu.memory_space<vmem>> -> memref<1024x16xf32, #tpu.memory_space<vmem>>
        tpu.wait_dma2 semaphore(%run_scoped3A : memref<!tpu.dma_semaphore, #tpu.memory_space<semaphore_mem>>) src(%dma_wait3A_319 : memref<1024x16xf32, #tpu.memory_space<vmem>>) dst(%dma_wait3A_316 : memref<1024x16xf32, #tpu.memory_space<hbm>>)
        tpu.yield
      }) : () -> ()
    }
    %scan3A_7 = arith.constant 4 : i32
    %dma_start3A = arith.constant 0 : i32
    %dma_start3A_8 = arith.constant 0 : i32
    %dma_start3A_9 = tpu.memref_slice %arg6[%dma_start3A, %dma_start3A_8] : memref<1024x16xf32, #tpu.memory_space<vmem>> -> memref<128x16xf32, #tpu.memory_space<vmem>>
    %dma_start3A_10 = arith.constant 4096 : i32
    %dma_start3A_11 = tpu.memref_slice %arg5[%dma_start3A_10] : memref<5000xi32, #tpu.memory_space<vmem>> -> memref<128xi32, #tpu.memory_space<vmem>>
    %dma_start3A_12 = arith.constant 0 : i32
    %dma_start3A_13 = arith.constant 0 : i32
    %dma_start3A_14 = tpu.memref_slice %arg2[%dma_start3A_12, %dma_start3A_13] : memref<10000x16xf32, #tpu.memory_space<hbm>> -> memref<10000x16xf32, #tpu.memory_space<hbm>>
    tpu.enqueue_indirect_dma source(%dma_start3A_14 : memref<10000x16xf32, #tpu.memory_space<hbm>>) target(%dma_start3A_9 : memref<128x16xf32, #tpu.memory_space<vmem>>) offsets(%dma_start3A_11 : memref<128xi32, #tpu.memory_space<vmem>>) semaphore(%arg7 : memref<!tpu.dma_semaphore, #tpu.memory_space<semaphore_mem>>)
    %dma_start3A_15 = arith.constant 128 : i32
    %dma_start3A_16 = arith.constant 0 : i32
    %dma_start3A_17 = tpu.memref_slice %arg6[%dma_start3A_15, %dma_start3A_16] : memref<1024x16xf32, #tpu.memory_space<vmem>> -> memref<128x16xf32, #tpu.memory_space<vmem>>
    %dma_start3A_18 = arith.constant 4224 : i32
    %dma_start3A_19 = tpu.memref_slice %arg5[%dma_start3A_18] : memref<5000xi32, #tpu.memory_space<vmem>> -> memref<128xi32, #tpu.memory_space<vmem>>
    %dma_start3A_20 = arith.constant 0 : i32
    %dma_start3A_21 = arith.constant 0 : i32
    %dma_start3A_22 = tpu.memref_slice %arg2[%dma_start3A_20, %dma_start3A_21] : memref<10000x16xf32, #tpu.memory_space<hbm>> -> memref<10000x16xf32, #tpu.memory_space<hbm>>
    tpu.enqueue_indirect_dma source(%dma_start3A_22 : memref<10000x16xf32, #tpu.memory_space<hbm>>) target(%dma_start3A_17 : memref<128x16xf32, #tpu.memory_space<vmem>>) offsets(%dma_start3A_19 : memref<128xi32, #tpu.memory_space<vmem>>) semaphore(%arg7 : memref<!tpu.dma_semaphore, #tpu.memory_space<semaphore_mem>>)
    %dma_start3A_23 = arith.constant 256 : i32
    %dma_start3A_24 = arith.constant 0 : i32
    %dma_start3A_25 = tpu.memref_slice %arg6[%dma_start3A_23, %dma_start3A_24] : memref<1024x16xf32, #tpu.memory_space<vmem>> -> memref<128x16xf32, #tpu.memory_space<vmem>>
    %dma_start3A_26 = arith.constant 4352 : i32
    %dma_start3A_27 = tpu.memref_slice %arg5[%dma_start3A_26] : memref<5000xi32, #tpu.memory_space<vmem>> -> memref<128xi32, #tpu.memory_space<vmem>>
    %dma_start3A_28 = arith.constant 0 : i32
    %dma_start3A_29 = arith.constant 0 : i32
    %dma_start3A_30 = tpu.memref_slice %arg2[%dma_start3A_28, %dma_start3A_29] : memref<10000x16xf32, #tpu.memory_space<hbm>> -> memref<10000x16xf32, #tpu.memory_space<hbm>>
    tpu.enqueue_indirect_dma source(%dma_start3A_30 : memref<10000x16xf32, #tpu.memory_space<hbm>>) target(%dma_start3A_25 : memref<128x16xf32, #tpu.memory_space<vmem>>) offsets(%dma_start3A_27 : memref<128xi32, #tpu.memory_space<vmem>>) semaphore(%arg7 : memref<!tpu.dma_semaphore, #tpu.memory_space<semaphore_mem>>)
    %dma_start3A_31 = arith.constant 384 : i32
    %dma_start3A_32 = arith.constant 0 : i32
    %dma_start3A_33 = tpu.memref_slice %arg6[%dma_start3A_31, %dma_start3A_32] : memref<1024x16xf32, #tpu.memory_space<vmem>> -> memref<128x16xf32, #tpu.memory_space<vmem>>
    %dma_start3A_34 = arith.constant 4480 : i32
    %dma_start3A_35 = tpu.memref_slice %arg5[%dma_start3A_34] : memref<5000xi32, #tpu.memory_space<vmem>> -> memref<128xi32, #tpu.memory_space<vmem>>
    %dma_start3A_36 = arith.constant 0 : i32
    %dma_start3A_37 = arith.constant 0 : i32
    %dma_start3A_38 = tpu.memref_slice %arg2[%dma_start3A_36, %dma_start3A_37] : memref<10000x16xf32, #tpu.memory_space<hbm>> -> memref<10000x16xf32, #tpu.memory_space<hbm>>
    tpu.enqueue_indirect_dma source(%dma_start3A_38 : memref<10000x16xf32, #tpu.memory_space<hbm>>) target(%dma_start3A_33 : memref<128x16xf32, #tpu.memory_space<vmem>>) offsets(%dma_start3A_35 : memref<128xi32, #tpu.memory_space<vmem>>) semaphore(%arg7 : memref<!tpu.dma_semaphore, #tpu.memory_space<semaphore_mem>>)
    %dma_start3A_39 = arith.constant 512 : i32
    %dma_start3A_40 = arith.constant 0 : i32
    %dma_start3A_41 = tpu.memref_slice %arg6[%dma_start3A_39, %dma_start3A_40] : memref<1024x16xf32, #tpu.memory_space<vmem>> -> memref<128x16xf32, #tpu.memory_space<vmem>>
    %dma_start3A_42 = arith.constant 4608 : i32
    %dma_start3A_43 = tpu.memref_slice %arg5[%dma_start3A_42] : memref<5000xi32, #tpu.memory_space<vmem>> -> memref<128xi32, #tpu.memory_space<vmem>>
    %dma_start3A_44 = arith.constant 0 : i32
    %dma_start3A_45 = arith.constant 0 : i32
    %dma_start3A_46 = tpu.memref_slice %arg2[%dma_start3A_44, %dma_start3A_45] : memref<10000x16xf32, #tpu.memory_space<hbm>> -> memref<10000x16xf32, #tpu.memory_space<hbm>>
    tpu.enqueue_indirect_dma source(%dma_start3A_46 : memref<10000x16xf32, #tpu.memory_space<hbm>>) target(%dma_start3A_41 : memref<128x16xf32, #tpu.memory_space<vmem>>) offsets(%dma_start3A_43 : memref<128xi32, #tpu.memory_space<vmem>>) semaphore(%arg7 : memref<!tpu.dma_semaphore, #tpu.memory_space<semaphore_mem>>)
    %dma_start3A_47 = arith.constant 640 : i32
    %dma_start3A_48 = arith.constant 0 : i32
    %dma_start3A_49 = tpu.memref_slice %arg6[%dma_start3A_47, %dma_start3A_48] : memref<1024x16xf32, #tpu.memory_space<vmem>> -> memref<128x16xf32, #tpu.memory_space<vmem>>
    %dma_start3A_50 = arith.constant 4736 : i32
    %dma_start3A_51 = tpu.memref_slice %arg5[%dma_start3A_50] : memref<5000xi32, #tpu.memory_space<vmem>> -> memref<128xi32, #tpu.memory_space<vmem>>
    %dma_start3A_52 = arith.constant 0 : i32
    %dma_start3A_53 = arith.constant 0 : i32
    %dma_start3A_54 = tpu.memref_slice %arg2[%dma_start3A_52, %dma_start3A_53] : memref<10000x16xf32, #tpu.memory_space<hbm>> -> memref<10000x16xf32, #tpu.memory_space<hbm>>
    tpu.enqueue_indirect_dma source(%dma_start3A_54 : memref<10000x16xf32, #tpu.memory_space<hbm>>) target(%dma_start3A_49 : memref<128x16xf32, #tpu.memory_space<vmem>>) offsets(%dma_start3A_51 : memref<128xi32, #tpu.memory_space<vmem>>) semaphore(%arg7 : memref<!tpu.dma_semaphore, #tpu.memory_space<semaphore_mem>>)
    %dma_start3A_55 = arith.constant 768 : i32
    %dma_start3A_56 = arith.constant 0 : i32
    %dma_start3A_57 = tpu.memref_slice %arg6[%dma_start3A_55, %dma_start3A_56] : memref<1024x16xf32, #tpu.memory_space<vmem>> -> memref<128x16xf32, #tpu.memory_space<vmem>>
    %dma_start3A_58 = arith.constant 4864 : i32
    %dma_start3A_59 = tpu.memref_slice %arg5[%dma_start3A_58] : memref<5000xi32, #tpu.memory_space<vmem>> -> memref<128xi32, #tpu.memory_space<vmem>>
    %dma_start3A_60 = arith.constant 0 : i32
    %dma_start3A_61 = arith.constant 0 : i32
    %dma_start3A_62 = tpu.memref_slice %arg2[%dma_start3A_60, %dma_start3A_61] : memref<10000x16xf32, #tpu.memory_space<hbm>> -> memref<10000x16xf32, #tpu.memory_space<hbm>>
    tpu.enqueue_indirect_dma source(%dma_start3A_62 : memref<10000x16xf32, #tpu.memory_space<hbm>>) target(%dma_start3A_57 : memref<128x16xf32, #tpu.memory_space<vmem>>) offsets(%dma_start3A_59 : memref<128xi32, #tpu.memory_space<vmem>>) semaphore(%arg7 : memref<!tpu.dma_semaphore, #tpu.memory_space<semaphore_mem>>)
    %dma_start3A_63 = arith.constant 896 : i32
    %dma_start3A_64 = arith.constant 0 : i32
    %dma_start3A_65 = tpu.memref_slice %arg6[%dma_start3A_63, %dma_start3A_64] : memref<1024x16xf32, #tpu.memory_space<vmem>> -> memref<8x16xf32, #tpu.memory_space<vmem>>
    %dma_start3A_66 = arith.constant 4992 : i32
    %dma_start3A_67 = tpu.memref_slice %arg5[%dma_start3A_66] : memref<5000xi32, #tpu.memory_space<vmem>> -> memref<8xi32, #tpu.memory_space<vmem>>
    %dma_start3A_68 = arith.constant 0 : i32
    %dma_start3A_69 = arith.constant 0 : i32
    %dma_start3A_70 = tpu.memref_slice %arg2[%dma_start3A_68, %dma_start3A_69] : memref<10000x16xf32, #tpu.memory_space<hbm>> -> memref<10000x16xf32, #tpu.memory_space<hbm>>
    tpu.enqueue_indirect_dma source(%dma_start3A_70 : memref<10000x16xf32, #tpu.memory_space<hbm>>) target(%dma_start3A_65 : memref<8x16xf32, #tpu.memory_space<vmem>>) offsets(%dma_start3A_67 : memref<8xi32, #tpu.memory_space<vmem>>) semaphore(%arg7 : memref<!tpu.dma_semaphore, #tpu.memory_space<semaphore_mem>>)
    %dma_wait3A = arith.constant 0 : i32
    %dma_wait3A_71 = arith.constant 0 : i32
    %dma_wait3A_72 = tpu.memref_slice %arg6[%dma_wait3A, %dma_wait3A_71] : memref<1024x16xf32, #tpu.memory_space<vmem>> -> memref<128x16xf32, #tpu.memory_space<vmem>>
    %dma_wait3A_73 = arith.constant 4096 : i32
    %dma_wait3A_74 = tpu.memref_slice %arg5[%dma_wait3A_73] : memref<5000xi32, #tpu.memory_space<vmem>> -> memref<128xi32, #tpu.memory_space<vmem>>
    %dma_wait3A_75 = arith.constant 0 : i32
    %dma_wait3A_76 = arith.constant 0 : i32
    %dma_wait3A_77 = tpu.memref_slice %arg2[%dma_wait3A_75, %dma_wait3A_76] : memref<10000x16xf32, #tpu.memory_space<hbm>> -> memref<10000x16xf32, #tpu.memory_space<hbm>>
    tpu.wait_indirect_dma semaphore(%arg7 : memref<!tpu.dma_semaphore, #tpu.memory_space<semaphore_mem>>) src(%dma_wait3A_77 : memref<10000x16xf32, #tpu.memory_space<hbm>>) dst(%dma_wait3A_72 : memref<128x16xf32, #tpu.memory_space<vmem>>)
    %dma_wait3A_78 = arith.constant 128 : i32
    %dma_wait3A_79 = arith.constant 0 : i32
    %dma_wait3A_80 = tpu.memref_slice %arg6[%dma_wait3A_78, %dma_wait3A_79] : memref<1024x16xf32, #tpu.memory_space<vmem>> -> memref<128x16xf32, #tpu.memory_space<vmem>>
    %dma_wait3A_81 = arith.constant 4224 : i32
    %dma_wait3A_82 = tpu.memref_slice %arg5[%dma_wait3A_81] : memref<5000xi32, #tpu.memory_space<vmem>> -> memref<128xi32, #tpu.memory_space<vmem>>
    %dma_wait3A_83 = arith.constant 0 : i32
    %dma_wait3A_84 = arith.constant 0 : i32
    %dma_wait3A_85 = tpu.memref_slice %arg2[%dma_wait3A_83, %dma_wait3A_84] : memref<10000x16xf32, #tpu.memory_space<hbm>> -> memref<10000x16xf32, #tpu.memory_space<hbm>>
    tpu.wait_indirect_dma semaphore(%arg7 : memref<!tpu.dma_semaphore, #tpu.memory_space<semaphore_mem>>) src(%dma_wait3A_85 : memref<10000x16xf32, #tpu.memory_space<hbm>>) dst(%dma_wait3A_80 : memref<128x16xf32, #tpu.memory_space<vmem>>)
    %dma_wait3A_86 = arith.constant 256 : i32
    %dma_wait3A_87 = arith.constant 0 : i32
    %dma_wait3A_88 = tpu.memref_slice %arg6[%dma_wait3A_86, %dma_wait3A_87] : memref<1024x16xf32, #tpu.memory_space<vmem>> -> memref<128x16xf32, #tpu.memory_space<vmem>>
    %dma_wait3A_89 = arith.constant 4352 : i32
    %dma_wait3A_90 = tpu.memref_slice %arg5[%dma_wait3A_89] : memref<5000xi32, #tpu.memory_space<vmem>> -> memref<128xi32, #tpu.memory_space<vmem>>
    %dma_wait3A_91 = arith.constant 0 : i32
    %dma_wait3A_92 = arith.constant 0 : i32
    %dma_wait3A_93 = tpu.memref_slice %arg2[%dma_wait3A_91, %dma_wait3A_92] : memref<10000x16xf32, #tpu.memory_space<hbm>> -> memref<10000x16xf32, #tpu.memory_space<hbm>>
    tpu.wait_indirect_dma semaphore(%arg7 : memref<!tpu.dma_semaphore, #tpu.memory_space<semaphore_mem>>) src(%dma_wait3A_93 : memref<10000x16xf32, #tpu.memory_space<hbm>>) dst(%dma_wait3A_88 : memref<128x16xf32, #tpu.memory_space<vmem>>)
    %dma_wait3A_94 = arith.constant 384 : i32
    %dma_wait3A_95 = arith.constant 0 : i32
    %dma_wait3A_96 = tpu.memref_slice %arg6[%dma_wait3A_94, %dma_wait3A_95] : memref<1024x16xf32, #tpu.memory_space<vmem>> -> memref<128x16xf32, #tpu.memory_space<vmem>>
    %dma_wait3A_97 = arith.constant 4480 : i32
    %dma_wait3A_98 = tpu.memref_slice %arg5[%dma_wait3A_97] : memref<5000xi32, #tpu.memory_space<vmem>> -> memref<128xi32, #tpu.memory_space<vmem>>
    %dma_wait3A_99 = arith.constant 0 : i32
    %dma_wait3A_100 = arith.constant 0 : i32
    %dma_wait3A_101 = tpu.memref_slice %arg2[%dma_wait3A_99, %dma_wait3A_100] : memref<10000x16xf32, #tpu.memory_space<hbm>> -> memref<10000x16xf32, #tpu.memory_space<hbm>>
    tpu.wait_indirect_dma semaphore(%arg7 : memref<!tpu.dma_semaphore, #tpu.memory_space<semaphore_mem>>) src(%dma_wait3A_101 : memref<10000x16xf32, #tpu.memory_space<hbm>>) dst(%dma_wait3A_96 : memref<128x16xf32, #tpu.memory_space<vmem>>)
    %dma_wait3A_102 = arith.constant 512 : i32
    %dma_wait3A_103 = arith.constant 0 : i32
    %dma_wait3A_104 = tpu.memref_slice %arg6[%dma_wait3A_102, %dma_wait3A_103] : memref<1024x16xf32, #tpu.memory_space<vmem>> -> memref<128x16xf32, #tpu.memory_space<vmem>>
    %dma_wait3A_105 = arith.constant 4608 : i32
    %dma_wait3A_106 = tpu.memref_slice %arg5[%dma_wait3A_105] : memref<5000xi32, #tpu.memory_space<vmem>> -> memref<128xi32, #tpu.memory_space<vmem>>
    %dma_wait3A_107 = arith.constant 0 : i32
    %dma_wait3A_108 = arith.constant 0 : i32
    %dma_wait3A_109 = tpu.memref_slice %arg2[%dma_wait3A_107, %dma_wait3A_108] : memref<10000x16xf32, #tpu.memory_space<hbm>> -> memref<10000x16xf32, #tpu.memory_space<hbm>>
    tpu.wait_indirect_dma semaphore(%arg7 : memref<!tpu.dma_semaphore, #tpu.memory_space<semaphore_mem>>) src(%dma_wait3A_109 : memref<10000x16xf32, #tpu.memory_space<hbm>>) dst(%dma_wait3A_104 : memref<128x16xf32, #tpu.memory_space<vmem>>)
    %dma_wait3A_110 = arith.constant 640 : i32
    %dma_wait3A_111 = arith.constant 0 : i32
    %dma_wait3A_112 = tpu.memref_slice %arg6[%dma_wait3A_110, %dma_wait3A_111] : memref<1024x16xf32, #tpu.memory_space<vmem>> -> memref<128x16xf32, #tpu.memory_space<vmem>>
    %dma_wait3A_113 = arith.constant 4736 : i32
    %dma_wait3A_114 = tpu.memref_slice %arg5[%dma_wait3A_113] : memref<5000xi32, #tpu.memory_space<vmem>> -> memref<128xi32, #tpu.memory_space<vmem>>
    %dma_wait3A_115 = arith.constant 0 : i32
    %dma_wait3A_116 = arith.constant 0 : i32
    %dma_wait3A_117 = tpu.memref_slice %arg2[%dma_wait3A_115, %dma_wait3A_116] : memref<10000x16xf32, #tpu.memory_space<hbm>> -> memref<10000x16xf32, #tpu.memory_space<hbm>>
    tpu.wait_indirect_dma semaphore(%arg7 : memref<!tpu.dma_semaphore, #tpu.memory_space<semaphore_mem>>) src(%dma_wait3A_117 : memref<10000x16xf32, #tpu.memory_space<hbm>>) dst(%dma_wait3A_112 : memref<128x16xf32, #tpu.memory_space<vmem>>)
    %dma_wait3A_118 = arith.constant 768 : i32
    %dma_wait3A_119 = arith.constant 0 : i32
    %dma_wait3A_120 = tpu.memref_slice %arg6[%dma_wait3A_118, %dma_wait3A_119] : memref<1024x16xf32, #tpu.memory_space<vmem>> -> memref<128x16xf32, #tpu.memory_space<vmem>>
    %dma_wait3A_121 = arith.constant 4864 : i32
    %dma_wait3A_122 = tpu.memref_slice %arg5[%dma_wait3A_121] : memref<5000xi32, #tpu.memory_space<vmem>> -> memref<128xi32, #tpu.memory_space<vmem>>
    %dma_wait3A_123 = arith.constant 0 : i32
    %dma_wait3A_124 = arith.constant 0 : i32
    %dma_wait3A_125 = tpu.memref_slice %arg2[%dma_wait3A_123, %dma_wait3A_124] : memref<10000x16xf32, #tpu.memory_space<hbm>> -> memref<10000x16xf32, #tpu.memory_space<hbm>>
    tpu.wait_indirect_dma semaphore(%arg7 : memref<!tpu.dma_semaphore, #tpu.memory_space<semaphore_mem>>) src(%dma_wait3A_125 : memref<10000x16xf32, #tpu.memory_space<hbm>>) dst(%dma_wait3A_120 : memref<128x16xf32, #tpu.memory_space<vmem>>)
    %dma_wait3A_126 = arith.constant 896 : i32
    %dma_wait3A_127 = arith.constant 0 : i32
    %dma_wait3A_128 = tpu.memref_slice %arg6[%dma_wait3A_126, %dma_wait3A_127] : memref<1024x16xf32, #tpu.memory_space<vmem>> -> memref<8x16xf32, #tpu.memory_space<vmem>>
    %dma_wait3A_129 = arith.constant 4992 : i32
    %dma_wait3A_130 = tpu.memref_slice %arg5[%dma_wait3A_129] : memref<5000xi32, #tpu.memory_space<vmem>> -> memref<8xi32, #tpu.memory_space<vmem>>
    %dma_wait3A_131 = arith.constant 0 : i32
    %dma_wait3A_132 = arith.constant 0 : i32
    %dma_wait3A_133 = tpu.memref_slice %arg2[%dma_wait3A_131, %dma_wait3A_132] : memref<10000x16xf32, #tpu.memory_space<hbm>> -> memref<10000x16xf32, #tpu.memory_space<hbm>>
    tpu.wait_indirect_dma semaphore(%arg7 : memref<!tpu.dma_semaphore, #tpu.memory_space<semaphore_mem>>) src(%dma_wait3A_133 : memref<10000x16xf32, #tpu.memory_space<hbm>>) dst(%dma_wait3A_128 : memref<8x16xf32, #tpu.memory_space<vmem>>)
    %add3A_134 = arith.constant 4096 : i32
    %add3A_135 = arith.addi %mul3A_2, %add3A_134 : i32
    "tpu.region"() ({
      %run_scoped3A = tpu.sem_alloc : memref<!tpu.dma_semaphore, #tpu.memory_space<semaphore_mem>>
      %dma_start3A_136 = arith.constant 0 : i32
      %dma_start3A_137 = arith.constant 0 : i32
      %dma_start3A_138 = tpu.memref_slice %arg6[%dma_start3A_136, %dma_start3A_137] : memref<1024x16xf32, #tpu.memory_space<vmem>> -> memref<904x16xf32, #tpu.memory_space<vmem>>
      %dma_start3A_139 = arith.constant 0 : i32
      %dma_start3A_140 = tpu.memref_slice %arg4[%add3A_135, %dma_start3A_139] : memref<160000x16xf32, #tpu.memory_space<hbm>> -> memref<904x16xf32, #tpu.memory_space<hbm>>
      %dma_start3A_141 = arith.constant 0 : i32
      %dma_start3A_142 = tpu.memref_slice %arg4[%add3A_135, %dma_start3A_141] : memref<160000x16xf32, #tpu.memory_space<hbm>> -> memref<904x16xf32, #tpu.memory_space<hbm>>
      %dma_start3A_143 = arith.constant 0 : i32
      %dma_start3A_144 = arith.constant 0 : i32
      %dma_start3A_145 = tpu.memref_slice %arg6[%dma_start3A_143, %dma_start3A_144] : memref<1024x16xf32, #tpu.memory_space<vmem>> -> memref<904x16xf32, #tpu.memory_space<vmem>>
      tpu.enqueue_dma source(%dma_start3A_145 : memref<904x16xf32, #tpu.memory_space<vmem>>) target(%dma_start3A_142 : memref<904x16xf32, #tpu.memory_space<hbm>>) target_semaphore(%run_scoped3A : memref<!tpu.dma_semaphore, #tpu.memory_space<semaphore_mem>>)
      %dma_wait3A_146 = arith.constant 0 : i32
      %dma_wait3A_147 = arith.constant 0 : i32
      %dma_wait3A_148 = tpu.memref_slice %arg6[%dma_wait3A_146, %dma_wait3A_147] : memref<1024x16xf32, #tpu.memory_space<vmem>> -> memref<904x16xf32, #tpu.memory_space<vmem>>
      %dma_wait3A_149 = arith.constant 0 : i32
      %dma_wait3A_150 = tpu.memref_slice %arg4[%add3A_135, %dma_wait3A_149] : memref<160000x16xf32, #tpu.memory_space<hbm>> -> memref<904x16xf32, #tpu.memory_space<hbm>>
      %dma_wait3A_151 = arith.constant 0 : i32
      %dma_wait3A_152 = tpu.memref_slice %arg4[%add3A_135, %dma_wait3A_151] : memref<160000x16xf32, #tpu.memory_space<hbm>> -> memref<904x16xf32, #tpu.memory_space<hbm>>
      %dma_wait3A_153 = arith.constant 0 : i32
      %dma_wait3A_154 = arith.constant 0 : i32
      %dma_wait3A_155 = tpu.memref_slice %arg6[%dma_wait3A_153, %dma_wait3A_154] : memref<1024x16xf32, #tpu.memory_space<vmem>> -> memref<904x16xf32, #tpu.memory_space<vmem>>
      tpu.wait_dma2 semaphore(%run_scoped3A : memref<!tpu.dma_semaphore, #tpu.memory_space<semaphore_mem>>) src(%dma_wait3A_155 : memref<904x16xf32, #tpu.memory_space<vmem>>) dst(%dma_wait3A_152 : memref<904x16xf32, #tpu.memory_space<hbm>>)
      tpu.yield
    }) : () -> ()
    return
  }
}

module attributes {stable_mosaic.version = 14 : i64} {
  func.func @_msg0_body(%arg0: memref<10000x128xf32, #tpu.memory_space<vmem>>, %arg1: memref<128x16xf32, #tpu.memory_space<vmem>>, %arg2: memref<1x16xf32, #tpu.memory_space<vmem>>, %arg3: memref<10000x16xf32, #tpu.memory_space<vmem>>) attributes {dimension_semantics = [], scalar_prefetch = 0 : i64, scratch_operands = 0 : i64, tpu.core_type = #tpu.core_type<tc>} {
    %get3A = arith.constant 0 : index
    %get3A_0 = arith.constant 0 : index
    %get3A_1 = vector.load %arg0[%get3A, %get3A_0] : memref<10000x128xf32, #tpu.memory_space<vmem>>, vector<10000x128xf32>
    %get3A_2 = arith.constant 0 : index
    %get3A_3 = arith.constant 0 : index
    %get3A_4 = vector.load %arg1[%get3A_2, %get3A_3] : memref<128x16xf32, #tpu.memory_space<vmem>>, vector<128x16xf32>
    %dot_general3A = arith.constant dense<0.000000e+00> : vector<10000x16xf32>
    %dot_general3A_5 = tpu.matmul %get3A_1, %get3A_4, %dot_general3A {dimension_numbers = #tpu.dot_dimension_numbers<[1], [0], [0], [1], [0, 0, 1, 1], [], []>, transpose_lhs_hint = false} : vector<10000x128xf32>, vector<128x16xf32>, vector<10000x16xf32> -> vector<10000x16xf32>
    %get3A_6 = arith.constant 0 : index
    %get3A_7 = arith.constant 0 : index
    %get3A_8 = vector.load %arg2[%get3A_6, %get3A_7] : memref<1x16xf32, #tpu.memory_space<vmem>>, vector<1x16xf32>
    %add3A = vector.broadcast %get3A_8 : vector<1x16xf32> to vector<10000x16xf32>
    %add3A_9 = arith.addf %dot_general3A_5, %add3A : vector<10000x16xf32>
    %max3A = arith.constant 0.000000e+00 : f32
    %max3A_10 = vector.broadcast %max3A : f32 to vector<10000x16xf32>
    %max3A_11 = arith.maximumf %add3A_9, %max3A_10 : vector<10000x16xf32>
    %swap3A = arith.constant 0 : index
    %swap3A_12 = arith.constant 0 : index
    %swap3A_13 = vector.load %arg3[%swap3A, %swap3A_12] : memref<10000x16xf32, #tpu.memory_space<vmem>>, vector<10000x16xf32>
    tpu.vector_store %arg3[%swap3A, %swap3A_12], %max3A_11 {strides = array<i32>} : memref<10000x16xf32, #tpu.memory_space<vmem>>, vector<10000x16xf32>,
    return
  }
}

module attributes {stable_mosaic.version = 14 : i64} {
  func.func @_edge_body(%arg0: i32, %arg1: memref<2000x16xf32, #tpu.memory_space<vmem>>, %arg2: memref<2000x16xf32, #tpu.memory_space<vmem>>, %arg3: memref<16x128xf32, #tpu.memory_space<vmem>>, %arg4: memref<1x128xf32, #tpu.memory_space<vmem>>, %arg5: memref<128x256xf32, #tpu.memory_space<vmem>>, %arg6: memref<1x256xf32, #tpu.memory_space<vmem>>, %arg7: memref<16x256xf32, #tpu.memory_space<vmem>>, %arg8: memref<256x16xf32, #tpu.memory_space<vmem>>, %arg9: memref<2000x16xf32, #tpu.memory_space<vmem>>) attributes {dimension_semantics = [#tpu.dimension_semantics<arbitrary>], iteration_bounds = array<i64: 80>, scalar_prefetch = 0 : i64, scratch_operands = 0 : i64, tpu.core_type = #tpu.core_type<tc>, window_params = [{transform_indices = @transform_0, window_bounds = array<i64: 2000, 16>}, {transform_indices = @transform_1, window_bounds = array<i64: 2000, 16>}, {pipeline_mode = #tpu.pipeline_mode<synchronous>, transform_indices = @transform_2, window_bounds = array<i64: 16, 128>}, {pipeline_mode = #tpu.pipeline_mode<synchronous>, transform_indices = @transform_3, window_bounds = array<i64: 1, 128>}, {pipeline_mode = #tpu.pipeline_mode<synchronous>, transform_indices = @transform_4, window_bounds = array<i64: 128, 256>}, {pipeline_mode = #tpu.pipeline_mode<synchronous>, transform_indices = @transform_5, window_bounds = array<i64: 1, 256>}, {pipeline_mode = #tpu.pipeline_mode<synchronous>, transform_indices = @transform_6, window_bounds = array<i64: 16, 256>}, {pipeline_mode = #tpu.pipeline_mode<synchronous>, transform_indices = @transform_7, window_bounds = array<i64: 256, 16>}, {transform_indices = @transform_8, window_bounds = array<i64: 2000, 16>}]} {
    %get3A = arith.constant 0 : index
    %get3A_0 = arith.constant 0 : index
    %get3A_1 = vector.load %arg1[%get3A, %get3A_0] : memref<2000x16xf32, #tpu.memory_space<vmem>>, vector<2000x16xf32>
    %get3A_2 = arith.constant 0 : index
    %get3A_3 = arith.constant 0 : index
    %get3A_4 = vector.load %arg3[%get3A_2, %get3A_3] : memref<16x128xf32, #tpu.memory_space<vmem>>, vector<16x128xf32>
    %dot_general3A = arith.constant dense<0.000000e+00> : vector<2000x128xf32>
    %dot_general3A_5 = tpu.matmul %get3A_1, %get3A_4, %dot_general3A {dimension_numbers = #tpu.dot_dimension_numbers<[1], [0], [0], [1], [0, 0, 1, 1], [], []>, transpose_lhs_hint = false} : vector<2000x16xf32>, vector<16x128xf32>, vector<2000x128xf32> -> vector<2000x128xf32>
    %get3A_6 = arith.constant 0 : index
    %get3A_7 = arith.constant 0 : index
    %get3A_8 = vector.load %arg4[%get3A_6, %get3A_7] : memref<1x128xf32, #tpu.memory_space<vmem>>, vector<1x128xf32>
    %add3A = vector.broadcast %get3A_8 : vector<1x128xf32> to vector<2000x128xf32>
    %add3A_9 = arith.addf %dot_general3A_5, %add3A : vector<2000x128xf32>
    %max3A = arith.constant 0.000000e+00 : f32
    %max3A_10 = vector.broadcast %max3A : f32 to vector<2000x128xf32>
    %max3A_11 = arith.maximumf %add3A_9, %max3A_10 : vector<2000x128xf32>
    %get3A_12 = arith.constant 0 : index
    %get3A_13 = arith.constant 0 : index
    %get3A_14 = vector.load %arg5[%get3A_12, %get3A_13] : memref<128x256xf32, #tpu.memory_space<vmem>>, vector<128x256xf32>
    %dot_general3A_15 = arith.constant dense<0.000000e+00> : vector<2000x256xf32>
    %dot_general3A_16 = tpu.matmul %max3A_11, %get3A_14, %dot_general3A_15 {dimension_numbers = #tpu.dot_dimension_numbers<[1], [0], [0], [1], [0, 0, 1, 1], [], []>, transpose_lhs_hint = false} : vector<2000x128xf32>, vector<128x256xf32>, vector<2000x256xf32> -> vector<2000x256xf32>
    %get3A_17 = arith.constant 0 : index
    %get3A_18 = arith.constant 0 : index
    %get3A_19 = vector.load %arg6[%get3A_17, %get3A_18] : memref<1x256xf32, #tpu.memory_space<vmem>>, vector<1x256xf32>
    %add3A_20 = vector.broadcast %get3A_19 : vector<1x256xf32> to vector<2000x256xf32>
    %add3A_21 = arith.addf %dot_general3A_16, %add3A_20 : vector<2000x256xf32>
    %get3A_22 = arith.constant 0 : index
    %get3A_23 = arith.constant 0 : index
    %get3A_24 = vector.load %arg2[%get3A_22, %get3A_23] : memref<2000x16xf32, #tpu.memory_space<vmem>>, vector<2000x16xf32>
    %slice3A = vector.extract_strided_slice %get3A_1 {offsets = [0, 15], sizes = [2000, 1], strides = [1, 1]} : vector<2000x16xf32> to vector<2000x1xf32>
    %eq3A = arith.constant 0.000000e+00 : f32
    %eq3A_25 = vector.broadcast %eq3A : f32 to vector<2000x1xf32>
    %eq3A_26 = arith.cmpf oeq, %slice3A, %eq3A_25 : vector<2000x1xf32>
    %convert_element_type3A = arith.extui %eq3A_26 : vector<2000x1xi1> to vector<2000x1xi32>
    %convert_element_type3A_27 = arith.sitofp %convert_element_type3A : vector<2000x1xi32> to vector<2000x1xf32>
    %mul3A = vector.broadcast %convert_element_type3A_27 : vector<2000x1xf32> to vector<2000x16xf32>
    %mul3A_28 = arith.mulf %get3A_24, %mul3A : vector<2000x16xf32>
    %get3A_29 = arith.constant 0 : index
    %get3A_30 = arith.constant 0 : index
    %get3A_31 = vector.load %arg7[%get3A_29, %get3A_30] : memref<16x256xf32, #tpu.memory_space<vmem>>, vector<16x256xf32>
    %dot_general3A_32 = arith.constant dense<0.000000e+00> : vector<2000x256xf32>
    %dot_general3A_33 = tpu.matmul %mul3A_28, %get3A_31, %dot_general3A_32 {dimension_numbers = #tpu.dot_dimension_numbers<[1], [0], [0], [1], [0, 0, 1, 1], [], []>, transpose_lhs_hint = false} : vector<2000x16xf32>, vector<16x256xf32>, vector<2000x256xf32> -> vector<2000x256xf32>
    %mul3A_34 = arith.mulf %dot_general3A_33, %add3A_21 : vector<2000x256xf32>
    %get3A_35 = arith.constant 0 : index
    %get3A_36 = arith.constant 0 : index
    %get3A_37 = vector.load %arg8[%get3A_35, %get3A_36] : memref<256x16xf32, #tpu.memory_space<vmem>>, vector<256x16xf32>
    %dot_general3A_38 = arith.constant dense<0.000000e+00> : vector<2000x16xf32>
    %dot_general3A_39 = tpu.matmul %mul3A_34, %get3A_37, %dot_general3A_38 {dimension_numbers = #tpu.dot_dimension_numbers<[1], [0], [0], [1], [0, 0, 1, 1], [], []>, transpose_lhs_hint = false} : vector<2000x256xf32>, vector<256x16xf32>, vector<2000x16xf32> -> vector<2000x16xf32>
    %swap3A = arith.constant 0 : index
    %swap3A_40 = arith.constant 0 : index
    %swap3A_41 = vector.load %arg9[%swap3A, %swap3A_40] : memref<2000x16xf32, #tpu.memory_space<vmem>>, vector<2000x16xf32>
    tpu.vector_store %arg9[%swap3A, %swap3A_40], %dot_general3A_39 {strides = array<i32>} : memref<2000x16xf32, #tpu.memory_space<vmem>>, vector<2000x16xf32>,
    return
  }
  func.func @transform_0(%arg0: i32) -> (i32, i32) {
    %c0_i32 = arith.constant 0 : i32
    %c0_i32_0 = arith.constant 0 : i32
    return %arg0, %c0_i32 : i32, i32
  }
  func.func @transform_1(%arg0: i32) -> (i32, i32) {
    %c0_i32 = arith.constant 0 : i32
    %c0_i32_0 = arith.constant 0 : i32
    return %arg0, %c0_i32 : i32, i32
  }
  func.func @transform_2(%arg0: i32) -> (i32, i32) {
    %c0_i32 = arith.constant 0 : i32
    %c0_i32_0 = arith.constant 0 : i32
    %c0_i32_1 = arith.constant 0 : i32
    return %c0_i32, %c0_i32_0 : i32, i32
  }
  func.func @transform_3(%arg0: i32) -> (i32, i32) {
    %c0_i32 = arith.constant 0 : i32
    %c0_i32_0 = arith.constant 0 : i32
    %c0_i32_1 = arith.constant 0 : i32
    return %c0_i32, %c0_i32_0 : i32, i32
  }
  func.func @transform_4(%arg0: i32) -> (i32, i32) {
    %c0_i32 = arith.constant 0 : i32
    %c0_i32_0 = arith.constant 0 : i32
    %c0_i32_1 = arith.constant 0 : i32
    return %c0_i32, %c0_i32_0 : i32, i32
  }
  func.func @transform_5(%arg0: i32) -> (i32, i32) {
    %c0_i32 = arith.constant 0 : i32
    %c0_i32_0 = arith.constant 0 : i32
    %c0_i32_1 = arith.constant 0 : i32
    return %c0_i32, %c0_i32_0 : i32, i32
  }
  func.func @transform_6(%arg0: i32) -> (i32, i32) {
    %c0_i32 = arith.constant 0 : i32
    %c0_i32_0 = arith.constant 0 : i32
    %c0_i32_1 = arith.constant 0 : i32
    return %c0_i32, %c0_i32_0 : i32, i32
  }
  func.func @transform_7(%arg0: i32) -> (i32, i32) {
    %c0_i32 = arith.constant 0 : i32
    %c0_i32_0 = arith.constant 0 : i32
    %c0_i32_1 = arith.constant 0 : i32
    return %c0_i32, %c0_i32_0 : i32, i32
  }
  func.func @transform_8(%arg0: i32) -> (i32, i32) {
    %c0_i32 = arith.constant 0 : i32
    %c0_i32_0 = arith.constant 0 : i32
    return %arg0, %c0_i32 : i32, i32
  }
}

module attributes {stable_mosaic.version = 14 : i64} {
  func.func @_update_body(%arg0: memref<10000x16xf32, #tpu.memory_space<vmem>>, %arg1: memref<16x16xf32, #tpu.memory_space<vmem>>, %arg2: memref<1x16xf32, #tpu.memory_space<vmem>>, %arg3: memref<2x10000x16xf32, #tpu.memory_space<vmem>>, %arg4: memref<10000x16xf32, #tpu.memory_space<vmem>>) attributes {dimension_semantics = [], scalar_prefetch = 0 : i64, scratch_operands = 0 : i64, tpu.core_type = #tpu.core_type<tc>} {
    %get3A = arith.constant 0 : index
    %get3A_0 = arith.constant 0 : index
    %get3A_1 = arith.constant 0 : index
    %get3A_2 = vector.load %arg3[%get3A, %get3A_0, %get3A_1] : memref<2x10000x16xf32, #tpu.memory_space<vmem>>, vector<1x10000x16xf32>
    %get3A_3 = vector.shape_cast %get3A_2 : vector<1x10000x16xf32> to vector<10000x16xf32>
    %get3A_4 = arith.constant 1 : index
    %get3A_5 = arith.constant 0 : index
    %get3A_6 = arith.constant 0 : index
    %get3A_7 = vector.load %arg3[%get3A_4, %get3A_5, %get3A_6] : memref<2x10000x16xf32, #tpu.memory_space<vmem>>, vector<1x10000x16xf32>
    %get3A_8 = vector.shape_cast %get3A_7 : vector<1x10000x16xf32> to vector<10000x16xf32>
    %add3A = arith.addf %get3A_3, %get3A_8 : vector<10000x16xf32>
    %get3A_9 = arith.constant 0 : index
    %get3A_10 = arith.constant 0 : index
    %get3A_11 = vector.load %arg0[%get3A_9, %get3A_10] : memref<10000x16xf32, #tpu.memory_space<vmem>>, vector<10000x16xf32>
    %get3A_12 = arith.constant 0 : index
    %get3A_13 = arith.constant 0 : index
    %get3A_14 = vector.load %arg1[%get3A_12, %get3A_13] : memref<16x16xf32, #tpu.memory_space<vmem>>, vector<16x16xf32>
    %dot_general3A = arith.constant dense<0.000000e+00> : vector<10000x16xf32>
    %dot_general3A_15 = tpu.matmul %get3A_11, %get3A_14, %dot_general3A {dimension_numbers = #tpu.dot_dimension_numbers<[1], [0], [0], [1], [0, 0, 1, 1], [], []>, transpose_lhs_hint = false} : vector<10000x16xf32>, vector<16x16xf32>, vector<10000x16xf32> -> vector<10000x16xf32>
    %get3A_16 = arith.constant 0 : index
    %get3A_17 = arith.constant 0 : index
    %get3A_18 = vector.load %arg2[%get3A_16, %get3A_17] : memref<1x16xf32, #tpu.memory_space<vmem>>, vector<1x16xf32>
    %add3A_19 = vector.broadcast %get3A_18 : vector<1x16xf32> to vector<10000x16xf32>
    %add3A_20 = arith.addf %dot_general3A_15, %add3A_19 : vector<10000x16xf32>
    %mul3A = arith.constant 1.000000e+00 : f32
    %mul3A_21 = vector.broadcast %mul3A : f32 to vector<10000x16xf32>
    %mul3A_22 = arith.mulf %mul3A_21, %add3A_20 : vector<10000x16xf32>
    %add3A_23 = arith.addf %mul3A_22, %add3A : vector<10000x16xf32>
    %max3A = arith.constant 0.000000e+00 : f32
    %max3A_24 = vector.broadcast %max3A : f32 to vector<10000x16xf32>
    %max3A_25 = arith.maximumf %add3A_23, %max3A_24 : vector<10000x16xf32>
    %swap3A = arith.constant 0 : index
    %swap3A_26 = arith.constant 0 : index
    %swap3A_27 = vector.load %arg4[%swap3A, %swap3A_26] : memref<10000x16xf32, #tpu.memory_space<vmem>>, vector<10000x16xf32>
    tpu.vector_store %arg4[%swap3A, %swap3A_26], %max3A_25 {strides = array<i32>} : memref<10000x16xf32, #tpu.memory_space<vmem>>, vector<10000x16xf32>,
    return
  }
}

module attributes {stable_mosaic.version = 14 : i64} {
  func.func @_edge_body(%arg0: i32, %arg1: memref<2000x16xf32, #tpu.memory_space<vmem>>, %arg2: memref<2000x16xf32, #tpu.memory_space<vmem>>, %arg3: memref<16x128xf32, #tpu.memory_space<vmem>>, %arg4: memref<1x128xf32, #tpu.memory_space<vmem>>, %arg5: memref<128x256xf32, #tpu.memory_space<vmem>>, %arg6: memref<1x256xf32, #tpu.memory_space<vmem>>, %arg7: memref<16x256xf32, #tpu.memory_space<vmem>>, %arg8: memref<256x16xf32, #tpu.memory_space<vmem>>, %arg9: memref<2000x16xf32, #tpu.memory_space<vmem>>) attributes {dimension_semantics = [#tpu.dimension_semantics<arbitrary>], iteration_bounds = array<i64: 80>, scalar_prefetch = 0 : i64, scratch_operands = 0 : i64, tpu.core_type = #tpu.core_type<tc>, window_params = [{transform_indices = @transform_0, window_bounds = array<i64: 2000, 16>}, {transform_indices = @transform_1, window_bounds = array<i64: 2000, 16>}, {pipeline_mode = #tpu.pipeline_mode<synchronous>, transform_indices = @transform_2, window_bounds = array<i64: 16, 128>}, {pipeline_mode = #tpu.pipeline_mode<synchronous>, transform_indices = @transform_3, window_bounds = array<i64: 1, 128>}, {pipeline_mode = #tpu.pipeline_mode<synchronous>, transform_indices = @transform_4, window_bounds = array<i64: 128, 256>}, {pipeline_mode = #tpu.pipeline_mode<synchronous>, transform_indices = @transform_5, window_bounds = array<i64: 1, 256>}, {pipeline_mode = #tpu.pipeline_mode<synchronous>, transform_indices = @transform_6, window_bounds = array<i64: 16, 256>}, {pipeline_mode = #tpu.pipeline_mode<synchronous>, transform_indices = @transform_7, window_bounds = array<i64: 256, 16>}, {transform_indices = @transform_8, window_bounds = array<i64: 2000, 16>}]} {
    %get3A = arith.constant 0 : index
    %get3A_0 = arith.constant 0 : index
    %get3A_1 = vector.load %arg1[%get3A, %get3A_0] : memref<2000x16xf32, #tpu.memory_space<vmem>>, vector<2000x16xf32>
    %get3A_2 = arith.constant 0 : index
    %get3A_3 = arith.constant 0 : index
    %get3A_4 = vector.load %arg3[%get3A_2, %get3A_3] : memref<16x128xf32, #tpu.memory_space<vmem>>, vector<16x128xf32>
    %dot_general3A = arith.constant dense<0.000000e+00> : vector<2000x128xf32>
    %dot_general3A_5 = tpu.matmul %get3A_1, %get3A_4, %dot_general3A {dimension_numbers = #tpu.dot_dimension_numbers<[1], [0], [0], [1], [0, 0, 1, 1], [], []>, transpose_lhs_hint = false} : vector<2000x16xf32>, vector<16x128xf32>, vector<2000x128xf32> -> vector<2000x128xf32>
    %get3A_6 = arith.constant 0 : index
    %get3A_7 = arith.constant 0 : index
    %get3A_8 = vector.load %arg4[%get3A_6, %get3A_7] : memref<1x128xf32, #tpu.memory_space<vmem>>, vector<1x128xf32>
    %add3A = vector.broadcast %get3A_8 : vector<1x128xf32> to vector<2000x128xf32>
    %add3A_9 = arith.addf %dot_general3A_5, %add3A : vector<2000x128xf32>
    %max3A = arith.constant 0.000000e+00 : f32
    %max3A_10 = vector.broadcast %max3A : f32 to vector<2000x128xf32>
    %max3A_11 = arith.maximumf %add3A_9, %max3A_10 : vector<2000x128xf32>
    %get3A_12 = arith.constant 0 : index
    %get3A_13 = arith.constant 0 : index
    %get3A_14 = vector.load %arg5[%get3A_12, %get3A_13] : memref<128x256xf32, #tpu.memory_space<vmem>>, vector<128x256xf32>
    %dot_general3A_15 = arith.constant dense<0.000000e+00> : vector<2000x256xf32>
    %dot_general3A_16 = tpu.matmul %max3A_11, %get3A_14, %dot_general3A_15 {dimension_numbers = #tpu.dot_dimension_numbers<[1], [0], [0], [1], [0, 0, 1, 1], [], []>, transpose_lhs_hint = false} : vector<2000x128xf32>, vector<128x256xf32>, vector<2000x256xf32> -> vector<2000x256xf32>
    %get3A_17 = arith.constant 0 : index
    %get3A_18 = arith.constant 0 : index
    %get3A_19 = vector.load %arg6[%get3A_17, %get3A_18] : memref<1x256xf32, #tpu.memory_space<vmem>>, vector<1x256xf32>
    %add3A_20 = vector.broadcast %get3A_19 : vector<1x256xf32> to vector<2000x256xf32>
    %add3A_21 = arith.addf %dot_general3A_16, %add3A_20 : vector<2000x256xf32>
    %get3A_22 = arith.constant 0 : index
    %get3A_23 = arith.constant 0 : index
    %get3A_24 = vector.load %arg2[%get3A_22, %get3A_23] : memref<2000x16xf32, #tpu.memory_space<vmem>>, vector<2000x16xf32>
    %get3A_25 = arith.constant 0 : index
    %get3A_26 = arith.constant 0 : index
    %get3A_27 = vector.load %arg7[%get3A_25, %get3A_26] : memref<16x256xf32, #tpu.memory_space<vmem>>, vector<16x256xf32>
    %dot_general3A_28 = arith.constant dense<0.000000e+00> : vector<2000x256xf32>
    %dot_general3A_29 = tpu.matmul %get3A_24, %get3A_27, %dot_general3A_28 {dimension_numbers = #tpu.dot_dimension_numbers<[1], [0], [0], [1], [0, 0, 1, 1], [], []>, transpose_lhs_hint = false} : vector<2000x16xf32>, vector<16x256xf32>, vector<2000x256xf32> -> vector<2000x256xf32>
    %mul3A = arith.mulf %dot_general3A_29, %add3A_21 : vector<2000x256xf32>
    %get3A_30 = arith.constant 0 : index
    %get3A_31 = arith.constant 0 : index
    %get3A_32 = vector.load %arg8[%get3A_30, %get3A_31] : memref<256x16xf32, #tpu.memory_space<vmem>>, vector<256x16xf32>
    %dot_general3A_33 = arith.constant dense<0.000000e+00> : vector<2000x16xf32>
    %dot_general3A_34 = tpu.matmul %mul3A, %get3A_32, %dot_general3A_33 {dimension_numbers = #tpu.dot_dimension_numbers<[1], [0], [0], [1], [0, 0, 1, 1], [], []>, transpose_lhs_hint = false} : vector<2000x256xf32>, vector<256x16xf32>, vector<2000x16xf32> -> vector<2000x16xf32>
    %swap3A = arith.constant 0 : index
    %swap3A_35 = arith.constant 0 : index
    %swap3A_36 = vector.load %arg9[%swap3A, %swap3A_35] : memref<2000x16xf32, #tpu.memory_space<vmem>>, vector<2000x16xf32>
    tpu.vector_store %arg9[%swap3A, %swap3A_35], %dot_general3A_34 {strides = array<i32>} : memref<2000x16xf32, #tpu.memory_space<vmem>>, vector<2000x16xf32>,
    return
  }
  func.func @transform_0(%arg0: i32) -> (i32, i32) {
    %c0_i32 = arith.constant 0 : i32
    %c0_i32_0 = arith.constant 0 : i32
    return %arg0, %c0_i32 : i32, i32
  }
  func.func @transform_1(%arg0: i32) -> (i32, i32) {
    %c0_i32 = arith.constant 0 : i32
    %c0_i32_0 = arith.constant 0 : i32
    return %arg0, %c0_i32 : i32, i32
  }
  func.func @transform_2(%arg0: i32) -> (i32, i32) {
    %c0_i32 = arith.constant 0 : i32
    %c0_i32_0 = arith.constant 0 : i32
    %c0_i32_1 = arith.constant 0 : i32
    return %c0_i32, %c0_i32_0 : i32, i32
  }
  func.func @transform_3(%arg0: i32) -> (i32, i32) {
    %c0_i32 = arith.constant 0 : i32
    %c0_i32_0 = arith.constant 0 : i32
    %c0_i32_1 = arith.constant 0 : i32
    return %c0_i32, %c0_i32_0 : i32, i32
  }
  func.func @transform_4(%arg0: i32) -> (i32, i32) {
    %c0_i32 = arith.constant 0 : i32
    %c0_i32_0 = arith.constant 0 : i32
    %c0_i32_1 = arith.constant 0 : i32
    return %c0_i32, %c0_i32_0 : i32, i32
  }
  func.func @transform_5(%arg0: i32) -> (i32, i32) {
    %c0_i32 = arith.constant 0 : i32
    %c0_i32_0 = arith.constant 0 : i32
    %c0_i32_1 = arith.constant 0 : i32
    return %c0_i32, %c0_i32_0 : i32, i32
  }
  func.func @transform_6(%arg0: i32) -> (i32, i32) {
    %c0_i32 = arith.constant 0 : i32
    %c0_i32_0 = arith.constant 0 : i32
    %c0_i32_1 = arith.constant 0 : i32
    return %c0_i32, %c0_i32_0 : i32, i32
  }
  func.func @transform_7(%arg0: i32) -> (i32, i32) {
    %c0_i32 = arith.constant 0 : i32
    %c0_i32_0 = arith.constant 0 : i32
    %c0_i32_1 = arith.constant 0 : i32
    return %c0_i32, %c0_i32_0 : i32, i32
  }
  func.func @transform_8(%arg0: i32) -> (i32, i32) {
    %c0_i32 = arith.constant 0 : i32
    %c0_i32_0 = arith.constant 0 : i32
    return %arg0, %c0_i32 : i32, i32
  }
}

module attributes {stable_mosaic.version = 14 : i64} {
  func.func @_update_body(%arg0: memref<10000x16xf32, #tpu.memory_space<vmem>>, %arg1: memref<16x16xf32, #tpu.memory_space<vmem>>, %arg2: memref<1x16xf32, #tpu.memory_space<vmem>>, %arg3: memref<2x10000x16xf32, #tpu.memory_space<vmem>>, %arg4: memref<10000x16xf32, #tpu.memory_space<vmem>>) attributes {dimension_semantics = [], scalar_prefetch = 0 : i64, scratch_operands = 0 : i64, tpu.core_type = #tpu.core_type<tc>} {
    %get3A = arith.constant 0 : index
    %get3A_0 = arith.constant 0 : index
    %get3A_1 = arith.constant 0 : index
    %get3A_2 = vector.load %arg3[%get3A, %get3A_0, %get3A_1] : memref<2x10000x16xf32, #tpu.memory_space<vmem>>, vector<1x10000x16xf32>
    %get3A_3 = vector.shape_cast %get3A_2 : vector<1x10000x16xf32> to vector<10000x16xf32>
    %get3A_4 = arith.constant 1 : index
    %get3A_5 = arith.constant 0 : index
    %get3A_6 = arith.constant 0 : index
    %get3A_7 = vector.load %arg3[%get3A_4, %get3A_5, %get3A_6] : memref<2x10000x16xf32, #tpu.memory_space<vmem>>, vector<1x10000x16xf32>
    %get3A_8 = vector.shape_cast %get3A_7 : vector<1x10000x16xf32> to vector<10000x16xf32>
    %add3A = arith.addf %get3A_3, %get3A_8 : vector<10000x16xf32>
    %get3A_9 = arith.constant 0 : index
    %get3A_10 = arith.constant 0 : index
    %get3A_11 = vector.load %arg0[%get3A_9, %get3A_10] : memref<10000x16xf32, #tpu.memory_space<vmem>>, vector<10000x16xf32>
    %get3A_12 = arith.constant 0 : index
    %get3A_13 = arith.constant 0 : index
    %get3A_14 = vector.load %arg1[%get3A_12, %get3A_13] : memref<16x16xf32, #tpu.memory_space<vmem>>, vector<16x16xf32>
    %dot_general3A = arith.constant dense<0.000000e+00> : vector<10000x16xf32>
    %dot_general3A_15 = tpu.matmul %get3A_11, %get3A_14, %dot_general3A {dimension_numbers = #tpu.dot_dimension_numbers<[1], [0], [0], [1], [0, 0, 1, 1], [], []>, transpose_lhs_hint = false} : vector<10000x16xf32>, vector<16x16xf32>, vector<10000x16xf32> -> vector<10000x16xf32>
    %get3A_16 = arith.constant 0 : index
    %get3A_17 = arith.constant 0 : index
    %get3A_18 = vector.load %arg2[%get3A_16, %get3A_17] : memref<1x16xf32, #tpu.memory_space<vmem>>, vector<1x16xf32>
    %add3A_19 = vector.broadcast %get3A_18 : vector<1x16xf32> to vector<10000x16xf32>
    %add3A_20 = arith.addf %dot_general3A_15, %add3A_19 : vector<10000x16xf32>
    %mul3A = arith.constant 2.000000e+00 : f32
    %mul3A_21 = vector.broadcast %mul3A : f32 to vector<10000x16xf32>
    %mul3A_22 = arith.mulf %mul3A_21, %add3A_20 : vector<10000x16xf32>
    %add3A_23 = arith.addf %mul3A_22, %add3A : vector<10000x16xf32>
    %max3A = arith.constant 0.000000e+00 : f32
    %max3A_24 = vector.broadcast %max3A : f32 to vector<10000x16xf32>
    %max3A_25 = arith.maximumf %add3A_23, %max3A_24 : vector<10000x16xf32>
    %swap3A = arith.constant 0 : index
    %swap3A_26 = arith.constant 0 : index
    %swap3A_27 = vector.load %arg4[%swap3A, %swap3A_26] : memref<10000x16xf32, #tpu.memory_space<vmem>>, vector<10000x16xf32>
    tpu.vector_store %arg4[%swap3A, %swap3A_26], %max3A_25 {strides = array<i32>} : memref<10000x16xf32, #tpu.memory_space<vmem>>, vector<10000x16xf32>,
    return
  }
}

module attributes {stable_mosaic.version = 14 : i64} {
  func.func @_fp_body(%arg0: i32, %arg1: memref<1000x16xf32, #tpu.memory_space<vmem>>, %arg2: memref<1x1x1000xi32, #tpu.memory_space<vmem>>, %arg3: memref<16x2048xf32, #tpu.memory_space<vmem>>, %arg4: memref<1x2048xf32, #tpu.memory_space<vmem>>, %arg5: memref<64x2048xf32, #tpu.memory_space<vmem>>) attributes {dimension_semantics = [#tpu.dimension_semantics<arbitrary>], iteration_bounds = array<i64: 10>, scalar_prefetch = 0 : i64, scratch_operands = 0 : i64, tpu.core_type = #tpu.core_type<tc>, window_params = [{transform_indices = @transform_0, window_bounds = array<i64: 1000, 16>}, {transform_indices = @transform_1, window_bounds = array<i64: 1, 1, 1000>}, {pipeline_mode = #tpu.pipeline_mode<synchronous>, transform_indices = @transform_2, window_bounds = array<i64: 16, 2048>}, {pipeline_mode = #tpu.pipeline_mode<synchronous>, transform_indices = @transform_3, window_bounds = array<i64: 1, 2048>}, {pipeline_mode = #tpu.pipeline_mode<synchronous>, transform_indices = @transform_4, window_bounds = array<i64: 64, 2048>}]} {
    %get3A = arith.constant 0 : index
    %get3A_0 = arith.constant 0 : index
    %get3A_1 = vector.load %arg1[%get3A, %get3A_0] : memref<1000x16xf32, #tpu.memory_space<vmem>>, vector<1000x16xf32>
    %get3A_2 = arith.constant 0 : index
    %get3A_3 = arith.constant 0 : index
    %get3A_4 = vector.load %arg3[%get3A_2, %get3A_3] : memref<16x2048xf32, #tpu.memory_space<vmem>>, vector<16x2048xf32>
    %dot_general3A = arith.constant dense<0.000000e+00> : vector<1000x2048xf32>
    %dot_general3A_5 = tpu.matmul %get3A_1, %get3A_4, %dot_general3A {dimension_numbers = #tpu.dot_dimension_numbers<[1], [0], [0], [1], [0, 0, 1, 1], [], []>, transpose_lhs_hint = false} : vector<1000x16xf32>, vector<16x2048xf32>, vector<1000x2048xf32> -> vector<1000x2048xf32>
    %get3A_6 = arith.constant 0 : index
    %get3A_7 = arith.constant 0 : index
    %get3A_8 = vector.load %arg4[%get3A_6, %get3A_7] : memref<1x2048xf32, #tpu.memory_space<vmem>>, vector<1x2048xf32>
    %add3A = vector.broadcast %get3A_8 : vector<1x2048xf32> to vector<1000x2048xf32>
    %add3A_9 = arith.addf %dot_general3A_5, %add3A : vector<1000x2048xf32>
    %max3A = arith.constant 0.000000e+00 : f32
    %max3A_10 = vector.broadcast %max3A : f32 to vector<1000x2048xf32>
    %max3A_11 = arith.maximumf %add3A_9, %max3A_10 : vector<1000x2048xf32>
    %iota3A = tpu.iota {dimensions = array<i32: 0>} : vector<64x1000xi32>
    %get3A_12 = arith.constant 0 : index
    %get3A_13 = arith.constant 0 : index
    %get3A_14 = arith.constant 0 : index
    %get3A_15 = vector.load %arg2[%get3A_12, %get3A_13, %get3A_14] : memref<1x1x1000xi32, #tpu.memory_space<vmem>>, vector<1x1x1000xi32>
    %get3A_16 = vector.shape_cast %get3A_15 : vector<1x1x1000xi32> to vector<1x1000xi32>
    %eq3A = vector.broadcast %get3A_16 : vector<1x1000xi32> to vector<64x1000xi32>
    %eq3A_17 = arith.cmpi eq, %eq3A, %iota3A : vector<64x1000xi32>
    %convert_element_type3A = arith.extui %eq3A_17 : vector<64x1000xi1> to vector<64x1000xi32>
    %convert_element_type3A_18 = arith.sitofp %convert_element_type3A : vector<64x1000xi32> to vector<64x1000xf32>
    %dot_general3A_19 = arith.constant dense<0.000000e+00> : vector<64x2048xf32>
    %dot_general3A_20 = tpu.matmul %convert_element_type3A_18, %max3A_11, %dot_general3A_19 {dimension_numbers = #tpu.dot_dimension_numbers<[1], [0], [0], [1], [0, 0, 1, 1], [], []>, transpose_lhs_hint = false} : vector<64x1000xf32>, vector<1000x2048xf32>, vector<64x2048xf32> -> vector<64x2048xf32>
    %eq3A_21 = arith.constant 0 : i32
    %eq3A_22 = arith.cmpi eq, %arg0, %eq3A_21 : i32
    %convert_element_type3A_23 = arith.extui %eq3A_22 : i1 to i32
    %cond3A = arith.constant 0 : i32
    %cond3A_24 = arith.cmpi ne, %convert_element_type3A_23, %cond3A : i32
    scf.if %cond3A_24 {
      %swap3A = arith.constant 0 : index
      %swap3A_29 = arith.constant 0 : index
      %swap3A_30 = vector.load %arg5[%swap3A, %swap3A_29] : memref<64x2048xf32, #tpu.memory_space<vmem>>, vector<64x2048xf32>
      tpu.vector_store %arg5[%swap3A, %swap3A_29], %dot_general3A_20 {strides = array<i32>} : memref<64x2048xf32, #tpu.memory_space<vmem>>, vector<64x2048xf32>,
    } else {
    }
    %gt3A = arith.constant 0 : i32
    %gt3A_25 = arith.cmpi sgt, %arg0, %gt3A : i32
    %convert_element_type3A_26 = arith.extui %gt3A_25 : i1 to i32
    %cond3A_27 = arith.constant 0 : i32
    %cond3A_28 = arith.cmpi ne, %convert_element_type3A_26, %cond3A_27 : i32
    scf.if %cond3A_28 {
      %get3A_29 = arith.constant 0 : index
      %get3A_30 = arith.constant 0 : index
      %get3A_31 = vector.load %arg5[%get3A_29, %get3A_30] : memref<64x2048xf32, #tpu.memory_space<vmem>>, vector<64x2048xf32>
      %add3A_32 = arith.addf %get3A_31, %dot_general3A_20 : vector<64x2048xf32>
      %swap3A = arith.constant 0 : index
      %swap3A_33 = arith.constant 0 : index
      %swap3A_34 = vector.load %arg5[%swap3A, %swap3A_33] : memref<64x2048xf32, #tpu.memory_space<vmem>>, vector<64x2048xf32>
      tpu.vector_store %arg5[%swap3A, %swap3A_33], %add3A_32 {strides = array<i32>} : memref<64x2048xf32, #tpu.memory_space<vmem>>, vector<64x2048xf32>,
    } else {
    }
    return
  }
  func.func @transform_0(%arg0: i32) -> (i32, i32) {
    %c0_i32 = arith.constant 0 : i32
    %c0_i32_0 = arith.constant 0 : i32
    return %arg0, %c0_i32 : i32, i32
  }
  func.func @transform_1(%arg0: i32) -> (i32, i32, i32) {
    %c0_i32 = arith.constant 0 : i32
    %c0_i32_0 = arith.constant 0 : i32
    %c0_i32_1 = arith.constant 0 : i32
    return %arg0, %c0_i32, %c0_i32_0 : i32, i32, i32
  }
  func.func @transform_2(%arg0: i32) -> (i32, i32) {
    %c0_i32 = arith.constant 0 : i32
    %c0_i32_0 = arith.constant 0 : i32
    %c0_i32_1 = arith.constant 0 : i32
    return %c0_i32, %c0_i32_0 : i32, i32
  }
  func.func @transform_3(%arg0: i32) -> (i32, i32) {
    %c0_i32 = arith.constant 0 : i32
    %c0_i32_0 = arith.constant 0 : i32
    %c0_i32_1 = arith.constant 0 : i32
    return %c0_i32, %c0_i32_0 : i32, i32
  }
  func.func @transform_4(%arg0: i32) -> (i32, i32) {
    %c0_i32 = arith.constant 0 : i32
    %c0_i32_0 = arith.constant 0 : i32
    %c0_i32_1 = arith.constant 0 : i32
    return %c0_i32, %c0_i32_0 : i32, i32
  }
}

</mosaic_0001>

<sc_bundles>
// kernel: kernel.12.cloned.1.call-start
scs
__scs_entry_jumppad:
0x0: {  	(pc) =	sbr.rel $0x88, $3  }
0x1: {  	(tag) =	ssettag $0x0;
	lr =	simm.s32 $0x1  }
0x2: {  	[smem:$0x3F93] =	sst lr;
	_ =	strace $0xD0000000  }
0x3: {  	_ = 	snop  }
0x4: {  	_ = 	snop  }
0x5: {  	_ = 	snop  }
0x6: {  	_ = 	snop  }
0x7: {  	_ = 	snop  }
__scs_overlays_trampoline_lowered:
0x8: {  	[smem:$0x3FA2] =	sst s0  }
0x9: {  	[smem:$0x3FA3] =	sst s1  }
0xa: {  	[smem:$0x3FA4] =	sst s2  }
0xb: {  	[smem:$0x3FA5] =	sst s3  }
0xc: {  	[smem:$0x3FA6] =	sst s4  }
0xd: {  	[smem:$0x3FA7] =	sst s5  }
0xe: {  	[smem:$0x3FA8] =	sst s6  }
0xf: {  	[smem:$0x3FA9] =	sst s7  }
0x10: {  	[smem:$0x3FAA] =	sst s8  }
0x11: {  	[smem:$0x3FAB] =	sst s9;
	s0 =	simm.s32 @!p0 $0x0  }
0x12: {  	s1 =	sld [smem:$0x3F91];
	s0 =	simm.s32 @p0 $0x1  }
0x13: {  	[smem:$0x3FAC] =	sst s0;
	s0 =	simm.s32 @!p1 $0x0  }
0x14: {  	s2 =	sld [smem:$0x3F90];
	s0 =	simm.s32 @p1 $0x1  }
0x15: {  	[smem:$0x3FAD] =	sst s0;
	s0 =	simm.s32 @!p2 $0x0  }
0x16: {  	s3 =	sld [smem:$0x3FDB];
	s0 =	simm.s32 @p2 $0x1  }
0x17: {  	s4 =	simm.s32 $0x1BF5;
	[smem:$0x3FAF] =	sst s0  }
0x18: {  	s0 =	sld [smem:$0x3F92];
	_ =	swait.ge [sflag:s4], $0x0  }
0x19: {  	s7 =	sld [smem:$0x3F93]  }
0x1a: {  	s8 =	sadd.s32 $0xFFFFE003, lr  }
0x1b: {  	s9 =	sadd.s32 $0xFFFFFEF7, lr;
	s5 =	simm.s32 $0xFFFFFFFF;
	p2 =	slt.u32 s8, $0xFFFFF086  }
0x1c: {  	p1 =	slt.u32 s9, $0xF7A;
	s5 =	simm.s32 @!p2 $0x0  }
0x1d: {  	s5 =	simm.s32 @p1 $0x1;
	p0 =	seq.s32 s7, s2  }
0x1e: {  	s7 =	smul.u32 @!p0 $0xF7A, s2;
	p2 =	seq.s32 @!p0 s5, $0x0  }
0x1f: {  	s9 =	smul.u32 $0xF7A, s1;
	s8 =	simm.s32 @!p0 $0x1BF5;
	p2 =	por !p2, p0  }
0x20: {  	[sflag:s8] =	ssyncset.s32 @!p0 $0xFFFFF086;
	s6 =	sadd.s32 @!p0 s3, s7;
	s7 =	simm.s32 @!p0 $0x108  }
0x21: {  	s3 =	sadd.s32 s3, s9;
	s6 =	sadd.s32 @!p0 $0x88, s6;
	s7 =	simm.s32 @p2 $0x1082  }
0x22: {  	[simem:s7], [sflag:s8] =	dma.local @!p0 [hbm:s6], $0xF7A  }
0x23: {  	s9 =	sor.u32 $0xD0000000, s2;
	s6 =	simm.s32 $0x108;
	_ =	swait.ge @!p0 [sflag:s8], $0x0  }
0x24: {  	s3 =	sadd.s32 $0x88, s3;
	s6 =	simm.s32 @!p1 $0x1082;
	[sflag:s4] =	ssyncset.s32 $0xFFFFF086  }
0x25: {  	[simem:s6], [sflag:s4] =	dma.local [hbm:s3], $0xF7A  }
0x26: {  	[smem:$0x3F93] =	sst s1;
	(tag) =	ssettag s2;
	_ =	strace s9  }
0x27: {  	s1 =	sld [smem:$0x3FA3]  }
0x28: {  	s2 =	sld [smem:$0x3FA4]  }
0x29: {  	s4 =	sld [smem:$0x3FA6]  }
0x2a: {  	p0 =	seq.s32 s5, $0x0;
	s5 =	sld [smem:$0x3FA7]  }
0x2b: {  	s6 =	sld [smem:$0x3FA8]  }
0x2c: {  	s7 =	sld [smem:$0x3FA9]  }
0x2d: {  	s3 =	simm.s32 $0x108;
	s8 =	sld [smem:$0x3FAA]  }
0x2e: {  	s3 =	simm.s32 @!p0 $0x1082;
	s9 =	sld [smem:$0x3FAB]  }
0x2f: {  	lr =	sadd.s32 s0, s3;
	s0 =	sld [smem:$0x3FA2]  }
0x30: {  	s3 =	sld [smem:$0x3FA5]  }
0x31: {  	[smem:$0x3FAE] =	sst s10  }
0x32: {  	s10 =	sld [smem:$0x3FAC];
	_ =	sdelay $0x3  }
0x33: {  	p0 =	seq.s32 s10, $0x1;
	s10 =	sld [smem:$0x3FAE];
	_ =	sdelay $0x3  }
0x34: {  	[smem:$0x3FAE] =	sst s10  }
0x35: {  	s10 =	sld [smem:$0x3FAD];
	_ =	sdelay $0x3  }
0x36: {  	p1 =	seq.s32 s10, $0x1;
	s10 =	sld [smem:$0x3FAE];
	_ =	sdelay $0x3  }
0x37: {  	[smem:$0x3FAE] =	sst s10  }
0x38: {  	s10 =	sld [smem:$0x3FAF]  }
0x39: {  	_ = 	snop;
	(pc) =	sbr.ind lr, $3  }
0x3a: {  	_ = 	snop  }
0x3b: {  	_ = 	snop  }
0x3c: {  	p2 =	seq.s32 s10, $0x1;
	s10 =	sld [smem:$0x3FAE]  }
0x3d: {  	_ =	shalt  }
0x3e: {  	_ =	shalt  }
0x3f: {  	_ =	shalt  }
0x40: {  	_ =	shalt  }
0x41: {  	_ =	shalt  }
0x42: {  	_ =	shalt  }
0x43: {  	_ =	shalt  }
0x44: {  	_ =	shalt  }
0x45: {  	_ =	shalt  }
0x46: {  	_ =	shalt  }
0x47: {  	_ =	shalt  }
0x48: {  	_ =	shalt  }
0x49: {  	_ =	shalt  }
0x4a: {  	_ =	shalt  }
0x4b: {  	_ =	shalt  }
0x4c: {  	_ =	shalt  }
0x4d: {  	_ =	shalt  }
0x4e: {  	_ =	shalt  }
0x4f: {  	_ =	shalt  }
0x50: {  	_ =	shalt  }
0x51: {  	_ =	shalt  }
0x52: {  	_ =	shalt  }
0x53: {  	_ =	shalt  }
0x54: {  	_ =	shalt  }
0x55: {  	_ =	shalt  }
0x56: {  	_ =	shalt  }
0x57: {  	_ =	shalt  }
0x58: {  	_ =	shalt  }
0x59: {  	_ =	shalt  }
0x5a: {  	_ =	shalt  }
0x5b: {  	_ =	shalt  }
0x5c: {  	_ =	shalt  }
0x5d: {  	_ =	shalt  }
0x5e: {  	_ =	shalt  }
0x5f: {  	_ =	shalt  }
0x60: {  	_ =	shalt  }
0x61: {  	_ =	shalt  }
0x62: {  	_ =	shalt  }
0x63: {  	_ =	shalt  }
0x64: {  	_ =	shalt  }
0x65: {  	_ =	shalt  }
0x66: {  	_ =	shalt  }
0x67: {  	_ =	shalt  }
0x68: {  	_ =	shalt  }
0x69: {  	_ =	shalt  }
0x6a: {  	_ =	shalt  }
0x6b: {  	_ =	shalt  }
0x6c: {  	_ =	shalt  }
0x6d: {  	_ =	shalt  }
0x6e: {  	_ =	shalt  }
0x6f: {  	_ =	shalt  }
0x70: {  	_ =	shalt  }
0x71: {  	_ =	shalt  }
0x72: {  	_ =	shalt  }
0x73: {  	_ =	shalt  }
0x74: {  	_ =	shalt  }
0x75: {  	_ =	shalt  }
0x76: {  	_ =	shalt  }
0x77: {  	_ =	shalt  }
0x78: {  	_ =	shalt  }
0x79: {  	_ =	shalt  }
0x7a: {  	_ =	shalt  }
0x7b: {  	_ =	shalt  }
0x7c: {  	_ =	shalt  }
0x7d: {  	_ =	shalt  }
0x7e: {  	_ =	shalt  }
0x7f: {  	_ =	shalt  }
0x80: {  	_ =	shalt  }
0x81: {  	_ =	shalt  }
0x82: {  	_ =	shalt  }
0x83: {  	_ =	shalt  }
0x84: {  	_ =	shalt  }
0x85: {  	_ =	shalt  }
0x86: {  	_ =	shalt  }
0x87: {  	_ =	shalt  }
.Lfunc_end0:
.L_simem_size_0:
called_computation_lowered:
.L_overlay_start_0:
0x88: {  	s2 =	sld [smem:$0x3FD9]  }
0x89: {  	s3 =	sld [smem:$0x3FFE];
	_ =	sdelay $0x1  }
0x8a: {  	s1 =	srdreg.scid  }
0x8b: {  	s0 =	sand.u32 $0x1, s1  }
0x8c: {  	s16 =	sshll.u32 s0, $0xA;
	s2 =	sadd.s32 s3, s2  }
0x8d: {  	s2 =	sadd.s32 s2, s16  }
0x8e: {  	[smem:$0x3FBA] =	sst s2  }
0x8f: {  	_ = 	snop  }
0x90: {  	(tm) =	ssettm $0x1  }
0x91: {  	s17 =	sld [smem:$0x3FFB];
	_ =	sdelay $0x3  }
0x92: {  	_ =	strace s17  }
0x93: {  	s2 =	sld [smem:$0x3FFC];
	_ =	sdelay $0x3  }
0x94: {  	_ =	strace s2  }
0x95: {  	s2 =	sld [smem:$0x3FFD];
	_ =	sdelay $0x3  }
0x96: {  	_ =	strace s2  }
0x97: {  	_ =	strace $0x8FFFFFFF  }
0x98: {  	s18 =	sld [smem:$0x3FDB];
	_ =	sdelay $0x1  }
0x99: {  	s19 =	simm.s32 $_scs_section_size  }
0x9a: {  	s4 =	simm.s32 $_size__tile_overlayer_lowered;
	s5 =	simm.s32 $_tile_overlayer_lowered  }
0x9b: {  	s22 =	simm.s32 $0x1BFF;
	s21 =	sshll.u32 s5, $0x1;
	s2 =	sadd.s32 s19, s18  }
0x9c: {  	s6 =	simm.s32 $0x0;
	s20 =	sshll.u32 s4, $0x1;
	s4 =	sadd.s32 s21, s2  }
0x9d: {  	[timem:s6], [sflag:s22] =	dma.local [hbm:s4], s20  }
0x9e: {  	_ =	swait.ge [sflag:s22], s20  }
0x9f: {  	s3 =	ssub.s32 $0x0, s20;
	[sflag:s22] =	ssyncset.done $0x0  }
0xa0: {  	[sflag:s22] =	ssyncadd.s32 s3;
	_ =	sdelay $0x1  }
0xa1: {  	s23 =	simm.s32 $0x1B8B  }
0xa2: {  	_ =	swait.ge [sflag:s23], $0x1  }
0xa3: {  	[sflag:s23] =	ssyncset.done $0x0  }
0xa4: {  	s25 =	simm.s32 $0x1B8E;
	s24 =	sld [smem:$0x3FFE];
	[sflag:s23] =	ssyncadd.s32 $0xFFFFFFFF  }
0xa5: {  	s26 =	simm.s32 $execute0_lowered;
	[smem:$0x3FD2] =	sst s25  }
0xa6: {  	s4 =	sshll.u32 s26, $0x1;
	_ =	strace $0x80000046;
	[dreg:$0x1] =	wrdreg $0xFFFFFFFF  }
0xa7: {  	s28 =	simm.s32 $_size_execute0_lowered;
	s2 =	sadd.s32 s2, s4;
	[dreg:$0x0] =	wrdreg $0x0  }
0xa8: {  	s4 =	sshll.u32 s28, $0x1;
	[dreg:$0x2] =	wrdreg s2  }
0xa9: {  	[dreg:$0x3] =	wrdreg s4  }
0xaa: {  	[dreg:$0x4] =	wrdreg $0xC0  }
0xab: {  	_ =	task [dreg:s6], $0x5FFFF  }
0xac: {  	[dreg:$0x1] =	wrdreg $0xFFFFFFFF  }
0xad: {  	[dreg:$0x0] =	wrdreg $0x60  }
0xae: {  	[dreg:$0x2] =	wrdreg s24  }
0xaf: {  	[dreg:$0x3] =	wrdreg $0x9  }
0xb0: {  	_ =	task.clear_ibuf [dreg:s6], $0x4FFFF;
	_ =	strace $0x90000046  }
0xb1: {  	s29 =	simm.s32 $0x9;
	_ =	strace $0x80000048  }
0xb2: {  	_ =	swait.ge [sflag:s29], $0x1  }
0xb3: {  	[sflag:s29] =	ssyncadd.s32 $0xFFFFFFFF  }
0xb4: {  	_ =	strace $0x90000048  }
0xb5: {  	_ =	sfence  }
0xb6: {  	s30 =	sld [smem:$0x0];
	_ =	sdelay $0x2  }
0xb7: {  	s31 =	sshll.u32 s1, $0xD;
	s1 =	sshrl.u32 s1, $0x2  }
0xb8: {  	s3 =	sand.u32 $0x4000, s31;
	s1 =	sadd.s32 s1, s30  }
0xb9: {  	s0 =	sor.u32 s3, s0;
	s1 =	sshll.u32 s1, $0x11  }
0xba: {  	s0 =	sor.u32 s1, s0  }
0xbb: {  	s0 =	sadd.s32 $0x8F2B, s0  }
0xbc: {  	[sflag:s0] =	ssyncadd.remote.s32 $0x1  }
0xbd: {  	_ =	sfence.sel $0xFFFF  }
0xbe: {  	[dreg:$0x0] =	wrdreg $0xFFFFFFFF;
	(pc) =	sbr.abs _section_cstart, $3  }
0xbf: {  	[dreg:$0x1] =	wrdreg $0xFFFFFFFF  }
0xc0: {  	_ =	task.clear_ibuf [dreg:s6], $0x2FFFF;
	_ =	strace $0x9FFFFFFF  }
0xc1: {  	(tm) =	ssettm $0x7FFFFFFF  }
tec
execute0_lowered:
.L_overlay_start_1:
0x0: {  	(tag) =	ssettag $0x1  }
0x1: {  	s3 =	rddreg [dreg:$0x0];
	s2 =	simm.s32 $0x0  }
0x2: {  	s24 =	simm.s32 $0x100;
	[smem:$0x7FF] =	sst s2  }
0x3: {  	s25 =	simm.s32 $0x180;
	_ =	strace $0x80000047;
	[dreg:$0x7] =	wrdreg s24  }
0x4: {  	s26 =	simm.s32 $0x200;
	[dreg:$0x8] =	wrdreg s25  }
0x5: {  	s7 =	simm.s32 $0x400;
	[dreg:$0x9] =	wrdreg s26  }
0x6: {  	s0 =	srdreg.scid;
	s8 =	simm.s32 $0x480;
	[dreg:$0xd] =	wrdreg s7  }
0x7: {  	s15 =	stileid.u32;
	s9 =	simm.s32 $0x500;
	[dreg:$0xe] =	wrdreg s8  }
0x8: {  	s10 =	simm.s32 $0x580;
	s11 =	simm.s32 $0x600;
	[dreg:$0xf] =	wrdreg s9  }
0x9: {  	s13 =	simm.s32 $0x680;
	s14 =	simm.s32 $0x700;
	[dreg:$0x10] =	wrdreg s10  }
0xa: {  	s16 =	simm.s32 $0x780;
	s17 =	simm.s32 $0x800;
	[dreg:$0x11] =	wrdreg s11  }
0xb: {  	s18 =	simm.s32 $0x880;
	s19 =	simm.s32 $0x900;
	[dreg:$0x12] =	wrdreg s13  }
0xc: {  	s20 =	simm.s32 $0x980;
	s28 =	simm.s32 $0xE00;
	[dreg:$0x13] =	wrdreg s14  }
0xd: {  	s29 =	simm.s32 $0xE80;
	s30 =	simm.s32 $0xF00;
	[dreg:$0x14] =	wrdreg s16  }
0xe: {  	p0 =	por $0x0, $0x0;
	s0 =	sand.u32 $0x1, s0;
	[dreg:$0x15] =	wrdreg s17  }
0xf: {  	s6 =	sadd.s32 $0x39800, s3;
	s1 =	sshll.u32 s0, $0x4;
	[dreg:$0x16] =	wrdreg s18  }
0x10: {  	s0 =	ssub.s32 $0x2, s0;
	s8 =	simm.s32 $0x1B88;
	[dreg:$0x17] =	wrdreg s19  }
0x11: {  	s9 =	simm.s32 $0x2388;
	[dreg:$0x18] =	wrdreg s20;
	s10 =	simm.s32 $0x2B88  }
0x12: {  	s11 =	simm.s32 $0x3388;
	s24 =	simm.s32 $0xB80;
	s13 =	simm.s32 $0x4388  }
0x13: {  	s25 =	simm.s32 $0xC00;
	s14 =	simm.s32 $0x4B88;
	s26 =	simm.s32 $0xC80  }
0x14: {  	s7 =	simm.s32 $0x1;
	s16 =	simm.s32 $0xF80;
	s17 =	simm.s32 $0x1080  }
0x15: {  	s18 =	simm.s32 $0x1100;
	s19 =	simm.s32 $0x1180;
	s1 =	sor.u32 s15, s1  }
0x16: {  	s20 =	simm.s32 $0x1200;
	[dreg:$0x1c] =	wrdreg s24;
	s4 =	smul.u32 $0x271, s1  }
0x17: {  	s12 =	sshrl.u32 s0, $0x1;
	[dreg:$0x1d] =	wrdreg s25;
	s5 =	smul.u32 $0x13880, s1  }
0x18: {  	[dreg:$0x1e] =	wrdreg s26;
	s25 =	simm.s32 $0xD00;
	s1 =	smul.u32 $0x2710, s1  }
0x19: {  	s26 =	simm.s32 $0xD80;
	s24 =	simm.s32 $0x1380;
	s4 =	sadd.s32 s4, s3  }
0x1a: {  	s0 =	ssub.s32 s0, s12;
	s31 =	sadd.s32 s6, s1;
	s4 =	sadd.s32 $0x3600, s4  }
0x1b: {  	s12 =	simm.s32 $0x3B88;
	s1 =	sadd.s32 $0x800, s31;
	[dreg:$0x2] =	wrdreg s4  }
0x1c: {  	s0 =	smax.u32 s0, $0x1;
	s22 =	sadd.s32 $0x1000, s31;
	[dreg:$0x4] =	wrdreg s1  }
0x1d: {  	s5 =	sshrl.u32 s5, $0x3;
	s23 =	sadd.s32 $0x1800, s31;
	[dreg:$0x5] =	wrdreg s22  }
0x1e: {  	s5 =	sadd.s32 s6, s5;
	s6 =	simm.s32 $0x380;
	[dreg:$0x6] =	wrdreg s23  }
0x1f: {  	p1 =	sne.s32 s0, $0x1;
	s21 =	sadd.s32 $0x2000, s5;
	[dreg:$0xc] =	wrdreg s6  }
0x20: {  	s4 =	simm.s32 $0x280;
	s5 =	simm.s32 $0x300;
	[dreg:$0x3] =	wrdreg s21  }
0x21: {  	s6 =	simm.s32 $0x80;
	s22 =	simm.s32 $0xA80;
	[dreg:$0xa] =	wrdreg s4  }
.Ltmp0:
0x22: {  	s23 =	simm.s32 $0xB00;
	[dreg:$0xb] =	wrdreg s5;
	(pc) =	sbr.rel @!p1 .LBB2_1-.Ltmp0, $4  }
0x23: {  	s1 =	sadd.s32 $0xFFFFFFFF, s0;
	s5 =	sadd.s32 $0x34800, s3;
	[dreg:$0x1a] =	wrdreg s22  }
0x24: {  	s3 =	simm.s32 $0x2;
	s4 =	simm.s32 $0x1388;
	[dreg:$0x1b] =	wrdreg s23  }
0x25: {  	s21 =	simm.s32 $0xA00;
	s22 =	simm.s32 $0x1300;
	s0 =	rddreg [dreg:$0x2]  }
0x26: {  	s23 =	simm.s32 $0x8;
	[dreg:$0x19] =	wrdreg s21;
	s21 =	simm.s32 $0x1280  }
0x27: {  	[tilespmem:s2], [sflag:$0x2] =	stream.linear.gather [hbm4b:s0+s2], $0x1388, $0x38;
	[tilespmem:$0x5388] =	vst v63  }
0x28: {  	_ =	swait.ge [sflag:s3], $0x1388  }
0x29: {  	[sflag:s3] =	ssyncset.done $0x0  }
0x2a: {  	[sflag:s3] =	ssyncadd.s32 $0xFFFFEC78  }
0x2b: {  	[tilespmem:s4], [sflag:$0x1] =	stream.indirect.gather [hbm4b:s5+s6], $0x10, s2, s6, $0xb8;
	[tilespmem:$0x5388] =	vst v63  }
0x2c: {  	_ = 	snop  }
0x2d: {  	[tilespmem:s8], [sflag:$0x1] =	stream.indirect.gather [hbm4b:s5+s6], $0x10, s6, s6, $0xb8;
	[tilespmem:$0x5388] =	vst v63  }
0x2e: {  	s0 =	rddreg [dreg:$0x7]  }
0x2f: {  	[tilespmem:s9], [sflag:$0x1] =	stream.indirect.gather [hbm4b:s5+s6], $0x10, s0, s6, $0xb8;
	[tilespmem:$0x5388] =	vst v63  }
0x30: {  	s15 =	smov.u32 s1;
	s1 =	rddreg [dreg:$0x8]  }
0x31: {  	[tilespmem:s10], [sflag:$0x1] =	stream.indirect.gather [hbm4b:s5+s6], $0x10, s1, s6, $0xb8;
	[tilespmem:$0x5388] =	vst v63  }
0x32: {  	s0 =	rddreg [dreg:$0x9]  }
0x33: {  	[tilespmem:s11], [sflag:$0x1] =	stream.indirect.gather [hbm4b:s5+s6], $0x10, s0, s6, $0xb8;
	[tilespmem:$0x5388] =	vst v63  }
0x34: {  	s1 =	rddreg [dreg:$0xa]  }
0x35: {  	[tilespmem:s12], [sflag:$0x1] =	stream.indirect.gather [hbm4b:s5+s6], $0x10, s1, s6, $0xb8;
	[tilespmem:$0x5388] =	vst v63  }
0x36: {  	s0 =	rddreg [dreg:$0xb]  }
0x37: {  	[tilespmem:s13], [sflag:$0x1] =	stream.indirect.gather [hbm4b:s5+s6], $0x10, s0, s6, $0xb8;
	[tilespmem:$0x5388] =	vst v63  }
0x38: {  	s1 =	rddreg [dreg:$0xc]  }
0x39: {  	[tilespmem:s14], [sflag:$0x1] =	stream.indirect.gather [hbm4b:s5+s6], $0x10, s1, s6, $0xb8;
	[tilespmem:$0x5388] =	vst v63  }
0x3a: {  	_ =	swait.ge [sflag:s7], $0x800  }
0x3b: {  	[sflag:s7] =	ssyncset.done $0x0  }
0x3c: {  	[sflag:s7] =	ssyncadd.s32 $0xFFFFF800  }
0x3d: {  	_ =	swait.ge [sflag:s7], $0x800  }
0x3e: {  	[sflag:s7] =	ssyncset.done $0x0  }
0x3f: {  	[sflag:s7] =	ssyncadd.s32 $0xFFFFF800  }
0x40: {  	_ =	swait.ge [sflag:s7], $0x800  }
0x41: {  	[sflag:s7] =	ssyncset.done $0x0  }
0x42: {  	[sflag:s7] =	ssyncadd.s32 $0xFFFFF800  }
0x43: {  	_ =	swait.ge [sflag:s7], $0x800  }
0x44: {  	[sflag:s7] =	ssyncset.done $0x0  }
0x45: {  	[sflag:s7] =	ssyncadd.s32 $0xFFFFF800  }
0x46: {  	_ =	swait.ge [sflag:s7], $0x800  }
0x47: {  	[sflag:s7] =	ssyncset.done $0x0  }
0x48: {  	[sflag:s7] =	ssyncadd.s32 $0xFFFFF800  }
0x49: {  	_ =	swait.ge [sflag:s7], $0x800  }
0x4a: {  	[sflag:s7] =	ssyncset.done $0x0  }
0x4b: {  	[sflag:s7] =	ssyncadd.s32 $0xFFFFF800  }
0x4c: {  	_ =	swait.ge [sflag:s7], $0x800  }
0x4d: {  	[sflag:s7] =	ssyncset.done $0x0  }
0x4e: {  	[sflag:s7] =	ssyncadd.s32 $0xFFFFF800  }
0x4f: {  	_ =	swait.ge [sflag:s7], $0x800  }
0x50: {  	[sflag:s7] =	ssyncset.done $0x0  }
0x51: {  	[sflag:s7] =	ssyncadd.s32 $0xFFFFF800  }
0x52: {  	[hbm4b:s31+s2] =	stream.linear.scatter [tilespmem:s4], [sflag:$0x2], $0x4000, $0x38;
	[tilespmem:$0x5388] =	vst v63  }
0x53: {  	_ =	swait.ge [sflag:s3], $0x4000  }
0x54: {  	[sflag:s3] =	ssyncset.done $0x0  }
0x55: {  	s0 =	rddreg [dreg:$0xd];
	[sflag:s3] =	ssyncadd.s32 $0xFFFFC000  }
0x56: {  	[tilespmem:s4], [sflag:$0x1] =	stream.indirect.gather [hbm4b:s5+s6], $0x10, s0, s6, $0xb8;
	[tilespmem:$0x5388] =	vst v63  }
0x57: {  	s1 =	rddreg [dreg:$0xe]  }
0x58: {  	[tilespmem:s8], [sflag:$0x1] =	stream.indirect.gather [hbm4b:s5+s6], $0x10, s1, s6, $0xb8;
	[tilespmem:$0x5388] =	vst v63  }
0x59: {  	s0 =	rddreg [dreg:$0xf]  }
0x5a: {  	[tilespmem:s9], [sflag:$0x1] =	stream.indirect.gather [hbm4b:s5+s6], $0x10, s0, s6, $0xb8;
	[tilespmem:$0x5388] =	vst v63  }
0x5b: {  	s1 =	rddreg [dreg:$0x10]  }
0x5c: {  	[tilespmem:s10], [sflag:$0x1] =	stream.indirect.gather [hbm4b:s5+s6], $0x10, s1, s6, $0xb8;
	[tilespmem:$0x5388] =	vst v63  }
0x5d: {  	s0 =	rddreg [dreg:$0x11]  }
0x5e: {  	[tilespmem:s11], [sflag:$0x1] =	stream.indirect.gather [hbm4b:s5+s6], $0x10, s0, s6, $0xb8;
	[tilespmem:$0x5388] =	vst v63  }
0x5f: {  	s1 =	rddreg [dreg:$0x12]  }
0x60: {  	[tilespmem:s12], [sflag:$0x1] =	stream.indirect.gather [hbm4b:s5+s6], $0x10, s1, s6, $0xb8;
	[tilespmem:$0x5388] =	vst v63  }
0x61: {  	s0 =	rddreg [dreg:$0x13]  }
0x62: {  	[tilespmem:s13], [sflag:$0x1] =	stream.indirect.gather [hbm4b:s5+s6], $0x10, s0, s6, $0xb8;
	[tilespmem:$0x5388] =	vst v63  }
0x63: {  	s1 =	rddreg [dreg:$0x14]  }
0x64: {  	[tilespmem:s14], [sflag:$0x1] =	stream.indirect.gather [hbm4b:s5+s6], $0x10, s1, s6, $0xb8;
	[tilespmem:$0x5388] =	vst v63  }
0x65: {  	_ =	swait.ge [sflag:s7], $0x800  }
0x66: {  	[sflag:s7] =	ssyncset.done $0x0  }
0x67: {  	[sflag:s7] =	ssyncadd.s32 $0xFFFFF800  }
0x68: {  	_ =	swait.ge [sflag:s7], $0x800  }
0x69: {  	[sflag:s7] =	ssyncset.done $0x0  }
0x6a: {  	[sflag:s7] =	ssyncadd.s32 $0xFFFFF800  }
0x6b: {  	_ =	swait.ge [sflag:s7], $0x800  }
0x6c: {  	[sflag:s7] =	ssyncset.done $0x0  }
0x6d: {  	[sflag:s7] =	ssyncadd.s32 $0xFFFFF800  }
0x6e: {  	_ =	swait.ge [sflag:s7], $0x800  }
0x6f: {  	[sflag:s7] =	ssyncset.done $0x0  }
0x70: {  	[sflag:s7] =	ssyncadd.s32 $0xFFFFF800  }
0x71: {  	_ =	swait.ge [sflag:s7], $0x800  }
0x72: {  	[sflag:s7] =	ssyncset.done $0x0  }
0x73: {  	[sflag:s7] =	ssyncadd.s32 $0xFFFFF800  }
0x74: {  	_ =	swait.ge [sflag:s7], $0x800  }
0x75: {  	[sflag:s7] =	ssyncset.done $0x0  }
0x76: {  	[sflag:s7] =	ssyncadd.s32 $0xFFFFF800  }
0x77: {  	_ =	swait.ge [sflag:s7], $0x800  }
0x78: {  	[sflag:s7] =	ssyncset.done $0x0  }
0x79: {  	[sflag:s7] =	ssyncadd.s32 $0xFFFFF800  }
0x7a: {  	_ =	swait.ge [sflag:s7], $0x800  }
0x7b: {  	[sflag:s7] =	ssyncset.done $0x0  }
0x7c: {  	s1 =	rddreg [dreg:$0x4];
	[sflag:s7] =	ssyncadd.s32 $0xFFFFF800  }
0x7d: {  	[hbm4b:s1+s2] =	stream.linear.scatter [tilespmem:s4], [sflag:$0x2], $0x4000, $0x38;
	[tilespmem:$0x5388] =	vst v63  }
0x7e: {  	_ =	swait.ge [sflag:s3], $0x4000  }
0x7f: {  	[sflag:s3] =	ssyncset.done $0x0  }
0x80: {  	s0 =	rddreg [dreg:$0x15];
	[sflag:s3] =	ssyncadd.s32 $0xFFFFC000  }
0x81: {  	[tilespmem:s4], [sflag:$0x1] =	stream.indirect.gather [hbm4b:s5+s6], $0x10, s0, s6, $0xb8;
	[tilespmem:$0x5388] =	vst v63  }
0x82: {  	s1 =	rddreg [dreg:$0x16]  }
0x83: {  	[tilespmem:s8], [sflag:$0x1] =	stream.indirect.gather [hbm4b:s5+s6], $0x10, s1, s6, $0xb8;
	[tilespmem:$0x5388] =	vst v63  }
0x84: {  	s0 =	rddreg [dreg:$0x17]  }
0x85: {  	[tilespmem:s9], [sflag:$0x1] =	stream.indirect.gather [hbm4b:s5+s6], $0x10, s0, s6, $0xb8;
	[tilespmem:$0x5388] =	vst v63  }
0x86: {  	s1 =	rddreg [dreg:$0x18]  }
0x87: {  	[tilespmem:s10], [sflag:$0x1] =	stream.indirect.gather [hbm4b:s5+s6], $0x10, s1, s6, $0xb8;
	[tilespmem:$0x5388] =	vst v63  }
0x88: {  	s0 =	rddreg [dreg:$0x19]  }
0x89: {  	[tilespmem:s11], [sflag:$0x1] =	stream.indirect.gather [hbm4b:s5+s6], $0x10, s0, s6, $0xb8;
	[tilespmem:$0x5388] =	vst v63  }
0x8a: {  	s1 =	rddreg [dreg:$0x1a]  }
0x8b: {  	[tilespmem:s12], [sflag:$0x1] =	stream.indirect.gather [hbm4b:s5+s6], $0x10, s1, s6, $0xb8;
	[tilespmem:$0x5388] =	vst v63  }
0x8c: {  	s0 =	rddreg [dreg:$0x1b]  }
0x8d: {  	[tilespmem:s13], [sflag:$0x1] =	stream.indirect.gather [hbm4b:s5+s6], $0x10, s0, s6, $0xb8;
	[tilespmem:$0x5388] =	vst v63  }
0x8e: {  	s1 =	rddreg [dreg:$0x1c]  }
0x8f: {  	[tilespmem:s14], [sflag:$0x1] =	stream.indirect.gather [hbm4b:s5+s6], $0x10, s1, s6, $0xb8;
	[tilespmem:$0x5388] =	vst v63  }
0x90: {  	_ =	swait.ge [sflag:s7], $0x800  }
0x91: {  	[sflag:s7] =	ssyncset.done $0x0  }
0x92: {  	[sflag:s7] =	ssyncadd.s32 $0xFFFFF800  }
0x93: {  	_ =	swait.ge [sflag:s7], $0x800  }
0x94: {  	[sflag:s7] =	ssyncset.done $0x0  }
0x95: {  	[sflag:s7] =	ssyncadd.s32 $0xFFFFF800  }
0x96: {  	_ =	swait.ge [sflag:s7], $0x800  }
0x97: {  	[sflag:s7] =	ssyncset.done $0x0  }
0x98: {  	[sflag:s7] =	ssyncadd.s32 $0xFFFFF800  }
0x99: {  	_ =	swait.ge [sflag:s7], $0x800  }
0x9a: {  	[sflag:s7] =	ssyncset.done $0x0  }
0x9b: {  	[sflag:s7] =	ssyncadd.s32 $0xFFFFF800  }
0x9c: {  	_ =	swait.ge [sflag:s7], $0x800  }
0x9d: {  	[sflag:s7] =	ssyncset.done $0x0  }
0x9e: {  	[sflag:s7] =	ssyncadd.s32 $0xFFFFF800  }
0x9f: {  	_ =	swait.ge [sflag:s7], $0x800  }
0xa0: {  	[sflag:s7] =	ssyncset.done $0x0  }
0xa1: {  	[sflag:s7] =	ssyncadd.s32 $0xFFFFF800  }
0xa2: {  	_ =	swait.ge [sflag:s7], $0x800  }
0xa3: {  	[sflag:s7] =	ssyncset.done $0x0  }
0xa4: {  	[sflag:s7] =	ssyncadd.s32 $0xFFFFF800  }
0xa5: {  	_ =	swait.ge [sflag:s7], $0x800  }
0xa6: {  	[sflag:s7] =	ssyncset.done $0x0  }
0xa7: {  	s1 =	rddreg [dreg:$0x5];
	[sflag:s7] =	ssyncadd.s32 $0xFFFFF800  }
0xa8: {  	[hbm4b:s1+s2] =	stream.linear.scatter [tilespmem:s4], [sflag:$0x2], $0x4000, $0x38;
	[tilespmem:$0x5388] =	vst v63  }
0xa9: {  	_ =	swait.ge [sflag:s3], $0x4000  }
0xaa: {  	[sflag:s3] =	ssyncset.done $0x0  }
0xab: {  	s0 =	rddreg [dreg:$0x1d];
	[sflag:s3] =	ssyncadd.s32 $0xFFFFC000  }
0xac: {  	[tilespmem:s4], [sflag:$0x1] =	stream.indirect.gather [hbm4b:s5+s6], $0x10, s0, s6, $0xb8;
	[tilespmem:$0x5388] =	vst v63  }
0xad: {  	s1 =	rddreg [dreg:$0x1e]  }
0xae: {  	[tilespmem:s8], [sflag:$0x1] =	stream.indirect.gather [hbm4b:s5+s6], $0x10, s1, s6, $0xb8;
	[tilespmem:$0x5388] =	vst v63  }
0xaf: {  	_ = 	snop  }
0xb0: {  	[tilespmem:s9], [sflag:$0x1] =	stream.indirect.gather [hbm4b:s5+s6], $0x10, s25, s6, $0xb8;
	[tilespmem:$0x5388] =	vst v63  }
0xb1: {  	_ = 	snop  }
0xb2: {  	[tilespmem:s10], [sflag:$0x1] =	stream.indirect.gather [hbm4b:s5+s6], $0x10, s26, s6, $0xb8;
	[tilespmem:$0x5388] =	vst v63  }
0xb3: {  	_ = 	snop  }
0xb4: {  	[tilespmem:s11], [sflag:$0x1] =	stream.indirect.gather [hbm4b:s5+s6], $0x10, s28, s6, $0xb8;
	[tilespmem:$0x5388] =	vst v63  }
0xb5: {  	_ = 	snop  }
0xb6: {  	[tilespmem:s12], [sflag:$0x1] =	stream.indirect.gather [hbm4b:s5+s6], $0x10, s29, s6, $0xb8;
	[tilespmem:$0x5388] =	vst v63  }
0xb7: {  	_ = 	snop  }
0xb8: {  	[tilespmem:s13], [sflag:$0x1] =	stream.indirect.gather [hbm4b:s5+s6], $0x10, s30, s6, $0xb8;
	[tilespmem:$0x5388] =	vst v63  }
0xb9: {  	_ = 	snop  }
0xba: {  	[tilespmem:s14], [sflag:$0x1] =	stream.indirect.gather [hbm4b:s5+s6], $0x10, s16, s6, $0xb8;
	[tilespmem:$0x5388] =	vst v63  }
0xbb: {  	_ =	swait.ge [sflag:s7], $0x800  }
0xbc: {  	[sflag:s7] =	ssyncset.done $0x0  }
0xbd: {  	[sflag:s7] =	ssyncadd.s32 $0xFFFFF800  }
0xbe: {  	_ =	swait.ge [sflag:s7], $0x800  }
0xbf: {  	[sflag:s7] =	ssyncset.done $0x0  }
0xc0: {  	[sflag:s7] =	ssyncadd.s32 $0xFFFFF800  }
0xc1: {  	_ =	swait.ge [sflag:s7], $0x800  }
0xc2: {  	[sflag:s7] =	ssyncset.done $0x0  }
0xc3: {  	[sflag:s7] =	ssyncadd.s32 $0xFFFFF800  }
0xc4: {  	_ =	swait.ge [sflag:s7], $0x800  }
0xc5: {  	[sflag:s7] =	ssyncset.done $0x0  }
0xc6: {  	[sflag:s7] =	ssyncadd.s32 $0xFFFFF800  }
0xc7: {  	_ =	swait.ge [sflag:s7], $0x800  }
0xc8: {  	[sflag:s7] =	ssyncset.done $0x0  }
0xc9: {  	[sflag:s7] =	ssyncadd.s32 $0xFFFFF800  }
0xca: {  	_ =	swait.ge [sflag:s7], $0x800  }
0xcb: {  	[sflag:s7] =	ssyncset.done $0x0  }
0xcc: {  	[sflag:s7] =	ssyncadd.s32 $0xFFFFF800  }
0xcd: {  	_ =	swait.ge [sflag:s7], $0x800  }
0xce: {  	[sflag:s7] =	ssyncset.done $0x0  }
0xcf: {  	[sflag:s7] =	ssyncadd.s32 $0xFFFFF800  }
0xd0: {  	_ =	swait.ge [sflag:s7], $0x800  }
0xd1: {  	[sflag:s7] =	ssyncset.done $0x0  }
0xd2: {  	s1 =	rddreg [dreg:$0x6];
	[sflag:s7] =	ssyncadd.s32 $0xFFFFF800  }
0xd3: {  	[hbm4b:s1+s2] =	stream.linear.scatter [tilespmem:s4], [sflag:$0x2], $0x4000, $0x38;
	[tilespmem:$0x5388] =	vst v63  }
0xd4: {  	_ =	swait.ge [sflag:s3], $0x4000  }
0xd5: {  	[sflag:s3] =	ssyncset.done $0x0  }
0xd6: {  	s1 =	simm.s32 $0x1000;
	[sflag:s3] =	ssyncadd.s32 $0xFFFFC000  }
0xd7: {  	[tilespmem:s4], [sflag:$0x1] =	stream.indirect.gather [hbm4b:s5+s6], $0x10, s1, s6, $0xb8;
	[tilespmem:$0x5388] =	vst v63  }
0xd8: {  	_ = 	snop  }
0xd9: {  	[tilespmem:s8], [sflag:$0x1] =	stream.indirect.gather [hbm4b:s5+s6], $0x10, s17, s6, $0xb8;
	[tilespmem:$0x5388] =	vst v63  }
0xda: {  	_ = 	snop  }
0xdb: {  	[tilespmem:s9], [sflag:$0x1] =	stream.indirect.gather [hbm4b:s5+s6], $0x10, s18, s6, $0xb8;
	[tilespmem:$0x5388] =	vst v63  }
0xdc: {  	_ = 	snop  }
0xdd: {  	[tilespmem:s10], [sflag:$0x1] =	stream.indirect.gather [hbm4b:s5+s6], $0x10, s19, s6, $0xb8;
	[tilespmem:$0x5388] =	vst v63  }
0xde: {  	_ = 	snop  }
0xdf: {  	[tilespmem:s11], [sflag:$0x1] =	stream.indirect.gather [hbm4b:s5+s6], $0x10, s20, s6, $0xb8;
	[tilespmem:$0x5388] =	vst v63  }
0xe0: {  	_ = 	snop  }
0xe1: {  	[tilespmem:s12], [sflag:$0x1] =	stream.indirect.gather [hbm4b:s5+s6], $0x10, s21, s6, $0xb8;
	[tilespmem:$0x5388] =	vst v63  }
0xe2: {  	_ = 	snop  }
0xe3: {  	[tilespmem:s13], [sflag:$0x1] =	stream.indirect.gather [hbm4b:s5+s6], $0x10, s22, s6, $0xb8;
	[tilespmem:$0x5388] =	vst v63  }
0xe4: {  	_ = 	snop  }
0xe5: {  	[tilespmem:s14], [sflag:$0x1] =	stream.indirect.gather [hbm4b:s5+s23], $0x10, s24, s23, $0xb8;
	[tilespmem:$0x5388] =	vst v63  }
0xe6: {  	_ =	swait.ge [sflag:s7], $0x800  }
0xe7: {  	[sflag:s7] =	ssyncset.done $0x0  }
0xe8: {  	[sflag:s7] =	ssyncadd.s32 $0xFFFFF800  }
0xe9: {  	_ =	swait.ge [sflag:s7], $0x800  }
0xea: {  	[sflag:s7] =	ssyncset.done $0x0  }
0xeb: {  	[sflag:s7] =	ssyncadd.s32 $0xFFFFF800  }
0xec: {  	_ =	swait.ge [sflag:s7], $0x800  }
0xed: {  	[sflag:s7] =	ssyncset.done $0x0  }
0xee: {  	[sflag:s7] =	ssyncadd.s32 $0xFFFFF800  }
0xef: {  	_ =	swait.ge [sflag:s7], $0x800  }
0xf0: {  	[sflag:s7] =	ssyncset.done $0x0  }
0xf1: {  	[sflag:s7] =	ssyncadd.s32 $0xFFFFF800  }
0xf2: {  	_ =	swait.ge [sflag:s7], $0x800  }
0xf3: {  	[sflag:s7] =	ssyncset.done $0x0  }
0xf4: {  	[sflag:s7] =	ssyncadd.s32 $0xFFFFF800  }
0xf5: {  	_ =	swait.ge [sflag:s7], $0x800  }
0xf6: {  	[sflag:s7] =	ssyncset.done $0x0  }
0xf7: {  	[sflag:s7] =	ssyncadd.s32 $0xFFFFF800  }
0xf8: {  	_ =	swait.ge [sflag:s7], $0x800  }
0xf9: {  	[sflag:s7] =	ssyncset.done $0x0  }
0xfa: {  	[sflag:s7] =	ssyncadd.s32 $0xFFFFF800  }
0xfb: {  	p1 =	sne.s32 s15, $0x1;
	_ =	swait.ge [sflag:s7], $0x80  }
.Ltmp1:
0xfc: {  	[sflag:s7] =	ssyncset.done $0x0;
	(pc) =	sbr.rel @!p1 .LBB2_3-.Ltmp1, $4  }
0xfd: {  	s1 =	rddreg [dreg:$0x3];
	[sflag:s7] =	ssyncadd.s32 $0xFFFFFF80  }
0xfe: {  	[hbm4b:s1+s2] =	stream.linear.scatter [tilespmem:s4], [sflag:$0x2], $0x3880, $0x38;
	[tilespmem:$0x5388] =	vst v63  }
0xff: {  	p0 =	por $0x1, $0x1;
	_ =	swait.ge [sflag:s3], $0x3880  }
0x100: {  	s1 =	sadd.s32 $0xFFFFFFFF, s15;
	s0 =	rddreg [dreg:$0x2];
	[sflag:s3] =	ssyncset.done $0x0  }
.LBB2_4:
0x101: {  	[sflag:s3] =	ssyncadd.s32 $0xFFFFC780  }
0x102: {  	[tilespmem:s2], [sflag:$0x2] =	stream.linear.gather [hbm4b:s0+s2], $0x1388, $0x38;
	[tilespmem:$0x5388] =	vst v63  }
0x103: {  	_ =	swait.ge [sflag:s3], $0x1388  }
0x104: {  	[sflag:s3] =	ssyncset.done $0x0  }
0x105: {  	[sflag:s3] =	ssyncadd.s32 $0xFFFFEC78  }
0x106: {  	[tilespmem:s4], [sflag:$0x1] =	stream.indirect.gather [hbm4b:s5+s6], $0x10, s2, s6, $0xb8;
	[tilespmem:$0x5388] =	vst v63  }
0x107: {  	_ = 	snop  }
0x108: {  	[tilespmem:s8], [sflag:$0x1] =	stream.indirect.gather [hbm4b:s5+s6], $0x10, s6, s6, $0xb8;
	[tilespmem:$0x5388] =	vst v63  }
0x109: {  	s0 =	rddreg [dreg:$0x7]  }
0x10a: {  	[tilespmem:s9], [sflag:$0x1] =	stream.indirect.gather [hbm4b:s5+s6], $0x10, s0, s6, $0xb8;
	[tilespmem:$0x5388] =	vst v63  }
0x10b: {  	s15 =	rddreg [dreg:$0x8]  }
0x10c: {  	[tilespmem:s10], [sflag:$0x1] =	stream.indirect.gather [hbm4b:s5+s6], $0x10, s15, s6, $0xb8;
	[tilespmem:$0x5388] =	vst v63  }
0x10d: {  	s0 =	rddreg [dreg:$0x9]  }
0x10e: {  	[tilespmem:s11], [sflag:$0x1] =	stream.indirect.gather [hbm4b:s5+s6], $0x10, s0, s6, $0xb8;
	[tilespmem:$0x5388] =	vst v63  }
0x10f: {  	s15 =	rddreg [dreg:$0xa]  }
0x110: {  	[tilespmem:s12], [sflag:$0x1] =	stream.indirect.gather [hbm4b:s5+s6], $0x10, s15, s6, $0xb8;
	[tilespmem:$0x5388] =	vst v63  }
0x111: {  	s0 =	rddreg [dreg:$0xb]  }
0x112: {  	[tilespmem:s13], [sflag:$0x1] =	stream.indirect.gather [hbm4b:s5+s6], $0x10, s0, s6, $0xb8;
	[tilespmem:$0x5388] =	vst v63  }
0x113: {  	s15 =	rddreg [dreg:$0xc]  }
0x114: {  	[tilespmem:s14], [sflag:$0x1] =	stream.indirect.gather [hbm4b:s5+s6], $0x10, s15, s6, $0xb8;
	[tilespmem:$0x5388] =	vst v63  }
0x115: {  	_ =	swait.ge [sflag:s7], $0x800  }
0x116: {  	[sflag:s7] =	ssyncset.done $0x0  }
0x117: {  	[sflag:s7] =	ssyncadd.s32 $0xFFFFF800  }
0x118: {  	_ =	swait.ge [sflag:s7], $0x800  }
0x119: {  	[sflag:s7] =	ssyncset.done $0x0  }
0x11a: {  	[sflag:s7] =	ssyncadd.s32 $0xFFFFF800  }
0x11b: {  	_ =	swait.ge [sflag:s7], $0x800  }
0x11c: {  	[sflag:s7] =	ssyncset.done $0x0  }
0x11d: {  	[sflag:s7] =	ssyncadd.s32 $0xFFFFF800  }
0x11e: {  	_ =	swait.ge [sflag:s7], $0x800  }
0x11f: {  	[sflag:s7] =	ssyncset.done $0x0  }
0x120: {  	[sflag:s7] =	ssyncadd.s32 $0xFFFFF800  }
0x121: {  	_ =	swait.ge [sflag:s7], $0x800  }
0x122: {  	[sflag:s7] =	ssyncset.done $0x0  }
0x123: {  	[sflag:s7] =	ssyncadd.s32 $0xFFFFF800  }
0x124: {  	_ =	swait.ge [sflag:s7], $0x800  }
0x125: {  	[sflag:s7] =	ssyncset.done $0x0  }
0x126: {  	[sflag:s7] =	ssyncadd.s32 $0xFFFFF800  }
0x127: {  	_ =	swait.ge [sflag:s7], $0x800  }
0x128: {  	[sflag:s7] =	ssyncset.done $0x0  }
0x129: {  	[sflag:s7] =	ssyncadd.s32 $0xFFFFF800  }
0x12a: {  	_ =	swait.ge [sflag:s7], $0x800  }
0x12b: {  	[sflag:s7] =	ssyncset.done $0x0  }
0x12c: {  	[sflag:s7] =	ssyncadd.s32 $0xFFFFF800  }
0x12d: {  	[hbm4b:s31+s2] =	stream.linear.scatter [tilespmem:s4], [sflag:$0x2], $0x4000, $0x38;
	[tilespmem:$0x5388] =	vst v63  }
0x12e: {  	_ =	swait.ge [sflag:s3], $0x4000  }
0x12f: {  	[sflag:s3] =	ssyncset.done $0x0  }
0x130: {  	s0 =	rddreg [dreg:$0xd];
	[sflag:s3] =	ssyncadd.s32 $0xFFFFC000  }
0x131: {  	[tilespmem:s4], [sflag:$0x1] =	stream.indirect.gather [hbm4b:s5+s6], $0x10, s0, s6, $0xb8;
	[tilespmem:$0x5388] =	vst v63  }
0x132: {  	s15 =	rddreg [dreg:$0xe]  }
0x133: {  	[tilespmem:s8], [sflag:$0x1] =	stream.indirect.gather [hbm4b:s5+s6], $0x10, s15, s6, $0xb8;
	[tilespmem:$0x5388] =	vst v63  }
0x134: {  	s0 =	rddreg [dreg:$0xf]  }
0x135: {  	[tilespmem:s9], [sflag:$0x1] =	stream.indirect.gather [hbm4b:s5+s6], $0x10, s0, s6, $0xb8;
	[tilespmem:$0x5388] =	vst v63  }
0x136: {  	s15 =	rddreg [dreg:$0x10]  }
0x137: {  	[tilespmem:s10], [sflag:$0x1] =	stream.indirect.gather [hbm4b:s5+s6], $0x10, s15, s6, $0xb8;
	[tilespmem:$0x5388] =	vst v63  }
0x138: {  	s0 =	rddreg [dreg:$0x11]  }
0x139: {  	[tilespmem:s11], [sflag:$0x1] =	stream.indirect.gather [hbm4b:s5+s6], $0x10, s0, s6, $0xb8;
	[tilespmem:$0x5388] =	vst v63  }
0x13a: {  	s15 =	rddreg [dreg:$0x12]  }
0x13b: {  	[tilespmem:s12], [sflag:$0x1] =	stream.indirect.gather [hbm4b:s5+s6], $0x10, s15, s6, $0xb8;
	[tilespmem:$0x5388] =	vst v63  }
0x13c: {  	s0 =	rddreg [dreg:$0x13]  }
0x13d: {  	[tilespmem:s13], [sflag:$0x1] =	stream.indirect.gather [hbm4b:s5+s6], $0x10, s0, s6, $0xb8;
	[tilespmem:$0x5388] =	vst v63  }
0x13e: {  	s15 =	rddreg [dreg:$0x14]  }
0x13f: {  	[tilespmem:s14], [sflag:$0x1] =	stream.indirect.gather [hbm4b:s5+s6], $0x10, s15, s6, $0xb8;
	[tilespmem:$0x5388] =	vst v63  }
0x140: {  	_ =	swait.ge [sflag:s7], $0x800  }
0x141: {  	[sflag:s7] =	ssyncset.done $0x0  }
0x142: {  	[sflag:s7] =	ssyncadd.s32 $0xFFFFF800  }
0x143: {  	_ =	swait.ge [sflag:s7], $0x800  }
0x144: {  	[sflag:s7] =	ssyncset.done $0x0  }
0x145: {  	[sflag:s7] =	ssyncadd.s32 $0xFFFFF800  }
0x146: {  	_ =	swait.ge [sflag:s7], $0x800  }
0x147: {  	[sflag:s7] =	ssyncset.done $0x0  }
0x148: {  	[sflag:s7] =	ssyncadd.s32 $0xFFFFF800  }
0x149: {  	_ =	swait.ge [sflag:s7], $0x800  }
0x14a: {  	[sflag:s7] =	ssyncset.done $0x0  }
0x14b: {  	[sflag:s7] =	ssyncadd.s32 $0xFFFFF800  }
0x14c: {  	_ =	swait.ge [sflag:s7], $0x800  }
0x14d: {  	[sflag:s7] =	ssyncset.done $0x0  }
0x14e: {  	[sflag:s7] =	ssyncadd.s32 $0xFFFFF800  }
0x14f: {  	_ =	swait.ge [sflag:s7], $0x800  }
0x150: {  	[sflag:s7] =	ssyncset.done $0x0  }
0x151: {  	[sflag:s7] =	ssyncadd.s32 $0xFFFFF800  }
0x152: {  	_ =	swait.ge [sflag:s7], $0x800  }
0x153: {  	[sflag:s7] =	ssyncset.done $0x0  }
0x154: {  	[sflag:s7] =	ssyncadd.s32 $0xFFFFF800  }
0x155: {  	_ =	swait.ge [sflag:s7], $0x800  }
0x156: {  	[sflag:s7] =	ssyncset.done $0x0  }
0x157: {  	s15 =	rddreg [dreg:$0x4];
	[sflag:s7] =	ssyncadd.s32 $0xFFFFF800  }
0x158: {  	[hbm4b:s15+s2] =	stream.linear.scatter [tilespmem:s4], [sflag:$0x2], $0x4000, $0x38;
	[tilespmem:$0x5388] =	vst v63  }
0x159: {  	_ =	swait.ge [sflag:s3], $0x4000  }
0x15a: {  	[sflag:s3] =	ssyncset.done $0x0  }
0x15b: {  	s0 =	rddreg [dreg:$0x15];
	[sflag:s3] =	ssyncadd.s32 $0xFFFFC000  }
0x15c: {  	[tilespmem:s4], [sflag:$0x1] =	stream.indirect.gather [hbm4b:s5+s6], $0x10, s0, s6, $0xb8;
	[tilespmem:$0x5388] =	vst v63  }
0x15d: {  	s15 =	rddreg [dreg:$0x16]  }
0x15e: {  	[tilespmem:s8], [sflag:$0x1] =	stream.indirect.gather [hbm4b:s5+s6], $0x10, s15, s6, $0xb8;
	[tilespmem:$0x5388] =	vst v63  }
0x15f: {  	s0 =	rddreg [dreg:$0x17]  }
0x160: {  	[tilespmem:s9], [sflag:$0x1] =	stream.indirect.gather [hbm4b:s5+s6], $0x10, s0, s6, $0xb8;
	[tilespmem:$0x5388] =	vst v63  }
0x161: {  	s15 =	rddreg [dreg:$0x18]  }
0x162: {  	[tilespmem:s10], [sflag:$0x1] =	stream.indirect.gather [hbm4b:s5+s6], $0x10, s15, s6, $0xb8;
	[tilespmem:$0x5388] =	vst v63  }
0x163: {  	s0 =	rddreg [dreg:$0x19]  }
0x164: {  	[tilespmem:s11], [sflag:$0x1] =	stream.indirect.gather [hbm4b:s5+s6], $0x10, s0, s6, $0xb8;
	[tilespmem:$0x5388] =	vst v63  }
0x165: {  	s15 =	rddreg [dreg:$0x1a]  }
0x166: {  	[tilespmem:s12], [sflag:$0x1] =	stream.indirect.gather [hbm4b:s5+s6], $0x10, s15, s6, $0xb8;
	[tilespmem:$0x5388] =	vst v63  }
0x167: {  	s0 =	rddreg [dreg:$0x1b]  }
0x168: {  	[tilespmem:s13], [sflag:$0x1] =	stream.indirect.gather [hbm4b:s5+s6], $0x10, s0, s6, $0xb8;
	[tilespmem:$0x5388] =	vst v63  }
0x169: {  	s15 =	rddreg [dreg:$0x1c]  }
0x16a: {  	[tilespmem:s14], [sflag:$0x1] =	stream.indirect.gather [hbm4b:s5+s6], $0x10, s15, s6, $0xb8;
	[tilespmem:$0x5388] =	vst v63  }
0x16b: {  	_ =	swait.ge [sflag:s7], $0x800  }
0x16c: {  	[sflag:s7] =	ssyncset.done $0x0  }
0x16d: {  	[sflag:s7] =	ssyncadd.s32 $0xFFFFF800  }
0x16e: {  	_ =	swait.ge [sflag:s7], $0x800  }
0x16f: {  	[sflag:s7] =	ssyncset.done $0x0  }
0x170: {  	[sflag:s7] =	ssyncadd.s32 $0xFFFFF800  }
0x171: {  	_ =	swait.ge [sflag:s7], $0x800  }
0x172: {  	[sflag:s7] =	ssyncset.done $0x0  }
0x173: {  	[sflag:s7] =	ssyncadd.s32 $0xFFFFF800  }
0x174: {  	_ =	swait.ge [sflag:s7], $0x800  }
0x175: {  	[sflag:s7] =	ssyncset.done $0x0  }
0x176: {  	[sflag:s7] =	ssyncadd.s32 $0xFFFFF800  }
0x177: {  	_ =	swait.ge [sflag:s7], $0x800  }
0x178: {  	[sflag:s7] =	ssyncset.done $0x0  }
0x179: {  	[sflag:s7] =	ssyncadd.s32 $0xFFFFF800  }
0x17a: {  	_ =	swait.ge [sflag:s7], $0x800  }
0x17b: {  	[sflag:s7] =	ssyncset.done $0x0  }
0x17c: {  	[sflag:s7] =	ssyncadd.s32 $0xFFFFF800  }
0x17d: {  	_ =	swait.ge [sflag:s7], $0x800  }
0x17e: {  	[sflag:s7] =	ssyncset.done $0x0  }
0x17f: {  	[sflag:s7] =	ssyncadd.s32 $0xFFFFF800  }
0x180: {  	_ =	swait.ge [sflag:s7], $0x800  }
0x181: {  	[sflag:s7] =	ssyncset.done $0x0  }
0x182: {  	s15 =	rddreg [dreg:$0x5];
	[sflag:s7] =	ssyncadd.s32 $0xFFFFF800  }
0x183: {  	[hbm4b:s15+s2] =	stream.linear.scatter [tilespmem:s4], [sflag:$0x2], $0x4000, $0x38;
	[tilespmem:$0x5388] =	vst v63  }
0x184: {  	_ =	swait.ge [sflag:s3], $0x4000  }
0x185: {  	[sflag:s3] =	ssyncset.done $0x0  }
0x186: {  	s0 =	rddreg [dreg:$0x1d];
	[sflag:s3] =	ssyncadd.s32 $0xFFFFC000  }
0x187: {  	[tilespmem:s4], [sflag:$0x1] =	stream.indirect.gather [hbm4b:s5+s6], $0x10, s0, s6, $0xb8;
	[tilespmem:$0x5388] =	vst v63  }
0x188: {  	s15 =	rddreg [dreg:$0x1e]  }
0x189: {  	[tilespmem:s8], [sflag:$0x1] =	stream.indirect.gather [hbm4b:s5+s6], $0x10, s15, s6, $0xb8;
	[tilespmem:$0x5388] =	vst v63  }
0x18a: {  	_ = 	snop  }
0x18b: {  	[tilespmem:s9], [sflag:$0x1] =	stream.indirect.gather [hbm4b:s5+s6], $0x10, s25, s6, $0xb8;
	[tilespmem:$0x5388] =	vst v63  }
0x18c: {  	_ = 	snop  }
0x18d: {  	[tilespmem:s10], [sflag:$0x1] =	stream.indirect.gather [hbm4b:s5+s6], $0x10, s26, s6, $0xb8;
	[tilespmem:$0x5388] =	vst v63  }
0x18e: {  	_ = 	snop  }
0x18f: {  	[tilespmem:s11], [sflag:$0x1] =	stream.indirect.gather [hbm4b:s5+s6], $0x10, s28, s6, $0xb8;
	[tilespmem:$0x5388] =	vst v63  }
0x190: {  	_ = 	snop  }
0x191: {  	[tilespmem:s12], [sflag:$0x1] =	stream.indirect.gather [hbm4b:s5+s6], $0x10, s29, s6, $0xb8;
	[tilespmem:$0x5388] =	vst v63  }
0x192: {  	_ = 	snop  }
0x193: {  	[tilespmem:s13], [sflag:$0x1] =	stream.indirect.gather [hbm4b:s5+s6], $0x10, s30, s6, $0xb8;
	[tilespmem:$0x5388] =	vst v63  }
0x194: {  	_ = 	snop  }
0x195: {  	[tilespmem:s14], [sflag:$0x1] =	stream.indirect.gather [hbm4b:s5+s6], $0x10, s16, s6, $0xb8;
	[tilespmem:$0x5388] =	vst v63  }
0x196: {  	_ =	swait.ge [sflag:s7], $0x800  }
0x197: {  	[sflag:s7] =	ssyncset.done $0x0  }
0x198: {  	[sflag:s7] =	ssyncadd.s32 $0xFFFFF800  }
0x199: {  	_ =	swait.ge [sflag:s7], $0x800  }
0x19a: {  	[sflag:s7] =	ssyncset.done $0x0  }
0x19b: {  	[sflag:s7] =	ssyncadd.s32 $0xFFFFF800  }
0x19c: {  	_ =	swait.ge [sflag:s7], $0x800  }
0x19d: {  	[sflag:s7] =	ssyncset.done $0x0  }
0x19e: {  	[sflag:s7] =	ssyncadd.s32 $0xFFFFF800  }
0x19f: {  	_ =	swait.ge [sflag:s7], $0x800  }
0x1a0: {  	[sflag:s7] =	ssyncset.done $0x0  }
0x1a1: {  	[sflag:s7] =	ssyncadd.s32 $0xFFFFF800  }
0x1a2: {  	_ =	swait.ge [sflag:s7], $0x800  }
0x1a3: {  	[sflag:s7] =	ssyncset.done $0x0  }
0x1a4: {  	[sflag:s7] =	ssyncadd.s32 $0xFFFFF800  }
0x1a5: {  	_ =	swait.ge [sflag:s7], $0x800  }
0x1a6: {  	[sflag:s7] =	ssyncset.done $0x0  }
0x1a7: {  	[sflag:s7] =	ssyncadd.s32 $0xFFFFF800  }
0x1a8: {  	_ =	swait.ge [sflag:s7], $0x800  }
0x1a9: {  	[sflag:s7] =	ssyncset.done $0x0  }
0x1aa: {  	[sflag:s7] =	ssyncadd.s32 $0xFFFFF800  }
0x1ab: {  	_ =	swait.ge [sflag:s7], $0x800  }
0x1ac: {  	[sflag:s7] =	ssyncset.done $0x0  }
0x1ad: {  	s15 =	rddreg [dreg:$0x6];
	[sflag:s7] =	ssyncadd.s32 $0xFFFFF800  }
0x1ae: {  	[hbm4b:s15+s2] =	stream.linear.scatter [tilespmem:s4], [sflag:$0x2], $0x4000, $0x38;
	[tilespmem:$0x5388] =	vst v63  }
0x1af: {  	_ =	swait.ge [sflag:s3], $0x4000  }
0x1b0: {  	[sflag:s3] =	ssyncset.done $0x0  }
0x1b1: {  	s15 =	simm.s32 $0x1000;
	[sflag:s3] =	ssyncadd.s32 $0xFFFFC000  }
0x1b2: {  	[tilespmem:s4], [sflag:$0x1] =	stream.indirect.gather [hbm4b:s5+s6], $0x10, s15, s6, $0xb8;
	[tilespmem:$0x5388] =	vst v63  }
0x1b3: {  	_ = 	snop  }
0x1b4: {  	[tilespmem:s8], [sflag:$0x1] =	stream.indirect.gather [hbm4b:s5+s6], $0x10, s17, s6, $0xb8;
	[tilespmem:$0x5388] =	vst v63  }
0x1b5: {  	_ = 	snop  }
0x1b6: {  	[tilespmem:s9], [sflag:$0x1] =	stream.indirect.gather [hbm4b:s5+s6], $0x10, s18, s6, $0xb8;
	[tilespmem:$0x5388] =	vst v63  }
0x1b7: {  	_ = 	snop  }
0x1b8: {  	[tilespmem:s10], [sflag:$0x1] =	stream.indirect.gather [hbm4b:s5+s6], $0x10, s19, s6, $0xb8;
	[tilespmem:$0x5388] =	vst v63  }
0x1b9: {  	_ = 	snop  }
0x1ba: {  	[tilespmem:s11], [sflag:$0x1] =	stream.indirect.gather [hbm4b:s5+s6], $0x10, s20, s6, $0xb8;
	[tilespmem:$0x5388] =	vst v63  }
0x1bb: {  	_ = 	snop  }
0x1bc: {  	[tilespmem:s12], [sflag:$0x1] =	stream.indirect.gather [hbm4b:s5+s6], $0x10, s21, s6, $0xb8;
	[tilespmem:$0x5388] =	vst v63  }
0x1bd: {  	_ = 	snop  }
0x1be: {  	[tilespmem:s13], [sflag:$0x1] =	stream.indirect.gather [hbm4b:s5+s6], $0x10, s22, s6, $0xb8;
	[tilespmem:$0x5388] =	vst v63  }
0x1bf: {  	_ = 	snop  }
0x1c0: {  	[tilespmem:s14], [sflag:$0x1] =	stream.indirect.gather [hbm4b:s5+s23], $0x10, s24, s23, $0xb8;
	[tilespmem:$0x5388] =	vst v63  }
0x1c1: {  	_ =	swait.ge [sflag:s7], $0x800  }
0x1c2: {  	[sflag:s7] =	ssyncset.done $0x0  }
0x1c3: {  	[sflag:s7] =	ssyncadd.s32 $0xFFFFF800  }
0x1c4: {  	_ =	swait.ge [sflag:s7], $0x800  }
0x1c5: {  	[sflag:s7] =	ssyncset.done $0x0  }
0x1c6: {  	[sflag:s7] =	ssyncadd.s32 $0xFFFFF800  }
0x1c7: {  	_ =	swait.ge [sflag:s7], $0x800  }
0x1c8: {  	[sflag:s7] =	ssyncset.done $0x0  }
0x1c9: {  	[sflag:s7] =	ssyncadd.s32 $0xFFFFF800  }
0x1ca: {  	_ =	swait.ge [sflag:s7], $0x800  }
0x1cb: {  	[sflag:s7] =	ssyncset.done $0x0  }
0x1cc: {  	[sflag:s7] =	ssyncadd.s32 $0xFFFFF800  }
0x1cd: {  	_ =	swait.ge [sflag:s7], $0x800  }
0x1ce: {  	[sflag:s7] =	ssyncset.done $0x0  }
0x1cf: {  	[sflag:s7] =	ssyncadd.s32 $0xFFFFF800  }
0x1d0: {  	_ =	swait.ge [sflag:s7], $0x800  }
0x1d1: {  	[sflag:s7] =	ssyncset.done $0x0  }
0x1d2: {  	[sflag:s7] =	ssyncadd.s32 $0xFFFFF800  }
0x1d3: {  	_ =	swait.ge [sflag:s7], $0x800  }
0x1d4: {  	[sflag:s7] =	ssyncset.done $0x0  }
0x1d5: {  	[sflag:s7] =	ssyncadd.s32 $0xFFFFF800  }
0x1d6: {  	p1 =	sne.s32 s1, $0x1;
	_ =	swait.ge [sflag:s7], $0x80  }
.Ltmp2:
0x1d7: {  	[sflag:s7] =	ssyncset.done $0x0;
	(pc) =	sbr.rel @p1 .LBB2_4-.Ltmp2, $4  }
0x1d8: {  	s15 =	rddreg [dreg:$0x3];
	[sflag:s7] =	ssyncadd.s32 $0xFFFFFF80  }
0x1d9: {  	[hbm4b:s15+s2] =	stream.linear.scatter [tilespmem:s4], [sflag:$0x2], $0x3880, $0x38;
	[tilespmem:$0x5388] =	vst v63  }
0x1da: {  	_ =	swait.ge [sflag:s3], $0x3880  }
0x1db: {  	s1 =	sadd.s32 $0xFFFFFFFF, s1;
	s0 =	rddreg [dreg:$0x2];
	[sflag:s3] =	ssyncset.done $0x0  }
0x1dc: {  	s24 =	simm.s32 $0xF80;
	s30 =	simm.s32 $0xF00;
	s29 =	simm.s32 $0xE80  }
0x1dd: {  	s28 =	simm.s32 $0xE00;
	s26 =	simm.s32 $0xD80;
	s25 =	simm.s32 $0xD00  }
0x1de: {  	s23 =	simm.s32 $0x8;
	s22 =	simm.s32 $0x1300;
	s21 =	simm.s32 $0x1280  }
0x1df: {  	s20 =	simm.s32 $0x1200;
	s19 =	simm.s32 $0x1180;
	s18 =	simm.s32 $0x1100  }
0x1e0: {  	s17 =	simm.s32 $0x1080;
	s16 =	simm.s32 $0x1000;
	s15 =	stileid.u32  }
.LBB2_6:
0x1e1: {  	[sflag:s3] =	ssyncadd.s32 @p0 $0xFFFFC780  }
0x1e2: {  	[tilespmem:s2], [sflag:$0x2] =	stream.linear.gather [hbm4b:s0+s2], $0x1388, $0x38;
	[tilespmem:$0x5388] =	vst v63  }
0x1e3: {  	_ =	swait.ge [sflag:s3], $0x1388  }
0x1e4: {  	[sflag:s3] =	ssyncset.done $0x0  }
0x1e5: {  	[sflag:s3] =	ssyncadd.s32 $0xFFFFEC78  }
0x1e6: {  	[tilespmem:s4], [sflag:$0x1] =	stream.indirect.gather [hbm4b:s5+s6], $0x10, s2, s6, $0xb8;
	[tilespmem:$0x5388] =	vst v63  }
0x1e7: {  	_ = 	snop  }
0x1e8: {  	[tilespmem:s8], [sflag:$0x1] =	stream.indirect.gather [hbm4b:s5+s6], $0x10, s6, s6, $0xb8;
	[tilespmem:$0x5388] =	vst v63  }
0x1e9: {  	s0 =	rddreg [dreg:$0x7]  }
0x1ea: {  	[tilespmem:s9], [sflag:$0x1] =	stream.indirect.gather [hbm4b:s5+s6], $0x10, s0, s6, $0xb8;
	[tilespmem:$0x5388] =	vst v63  }
0x1eb: {  	s1 =	rddreg [dreg:$0x8]  }
0x1ec: {  	[tilespmem:s10], [sflag:$0x1] =	stream.indirect.gather [hbm4b:s5+s6], $0x10, s1, s6, $0xb8;
	[tilespmem:$0x5388] =	vst v63  }
0x1ed: {  	s0 =	rddreg [dreg:$0x9]  }
0x1ee: {  	[tilespmem:s11], [sflag:$0x1] =	stream.indirect.gather [hbm4b:s5+s6], $0x10, s0, s6, $0xb8;
	[tilespmem:$0x5388] =	vst v63  }
0x1ef: {  	s1 =	rddreg [dreg:$0xa]  }
0x1f0: {  	[tilespmem:s12], [sflag:$0x1] =	stream.indirect.gather [hbm4b:s5+s6], $0x10, s1, s6, $0xb8;
	[tilespmem:$0x5388] =	vst v63  }
0x1f1: {  	s0 =	rddreg [dreg:$0xb]  }
0x1f2: {  	[tilespmem:s13], [sflag:$0x1] =	stream.indirect.gather [hbm4b:s5+s6], $0x10, s0, s6, $0xb8;
	[tilespmem:$0x5388] =	vst v63  }
0x1f3: {  	s1 =	rddreg [dreg:$0xc]  }
0x1f4: {  	[tilespmem:s14], [sflag:$0x1] =	stream.indirect.gather [hbm4b:s5+s6], $0x10, s1, s6, $0xb8;
	[tilespmem:$0x5388] =	vst v63  }
0x1f5: {  	_ =	swait.ge [sflag:s7], $0x800  }
0x1f6: {  	[sflag:s7] =	ssyncset.done $0x0  }
0x1f7: {  	[sflag:s7] =	ssyncadd.s32 $0xFFFFF800  }
0x1f8: {  	_ =	swait.ge [sflag:s7], $0x800  }
0x1f9: {  	[sflag:s7] =	ssyncset.done $0x0  }
0x1fa: {  	[sflag:s7] =	ssyncadd.s32 $0xFFFFF800  }
0x1fb: {  	_ =	swait.ge [sflag:s7], $0x800  }
0x1fc: {  	[sflag:s7] =	ssyncset.done $0x0  }
0x1fd: {  	[sflag:s7] =	ssyncadd.s32 $0xFFFFF800  }
0x1fe: {  	_ =	swait.ge [sflag:s7], $0x800  }
0x1ff: {  	[sflag:s7] =	ssyncset.done $0x0  }
0x200: {  	[sflag:s7] =	ssyncadd.s32 $0xFFFFF800  }
0x201: {  	_ =	swait.ge [sflag:s7], $0x800  }
0x202: {  	[sflag:s7] =	ssyncset.done $0x0  }
0x203: {  	[sflag:s7] =	ssyncadd.s32 $0xFFFFF800  }
0x204: {  	_ =	swait.ge [sflag:s7], $0x800  }
0x205: {  	[sflag:s7] =	ssyncset.done $0x0  }
0x206: {  	[sflag:s7] =	ssyncadd.s32 $0xFFFFF800  }
0x207: {  	_ =	swait.ge [sflag:s7], $0x800  }
0x208: {  	[sflag:s7] =	ssyncset.done $0x0  }
0x209: {  	[sflag:s7] =	ssyncadd.s32 $0xFFFFF800  }
0x20a: {  	_ =	swait.ge [sflag:s7], $0x800  }
0x20b: {  	[sflag:s7] =	ssyncset.done $0x0  }
0x20c: {  	[sflag:s7] =	ssyncadd.s32 $0xFFFFF800  }
0x20d: {  	[hbm4b:s31+s2] =	stream.linear.scatter [tilespmem:s4], [sflag:$0x2], $0x4000, $0x38;
	[tilespmem:$0x5388] =	vst v63  }
0x20e: {  	_ =	swait.ge [sflag:s3], $0x4000  }
0x20f: {  	[sflag:s3] =	ssyncset.done $0x0  }
0x210: {  	s1 =	rddreg [dreg:$0xd];
	[sflag:s3] =	ssyncadd.s32 $0xFFFFC000  }
0x211: {  	[tilespmem:s4], [sflag:$0x1] =	stream.indirect.gather [hbm4b:s5+s6], $0x10, s1, s6, $0xb8;
	[tilespmem:$0x5388] =	vst v63  }
0x212: {  	s31 =	rddreg [dreg:$0xe]  }
0x213: {  	[tilespmem:s8], [sflag:$0x1] =	stream.indirect.gather [hbm4b:s5+s6], $0x10, s31, s6, $0xb8;
	[tilespmem:$0x5388] =	vst v63  }
0x214: {  	s0 =	rddreg [dreg:$0xf]  }
0x215: {  	[tilespmem:s9], [sflag:$0x1] =	stream.indirect.gather [hbm4b:s5+s6], $0x10, s0, s6, $0xb8;
	[tilespmem:$0x5388] =	vst v63  }
0x216: {  	s31 =	rddreg [dreg:$0x10]  }
0x217: {  	[tilespmem:s10], [sflag:$0x1] =	stream.indirect.gather [hbm4b:s5+s6], $0x10, s31, s6, $0xb8;
	[tilespmem:$0x5388] =	vst v63  }
0x218: {  	s0 =	rddreg [dreg:$0x11]  }
0x219: {  	[tilespmem:s11], [sflag:$0x1] =	stream.indirect.gather [hbm4b:s5+s6], $0x10, s0, s6, $0xb8;
	[tilespmem:$0x5388] =	vst v63  }
0x21a: {  	s31 =	rddreg [dreg:$0x12]  }
0x21b: {  	[tilespmem:s12], [sflag:$0x1] =	stream.indirect.gather [hbm4b:s5+s6], $0x10, s31, s6, $0xb8;
	[tilespmem:$0x5388] =	vst v63  }
0x21c: {  	s0 =	rddreg [dreg:$0x13]  }
0x21d: {  	[tilespmem:s13], [sflag:$0x1] =	stream.indirect.gather [hbm4b:s5+s6], $0x10, s0, s6, $0xb8;
	[tilespmem:$0x5388] =	vst v63  }
0x21e: {  	s31 =	rddreg [dreg:$0x14]  }
0x21f: {  	[tilespmem:s14], [sflag:$0x1] =	stream.indirect.gather [hbm4b:s5+s6], $0x10, s31, s6, $0xb8;
	[tilespmem:$0x5388] =	vst v63  }
0x220: {  	_ =	swait.ge [sflag:s7], $0x800  }
0x221: {  	[sflag:s7] =	ssyncset.done $0x0  }
0x222: {  	[sflag:s7] =	ssyncadd.s32 $0xFFFFF800  }
0x223: {  	_ =	swait.ge [sflag:s7], $0x800  }
0x224: {  	[sflag:s7] =	ssyncset.done $0x0  }
0x225: {  	[sflag:s7] =	ssyncadd.s32 $0xFFFFF800  }
0x226: {  	_ =	swait.ge [sflag:s7], $0x800  }
0x227: {  	[sflag:s7] =	ssyncset.done $0x0  }
0x228: {  	[sflag:s7] =	ssyncadd.s32 $0xFFFFF800  }
0x229: {  	_ =	swait.ge [sflag:s7], $0x800  }
0x22a: {  	[sflag:s7] =	ssyncset.done $0x0  }
0x22b: {  	[sflag:s7] =	ssyncadd.s32 $0xFFFFF800  }
0x22c: {  	_ =	swait.ge [sflag:s7], $0x800  }
0x22d: {  	[sflag:s7] =	ssyncset.done $0x0  }
0x22e: {  	[sflag:s7] =	ssyncadd.s32 $0xFFFFF800  }
0x22f: {  	_ =	swait.ge [sflag:s7], $0x800  }
0x230: {  	[sflag:s7] =	ssyncset.done $0x0  }
0x231: {  	[sflag:s7] =	ssyncadd.s32 $0xFFFFF800  }
0x232: {  	_ =	swait.ge [sflag:s7], $0x800  }
0x233: {  	[sflag:s7] =	ssyncset.done $0x0  }
0x234: {  	[sflag:s7] =	ssyncadd.s32 $0xFFFFF800  }
0x235: {  	_ =	swait.ge [sflag:s7], $0x800  }
0x236: {  	[sflag:s7] =	ssyncset.done $0x0  }
0x237: {  	s31 =	rddreg [dreg:$0x4];
	[sflag:s7] =	ssyncadd.s32 $0xFFFFF800  }
0x238: {  	[hbm4b:s31+s2] =	stream.linear.scatter [tilespmem:s4], [sflag:$0x2], $0x4000, $0x38;
	[tilespmem:$0x5388] =	vst v63  }
0x239: {  	_ =	swait.ge [sflag:s3], $0x4000  }
0x23a: {  	[sflag:s3] =	ssyncset.done $0x0  }
0x23b: {  	s1 =	rddreg [dreg:$0x15];
	[sflag:s3] =	ssyncadd.s32 $0xFFFFC000  }
0x23c: {  	[tilespmem:s4], [sflag:$0x1] =	stream.indirect.gather [hbm4b:s5+s6], $0x10, s1, s6, $0xb8;
	[tilespmem:$0x5388] =	vst v63  }
0x23d: {  	s31 =	rddreg [dreg:$0x16]  }
0x23e: {  	[tilespmem:s8], [sflag:$0x1] =	stream.indirect.gather [hbm4b:s5+s6], $0x10, s31, s6, $0xb8;
	[tilespmem:$0x5388] =	vst v63  }
0x23f: {  	s0 =	rddreg [dreg:$0x17]  }
0x240: {  	[tilespmem:s9], [sflag:$0x1] =	stream.indirect.gather [hbm4b:s5+s6], $0x10, s0, s6, $0xb8;
	[tilespmem:$0x5388] =	vst v63  }
0x241: {  	s31 =	rddreg [dreg:$0x18]  }
0x242: {  	[tilespmem:s10], [sflag:$0x1] =	stream.indirect.gather [hbm4b:s5+s6], $0x10, s31, s6, $0xb8;
	[tilespmem:$0x5388] =	vst v63  }
0x243: {  	s0 =	rddreg [dreg:$0x19]  }
0x244: {  	[tilespmem:s11], [sflag:$0x1] =	stream.indirect.gather [hbm4b:s5+s6], $0x10, s0, s6, $0xb8;
	[tilespmem:$0x5388] =	vst v63  }
0x245: {  	s31 =	rddreg [dreg:$0x1a]  }
0x246: {  	[tilespmem:s12], [sflag:$0x1] =	stream.indirect.gather [hbm4b:s5+s6], $0x10, s31, s6, $0xb8;
	[tilespmem:$0x5388] =	vst v63  }
0x247: {  	s0 =	rddreg [dreg:$0x1b]  }
0x248: {  	[tilespmem:s13], [sflag:$0x1] =	stream.indirect.gather [hbm4b:s5+s6], $0x10, s0, s6, $0xb8;
	[tilespmem:$0x5388] =	vst v63  }
0x249: {  	s31 =	rddreg [dreg:$0x1c]  }
0x24a: {  	[tilespmem:s14], [sflag:$0x1] =	stream.indirect.gather [hbm4b:s5+s6], $0x10, s31, s6, $0xb8;
	[tilespmem:$0x5388] =	vst v63  }
0x24b: {  	_ =	swait.ge [sflag:s7], $0x800  }
0x24c: {  	[sflag:s7] =	ssyncset.done $0x0  }
0x24d: {  	[sflag:s7] =	ssyncadd.s32 $0xFFFFF800  }
0x24e: {  	_ =	swait.ge [sflag:s7], $0x800  }
0x24f: {  	[sflag:s7] =	ssyncset.done $0x0  }
0x250: {  	[sflag:s7] =	ssyncadd.s32 $0xFFFFF800  }
0x251: {  	_ =	swait.ge [sflag:s7], $0x800  }
0x252: {  	[sflag:s7] =	ssyncset.done $0x0  }
0x253: {  	[sflag:s7] =	ssyncadd.s32 $0xFFFFF800  }
0x254: {  	_ =	swait.ge [sflag:s7], $0x800  }
0x255: {  	[sflag:s7] =	ssyncset.done $0x0  }
0x256: {  	[sflag:s7] =	ssyncadd.s32 $0xFFFFF800  }
0x257: {  	_ =	swait.ge [sflag:s7], $0x800  }
0x258: {  	[sflag:s7] =	ssyncset.done $0x0  }
0x259: {  	[sflag:s7] =	ssyncadd.s32 $0xFFFFF800  }
0x25a: {  	_ =	swait.ge [sflag:s7], $0x800  }
0x25b: {  	[sflag:s7] =	ssyncset.done $0x0  }
0x25c: {  	[sflag:s7] =	ssyncadd.s32 $0xFFFFF800  }
0x25d: {  	_ =	swait.ge [sflag:s7], $0x800  }
0x25e: {  	[sflag:s7] =	ssyncset.done $0x0  }
0x25f: {  	[sflag:s7] =	ssyncadd.s32 $0xFFFFF800  }
0x260: {  	_ =	swait.ge [sflag:s7], $0x800  }
0x261: {  	[sflag:s7] =	ssyncset.done $0x0  }
0x262: {  	s31 =	rddreg [dreg:$0x5];
	[sflag:s7] =	ssyncadd.s32 $0xFFFFF800  }
0x263: {  	[hbm4b:s31+s2] =	stream.linear.scatter [tilespmem:s4], [sflag:$0x2], $0x4000, $0x38;
	[tilespmem:$0x5388] =	vst v63  }
0x264: {  	_ =	swait.ge [sflag:s3], $0x4000  }
0x265: {  	[sflag:s3] =	ssyncset.done $0x0  }
0x266: {  	s1 =	rddreg [dreg:$0x1d];
	[sflag:s3] =	ssyncadd.s32 $0xFFFFC000  }
0x267: {  	[tilespmem:s4], [sflag:$0x1] =	stream.indirect.gather [hbm4b:s5+s6], $0x10, s1, s6, $0xb8;
	[tilespmem:$0x5388] =	vst v63  }
0x268: {  	s31 =	rddreg [dreg:$0x1e]  }
0x269: {  	[tilespmem:s8], [sflag:$0x1] =	stream.indirect.gather [hbm4b:s5+s6], $0x10, s31, s6, $0xb8;
	[tilespmem:$0x5388] =	vst v63  }
0x26a: {  	_ = 	snop  }
0x26b: {  	[tilespmem:s9], [sflag:$0x1] =	stream.indirect.gather [hbm4b:s5+s6], $0x10, s25, s6, $0xb8;
	[tilespmem:$0x5388] =	vst v63  }
0x26c: {  	_ = 	snop  }
0x26d: {  	[tilespmem:s10], [sflag:$0x1] =	stream.indirect.gather [hbm4b:s5+s6], $0x10, s26, s6, $0xb8;
	[tilespmem:$0x5388] =	vst v63  }
0x26e: {  	_ = 	snop  }
0x26f: {  	[tilespmem:s11], [sflag:$0x1] =	stream.indirect.gather [hbm4b:s5+s6], $0x10, s28, s6, $0xb8;
	[tilespmem:$0x5388] =	vst v63  }
0x270: {  	_ = 	snop  }
0x271: {  	[tilespmem:s12], [sflag:$0x1] =	stream.indirect.gather [hbm4b:s5+s6], $0x10, s29, s6, $0xb8;
	[tilespmem:$0x5388] =	vst v63  }
0x272: {  	_ = 	snop  }
0x273: {  	[tilespmem:s13], [sflag:$0x1] =	stream.indirect.gather [hbm4b:s5+s6], $0x10, s30, s6, $0xb8;
	[tilespmem:$0x5388] =	vst v63  }
0x274: {  	_ = 	snop  }
0x275: {  	[tilespmem:s14], [sflag:$0x1] =	stream.indirect.gather [hbm4b:s5+s6], $0x10, s24, s6, $0xb8;
	[tilespmem:$0x5388] =	vst v63  }
0x276: {  	_ =	swait.ge [sflag:s7], $0x800  }
0x277: {  	[sflag:s7] =	ssyncset.done $0x0  }
0x278: {  	[sflag:s7] =	ssyncadd.s32 $0xFFFFF800  }
0x279: {  	_ =	swait.ge [sflag:s7], $0x800  }
0x27a: {  	[sflag:s7] =	ssyncset.done $0x0  }
0x27b: {  	[sflag:s7] =	ssyncadd.s32 $0xFFFFF800  }
0x27c: {  	_ =	swait.ge [sflag:s7], $0x800  }
0x27d: {  	[sflag:s7] =	ssyncset.done $0x0  }
0x27e: {  	[sflag:s7] =	ssyncadd.s32 $0xFFFFF800  }
0x27f: {  	_ =	swait.ge [sflag:s7], $0x800  }
0x280: {  	[sflag:s7] =	ssyncset.done $0x0  }
0x281: {  	[sflag:s7] =	ssyncadd.s32 $0xFFFFF800  }
0x282: {  	_ =	swait.ge [sflag:s7], $0x800  }
0x283: {  	[sflag:s7] =	ssyncset.done $0x0  }
0x284: {  	[sflag:s7] =	ssyncadd.s32 $0xFFFFF800  }
0x285: {  	_ =	swait.ge [sflag:s7], $0x800  }
0x286: {  	[sflag:s7] =	ssyncset.done $0x0  }
0x287: {  	[sflag:s7] =	ssyncadd.s32 $0xFFFFF800  }
0x288: {  	_ =	swait.ge [sflag:s7], $0x800  }
0x289: {  	[sflag:s7] =	ssyncset.done $0x0  }
0x28a: {  	[sflag:s7] =	ssyncadd.s32 $0xFFFFF800  }
0x28b: {  	_ =	swait.ge [sflag:s7], $0x800  }
0x28c: {  	[sflag:s7] =	ssyncset.done $0x0  }
0x28d: {  	s29 =	rddreg [dreg:$0x6];
	[sflag:s7] =	ssyncadd.s32 $0xFFFFF800  }
0x28e: {  	[hbm4b:s29+s2] =	stream.linear.scatter [tilespmem:s4], [sflag:$0x2], $0x4000, $0x38;
	[tilespmem:$0x5388] =	vst v63  }
0x28f: {  	_ =	swait.ge [sflag:s3], $0x4000  }
0x290: {  	[sflag:s3] =	ssyncset.done $0x0  }
0x291: {  	[sflag:s3] =	ssyncadd.s32 $0xFFFFC000  }
0x292: {  	[tilespmem:s4], [sflag:$0x1] =	stream.indirect.gather [hbm4b:s5+s6], $0x10, s16, s6, $0xb8;
	[tilespmem:$0x5388] =	vst v63  }
0x293: {  	_ = 	snop  }
0x294: {  	[tilespmem:s8], [sflag:$0x1] =	stream.indirect.gather [hbm4b:s5+s6], $0x10, s17, s6, $0xb8;
	[tilespmem:$0x5388] =	vst v63  }
0x295: {  	_ = 	snop  }
0x296: {  	[tilespmem:s9], [sflag:$0x1] =	stream.indirect.gather [hbm4b:s5+s6], $0x10, s18, s6, $0xb8;
	[tilespmem:$0x5388] =	vst v63  }
0x297: {  	_ = 	snop  }
0x298: {  	[tilespmem:s10], [sflag:$0x1] =	stream.indirect.gather [hbm4b:s5+s6], $0x10, s19, s6, $0xb8;
	[tilespmem:$0x5388] =	vst v63  }
0x299: {  	_ = 	snop  }
0x29a: {  	[tilespmem:s11], [sflag:$0x1] =	stream.indirect.gather [hbm4b:s5+s6], $0x10, s20, s6, $0xb8;
	[tilespmem:$0x5388] =	vst v63  }
0x29b: {  	_ = 	snop  }
0x29c: {  	[tilespmem:s12], [sflag:$0x1] =	stream.indirect.gather [hbm4b:s5+s6], $0x10, s21, s6, $0xb8;
	[tilespmem:$0x5388] =	vst v63  }
0x29d: {  	_ = 	snop  }
0x29e: {  	[tilespmem:s13], [sflag:$0x1] =	stream.indirect.gather [hbm4b:s5+s6], $0x10, s22, s6, $0xb8;
	[tilespmem:$0x5388] =	vst v63  }
0x29f: {  	s30 =	simm.s32 $0x1380  }
0x2a0: {  	[tilespmem:s14], [sflag:$0x1] =	stream.indirect.gather [hbm4b:s5+s23], $0x10, s30, s23, $0xb8;
	[tilespmem:$0x5388] =	vst v63  }
0x2a1: {  	_ =	swait.ge [sflag:s7], $0x800  }
0x2a2: {  	[sflag:s7] =	ssyncset.done $0x0  }
0x2a3: {  	[sflag:s7] =	ssyncadd.s32 $0xFFFFF800  }
0x2a4: {  	_ =	swait.ge [sflag:s7], $0x800  }
0x2a5: {  	[sflag:s7] =	ssyncset.done $0x0  }
0x2a6: {  	[sflag:s7] =	ssyncadd.s32 $0xFFFFF800  }
0x2a7: {  	_ =	swait.ge [sflag:s7], $0x800  }
0x2a8: {  	[sflag:s7] =	ssyncset.done $0x0  }
0x2a9: {  	[sflag:s7] =	ssyncadd.s32 $0xFFFFF800  }
0x2aa: {  	_ =	swait.ge [sflag:s7], $0x800  }
0x2ab: {  	[sflag:s7] =	ssyncset.done $0x0  }
0x2ac: {  	[sflag:s7] =	ssyncadd.s32 $0xFFFFF800  }
0x2ad: {  	_ =	swait.ge [sflag:s7], $0x800  }
0x2ae: {  	[sflag:s7] =	ssyncset.done $0x0  }
0x2af: {  	[sflag:s7] =	ssyncadd.s32 $0xFFFFF800  }
0x2b0: {  	_ =	swait.ge [sflag:s7], $0x800  }
0x2b1: {  	[sflag:s7] =	ssyncset.done $0x0  }
0x2b2: {  	[sflag:s7] =	ssyncadd.s32 $0xFFFFF800  }
0x2b3: {  	_ =	swait.ge [sflag:s7], $0x800  }
0x2b4: {  	[sflag:s7] =	ssyncset.done $0x0  }
0x2b5: {  	[sflag:s7] =	ssyncadd.s32 $0xFFFFF800  }
0x2b6: {  	_ =	swait.ge [sflag:s7], $0x80  }
0x2b7: {  	[sflag:s7] =	ssyncset.done $0x0  }
0x2b8: {  	s31 =	rddreg [dreg:$0x3];
	[sflag:s7] =	ssyncadd.s32 $0xFFFFFF80  }
0x2b9: {  	[hbm4b:s31+s2] =	stream.linear.scatter [tilespmem:s4], [sflag:$0x2], $0x3880, $0x38;
	[tilespmem:$0x5388] =	vst v63  }
0x2ba: {  	_ =	swait.ge [sflag:s3], $0x3880  }
0x2bb: {  	[sflag:s3] =	ssyncset.done $0x0  }
0x2bc: {  	[sflag:s3] =	ssyncadd.s32 $0xFFFFC780  }
0x2bd: {  	_ =	sfence.sel $0x180000  }
0x2be: {  	[bflag:$0x0] =	sbarrier.arrive $0xFFFF  }
0x2bf: {  	_ =	strace $0x90000047  }
0x2c0: {  	[bflag:$0x2] =	sbarrier.arrive $0xFFFF  }
0x2c1: {  	p0 =	sne.s32 s15, $0x0;
	s0 =	rddreg [dreg:$0x1]  }
0x2c2: {  	s0 =	sadd.s32 @!p0 $0x100000, s0  }
0x2c3: {  	[sflag:s0] =	ssyncadd.tile.s32 @!p0 $0x1;
	_ =	shalt  }
.LBB2_1:
.Ltmp3:
0x2c4: {  	s24 =	simm.s32 $0xF80;
	s30 =	simm.s32 $0xF00;
	(pc) =	sbr.rel .LBB2_6-.Ltmp3, $4  }
0x2c5: {  	s29 =	simm.s32 $0xE80;
	s28 =	simm.s32 $0xE00;
	s26 =	simm.s32 $0xD80  }
0x2c6: {  	s25 =	simm.s32 $0xD00;
	s23 =	simm.s32 $0x8;
	s22 =	simm.s32 $0x1300  }
0x2c7: {  	s21 =	simm.s32 $0x1280;
	s20 =	simm.s32 $0x1200;
	s19 =	simm.s32 $0x1180  }
0x2c8: {  	s18 =	simm.s32 $0x1100;
	s17 =	simm.s32 $0x1080;
	s16 =	simm.s32 $0x1000  }
.LBB2_3:
0x2c9: {  	s24 =	simm.s32 $0xF80  }
.Ltmp4:
0x2ca: {  	s30 =	simm.s32 $0xF00;
	s29 =	simm.s32 $0xE80;
	(pc) =	sbr.rel .LBB2_6-.Ltmp4, $4  }
0x2cb: {  	s28 =	simm.s32 $0xE00;
	s26 =	simm.s32 $0xD80;
	s25 =	simm.s32 $0xD00  }
0x2cc: {  	s23 =	simm.s32 $0x8;
	s22 =	simm.s32 $0x1300;
	s21 =	simm.s32 $0x1280  }
0x2cd: {  	s20 =	simm.s32 $0x1200;
	s19 =	simm.s32 $0x1180;
	s18 =	simm.s32 $0x1100  }
0x2ce: {  	s17 =	simm.s32 $0x1080;
	s16 =	simm.s32 $0x1000;
	s15 =	stileid.u32  }
.Lfunc_end2:
_tile_overlayer_lowered:
.L_overlay_start_2:
0x2cf: {  	(tag) =	ssettag $0x2  }
0x2d0: {  	s0 =	rddreg [dreg:$0x0];
	s2 =	stileid.u32  }
0x2d1: {  	s1 =	rddreg [dreg:$0x1];
	p0 =	sne.s32 s2, $0x0  }
0x2d2: {  	s3 =	rddreg [dreg:$0x2];
	[bflag:$0x3] =	sbarrier.arrive $0xFFFF;
	s2 =	simm.s32 @!p0 $0x1C02  }
0x2d3: {  	[timem:s3], [sflag:s2] =	dma.local @!p0 [hbm:s0], s1  }
0x2d4: {  	s0 =	simm.s32 @!p0 $0x2  }
0x2d5: {  	_ =	swait.ge @!p0 [sflag:s0], s1  }
0x2d6: {  	s1 =	ssub.s32 @!p0 $0x0, s1;
	[sflag:s0] =	ssyncset.done @!p0 $0x0  }
0x2d7: {  	[sflag:s0] =	ssyncadd.s32 @!p0 s1  }
0x2d8: {  	[bflag:$0x3] =	sbarrier.arrive $0xFFFF  }
0x2d9: {  	_ =	shalt  }

// kernel: kernel.15.cloned.1.call-start
scs
__scs_entry_jumppad:
0x0: {  	(pc) =	sbr.rel $0x88, $3  }
0x1: {  	(tag) =	ssettag $0x0;
	lr =	simm.s32 $0x1  }
0x2: {  	[smem:$0x3F93] =	sst lr;
	_ =	strace $0xD0000000  }
0x3: {  	_ = 	snop  }
0x4: {  	_ = 	snop  }
0x5: {  	_ = 	snop  }
0x6: {  	_ = 	snop  }
0x7: {  	_ = 	snop  }
__scs_overlays_trampoline_lowered:
0x8: {  	[smem:$0x3FA2] =	sst s0  }
0x9: {  	[smem:$0x3FA3] =	sst s1  }
0xa: {  	[smem:$0x3FA4] =	sst s2  }
0xb: {  	[smem:$0x3FA5] =	sst s3  }
0xc: {  	[smem:$0x3FA6] =	sst s4  }
0xd: {  	[smem:$0x3FA7] =	sst s5  }
0xe: {  	[smem:$0x3FA8] =	sst s6  }
0xf: {  	[smem:$0x3FA9] =	sst s7  }
0x10: {  	[smem:$0x3FAA] =	sst s8  }
0x11: {  	[smem:$0x3FAB] =	sst s9;
	s0 =	simm.s32 @!p0 $0x0  }
0x12: {  	s1 =	sld [smem:$0x3F91];
	s0 =	simm.s32 @p0 $0x1  }
0x13: {  	[smem:$0x3FAC] =	sst s0;
	s0 =	simm.s32 @!p1 $0x0  }
0x14: {  	s2 =	sld [smem:$0x3F90];
	s0 =	simm.s32 @p1 $0x1  }
0x15: {  	[smem:$0x3FAD] =	sst s0;
	s0 =	simm.s32 @!p2 $0x0  }
0x16: {  	s3 =	sld [smem:$0x3FDB];
	s0 =	simm.s32 @p2 $0x1  }
0x17: {  	s4 =	simm.s32 $0x1BF5;
	[smem:$0x3FAF] =	sst s0  }
0x18: {  	s0 =	sld [smem:$0x3F92];
	_ =	swait.ge [sflag:s4], $0x0  }
0x19: {  	s7 =	sld [smem:$0x3F93]  }
0x1a: {  	s8 =	sadd.s32 $0xFFFFE003, lr  }
0x1b: {  	s9 =	sadd.s32 $0xFFFFFEF7, lr;
	s5 =	simm.s32 $0xFFFFFFFF;
	p2 =	slt.u32 s8, $0xFFFFF086  }
0x1c: {  	p1 =	slt.u32 s9, $0xF7A;
	s5 =	simm.s32 @!p2 $0x0  }
0x1d: {  	s5 =	simm.s32 @p1 $0x1;
	p0 =	seq.s32 s7, s2  }
0x1e: {  	s7 =	smul.u32 @!p0 $0xF7A, s2;
	p2 =	seq.s32 @!p0 s5, $0x0  }
0x1f: {  	s9 =	smul.u32 $0xF7A, s1;
	s8 =	simm.s32 @!p0 $0x1BF5;
	p2 =	por !p2, p0  }
0x20: {  	[sflag:s8] =	ssyncset.s32 @!p0 $0xFFFFF086;
	s6 =	sadd.s32 @!p0 s3, s7;
	s7 =	simm.s32 @!p0 $0x108  }
0x21: {  	s3 =	sadd.s32 s3, s9;
	s6 =	sadd.s32 @!p0 $0x88, s6;
	s7 =	simm.s32 @p2 $0x1082  }
0x22: {  	[simem:s7], [sflag:s8] =	dma.local @!p0 [hbm:s6], $0xF7A  }
0x23: {  	s9 =	sor.u32 $0xD0000000, s2;
	s6 =	simm.s32 $0x108;
	_ =	swait.ge @!p0 [sflag:s8], $0x0  }
0x24: {  	s3 =	sadd.s32 $0x88, s3;
	s6 =	simm.s32 @!p1 $0x1082;
	[sflag:s4] =	ssyncset.s32 $0xFFFFF086  }
0x25: {  	[simem:s6], [sflag:s4] =	dma.local [hbm:s3], $0xF7A  }
0x26: {  	[smem:$0x3F93] =	sst s1;
	(tag) =	ssettag s2;
	_ =	strace s9  }
0x27: {  	s1 =	sld [smem:$0x3FA3]  }
0x28: {  	s2 =	sld [smem:$0x3FA4]  }
0x29: {  	s4 =	sld [smem:$0x3FA6]  }
0x2a: {  	p0 =	seq.s32 s5, $0x0;
	s5 =	sld [smem:$0x3FA7]  }
0x2b: {  	s6 =	sld [smem:$0x3FA8]  }
0x2c: {  	s7 =	sld [smem:$0x3FA9]  }
0x2d: {  	s3 =	simm.s32 $0x108;
	s8 =	sld [smem:$0x3FAA]  }
0x2e: {  	s3 =	simm.s32 @!p0 $0x1082;
	s9 =	sld [smem:$0x3FAB]  }
0x2f: {  	lr =	sadd.s32 s0, s3;
	s0 =	sld [smem:$0x3FA2]  }
0x30: {  	s3 =	sld [smem:$0x3FA5]  }
0x31: {  	[smem:$0x3FAE] =	sst s10  }
0x32: {  	s10 =	sld [smem:$0x3FAC];
	_ =	sdelay $0x3  }
0x33: {  	p0 =	seq.s32 s10, $0x1;
	s10 =	sld [smem:$0x3FAE];
	_ =	sdelay $0x3  }
0x34: {  	[smem:$0x3FAE] =	sst s10  }
0x35: {  	s10 =	sld [smem:$0x3FAD];
	_ =	sdelay $0x3  }
0x36: {  	p1 =	seq.s32 s10, $0x1;
	s10 =	sld [smem:$0x3FAE];
	_ =	sdelay $0x3  }
0x37: {  	[smem:$0x3FAE] =	sst s10  }
0x38: {  	s10 =	sld [smem:$0x3FAF]  }
0x39: {  	_ = 	snop;
	(pc) =	sbr.ind lr, $3  }
0x3a: {  	_ = 	snop  }
0x3b: {  	_ = 	snop  }
0x3c: {  	p2 =	seq.s32 s10, $0x1;
	s10 =	sld [smem:$0x3FAE]  }
0x3d: {  	_ =	shalt  }
0x3e: {  	_ =	shalt  }
0x3f: {  	_ =	shalt  }
0x40: {  	_ =	shalt  }
0x41: {  	_ =	shalt  }
0x42: {  	_ =	shalt  }
0x43: {  	_ =	shalt  }
0x44: {  	_ =	shalt  }
0x45: {  	_ =	shalt  }
0x46: {  	_ =	shalt  }
0x47: {  	_ =	shalt  }
0x48: {  	_ =	shalt  }
0x49: {  	_ =	shalt  }
0x4a: {  	_ =	shalt  }
0x4b: {  	_ =	shalt  }
0x4c: {  	_ =	shalt  }
0x4d: {  	_ =	shalt  }
0x4e: {  	_ =	shalt  }
0x4f: {  	_ =	shalt  }
0x50: {  	_ =	shalt  }
0x51: {  	_ =	shalt  }
0x52: {  	_ =	shalt  }
0x53: {  	_ =	shalt  }
0x54: {  	_ =	shalt  }
0x55: {  	_ =	shalt  }
0x56: {  	_ =	shalt  }
0x57: {  	_ =	shalt  }
0x58: {  	_ =	shalt  }
0x59: {  	_ =	shalt  }
0x5a: {  	_ =	shalt  }
0x5b: {  	_ =	shalt  }
0x5c: {  	_ =	shalt  }
0x5d: {  	_ =	shalt  }
0x5e: {  	_ =	shalt  }
0x5f: {  	_ =	shalt  }
0x60: {  	_ =	shalt  }
0x61: {  	_ =	shalt  }
0x62: {  	_ =	shalt  }
0x63: {  	_ =	shalt  }
0x64: {  	_ =	shalt  }
0x65: {  	_ =	shalt  }
0x66: {  	_ =	shalt  }
0x67: {  	_ =	shalt  }
0x68: {  	_ =	shalt  }
0x69: {  	_ =	shalt  }
0x6a: {  	_ =	shalt  }
0x6b: {  	_ =	shalt  }
0x6c: {  	_ =	shalt  }
0x6d: {  	_ =	shalt  }
0x6e: {  	_ =	shalt  }
0x6f: {  	_ =	shalt  }
0x70: {  	_ =	shalt  }
0x71: {  	_ =	shalt  }
0x72: {  	_ =	shalt  }
0x73: {  	_ =	shalt  }
0x74: {  	_ =	shalt  }
0x75: {  	_ =	shalt  }
0x76: {  	_ =	shalt  }
0x77: {  	_ =	shalt  }
0x78: {  	_ =	shalt  }
0x79: {  	_ =	shalt  }
0x7a: {  	_ =	shalt  }
0x7b: {  	_ =	shalt  }
0x7c: {  	_ =	shalt  }
0x7d: {  	_ =	shalt  }
0x7e: {  	_ =	shalt  }
0x7f: {  	_ =	shalt  }
0x80: {  	_ =	shalt  }
0x81: {  	_ =	shalt  }
0x82: {  	_ =	shalt  }
0x83: {  	_ =	shalt  }
0x84: {  	_ =	shalt  }
0x85: {  	_ =	shalt  }
0x86: {  	_ =	shalt  }
0x87: {  	_ =	shalt  }
.Lfunc_end0:
.L_simem_size_0:
called_computation.1_lowered:
.L_overlay_start_0:
0x88: {  	s2 =	sld [smem:$0x3FD9]  }
0x89: {  	s3 =	sld [smem:$0x3FFE];
	_ =	sdelay $0x1  }
0x8a: {  	s1 =	srdreg.scid  }
0x8b: {  	s0 =	sand.u32 $0x1, s1  }
0x8c: {  	s16 =	sshll.u32 s0, $0xA;
	s2 =	sadd.s32 s3, s2  }
0x8d: {  	s2 =	sadd.s32 s2, s16  }
0x8e: {  	[smem:$0x3FBA] =	sst s2  }
0x8f: {  	_ = 	snop  }
0x90: {  	(tm) =	ssettm $0x1  }
0x91: {  	s17 =	sld [smem:$0x3FFB];
	_ =	sdelay $0x3  }
0x92: {  	_ =	strace s17  }
0x93: {  	s2 =	sld [smem:$0x3FFC];
	_ =	sdelay $0x3  }
0x94: {  	_ =	strace s2  }
0x95: {  	s2 =	sld [smem:$0x3FFD];
	_ =	sdelay $0x3  }
0x96: {  	_ =	strace s2  }
0x97: {  	_ =	strace $0x8FFFFFFF  }
0x98: {  	s18 =	sld [smem:$0x3FDB];
	_ =	sdelay $0x1  }
0x99: {  	s19 =	simm.s32 $_scs_section_size  }
0x9a: {  	s4 =	simm.s32 $_size__tile_overlayer_lowered;
	s5 =	simm.s32 $_tile_overlayer_lowered  }
0x9b: {  	s22 =	simm.s32 $0x1BFF;
	s21 =	sshll.u32 s5, $0x1;
	s2 =	sadd.s32 s19, s18  }
0x9c: {  	s6 =	simm.s32 $0x0;
	s20 =	sshll.u32 s4, $0x1;
	s4 =	sadd.s32 s21, s2  }
0x9d: {  	[timem:s6], [sflag:s22] =	dma.local [hbm:s4], s20  }
0x9e: {  	_ =	swait.ge [sflag:s22], s20  }
0x9f: {  	s3 =	ssub.s32 $0x0, s20;
	[sflag:s22] =	ssyncset.done $0x0  }
0xa0: {  	[sflag:s22] =	ssyncadd.s32 s3;
	_ =	sdelay $0x1  }
0xa1: {  	s23 =	simm.s32 $0x1B8B  }
0xa2: {  	_ =	swait.ge [sflag:s23], $0x1  }
0xa3: {  	[sflag:s23] =	ssyncset.done $0x0  }
0xa4: {  	s25 =	simm.s32 $0x1B8E;
	s24 =	sld [smem:$0x3FFE];
	[sflag:s23] =	ssyncadd.s32 $0xFFFFFFFF  }
0xa5: {  	s26 =	simm.s32 $execute0_lowered;
	[smem:$0x3FD2] =	sst s25  }
0xa6: {  	s4 =	sshll.u32 s26, $0x1;
	_ =	strace $0x80000049;
	[dreg:$0x1] =	wrdreg $0xFFFFFFFF  }
0xa7: {  	s28 =	simm.s32 $_size_execute0_lowered;
	s2 =	sadd.s32 s2, s4;
	[dreg:$0x0] =	wrdreg $0x0  }
0xa8: {  	s4 =	sshll.u32 s28, $0x1;
	[dreg:$0x2] =	wrdreg s2  }
0xa9: {  	[dreg:$0x3] =	wrdreg s4  }
0xaa: {  	[dreg:$0x4] =	wrdreg $0xC0  }
0xab: {  	_ =	task [dreg:s6], $0x5FFFF  }
0xac: {  	[dreg:$0x1] =	wrdreg $0xFFFFFFFF  }
0xad: {  	[dreg:$0x0] =	wrdreg $0x60  }
0xae: {  	[dreg:$0x2] =	wrdreg s24  }
0xaf: {  	[dreg:$0x3] =	wrdreg $0x42980  }
0xb0: {  	[dreg:$0x4] =	wrdreg $0x9  }
0xb1: {  	_ =	task.clear_ibuf [dreg:s6], $0x5FFFF;
	_ =	strace $0x90000049  }
0xb2: {  	s29 =	simm.s32 $0x9;
	_ =	strace $0x8000004B  }
0xb3: {  	_ =	swait.ge [sflag:s29], $0x1  }
0xb4: {  	[sflag:s29] =	ssyncadd.s32 $0xFFFFFFFF  }
0xb5: {  	_ =	strace $0x9000004B  }
0xb6: {  	_ =	sfence  }
0xb7: {  	s30 =	sld [smem:$0x0];
	_ =	sdelay $0x2  }
0xb8: {  	s31 =	sshll.u32 s1, $0xD;
	s1 =	sshrl.u32 s1, $0x2  }
0xb9: {  	s3 =	sand.u32 $0x4000, s31;
	s1 =	sadd.s32 s1, s30  }
0xba: {  	s0 =	sor.u32 s3, s0;
	s1 =	sshll.u32 s1, $0x11  }
0xbb: {  	s0 =	sor.u32 s1, s0  }
0xbc: {  	s0 =	sadd.s32 $0x8F2B, s0  }
0xbd: {  	[sflag:s0] =	ssyncadd.remote.s32 $0x1  }
0xbe: {  	_ =	sfence.sel $0xFFFF  }
0xbf: {  	[dreg:$0x0] =	wrdreg $0xFFFFFFFF;
	(pc) =	sbr.abs _section_cstart, $3  }
0xc0: {  	[dreg:$0x1] =	wrdreg $0xFFFFFFFF  }
0xc1: {  	_ =	task.clear_ibuf [dreg:s6], $0x2FFFF;
	_ =	strace $0x9FFFFFFF  }
0xc2: {  	(tm) =	ssettm $0x7FFFFFFF  }
0xc3: {  	_ =	shalt  }
tec
execute0_lowered:
.L_overlay_start_1:
0x0: {  	(tag) =	ssettag $0x1  }
0x1: {  	s0 =	srdreg.scid;
	s5 =	rddreg [dreg:$0x0]  }
0x2: {  	s2 =	rddreg [dreg:$0x1];
	s3 =	simm.s32 $0x0;
	s15 =	simm.s32 $0x1388  }
0x3: {  	s16 =	simm.s32 $0x80;
	s17 =	simm.s32 $0x8;
	s18 =	simm.s32 $0x0  }
0x4: {  	s4 =	sand.u32 $0x1, s0;
	s0 =	stileid.u32;
	[smem:$0x7FF] =	sst s3  }
0x5: {  	s11 =	sadd.s32 $0x34800, s5;
	s1 =	sshll.u32 s4, $0x4;
	s8 =	smul.u32 $0x2710, s0  }
0x6: {  	s10 =	smul.u32 $0x27100, s4;
	s4 =	ssub.s32 $0x2, s4;
	s6 =	sor.u32 s0, s1  }
0x7: {  	s1 =	rddreg [dreg:$0x2];
	_ =	strace $0x8000004A;
	s7 =	smul.u32 $0x1388, s6  }
0x8: {  	s14 =	sshrl.u32 s4, $0x1;
	s6 =	smul.u32 $0x270, s6;
	s12 =	sshrl.u32 s8, $0x3  }
0x9: {  	s13 =	sadd.s32 s8, s10;
	s14 =	ssub.s32 s4, s14;
	s29 =	sadd.s32 s12, s5  }
0xa: {  	s30 =	sshrl.u32 s13, $0x3;
	s10 =	smax.u32 s14, $0x1;
	s14 =	simm.s32 $0x1380  }
0xb: {  	s7 =	sadd.s32 $0x1380, s7;
	s6 =	sadd.s32 s6, s5;
	s12 =	sadd.s32 s30, s5  }
0xc: {  	s4 =	sadd.s32 $0x82A00, s29;
	s9 =	sshrl.u32 s7, $0x3;
	s6 =	sadd.s32 $0x2F8A00, s6  }
0xd: {  	s31 =	sshll.u32 s7, $0x1;
	s9 =	sadd.s32 s9, s5;
	s5 =	sadd.s32 s8, s2  }
0xe: {  	s8 =	sadd.s32 s11, s31;
	s11 =	sadd.s32 s11, s13;
	s13 =	simm.s32 $0x1  }
0xf: {  	s7 =	sadd.s32 $0x8600, s9;
	s9 =	sadd.s32 $0x2FD800, s12;
	s12 =	simm.s32 $0x1B88  }
.LBB2_1:
0x10: {  	[tilespmem:s12], [sflag:$0x1] =	stream.linear.gather [hbm4b:s4+s3], $0x2710, $0x38;
	[tilespmem:$0x69A8] =	vst v63  }
0x11: {  	_ =	swait.ge [sflag:s13], $0x2710  }
0x12: {  	[sflag:s13] =	ssyncset.done $0x0  }
0x13: {  	[sflag:s13] =	ssyncadd.s32 $0xFFFFD8F0  }
0x14: {  	[spmem:s5] =	stream.linear.scatter [tilespmem:s12], [sflag:$0x1], $0x2710, $0x38;
	[tilespmem:$0x69A8] =	vst v63  }
0x15: {  	_ =	swait.ge [sflag:s13], $0x2710  }
0x16: {  	[sflag:s13] =	ssyncset.done $0x0  }
0x17: {  	[sflag:s13] =	ssyncadd.s32 $0xFFFFD8F0  }
0x18: {  	[bflag:$0x0] =	sbarrier.arrive $0xFFFF  }
0x19: {  	[tilespmem:s3], [sflag:$0x1] =	stream.linear.gather [hbm4b:s6+s3], $0x1380, $0x38;
	[tilespmem:$0x69A8] =	vst v63  }
0x1a: {  	_ =	swait.ge [sflag:s13], $0x1380  }
0x1b: {  	[sflag:s13] =	ssyncset.done $0x0  }
0x1c: {  	[sflag:s13] =	ssyncadd.s32 $0xFFFFEC80  }
0x1d: {  	[tilespmem:s14], [sflag:$0x1] =	stream.linear.gather [hbm4b:s7+s3], $0x8, $0x38;
	[tilespmem:$0x69A8] =	vst v63  }
0x1e: {  	_ =	swait.ge [sflag:s13], $0x8  }
0x1f: {  	[sflag:s13] =	ssyncset.done $0x0  }
0x20: {  	s19 =	sadd.s32 $0x0, s11;
	[sflag:s13] =	ssyncadd.s32 $0xFFFFFFF8  }
0x21: {  	[tilespmem:s15], [sflag:$0x1] =	stream.linear.gather [hbm4b:s19+s3], $0x800, $0x38;
	[tilespmem:$0x69A8] =	vst v63  }
0x22: {  	_ =	swait.ge [sflag:s13], $0x800  }
0x23: {  	[sflag:s13] =	ssyncset.done $0x0  }
0x24: {  	[sflag:s13] =	ssyncadd.s32 $0xFFFFF800  }
0x25: {  	[spmem:s2] =	stream.indirect.scatter.add.f32 [tilespmem:s15], [sflag:$0x1], $0x10, s3, s16, $0xb8;
	[tilespmem:$0x69A8] =	vst v63  }
0x26: {  	s20 =	simm.s32 $0x100;
	_ =	swait.ge [sflag:s13], $0x800  }
0x27: {  	s21 =	simm.s32 $0x200;
	s19 =	simm.s32 $0x80;
	[sflag:s13] =	ssyncset.done $0x0  }
.LBB2_2:
0x28: {  	s22 =	sadd.s32 s20, s11  }
0x29: {  	[sflag:s13] =	ssyncadd.s32 $0xFFFFF800;
	s20 =	smov.u32 s21;
	s23 =	sadd.s32 $0x100, s21  }
0x2a: {  	[tilespmem:s15], [sflag:$0x1] =	stream.linear.gather [hbm4b:s22+s3], $0x800, $0x38;
	[tilespmem:$0x69A8] =	vst v63  }
0x2b: {  	p0 =	sne.s32 s21, $0x2600;
	_ =	swait.ge [sflag:s13], $0x800  }
.Ltmp0:
0x2c: {  	[sflag:s13] =	ssyncset.done $0x0;
	(pc) =	sbr.rel @p0 .LBB2_2-.Ltmp0, $4  }
0x2d: {  	[sflag:s13] =	ssyncadd.s32 $0xFFFFF800  }
0x2e: {  	[spmem:s2] =	stream.indirect.scatter.add.f32 [tilespmem:s15], [sflag:$0x1], $0x10, s19, s16, $0xb8;
	[tilespmem:$0x69A8] =	vst v63  }
0x2f: {  	_ =	swait.ge [sflag:s13], $0x800  }
0x30: {  	s21 =	smov.u32 s23;
	s19 =	sadd.s32 $0x80, s19;
	[sflag:s13] =	ssyncset.done $0x0  }
0x31: {  	s20 =	sadd.s32 s20, s11;
	[sflag:s13] =	ssyncadd.s32 $0xFFFFF800  }
0x32: {  	[tilespmem:s15], [sflag:$0x1] =	stream.linear.gather [hbm4b:s20+s3], $0x800, $0x38;
	[tilespmem:$0x69A8] =	vst v63  }
0x33: {  	_ =	swait.ge [sflag:s13], $0x800  }
0x34: {  	[sflag:s13] =	ssyncset.done $0x0  }
0x35: {  	[sflag:s13] =	ssyncadd.s32 $0xFFFFF800  }
0x36: {  	[spmem:s2] =	stream.indirect.scatter.add.f32 [tilespmem:s15], [sflag:$0x1], $0x10, s19, s16, $0xb8;
	[tilespmem:$0x69A8] =	vst v63  }
0x37: {  	_ =	swait.ge [sflag:s13], $0x800  }
0x38: {  	[sflag:s13] =	ssyncset.done $0x0  }
0x39: {  	[sflag:s13] =	ssyncadd.s32 $0xFFFFF800  }
0x3a: {  	[tilespmem:s15], [sflag:$0x1] =	stream.linear.gather [hbm4b:s8+s3], $0x80, $0x38;
	[tilespmem:$0x69A8] =	vst v63  }
0x3b: {  	_ =	swait.ge [sflag:s13], $0x80  }
0x3c: {  	[sflag:s13] =	ssyncset.done $0x0  }
0x3d: {  	[sflag:s13] =	ssyncadd.s32 $0xFFFFFF80  }
0x3e: {  	[spmem:s2] =	stream.indirect.scatter.add.f32 [tilespmem:s15], [sflag:$0x1], $0x10, s14, s17, $0xb8;
	[tilespmem:$0x69A8] =	vst v63  }
0x3f: {  	_ =	swait.ge [sflag:s13], $0x80  }
0x40: {  	[sflag:s13] =	ssyncset.done $0x0  }
0x41: {  	[sflag:s13] =	ssyncadd.s32 $0xFFFFFF80  }
0x42: {  	[bflag:$0x0] =	sbarrier.arrive $0xFFFF  }
0x43: {  	[tilespmem:s12], [sflag:$0x1] =	stream.linear.gather [spmem:s5], $0x2710, $0x38;
	[tilespmem:$0x69A8] =	vst v63  }
0x44: {  	s18 =	sadd.s32 $0x1, s18;
	_ =	swait.ge [sflag:s13], $0x2710  }
0x45: {  	p0 =	sne.s32 s18, s10;
	[sflag:s13] =	ssyncset.done $0x0  }
.Ltmp1:
0x46: {  	[sflag:s13] =	ssyncadd.s32 $0xFFFFD8F0;
	(pc) =	sbr.rel @p0 .LBB2_1-.Ltmp1, $4  }
0x47: {  	[hbm4b:s9+s3] =	stream.linear.scatter [tilespmem:s12], [sflag:$0x1], $0x2710, $0x38;
	[tilespmem:$0x69A8] =	vst v63  }
0x48: {  	_ =	swait.ge [sflag:s13], $0x2710  }
0x49: {  	[sflag:s13] =	ssyncset.done $0x0  }
0x4a: {  	[sflag:s13] =	ssyncadd.s32 $0xFFFFD8F0  }
0x4b: {  	_ =	sfence.sel $0x180000  }
0x4c: {  	[bflag:$0x0] =	sbarrier.arrive $0xFFFF  }
0x4d: {  	p0 =	sne.s32 s0, $0x0;
	_ =	strace $0x9000004A  }
0x4e: {  	s0 =	sadd.s32 @!p0 $0x100000, s1;
	[bflag:$0x2] =	sbarrier.arrive $0xFFFF  }
0x4f: {  	[sflag:s0] =	ssyncadd.tile.s32 @!p0 $0x1;
	_ =	shalt  }
.Lfunc_end2:
_tile_overlayer_lowered:
.L_overlay_start_2:
0x50: {  	(tag) =	ssettag $0x2  }
0x51: {  	s0 =	rddreg [dreg:$0x0];
	s2 =	stileid.u32  }
0x52: {  	s1 =	rddreg [dreg:$0x1];
	p0 =	sne.s32 s2, $0x0  }
0x53: {  	s3 =	rddreg [dreg:$0x2];
	[bflag:$0x3] =	sbarrier.arrive $0xFFFF;
	s2 =	simm.s32 @!p0 $0x1C01  }
0x54: {  	[timem:s3], [sflag:s2] =	dma.local @!p0 [hbm:s0], s1  }
0x55: {  	s0 =	simm.s32 @!p0 $0x1  }
0x56: {  	_ =	swait.ge @!p0 [sflag:s0], s1  }
0x57: {  	s1 =	ssub.s32 @!p0 $0x0, s1;
	[sflag:s0] =	ssyncset.done @!p0 $0x0  }
0x58: {  	[sflag:s0] =	ssyncadd.s32 @!p0 s1  }
0x59: {  	[bflag:$0x3] =	sbarrier.arrive $0xFFFF  }
0x5a: {  	_ =	shalt  }

// kernel: kernel.18.cloned.1.call-start
scs
__scs_entry_jumppad:
0x0: {  	(pc) =	sbr.rel $0x88, $3  }
0x1: {  	(tag) =	ssettag $0x0;
	lr =	simm.s32 $0x1  }
0x2: {  	[smem:$0x3F93] =	sst lr;
	_ =	strace $0xD0000000  }
0x3: {  	_ = 	snop  }
0x4: {  	_ = 	snop  }
0x5: {  	_ = 	snop  }
0x6: {  	_ = 	snop  }
0x7: {  	_ = 	snop  }
__scs_overlays_trampoline_lowered:
0x8: {  	[smem:$0x3FA2] =	sst s0  }
0x9: {  	[smem:$0x3FA3] =	sst s1  }
0xa: {  	[smem:$0x3FA4] =	sst s2  }
0xb: {  	[smem:$0x3FA5] =	sst s3  }
0xc: {  	[smem:$0x3FA6] =	sst s4  }
0xd: {  	[smem:$0x3FA7] =	sst s5  }
0xe: {  	[smem:$0x3FA8] =	sst s6  }
0xf: {  	[smem:$0x3FA9] =	sst s7  }
0x10: {  	[smem:$0x3FAA] =	sst s8  }
0x11: {  	[smem:$0x3FAB] =	sst s9;
	s0 =	simm.s32 @!p0 $0x0  }
0x12: {  	s1 =	sld [smem:$0x3F91];
	s0 =	simm.s32 @p0 $0x1  }
0x13: {  	[smem:$0x3FAC] =	sst s0;
	s0 =	simm.s32 @!p1 $0x0  }
0x14: {  	s2 =	sld [smem:$0x3F90];
	s0 =	simm.s32 @p1 $0x1  }
0x15: {  	[smem:$0x3FAD] =	sst s0;
	s0 =	simm.s32 @!p2 $0x0  }
0x16: {  	s3 =	sld [smem:$0x3FDB];
	s0 =	simm.s32 @p2 $0x1  }
0x17: {  	s4 =	simm.s32 $0x1BF5;
	[smem:$0x3FAF] =	sst s0  }
0x18: {  	s0 =	sld [smem:$0x3F92];
	_ =	swait.ge [sflag:s4], $0x0  }
0x19: {  	s7 =	sld [smem:$0x3F93]  }
0x1a: {  	s8 =	sadd.s32 $0xFFFFE003, lr  }
0x1b: {  	s9 =	sadd.s32 $0xFFFFFEF7, lr;
	s5 =	simm.s32 $0xFFFFFFFF;
	p2 =	slt.u32 s8, $0xFFFFF086  }
0x1c: {  	p1 =	slt.u32 s9, $0xF7A;
	s5 =	simm.s32 @!p2 $0x0  }
0x1d: {  	s5 =	simm.s32 @p1 $0x1;
	p0 =	seq.s32 s7, s2  }
0x1e: {  	s7 =	smul.u32 @!p0 $0xF7A, s2;
	p2 =	seq.s32 @!p0 s5, $0x0  }
0x1f: {  	s9 =	smul.u32 $0xF7A, s1;
	s8 =	simm.s32 @!p0 $0x1BF5;
	p2 =	por !p2, p0  }
0x20: {  	[sflag:s8] =	ssyncset.s32 @!p0 $0xFFFFF086;
	s6 =	sadd.s32 @!p0 s3, s7;
	s7 =	simm.s32 @!p0 $0x108  }
0x21: {  	s3 =	sadd.s32 s3, s9;
	s6 =	sadd.s32 @!p0 $0x88, s6;
	s7 =	simm.s32 @p2 $0x1082  }
0x22: {  	[simem:s7], [sflag:s8] =	dma.local @!p0 [hbm:s6], $0xF7A  }
0x23: {  	s9 =	sor.u32 $0xD0000000, s2;
	s6 =	simm.s32 $0x108;
	_ =	swait.ge @!p0 [sflag:s8], $0x0  }
0x24: {  	s3 =	sadd.s32 $0x88, s3;
	s6 =	simm.s32 @!p1 $0x1082;
	[sflag:s4] =	ssyncset.s32 $0xFFFFF086  }
0x25: {  	[simem:s6], [sflag:s4] =	dma.local [hbm:s3], $0xF7A  }
0x26: {  	[smem:$0x3F93] =	sst s1;
	(tag) =	ssettag s2;
	_ =	strace s9  }
0x27: {  	s1 =	sld [smem:$0x3FA3]  }
0x28: {  	s2 =	sld [smem:$0x3FA4]  }
0x29: {  	s4 =	sld [smem:$0x3FA6]  }
0x2a: {  	p0 =	seq.s32 s5, $0x0;
	s5 =	sld [smem:$0x3FA7]  }
0x2b: {  	s6 =	sld [smem:$0x3FA8]  }
0x2c: {  	s7 =	sld [smem:$0x3FA9]  }
0x2d: {  	s3 =	simm.s32 $0x108;
	s8 =	sld [smem:$0x3FAA]  }
0x2e: {  	s3 =	simm.s32 @!p0 $0x1082;
	s9 =	sld [smem:$0x3FAB]  }
0x2f: {  	lr =	sadd.s32 s0, s3;
	s0 =	sld [smem:$0x3FA2]  }
0x30: {  	s3 =	sld [smem:$0x3FA5]  }
0x31: {  	[smem:$0x3FAE] =	sst s10  }
0x32: {  	s10 =	sld [smem:$0x3FAC];
	_ =	sdelay $0x3  }
0x33: {  	p0 =	seq.s32 s10, $0x1;
	s10 =	sld [smem:$0x3FAE];
	_ =	sdelay $0x3  }
0x34: {  	[smem:$0x3FAE] =	sst s10  }
0x35: {  	s10 =	sld [smem:$0x3FAD];
	_ =	sdelay $0x3  }
0x36: {  	p1 =	seq.s32 s10, $0x1;
	s10 =	sld [smem:$0x3FAE];
	_ =	sdelay $0x3  }
0x37: {  	[smem:$0x3FAE] =	sst s10  }
0x38: {  	s10 =	sld [smem:$0x3FAF]  }
0x39: {  	_ = 	snop;
	(pc) =	sbr.ind lr, $3  }
0x3a: {  	_ = 	snop  }
0x3b: {  	_ = 	snop  }
0x3c: {  	p2 =	seq.s32 s10, $0x1;
	s10 =	sld [smem:$0x3FAE]  }
0x3d: {  	_ =	shalt  }
0x3e: {  	_ =	shalt  }
0x3f: {  	_ =	shalt  }
0x40: {  	_ =	shalt  }
0x41: {  	_ =	shalt  }
0x42: {  	_ =	shalt  }
0x43: {  	_ =	shalt  }
0x44: {  	_ =	shalt  }
0x45: {  	_ =	shalt  }
0x46: {  	_ =	shalt  }
0x47: {  	_ =	shalt  }
0x48: {  	_ =	shalt  }
0x49: {  	_ =	shalt  }
0x4a: {  	_ =	shalt  }
0x4b: {  	_ =	shalt  }
0x4c: {  	_ =	shalt  }
0x4d: {  	_ =	shalt  }
0x4e: {  	_ =	shalt  }
0x4f: {  	_ =	shalt  }
0x50: {  	_ =	shalt  }
0x51: {  	_ =	shalt  }
0x52: {  	_ =	shalt  }
0x53: {  	_ =	shalt  }
0x54: {  	_ =	shalt  }
0x55: {  	_ =	shalt  }
0x56: {  	_ =	shalt  }
0x57: {  	_ =	shalt  }
0x58: {  	_ =	shalt  }
0x59: {  	_ =	shalt  }
0x5a: {  	_ =	shalt  }
0x5b: {  	_ =	shalt  }
0x5c: {  	_ =	shalt  }
0x5d: {  	_ =	shalt  }
0x5e: {  	_ =	shalt  }
0x5f: {  	_ =	shalt  }
0x60: {  	_ =	shalt  }
0x61: {  	_ =	shalt  }
0x62: {  	_ =	shalt  }
0x63: {  	_ =	shalt  }
0x64: {  	_ =	shalt  }
0x65: {  	_ =	shalt  }
0x66: {  	_ =	shalt  }
0x67: {  	_ =	shalt  }
0x68: {  	_ =	shalt  }
0x69: {  	_ =	shalt  }
0x6a: {  	_ =	shalt  }
0x6b: {  	_ =	shalt  }
0x6c: {  	_ =	shalt  }
0x6d: {  	_ =	shalt  }
0x6e: {  	_ =	shalt  }
0x6f: {  	_ =	shalt  }
0x70: {  	_ =	shalt  }
0x71: {  	_ =	shalt  }
0x72: {  	_ =	shalt  }
0x73: {  	_ =	shalt  }
0x74: {  	_ =	shalt  }
0x75: {  	_ =	shalt  }
0x76: {  	_ =	shalt  }
0x77: {  	_ =	shalt  }
0x78: {  	_ =	shalt  }
0x79: {  	_ =	shalt  }
0x7a: {  	_ =	shalt  }
0x7b: {  	_ =	shalt  }
0x7c: {  	_ =	shalt  }
0x7d: {  	_ =	shalt  }
0x7e: {  	_ =	shalt  }
0x7f: {  	_ =	shalt  }
0x80: {  	_ =	shalt  }
0x81: {  	_ =	shalt  }
0x82: {  	_ =	shalt  }
0x83: {  	_ =	shalt  }
0x84: {  	_ =	shalt  }
0x85: {  	_ =	shalt  }
0x86: {  	_ =	shalt  }
0x87: {  	_ =	shalt  }
.Lfunc_end0:
.L_simem_size_0:
called_computation.2_lowered:
.L_overlay_start_0:
0x88: {  	s2 =	sld [smem:$0x3FD9]  }
0x89: {  	s3 =	sld [smem:$0x3FFE];
	_ =	sdelay $0x1  }
0x8a: {  	s1 =	srdreg.scid  }
0x8b: {  	s0 =	sand.u32 $0x1, s1  }
0x8c: {  	s16 =	sshll.u32 s0, $0xA;
	s2 =	sadd.s32 s3, s2  }
0x8d: {  	s2 =	sadd.s32 s2, s16  }
0x8e: {  	[smem:$0x3FBA] =	sst s2  }
0x8f: {  	_ = 	snop  }
0x90: {  	(tm) =	ssettm $0x1  }
0x91: {  	s17 =	sld [smem:$0x3FFB];
	_ =	sdelay $0x3  }
0x92: {  	_ =	strace s17  }
0x93: {  	s2 =	sld [smem:$0x3FFC];
	_ =	sdelay $0x3  }
0x94: {  	_ =	strace s2  }
0x95: {  	s2 =	sld [smem:$0x3FFD];
	_ =	sdelay $0x3  }
0x96: {  	_ =	strace s2  }
0x97: {  	_ =	strace $0x8FFFFFFF  }
0x98: {  	s18 =	sld [smem:$0x3FDB];
	_ =	sdelay $0x1  }
0x99: {  	s19 =	simm.s32 $_scs_section_size  }
0x9a: {  	s4 =	simm.s32 $_size__tile_overlayer_lowered;
	s5 =	simm.s32 $_tile_overlayer_lowered  }
0x9b: {  	s22 =	simm.s32 $0x1BFF;
	s21 =	sshll.u32 s5, $0x1;
	s2 =	sadd.s32 s19, s18  }
0x9c: {  	s6 =	simm.s32 $0x0;
	s20 =	sshll.u32 s4, $0x1;
	s4 =	sadd.s32 s21, s2  }
0x9d: {  	[timem:s6], [sflag:s22] =	dma.local [hbm:s4], s20  }
0x9e: {  	_ =	swait.ge [sflag:s22], s20  }
0x9f: {  	s3 =	ssub.s32 $0x0, s20;
	[sflag:s22] =	ssyncset.done $0x0  }
0xa0: {  	[sflag:s22] =	ssyncadd.s32 s3;
	_ =	sdelay $0x1  }
0xa1: {  	s23 =	simm.s32 $0x1B8B  }
0xa2: {  	_ =	swait.ge [sflag:s23], $0x1  }
0xa3: {  	[sflag:s23] =	ssyncset.done $0x0  }
0xa4: {  	s25 =	simm.s32 $0x1B8E;
	s24 =	sld [smem:$0x3FFE];
	[sflag:s23] =	ssyncadd.s32 $0xFFFFFFFF  }
0xa5: {  	s26 =	simm.s32 $execute0_lowered;
	[smem:$0x3FD2] =	sst s25  }
0xa6: {  	s4 =	sshll.u32 s26, $0x1;
	_ =	strace $0x8000004C;
	[dreg:$0x1] =	wrdreg $0xFFFFFFFF  }
0xa7: {  	s28 =	simm.s32 $_size_execute0_lowered;
	s2 =	sadd.s32 s2, s4;
	[dreg:$0x0] =	wrdreg $0x0  }
0xa8: {  	s4 =	sshll.u32 s28, $0x1;
	[dreg:$0x2] =	wrdreg s2  }
0xa9: {  	[dreg:$0x3] =	wrdreg s4  }
0xaa: {  	[dreg:$0x4] =	wrdreg $0xC0  }
0xab: {  	_ =	task [dreg:s6], $0x5FFFF  }
0xac: {  	[dreg:$0x1] =	wrdreg $0xFFFFFFFF  }
0xad: {  	[dreg:$0x0] =	wrdreg $0x60  }
0xae: {  	[dreg:$0x2] =	wrdreg s24  }
0xaf: {  	[dreg:$0x3] =	wrdreg $0x9  }
0xb0: {  	_ =	task.clear_ibuf [dreg:s6], $0x4FFFF;
	_ =	strace $0x9000004C  }
0xb1: {  	s29 =	simm.s32 $0x9;
	_ =	strace $0x8000004E  }
0xb2: {  	_ =	swait.ge [sflag:s29], $0x1  }
0xb3: {  	[sflag:s29] =	ssyncadd.s32 $0xFFFFFFFF  }
0xb4: {  	_ =	strace $0x9000004E  }
0xb5: {  	_ =	sfence  }
0xb6: {  	s30 =	sld [smem:$0x0];
	_ =	sdelay $0x2  }
0xb7: {  	s31 =	sshll.u32 s1, $0xD;
	s1 =	sshrl.u32 s1, $0x2  }
0xb8: {  	s3 =	sand.u32 $0x4000, s31;
	s1 =	sadd.s32 s1, s30  }
0xb9: {  	s0 =	sor.u32 s3, s0;
	s1 =	sshll.u32 s1, $0x11  }
0xba: {  	s0 =	sor.u32 s1, s0  }
0xbb: {  	s0 =	sadd.s32 $0x8F2B, s0  }
0xbc: {  	[sflag:s0] =	ssyncadd.remote.s32 $0x1  }
0xbd: {  	_ =	sfence.sel $0xFFFF  }
0xbe: {  	[dreg:$0x0] =	wrdreg $0xFFFFFFFF;
	(pc) =	sbr.abs _section_cstart, $3  }
0xbf: {  	[dreg:$0x1] =	wrdreg $0xFFFFFFFF  }
0xc0: {  	_ =	task.clear_ibuf [dreg:s6], $0x2FFFF;
	_ =	strace $0x9FFFFFFF  }
0xc1: {  	(tm) =	ssettm $0x7FFFFFFF  }
tec
execute0_lowered:
.L_overlay_start_1:
0x0: {  	(tag) =	ssettag $0x1  }
0x1: {  	s3 =	rddreg [dreg:$0x0];
	s2 =	simm.s32 $0x0  }
0x2: {  	s24 =	simm.s32 $0x100;
	[smem:$0x7FF] =	sst s2  }
0x3: {  	s25 =	simm.s32 $0x180;
	_ =	strace $0x8000004D;
	[dreg:$0x7] =	wrdreg s24  }
0x4: {  	s26 =	simm.s32 $0x200;
	[dreg:$0x8] =	wrdreg s25  }
0x5: {  	s7 =	simm.s32 $0x400;
	[dreg:$0x9] =	wrdreg s26  }
0x6: {  	s0 =	srdreg.scid;
	s8 =	simm.s32 $0x480;
	[dreg:$0xd] =	wrdreg s7  }
0x7: {  	s15 =	stileid.u32;
	s9 =	simm.s32 $0x500;
	[dreg:$0xe] =	wrdreg s8  }
0x8: {  	s10 =	simm.s32 $0x580;
	s11 =	simm.s32 $0x600;
	[dreg:$0xf] =	wrdreg s9  }
0x9: {  	s13 =	simm.s32 $0x680;
	s14 =	simm.s32 $0x700;
	[dreg:$0x10] =	wrdreg s10  }
0xa: {  	s16 =	simm.s32 $0x780;
	s17 =	simm.s32 $0x800;
	[dreg:$0x11] =	wrdreg s11  }
0xb: {  	s18 =	simm.s32 $0x880;
	s19 =	simm.s32 $0x900;
	[dreg:$0x12] =	wrdreg s13  }
0xc: {  	s20 =	simm.s32 $0x980;
	s28 =	simm.s32 $0xE00;
	[dreg:$0x13] =	wrdreg s14  }
0xd: {  	s29 =	simm.s32 $0xE80;
	s30 =	simm.s32 $0xF00;
	[dreg:$0x14] =	wrdreg s16  }
0xe: {  	p0 =	por $0x0, $0x0;
	s0 =	sand.u32 $0x1, s0;
	[dreg:$0x15] =	wrdreg s17  }
0xf: {  	s6 =	sadd.s32 $0x12600, s3;
	s1 =	sshll.u32 s0, $0x4;
	[dreg:$0x16] =	wrdreg s18  }
0x10: {  	s0 =	ssub.s32 $0x2, s0;
	s8 =	simm.s32 $0x1B88;
	[dreg:$0x17] =	wrdreg s19  }
0x11: {  	s9 =	simm.s32 $0x2388;
	[dreg:$0x18] =	wrdreg s20;
	s10 =	simm.s32 $0x2B88  }
0x12: {  	s11 =	simm.s32 $0x3388;
	s24 =	simm.s32 $0xB80;
	s13 =	simm.s32 $0x4388  }
0x13: {  	s25 =	simm.s32 $0xC00;
	s14 =	simm.s32 $0x4B88;
	s26 =	simm.s32 $0xC80  }
0x14: {  	s7 =	simm.s32 $0x1;
	s16 =	simm.s32 $0xF80;
	s17 =	simm.s32 $0x1080  }
0x15: {  	s18 =	simm.s32 $0x1100;
	s19 =	simm.s32 $0x1180;
	s1 =	sor.u32 s15, s1  }
0x16: {  	s20 =	simm.s32 $0x1200;
	[dreg:$0x1c] =	wrdreg s24;
	s4 =	smul.u32 $0x271, s1  }
0x17: {  	s12 =	sshrl.u32 s0, $0x1;
	[dreg:$0x1d] =	wrdreg s25;
	s5 =	smul.u32 $0x13880, s1  }
0x18: {  	[dreg:$0x1e] =	wrdreg s26;
	s25 =	simm.s32 $0xD00;
	s1 =	smul.u32 $0x2710, s1  }
0x19: {  	s26 =	simm.s32 $0xD80;
	s24 =	simm.s32 $0x1380;
	s4 =	sadd.s32 s4, s3  }
0x1a: {  	s0 =	ssub.s32 s0, s12;
	s31 =	sadd.s32 s6, s1;
	s4 =	sadd.s32 $0x3600, s4  }
0x1b: {  	s12 =	simm.s32 $0x3B88;
	s1 =	sadd.s32 $0x800, s31;
	[dreg:$0x2] =	wrdreg s4  }
0x1c: {  	s0 =	smax.u32 s0, $0x1;
	s22 =	sadd.s32 $0x1000, s31;
	[dreg:$0x4] =	wrdreg s1  }
0x1d: {  	s5 =	sshrl.u32 s5, $0x3;
	s23 =	sadd.s32 $0x1800, s31;
	[dreg:$0x5] =	wrdreg s22  }
0x1e: {  	s5 =	sadd.s32 s6, s5;
	s6 =	simm.s32 $0x380;
	[dreg:$0x6] =	wrdreg s23  }
0x1f: {  	p1 =	sne.s32 s0, $0x1;
	s21 =	sadd.s32 $0x2000, s5;
	[dreg:$0xc] =	wrdreg s6  }
0x20: {  	s4 =	simm.s32 $0x280;
	s5 =	simm.s32 $0x300;
	[dreg:$0x3] =	wrdreg s21  }
0x21: {  	s6 =	simm.s32 $0x80;
	s22 =	simm.s32 $0xA80;
	[dreg:$0xa] =	wrdreg s4  }
.Ltmp0:
0x22: {  	s23 =	simm.s32 $0xB00;
	[dreg:$0xb] =	wrdreg s5;
	(pc) =	sbr.rel @!p1 .LBB2_1-.Ltmp0, $4  }
0x23: {  	s1 =	sadd.s32 $0xFFFFFFFF, s0;
	s5 =	sadd.s32 $0xD600, s3;
	[dreg:$0x1a] =	wrdreg s22  }
0x24: {  	s3 =	simm.s32 $0x2;
	s4 =	simm.s32 $0x1388;
	[dreg:$0x1b] =	wrdreg s23  }
0x25: {  	s21 =	simm.s32 $0xA00;
	s22 =	simm.s32 $0x1300;
	s0 =	rddreg [dreg:$0x2]  }
0x26: {  	s23 =	simm.s32 $0x8;
	[dreg:$0x19] =	wrdreg s21;
	s21 =	simm.s32 $0x1280  }
0x27: {  	[tilespmem:s2], [sflag:$0x2] =	stream.linear.gather [hbm4b:s0+s2], $0x1388, $0x38;
	[tilespmem:$0x5388] =	vst v63  }
0x28: {  	_ =	swait.ge [sflag:s3], $0x1388  }
0x29: {  	[sflag:s3] =	ssyncset.done $0x0  }
0x2a: {  	[sflag:s3] =	ssyncadd.s32 $0xFFFFEC78  }
0x2b: {  	[tilespmem:s4], [sflag:$0x1] =	stream.indirect.gather [hbm4b:s5+s6], $0x10, s2, s6, $0xb8;
	[tilespmem:$0x5388] =	vst v63  }
0x2c: {  	_ = 	snop  }
0x2d: {  	[tilespmem:s8], [sflag:$0x1] =	stream.indirect.gather [hbm4b:s5+s6], $0x10, s6, s6, $0xb8;
	[tilespmem:$0x5388] =	vst v63  }
0x2e: {  	s0 =	rddreg [dreg:$0x7]  }
0x2f: {  	[tilespmem:s9], [sflag:$0x1] =	stream.indirect.gather [hbm4b:s5+s6], $0x10, s0, s6, $0xb8;
	[tilespmem:$0x5388] =	vst v63  }
0x30: {  	s15 =	smov.u32 s1;
	s1 =	rddreg [dreg:$0x8]  }
0x31: {  	[tilespmem:s10], [sflag:$0x1] =	stream.indirect.gather [hbm4b:s5+s6], $0x10, s1, s6, $0xb8;
	[tilespmem:$0x5388] =	vst v63  }
0x32: {  	s0 =	rddreg [dreg:$0x9]  }
0x33: {  	[tilespmem:s11], [sflag:$0x1] =	stream.indirect.gather [hbm4b:s5+s6], $0x10, s0, s6, $0xb8;
	[tilespmem:$0x5388] =	vst v63  }
0x34: {  	s1 =	rddreg [dreg:$0xa]  }
0x35: {  	[tilespmem:s12], [sflag:$0x1] =	stream.indirect.gather [hbm4b:s5+s6], $0x10, s1, s6, $0xb8;
	[tilespmem:$0x5388] =	vst v63  }
0x36: {  	s0 =	rddreg [dreg:$0xb]  }
0x37: {  	[tilespmem:s13], [sflag:$0x1] =	stream.indirect.gather [hbm4b:s5+s6], $0x10, s0, s6, $0xb8;
	[tilespmem:$0x5388] =	vst v63  }
0x38: {  	s1 =	rddreg [dreg:$0xc]  }
0x39: {  	[tilespmem:s14], [sflag:$0x1] =	stream.indirect.gather [hbm4b:s5+s6], $0x10, s1, s6, $0xb8;
	[tilespmem:$0x5388] =	vst v63  }
0x3a: {  	_ =	swait.ge [sflag:s7], $0x800  }
0x3b: {  	[sflag:s7] =	ssyncset.done $0x0  }
0x3c: {  	[sflag:s7] =	ssyncadd.s32 $0xFFFFF800  }
0x3d: {  	_ =	swait.ge [sflag:s7], $0x800  }
0x3e: {  	[sflag:s7] =	ssyncset.done $0x0  }
0x3f: {  	[sflag:s7] =	ssyncadd.s32 $0xFFFFF800  }
0x40: {  	_ =	swait.ge [sflag:s7], $0x800  }
0x41: {  	[sflag:s7] =	ssyncset.done $0x0  }
0x42: {  	[sflag:s7] =	ssyncadd.s32 $0xFFFFF800  }
0x43: {  	_ =	swait.ge [sflag:s7], $0x800  }
0x44: {  	[sflag:s7] =	ssyncset.done $0x0  }
0x45: {  	[sflag:s7] =	ssyncadd.s32 $0xFFFFF800  }
0x46: {  	_ =	swait.ge [sflag:s7], $0x800  }
0x47: {  	[sflag:s7] =	ssyncset.done $0x0  }
0x48: {  	[sflag:s7] =	ssyncadd.s32 $0xFFFFF800  }
0x49: {  	_ =	swait.ge [sflag:s7], $0x800  }
0x4a: {  	[sflag:s7] =	ssyncset.done $0x0  }
0x4b: {  	[sflag:s7] =	ssyncadd.s32 $0xFFFFF800  }
0x4c: {  	_ =	swait.ge [sflag:s7], $0x800  }
0x4d: {  	[sflag:s7] =	ssyncset.done $0x0  }
0x4e: {  	[sflag:s7] =	ssyncadd.s32 $0xFFFFF800  }
0x4f: {  	_ =	swait.ge [sflag:s7], $0x800  }
0x50: {  	[sflag:s7] =	ssyncset.done $0x0  }
0x51: {  	[sflag:s7] =	ssyncadd.s32 $0xFFFFF800  }
0x52: {  	[hbm4b:s31+s2] =	stream.linear.scatter [tilespmem:s4], [sflag:$0x2], $0x4000, $0x38;
	[tilespmem:$0x5388] =	vst v63  }
0x53: {  	_ =	swait.ge [sflag:s3], $0x4000  }
0x54: {  	[sflag:s3] =	ssyncset.done $0x0  }
0x55: {  	s0 =	rddreg [dreg:$0xd];
	[sflag:s3] =	ssyncadd.s32 $0xFFFFC000  }
0x56: {  	[tilespmem:s4], [sflag:$0x1] =	stream.indirect.gather [hbm4b:s5+s6], $0x10, s0, s6, $0xb8;
	[tilespmem:$0x5388] =	vst v63  }
0x57: {  	s1 =	rddreg [dreg:$0xe]  }
0x58: {  	[tilespmem:s8], [sflag:$0x1] =	stream.indirect.gather [hbm4b:s5+s6], $0x10, s1, s6, $0xb8;
	[tilespmem:$0x5388] =	vst v63  }
0x59: {  	s0 =	rddreg [dreg:$0xf]  }
0x5a: {  	[tilespmem:s9], [sflag:$0x1] =	stream.indirect.gather [hbm4b:s5+s6], $0x10, s0, s6, $0xb8;
	[tilespmem:$0x5388] =	vst v63  }
0x5b: {  	s1 =	rddreg [dreg:$0x10]  }
0x5c: {  	[tilespmem:s10], [sflag:$0x1] =	stream.indirect.gather [hbm4b:s5+s6], $0x10, s1, s6, $0xb8;
	[tilespmem:$0x5388] =	vst v63  }
0x5d: {  	s0 =	rddreg [dreg:$0x11]  }
0x5e: {  	[tilespmem:s11], [sflag:$0x1] =	stream.indirect.gather [hbm4b:s5+s6], $0x10, s0, s6, $0xb8;
	[tilespmem:$0x5388] =	vst v63  }
0x5f: {  	s1 =	rddreg [dreg:$0x12]  }
0x60: {  	[tilespmem:s12], [sflag:$0x1] =	stream.indirect.gather [hbm4b:s5+s6], $0x10, s1, s6, $0xb8;
	[tilespmem:$0x5388] =	vst v63  }
0x61: {  	s0 =	rddreg [dreg:$0x13]  }
0x62: {  	[tilespmem:s13], [sflag:$0x1] =	stream.indirect.gather [hbm4b:s5+s6], $0x10, s0, s6, $0xb8;
	[tilespmem:$0x5388] =	vst v63  }
0x63: {  	s1 =	rddreg [dreg:$0x14]  }
0x64: {  	[tilespmem:s14], [sflag:$0x1] =	stream.indirect.gather [hbm4b:s5+s6], $0x10, s1, s6, $0xb8;
	[tilespmem:$0x5388] =	vst v63  }
0x65: {  	_ =	swait.ge [sflag:s7], $0x800  }
0x66: {  	[sflag:s7] =	ssyncset.done $0x0  }
0x67: {  	[sflag:s7] =	ssyncadd.s32 $0xFFFFF800  }
0x68: {  	_ =	swait.ge [sflag:s7], $0x800  }
0x69: {  	[sflag:s7] =	ssyncset.done $0x0  }
0x6a: {  	[sflag:s7] =	ssyncadd.s32 $0xFFFFF800  }
0x6b: {  	_ =	swait.ge [sflag:s7], $0x800  }
0x6c: {  	[sflag:s7] =	ssyncset.done $0x0  }
0x6d: {  	[sflag:s7] =	ssyncadd.s32 $0xFFFFF800  }
0x6e: {  	_ =	swait.ge [sflag:s7], $0x800  }
0x6f: {  	[sflag:s7] =	ssyncset.done $0x0  }
0x70: {  	[sflag:s7] =	ssyncadd.s32 $0xFFFFF800  }
0x71: {  	_ =	swait.ge [sflag:s7], $0x800  }
0x72: {  	[sflag:s7] =	ssyncset.done $0x0  }
0x73: {  	[sflag:s7] =	ssyncadd.s32 $0xFFFFF800  }
0x74: {  	_ =	swait.ge [sflag:s7], $0x800  }
0x75: {  	[sflag:s7] =	ssyncset.done $0x0  }
0x76: {  	[sflag:s7] =	ssyncadd.s32 $0xFFFFF800  }
0x77: {  	_ =	swait.ge [sflag:s7], $0x800  }
0x78: {  	[sflag:s7] =	ssyncset.done $0x0  }
0x79: {  	[sflag:s7] =	ssyncadd.s32 $0xFFFFF800  }
0x7a: {  	_ =	swait.ge [sflag:s7], $0x800  }
0x7b: {  	[sflag:s7] =	ssyncset.done $0x0  }
0x7c: {  	s1 =	rddreg [dreg:$0x4];
	[sflag:s7] =	ssyncadd.s32 $0xFFFFF800  }
0x7d: {  	[hbm4b:s1+s2] =	stream.linear.scatter [tilespmem:s4], [sflag:$0x2], $0x4000, $0x38;
	[tilespmem:$0x5388] =	vst v63  }
0x7e: {  	_ =	swait.ge [sflag:s3], $0x4000  }
0x7f: {  	[sflag:s3] =	ssyncset.done $0x0  }
0x80: {  	s0 =	rddreg [dreg:$0x15];
	[sflag:s3] =	ssyncadd.s32 $0xFFFFC000  }
0x81: {  	[tilespmem:s4], [sflag:$0x1] =	stream.indirect.gather [hbm4b:s5+s6], $0x10, s0, s6, $0xb8;
	[tilespmem:$0x5388] =	vst v63  }
0x82: {  	s1 =	rddreg [dreg:$0x16]  }
0x83: {  	[tilespmem:s8], [sflag:$0x1] =	stream.indirect.gather [hbm4b:s5+s6], $0x10, s1, s6, $0xb8;
	[tilespmem:$0x5388] =	vst v63  }
0x84: {  	s0 =	rddreg [dreg:$0x17]  }
0x85: {  	[tilespmem:s9], [sflag:$0x1] =	stream.indirect.gather [hbm4b:s5+s6], $0x10, s0, s6, $0xb8;
	[tilespmem:$0x5388] =	vst v63  }
0x86: {  	s1 =	rddreg [dreg:$0x18]  }
0x87: {  	[tilespmem:s10], [sflag:$0x1] =	stream.indirect.gather [hbm4b:s5+s6], $0x10, s1, s6, $0xb8;
	[tilespmem:$0x5388] =	vst v63  }
0x88: {  	s0 =	rddreg [dreg:$0x19]  }
0x89: {  	[tilespmem:s11], [sflag:$0x1] =	stream.indirect.gather [hbm4b:s5+s6], $0x10, s0, s6, $0xb8;
	[tilespmem:$0x5388] =	vst v63  }
0x8a: {  	s1 =	rddreg [dreg:$0x1a]  }
0x8b: {  	[tilespmem:s12], [sflag:$0x1] =	stream.indirect.gather [hbm4b:s5+s6], $0x10, s1, s6, $0xb8;
	[tilespmem:$0x5388] =	vst v63  }
0x8c: {  	s0 =	rddreg [dreg:$0x1b]  }
0x8d: {  	[tilespmem:s13], [sflag:$0x1] =	stream.indirect.gather [hbm4b:s5+s6], $0x10, s0, s6, $0xb8;
	[tilespmem:$0x5388] =	vst v63  }
0x8e: {  	s1 =	rddreg [dreg:$0x1c]  }
0x8f: {  	[tilespmem:s14], [sflag:$0x1] =	stream.indirect.gather [hbm4b:s5+s6], $0x10, s1, s6, $0xb8;
	[tilespmem:$0x5388] =	vst v63  }
0x90: {  	_ =	swait.ge [sflag:s7], $0x800  }
0x91: {  	[sflag:s7] =	ssyncset.done $0x0  }
0x92: {  	[sflag:s7] =	ssyncadd.s32 $0xFFFFF800  }
0x93: {  	_ =	swait.ge [sflag:s7], $0x800  }
0x94: {  	[sflag:s7] =	ssyncset.done $0x0  }
0x95: {  	[sflag:s7] =	ssyncadd.s32 $0xFFFFF800  }
0x96: {  	_ =	swait.ge [sflag:s7], $0x800  }
0x97: {  	[sflag:s7] =	ssyncset.done $0x0  }
0x98: {  	[sflag:s7] =	ssyncadd.s32 $0xFFFFF800  }
0x99: {  	_ =	swait.ge [sflag:s7], $0x800  }
0x9a: {  	[sflag:s7] =	ssyncset.done $0x0  }
0x9b: {  	[sflag:s7] =	ssyncadd.s32 $0xFFFFF800  }
0x9c: {  	_ =	swait.ge [sflag:s7], $0x800  }
0x9d: {  	[sflag:s7] =	ssyncset.done $0x0  }
0x9e: {  	[sflag:s7] =	ssyncadd.s32 $0xFFFFF800  }
0x9f: {  	_ =	swait.ge [sflag:s7], $0x800  }
0xa0: {  	[sflag:s7] =	ssyncset.done $0x0  }
0xa1: {  	[sflag:s7] =	ssyncadd.s32 $0xFFFFF800  }
0xa2: {  	_ =	swait.ge [sflag:s7], $0x800  }
0xa3: {  	[sflag:s7] =	ssyncset.done $0x0  }
0xa4: {  	[sflag:s7] =	ssyncadd.s32 $0xFFFFF800  }
0xa5: {  	_ =	swait.ge [sflag:s7], $0x800  }
0xa6: {  	[sflag:s7] =	ssyncset.done $0x0  }
0xa7: {  	s1 =	rddreg [dreg:$0x5];
	[sflag:s7] =	ssyncadd.s32 $0xFFFFF800  }
0xa8: {  	[hbm4b:s1+s2] =	stream.linear.scatter [tilespmem:s4], [sflag:$0x2], $0x4000, $0x38;
	[tilespmem:$0x5388] =	vst v63  }
0xa9: {  	_ =	swait.ge [sflag:s3], $0x4000  }
0xaa: {  	[sflag:s3] =	ssyncset.done $0x0  }
0xab: {  	s0 =	rddreg [dreg:$0x1d];
	[sflag:s3] =	ssyncadd.s32 $0xFFFFC000  }
0xac: {  	[tilespmem:s4], [sflag:$0x1] =	stream.indirect.gather [hbm4b:s5+s6], $0x10, s0, s6, $0xb8;
	[tilespmem:$0x5388] =	vst v63  }
0xad: {  	s1 =	rddreg [dreg:$0x1e]  }
0xae: {  	[tilespmem:s8], [sflag:$0x1] =	stream.indirect.gather [hbm4b:s5+s6], $0x10, s1, s6, $0xb8;
	[tilespmem:$0x5388] =	vst v63  }
0xaf: {  	_ = 	snop  }
0xb0: {  	[tilespmem:s9], [sflag:$0x1] =	stream.indirect.gather [hbm4b:s5+s6], $0x10, s25, s6, $0xb8;
	[tilespmem:$0x5388] =	vst v63  }
0xb1: {  	_ = 	snop  }
0xb2: {  	[tilespmem:s10], [sflag:$0x1] =	stream.indirect.gather [hbm4b:s5+s6], $0x10, s26, s6, $0xb8;
	[tilespmem:$0x5388] =	vst v63  }
0xb3: {  	_ = 	snop  }
0xb4: {  	[tilespmem:s11], [sflag:$0x1] =	stream.indirect.gather [hbm4b:s5+s6], $0x10, s28, s6, $0xb8;
	[tilespmem:$0x5388] =	vst v63  }
0xb5: {  	_ = 	snop  }
0xb6: {  	[tilespmem:s12], [sflag:$0x1] =	stream.indirect.gather [hbm4b:s5+s6], $0x10, s29, s6, $0xb8;
	[tilespmem:$0x5388] =	vst v63  }
0xb7: {  	_ = 	snop  }
0xb8: {  	[tilespmem:s13], [sflag:$0x1] =	stream.indirect.gather [hbm4b:s5+s6], $0x10, s30, s6, $0xb8;
	[tilespmem:$0x5388] =	vst v63  }
0xb9: {  	_ = 	snop  }
0xba: {  	[tilespmem:s14], [sflag:$0x1] =	stream.indirect.gather [hbm4b:s5+s6], $0x10, s16, s6, $0xb8;
	[tilespmem:$0x5388] =	vst v63  }
0xbb: {  	_ =	swait.ge [sflag:s7], $0x800  }
0xbc: {  	[sflag:s7] =	ssyncset.done $0x0  }
0xbd: {  	[sflag:s7] =	ssyncadd.s32 $0xFFFFF800  }
0xbe: {  	_ =	swait.ge [sflag:s7], $0x800  }
0xbf: {  	[sflag:s7] =	ssyncset.done $0x0  }
0xc0: {  	[sflag:s7] =	ssyncadd.s32 $0xFFFFF800  }
0xc1: {  	_ =	swait.ge [sflag:s7], $0x800  }
0xc2: {  	[sflag:s7] =	ssyncset.done $0x0  }
0xc3: {  	[sflag:s7] =	ssyncadd.s32 $0xFFFFF800  }
0xc4: {  	_ =	swait.ge [sflag:s7], $0x800  }
0xc5: {  	[sflag:s7] =	ssyncset.done $0x0  }
0xc6: {  	[sflag:s7] =	ssyncadd.s32 $0xFFFFF800  }
0xc7: {  	_ =	swait.ge [sflag:s7], $0x800  }
0xc8: {  	[sflag:s7] =	ssyncset.done $0x0  }
0xc9: {  	[sflag:s7] =	ssyncadd.s32 $0xFFFFF800  }
0xca: {  	_ =	swait.ge [sflag:s7], $0x800  }
0xcb: {  	[sflag:s7] =	ssyncset.done $0x0  }
0xcc: {  	[sflag:s7] =	ssyncadd.s32 $0xFFFFF800  }
0xcd: {  	_ =	swait.ge [sflag:s7], $0x800  }
0xce: {  	[sflag:s7] =	ssyncset.done $0x0  }
0xcf: {  	[sflag:s7] =	ssyncadd.s32 $0xFFFFF800  }
0xd0: {  	_ =	swait.ge [sflag:s7], $0x800  }
0xd1: {  	[sflag:s7] =	ssyncset.done $0x0  }
0xd2: {  	s1 =	rddreg [dreg:$0x6];
	[sflag:s7] =	ssyncadd.s32 $0xFFFFF800  }
0xd3: {  	[hbm4b:s1+s2] =	stream.linear.scatter [tilespmem:s4], [sflag:$0x2], $0x4000, $0x38;
	[tilespmem:$0x5388] =	vst v63  }
0xd4: {  	_ =	swait.ge [sflag:s3], $0x4000  }
0xd5: {  	[sflag:s3] =	ssyncset.done $0x0  }
0xd6: {  	s1 =	simm.s32 $0x1000;
	[sflag:s3] =	ssyncadd.s32 $0xFFFFC000  }
0xd7: {  	[tilespmem:s4], [sflag:$0x1] =	stream.indirect.gather [hbm4b:s5+s6], $0x10, s1, s6, $0xb8;
	[tilespmem:$0x5388] =	vst v63  }
0xd8: {  	_ = 	snop  }
0xd9: {  	[tilespmem:s8], [sflag:$0x1] =	stream.indirect.gather [hbm4b:s5+s6], $0x10, s17, s6, $0xb8;
	[tilespmem:$0x5388] =	vst v63  }
0xda: {  	_ = 	snop  }
0xdb: {  	[tilespmem:s9], [sflag:$0x1] =	stream.indirect.gather [hbm4b:s5+s6], $0x10, s18, s6, $0xb8;
	[tilespmem:$0x5388] =	vst v63  }
0xdc: {  	_ = 	snop  }
0xdd: {  	[tilespmem:s10], [sflag:$0x1] =	stream.indirect.gather [hbm4b:s5+s6], $0x10, s19, s6, $0xb8;
	[tilespmem:$0x5388] =	vst v63  }
0xde: {  	_ = 	snop  }
0xdf: {  	[tilespmem:s11], [sflag:$0x1] =	stream.indirect.gather [hbm4b:s5+s6], $0x10, s20, s6, $0xb8;
	[tilespmem:$0x5388] =	vst v63  }
0xe0: {  	_ = 	snop  }
0xe1: {  	[tilespmem:s12], [sflag:$0x1] =	stream.indirect.gather [hbm4b:s5+s6], $0x10, s21, s6, $0xb8;
	[tilespmem:$0x5388] =	vst v63  }
0xe2: {  	_ = 	snop  }
0xe3: {  	[tilespmem:s13], [sflag:$0x1] =	stream.indirect.gather [hbm4b:s5+s6], $0x10, s22, s6, $0xb8;
	[tilespmem:$0x5388] =	vst v63  }
0xe4: {  	_ = 	snop  }
0xe5: {  	[tilespmem:s14], [sflag:$0x1] =	stream.indirect.gather [hbm4b:s5+s23], $0x10, s24, s23, $0xb8;
	[tilespmem:$0x5388] =	vst v63  }
0xe6: {  	_ =	swait.ge [sflag:s7], $0x800  }
0xe7: {  	[sflag:s7] =	ssyncset.done $0x0  }
0xe8: {  	[sflag:s7] =	ssyncadd.s32 $0xFFFFF800  }
0xe9: {  	_ =	swait.ge [sflag:s7], $0x800  }
0xea: {  	[sflag:s7] =	ssyncset.done $0x0  }
0xeb: {  	[sflag:s7] =	ssyncadd.s32 $0xFFFFF800  }
0xec: {  	_ =	swait.ge [sflag:s7], $0x800  }
0xed: {  	[sflag:s7] =	ssyncset.done $0x0  }
0xee: {  	[sflag:s7] =	ssyncadd.s32 $0xFFFFF800  }
0xef: {  	_ =	swait.ge [sflag:s7], $0x800  }
0xf0: {  	[sflag:s7] =	ssyncset.done $0x0  }
0xf1: {  	[sflag:s7] =	ssyncadd.s32 $0xFFFFF800  }
0xf2: {  	_ =	swait.ge [sflag:s7], $0x800  }
0xf3: {  	[sflag:s7] =	ssyncset.done $0x0  }
0xf4: {  	[sflag:s7] =	ssyncadd.s32 $0xFFFFF800  }
0xf5: {  	_ =	swait.ge [sflag:s7], $0x800  }
0xf6: {  	[sflag:s7] =	ssyncset.done $0x0  }
0xf7: {  	[sflag:s7] =	ssyncadd.s32 $0xFFFFF800  }
0xf8: {  	_ =	swait.ge [sflag:s7], $0x800  }
0xf9: {  	[sflag:s7] =	ssyncset.done $0x0  }
0xfa: {  	[sflag:s7] =	ssyncadd.s32 $0xFFFFF800  }
0xfb: {  	p1 =	sne.s32 s15, $0x1;
	_ =	swait.ge [sflag:s7], $0x80  }
.Ltmp1:
0xfc: {  	[sflag:s7] =	ssyncset.done $0x0;
	(pc) =	sbr.rel @!p1 .LBB2_3-.Ltmp1, $4  }
0xfd: {  	s1 =	rddreg [dreg:$0x3];
	[sflag:s7] =	ssyncadd.s32 $0xFFFFFF80  }
0xfe: {  	[hbm4b:s1+s2] =	stream.linear.scatter [tilespmem:s4], [sflag:$0x2], $0x3880, $0x38;
	[tilespmem:$0x5388] =	vst v63  }
0xff: {  	p0 =	por $0x1, $0x1;
	_ =	swait.ge [sflag:s3], $0x3880  }
0x100: {  	s1 =	sadd.s32 $0xFFFFFFFF, s15;
	s0 =	rddreg [dreg:$0x2];
	[sflag:s3] =	ssyncset.done $0x0  }
.LBB2_4:
0x101: {  	[sflag:s3] =	ssyncadd.s32 $0xFFFFC780  }
0x102: {  	[tilespmem:s2], [sflag:$0x2] =	stream.linear.gather [hbm4b:s0+s2], $0x1388, $0x38;
	[tilespmem:$0x5388] =	vst v63  }
0x103: {  	_ =	swait.ge [sflag:s3], $0x1388  }
0x104: {  	[sflag:s3] =	ssyncset.done $0x0  }
0x105: {  	[sflag:s3] =	ssyncadd.s32 $0xFFFFEC78  }
0x106: {  	[tilespmem:s4], [sflag:$0x1] =	stream.indirect.gather [hbm4b:s5+s6], $0x10, s2, s6, $0xb8;
	[tilespmem:$0x5388] =	vst v63  }
0x107: {  	_ = 	snop  }
0x108: {  	[tilespmem:s8], [sflag:$0x1] =	stream.indirect.gather [hbm4b:s5+s6], $0x10, s6, s6, $0xb8;
	[tilespmem:$0x5388] =	vst v63  }
0x109: {  	s0 =	rddreg [dreg:$0x7]  }
0x10a: {  	[tilespmem:s9], [sflag:$0x1] =	stream.indirect.gather [hbm4b:s5+s6], $0x10, s0, s6, $0xb8;
	[tilespmem:$0x5388] =	vst v63  }
0x10b: {  	s15 =	rddreg [dreg:$0x8]  }
0x10c: {  	[tilespmem:s10], [sflag:$0x1] =	stream.indirect.gather [hbm4b:s5+s6], $0x10, s15, s6, $0xb8;
	[tilespmem:$0x5388] =	vst v63  }
0x10d: {  	s0 =	rddreg [dreg:$0x9]  }
0x10e: {  	[tilespmem:s11], [sflag:$0x1] =	stream.indirect.gather [hbm4b:s5+s6], $0x10, s0, s6, $0xb8;
	[tilespmem:$0x5388] =	vst v63  }
0x10f: {  	s15 =	rddreg [dreg:$0xa]  }
0x110: {  	[tilespmem:s12], [sflag:$0x1] =	stream.indirect.gather [hbm4b:s5+s6], $0x10, s15, s6, $0xb8;
	[tilespmem:$0x5388] =	vst v63  }
0x111: {  	s0 =	rddreg [dreg:$0xb]  }
0x112: {  	[tilespmem:s13], [sflag:$0x1] =	stream.indirect.gather [hbm4b:s5+s6], $0x10, s0, s6, $0xb8;
	[tilespmem:$0x5388] =	vst v63  }
0x113: {  	s15 =	rddreg [dreg:$0xc]  }
0x114: {  	[tilespmem:s14], [sflag:$0x1] =	stream.indirect.gather [hbm4b:s5+s6], $0x10, s15, s6, $0xb8;
	[tilespmem:$0x5388] =	vst v63  }
0x115: {  	_ =	swait.ge [sflag:s7], $0x800  }
0x116: {  	[sflag:s7] =	ssyncset.done $0x0  }
0x117: {  	[sflag:s7] =	ssyncadd.s32 $0xFFFFF800  }
0x118: {  	_ =	swait.ge [sflag:s7], $0x800  }
0x119: {  	[sflag:s7] =	ssyncset.done $0x0  }
0x11a: {  	[sflag:s7] =	ssyncadd.s32 $0xFFFFF800  }
0x11b: {  	_ =	swait.ge [sflag:s7], $0x800  }
0x11c: {  	[sflag:s7] =	ssyncset.done $0x0  }
0x11d: {  	[sflag:s7] =	ssyncadd.s32 $0xFFFFF800  }
0x11e: {  	_ =	swait.ge [sflag:s7], $0x800  }
0x11f: {  	[sflag:s7] =	ssyncset.done $0x0  }
0x120: {  	[sflag:s7] =	ssyncadd.s32 $0xFFFFF800  }
0x121: {  	_ =	swait.ge [sflag:s7], $0x800  }
0x122: {  	[sflag:s7] =	ssyncset.done $0x0  }
0x123: {  	[sflag:s7] =	ssyncadd.s32 $0xFFFFF800  }
0x124: {  	_ =	swait.ge [sflag:s7], $0x800  }
0x125: {  	[sflag:s7] =	ssyncset.done $0x0  }
0x126: {  	[sflag:s7] =	ssyncadd.s32 $0xFFFFF800  }
0x127: {  	_ =	swait.ge [sflag:s7], $0x800  }
0x128: {  	[sflag:s7] =	ssyncset.done $0x0  }
0x129: {  	[sflag:s7] =	ssyncadd.s32 $0xFFFFF800  }
0x12a: {  	_ =	swait.ge [sflag:s7], $0x800  }
0x12b: {  	[sflag:s7] =	ssyncset.done $0x0  }
0x12c: {  	[sflag:s7] =	ssyncadd.s32 $0xFFFFF800  }
0x12d: {  	[hbm4b:s31+s2] =	stream.linear.scatter [tilespmem:s4], [sflag:$0x2], $0x4000, $0x38;
	[tilespmem:$0x5388] =	vst v63  }
0x12e: {  	_ =	swait.ge [sflag:s3], $0x4000  }
0x12f: {  	[sflag:s3] =	ssyncset.done $0x0  }
0x130: {  	s0 =	rddreg [dreg:$0xd];
	[sflag:s3] =	ssyncadd.s32 $0xFFFFC000  }
0x131: {  	[tilespmem:s4], [sflag:$0x1] =	stream.indirect.gather [hbm4b:s5+s6], $0x10, s0, s6, $0xb8;
	[tilespmem:$0x5388] =	vst v63  }
0x132: {  	s15 =	rddreg [dreg:$0xe]  }
0x133: {  	[tilespmem:s8], [sflag:$0x1] =	stream.indirect.gather [hbm4b:s5+s6], $0x10, s15, s6, $0xb8;
	[tilespmem:$0x5388] =	vst v63  }
0x134: {  	s0 =	rddreg [dreg:$0xf]  }
0x135: {  	[tilespmem:s9], [sflag:$0x1] =	stream.indirect.gather [hbm4b:s5+s6], $0x10, s0, s6, $0xb8;
	[tilespmem:$0x5388] =	vst v63  }
0x136: {  	s15 =	rddreg [dreg:$0x10]  }
0x137: {  	[tilespmem:s10], [sflag:$0x1] =	stream.indirect.gather [hbm4b:s5+s6], $0x10, s15, s6, $0xb8;
	[tilespmem:$0x5388] =	vst v63  }
0x138: {  	s0 =	rddreg [dreg:$0x11]  }
0x139: {  	[tilespmem:s11], [sflag:$0x1] =	stream.indirect.gather [hbm4b:s5+s6], $0x10, s0, s6, $0xb8;
	[tilespmem:$0x5388] =	vst v63  }
0x13a: {  	s15 =	rddreg [dreg:$0x12]  }
0x13b: {  	[tilespmem:s12], [sflag:$0x1] =	stream.indirect.gather [hbm4b:s5+s6], $0x10, s15, s6, $0xb8;
	[tilespmem:$0x5388] =	vst v63  }
0x13c: {  	s0 =	rddreg [dreg:$0x13]  }
0x13d: {  	[tilespmem:s13], [sflag:$0x1] =	stream.indirect.gather [hbm4b:s5+s6], $0x10, s0, s6, $0xb8;
	[tilespmem:$0x5388] =	vst v63  }
0x13e: {  	s15 =	rddreg [dreg:$0x14]  }
0x13f: {  	[tilespmem:s14], [sflag:$0x1] =	stream.indirect.gather [hbm4b:s5+s6], $0x10, s15, s6, $0xb8;
	[tilespmem:$0x5388] =	vst v63  }
0x140: {  	_ =	swait.ge [sflag:s7], $0x800  }
0x141: {  	[sflag:s7] =	ssyncset.done $0x0  }
0x142: {  	[sflag:s7] =	ssyncadd.s32 $0xFFFFF800  }
0x143: {  	_ =	swait.ge [sflag:s7], $0x800  }
0x144: {  	[sflag:s7] =	ssyncset.done $0x0  }
0x145: {  	[sflag:s7] =	ssyncadd.s32 $0xFFFFF800  }
0x146: {  	_ =	swait.ge [sflag:s7], $0x800  }
0x147: {  	[sflag:s7] =	ssyncset.done $0x0  }
0x148: {  	[sflag:s7] =	ssyncadd.s32 $0xFFFFF800  }
0x149: {  	_ =	swait.ge [sflag:s7], $0x800  }
0x14a: {  	[sflag:s7] =	ssyncset.done $0x0  }
0x14b: {  	[sflag:s7] =	ssyncadd.s32 $0xFFFFF800  }
0x14c: {  	_ =	swait.ge [sflag:s7], $0x800  }
0x14d: {  	[sflag:s7] =	ssyncset.done $0x0  }
0x14e: {  	[sflag:s7] =	ssyncadd.s32 $0xFFFFF800  }
0x14f: {  	_ =	swait.ge [sflag:s7], $0x800  }
0x150: {  	[sflag:s7] =	ssyncset.done $0x0  }
0x151: {  	[sflag:s7] =	ssyncadd.s32 $0xFFFFF800  }
0x152: {  	_ =	swait.ge [sflag:s7], $0x800  }
0x153: {  	[sflag:s7] =	ssyncset.done $0x0  }
0x154: {  	[sflag:s7] =	ssyncadd.s32 $0xFFFFF800  }
0x155: {  	_ =	swait.ge [sflag:s7], $0x800  }
0x156: {  	[sflag:s7] =	ssyncset.done $0x0  }
0x157: {  	s15 =	rddreg [dreg:$0x4];
	[sflag:s7] =	ssyncadd.s32 $0xFFFFF800  }
0x158: {  	[hbm4b:s15+s2] =	stream.linear.scatter [tilespmem:s4], [sflag:$0x2], $0x4000, $0x38;
	[tilespmem:$0x5388] =	vst v63  }
0x159: {  	_ =	swait.ge [sflag:s3], $0x4000  }
0x15a: {  	[sflag:s3] =	ssyncset.done $0x0  }
0x15b: {  	s0 =	rddreg [dreg:$0x15];
	[sflag:s3] =	ssyncadd.s32 $0xFFFFC000  }
0x15c: {  	[tilespmem:s4], [sflag:$0x1] =	stream.indirect.gather [hbm4b:s5+s6], $0x10, s0, s6, $0xb8;
	[tilespmem:$0x5388] =	vst v63  }
0x15d: {  	s15 =	rddreg [dreg:$0x16]  }
0x15e: {  	[tilespmem:s8], [sflag:$0x1] =	stream.indirect.gather [hbm4b:s5+s6], $0x10, s15, s6, $0xb8;
	[tilespmem:$0x5388] =	vst v63  }
0x15f: {  	s0 =	rddreg [dreg:$0x17]  }
0x160: {  	[tilespmem:s9], [sflag:$0x1] =	stream.indirect.gather [hbm4b:s5+s6], $0x10, s0, s6, $0xb8;
	[tilespmem:$0x5388] =	vst v63  }
0x161: {  	s15 =	rddreg [dreg:$0x18]  }
0x162: {  	[tilespmem:s10], [sflag:$0x1] =	stream.indirect.gather [hbm4b:s5+s6], $0x10, s15, s6, $0xb8;
	[tilespmem:$0x5388] =	vst v63  }
0x163: {  	s0 =	rddreg [dreg:$0x19]  }
0x164: {  	[tilespmem:s11], [sflag:$0x1] =	stream.indirect.gather [hbm4b:s5+s6], $0x10, s0, s6, $0xb8;
	[tilespmem:$0x5388] =	vst v63  }
0x165: {  	s15 =	rddreg [dreg:$0x1a]  }
0x166: {  	[tilespmem:s12], [sflag:$0x1] =	stream.indirect.gather [hbm4b:s5+s6], $0x10, s15, s6, $0xb8;
	[tilespmem:$0x5388] =	vst v63  }
0x167: {  	s0 =	rddreg [dreg:$0x1b]  }
0x168: {  	[tilespmem:s13], [sflag:$0x1] =	stream.indirect.gather [hbm4b:s5+s6], $0x10, s0, s6, $0xb8;
	[tilespmem:$0x5388] =	vst v63  }
0x169: {  	s15 =	rddreg [dreg:$0x1c]  }
0x16a: {  	[tilespmem:s14], [sflag:$0x1] =	stream.indirect.gather [hbm4b:s5+s6], $0x10, s15, s6, $0xb8;
	[tilespmem:$0x5388] =	vst v63  }
0x16b: {  	_ =	swait.ge [sflag:s7], $0x800  }
0x16c: {  	[sflag:s7] =	ssyncset.done $0x0  }
0x16d: {  	[sflag:s7] =	ssyncadd.s32 $0xFFFFF800  }
0x16e: {  	_ =	swait.ge [sflag:s7], $0x800  }
0x16f: {  	[sflag:s7] =	ssyncset.done $0x0  }
0x170: {  	[sflag:s7] =	ssyncadd.s32 $0xFFFFF800  }
0x171: {  	_ =	swait.ge [sflag:s7], $0x800  }
0x172: {  	[sflag:s7] =	ssyncset.done $0x0  }
0x173: {  	[sflag:s7] =	ssyncadd.s32 $0xFFFFF800  }
0x174: {  	_ =	swait.ge [sflag:s7], $0x800  }
0x175: {  	[sflag:s7] =	ssyncset.done $0x0  }
0x176: {  	[sflag:s7] =	ssyncadd.s32 $0xFFFFF800  }
0x177: {  	_ =	swait.ge [sflag:s7], $0x800  }
0x178: {  	[sflag:s7] =	ssyncset.done $0x0  }
0x179: {  	[sflag:s7] =	ssyncadd.s32 $0xFFFFF800  }
0x17a: {  	_ =	swait.ge [sflag:s7], $0x800  }
0x17b: {  	[sflag:s7] =	ssyncset.done $0x0  }
0x17c: {  	[sflag:s7] =	ssyncadd.s32 $0xFFFFF800  }
0x17d: {  	_ =	swait.ge [sflag:s7], $0x800  }
0x17e: {  	[sflag:s7] =	ssyncset.done $0x0  }
0x17f: {  	[sflag:s7] =	ssyncadd.s32 $0xFFFFF800  }
0x180: {  	_ =	swait.ge [sflag:s7], $0x800  }
0x181: {  	[sflag:s7] =	ssyncset.done $0x0  }
0x182: {  	s15 =	rddreg [dreg:$0x5];
	[sflag:s7] =	ssyncadd.s32 $0xFFFFF800  }
0x183: {  	[hbm4b:s15+s2] =	stream.linear.scatter [tilespmem:s4], [sflag:$0x2], $0x4000, $0x38;
	[tilespmem:$0x5388] =	vst v63  }
0x184: {  	_ =	swait.ge [sflag:s3], $0x4000  }
0x185: {  	[sflag:s3] =	ssyncset.done $0x0  }
0x186: {  	s0 =	rddreg [dreg:$0x1d];
	[sflag:s3] =	ssyncadd.s32 $0xFFFFC000  }
0x187: {  	[tilespmem:s4], [sflag:$0x1] =	stream.indirect.gather [hbm4b:s5+s6], $0x10, s0, s6, $0xb8;
	[tilespmem:$0x5388] =	vst v63  }
0x188: {  	s15 =	rddreg [dreg:$0x1e]  }
0x189: {  	[tilespmem:s8], [sflag:$0x1] =	stream.indirect.gather [hbm4b:s5+s6], $0x10, s15, s6, $0xb8;
	[tilespmem:$0x5388] =	vst v63  }
0x18a: {  	_ = 	snop  }
0x18b: {  	[tilespmem:s9], [sflag:$0x1] =	stream.indirect.gather [hbm4b:s5+s6], $0x10, s25, s6, $0xb8;
	[tilespmem:$0x5388] =	vst v63  }
0x18c: {  	_ = 	snop  }
0x18d: {  	[tilespmem:s10], [sflag:$0x1] =	stream.indirect.gather [hbm4b:s5+s6], $0x10, s26, s6, $0xb8;
	[tilespmem:$0x5388] =	vst v63  }
0x18e: {  	_ = 	snop  }
0x18f: {  	[tilespmem:s11], [sflag:$0x1] =	stream.indirect.gather [hbm4b:s5+s6], $0x10, s28, s6, $0xb8;
	[tilespmem:$0x5388] =	vst v63  }
0x190: {  	_ = 	snop  }
0x191: {  	[tilespmem:s12], [sflag:$0x1] =	stream.indirect.gather [hbm4b:s5+s6], $0x10, s29, s6, $0xb8;
	[tilespmem:$0x5388] =	vst v63  }
0x192: {  	_ = 	snop  }
0x193: {  	[tilespmem:s13], [sflag:$0x1] =	stream.indirect.gather [hbm4b:s5+s6], $0x10, s30, s6, $0xb8;
	[tilespmem:$0x5388] =	vst v63  }
0x194: {  	_ = 	snop  }
0x195: {  	[tilespmem:s14], [sflag:$0x1] =	stream.indirect.gather [hbm4b:s5+s6], $0x10, s16, s6, $0xb8;
	[tilespmem:$0x5388] =	vst v63  }
0x196: {  	_ =	swait.ge [sflag:s7], $0x800  }
0x197: {  	[sflag:s7] =	ssyncset.done $0x0  }
0x198: {  	[sflag:s7] =	ssyncadd.s32 $0xFFFFF800  }
0x199: {  	_ =	swait.ge [sflag:s7], $0x800  }
0x19a: {  	[sflag:s7] =	ssyncset.done $0x0  }
0x19b: {  	[sflag:s7] =	ssyncadd.s32 $0xFFFFF800  }
0x19c: {  	_ =	swait.ge [sflag:s7], $0x800  }
0x19d: {  	[sflag:s7] =	ssyncset.done $0x0  }
0x19e: {  	[sflag:s7] =	ssyncadd.s32 $0xFFFFF800  }
0x19f: {  	_ =	swait.ge [sflag:s7], $0x800  }
0x1a0: {  	[sflag:s7] =	ssyncset.done $0x0  }
0x1a1: {  	[sflag:s7] =	ssyncadd.s32 $0xFFFFF800  }
0x1a2: {  	_ =	swait.ge [sflag:s7], $0x800  }
0x1a3: {  	[sflag:s7] =	ssyncset.done $0x0  }
0x1a4: {  	[sflag:s7] =	ssyncadd.s32 $0xFFFFF800  }
0x1a5: {  	_ =	swait.ge [sflag:s7], $0x800  }
0x1a6: {  	[sflag:s7] =	ssyncset.done $0x0  }
0x1a7: {  	[sflag:s7] =	ssyncadd.s32 $0xFFFFF800  }
0x1a8: {  	_ =	swait.ge [sflag:s7], $0x800  }
0x1a9: {  	[sflag:s7] =	ssyncset.done $0x0  }
0x1aa: {  	[sflag:s7] =	ssyncadd.s32 $0xFFFFF800  }
0x1ab: {  	_ =	swait.ge [sflag:s7], $0x800  }
0x1ac: {  	[sflag:s7] =	ssyncset.done $0x0  }
0x1ad: {  	s15 =	rddreg [dreg:$0x6];
	[sflag:s7] =	ssyncadd.s32 $0xFFFFF800  }
0x1ae: {  	[hbm4b:s15+s2] =	stream.linear.scatter [tilespmem:s4], [sflag:$0x2], $0x4000, $0x38;
	[tilespmem:$0x5388] =	vst v63  }
0x1af: {  	_ =	swait.ge [sflag:s3], $0x4000  }
0x1b0: {  	[sflag:s3] =	ssyncset.done $0x0  }
0x1b1: {  	s15 =	simm.s32 $0x1000;
	[sflag:s3] =	ssyncadd.s32 $0xFFFFC000  }
0x1b2: {  	[tilespmem:s4], [sflag:$0x1] =	stream.indirect.gather [hbm4b:s5+s6], $0x10, s15, s6, $0xb8;
	[tilespmem:$0x5388] =	vst v63  }
0x1b3: {  	_ = 	snop  }
0x1b4: {  	[tilespmem:s8], [sflag:$0x1] =	stream.indirect.gather [hbm4b:s5+s6], $0x10, s17, s6, $0xb8;
	[tilespmem:$0x5388] =	vst v63  }
0x1b5: {  	_ = 	snop  }
0x1b6: {  	[tilespmem:s9], [sflag:$0x1] =	stream.indirect.gather [hbm4b:s5+s6], $0x10, s18, s6, $0xb8;
	[tilespmem:$0x5388] =	vst v63  }
0x1b7: {  	_ = 	snop  }
0x1b8: {  	[tilespmem:s10], [sflag:$0x1] =	stream.indirect.gather [hbm4b:s5+s6], $0x10, s19, s6, $0xb8;
	[tilespmem:$0x5388] =	vst v63  }
0x1b9: {  	_ = 	snop  }
0x1ba: {  	[tilespmem:s11], [sflag:$0x1] =	stream.indirect.gather [hbm4b:s5+s6], $0x10, s20, s6, $0xb8;
	[tilespmem:$0x5388] =	vst v63  }
0x1bb: {  	_ = 	snop  }
0x1bc: {  	[tilespmem:s12], [sflag:$0x1] =	stream.indirect.gather [hbm4b:s5+s6], $0x10, s21, s6, $0xb8;
	[tilespmem:$0x5388] =	vst v63  }
0x1bd: {  	_ = 	snop  }
0x1be: {  	[tilespmem:s13], [sflag:$0x1] =	stream.indirect.gather [hbm4b:s5+s6], $0x10, s22, s6, $0xb8;
	[tilespmem:$0x5388] =	vst v63  }
0x1bf: {  	_ = 	snop  }
0x1c0: {  	[tilespmem:s14], [sflag:$0x1] =	stream.indirect.gather [hbm4b:s5+s23], $0x10, s24, s23, $0xb8;
	[tilespmem:$0x5388] =	vst v63  }
0x1c1: {  	_ =	swait.ge [sflag:s7], $0x800  }
0x1c2: {  	[sflag:s7] =	ssyncset.done $0x0  }
0x1c3: {  	[sflag:s7] =	ssyncadd.s32 $0xFFFFF800  }
0x1c4: {  	_ =	swait.ge [sflag:s7], $0x800  }
0x1c5: {  	[sflag:s7] =	ssyncset.done $0x0  }
0x1c6: {  	[sflag:s7] =	ssyncadd.s32 $0xFFFFF800  }
0x1c7: {  	_ =	swait.ge [sflag:s7], $0x800  }
0x1c8: {  	[sflag:s7] =	ssyncset.done $0x0  }
0x1c9: {  	[sflag:s7] =	ssyncadd.s32 $0xFFFFF800  }
0x1ca: {  	_ =	swait.ge [sflag:s7], $0x800  }
0x1cb: {  	[sflag:s7] =	ssyncset.done $0x0  }
0x1cc: {  	[sflag:s7] =	ssyncadd.s32 $0xFFFFF800  }
0x1cd: {  	_ =	swait.ge [sflag:s7], $0x800  }
0x1ce: {  	[sflag:s7] =	ssyncset.done $0x0  }
0x1cf: {  	[sflag:s7] =	ssyncadd.s32 $0xFFFFF800  }
0x1d0: {  	_ =	swait.ge [sflag:s7], $0x800  }
0x1d1: {  	[sflag:s7] =	ssyncset.done $0x0  }
0x1d2: {  	[sflag:s7] =	ssyncadd.s32 $0xFFFFF800  }
0x1d3: {  	_ =	swait.ge [sflag:s7], $0x800  }
0x1d4: {  	[sflag:s7] =	ssyncset.done $0x0  }
0x1d5: {  	[sflag:s7] =	ssyncadd.s32 $0xFFFFF800  }
0x1d6: {  	p1 =	sne.s32 s1, $0x1;
	_ =	swait.ge [sflag:s7], $0x80  }
.Ltmp2:
0x1d7: {  	[sflag:s7] =	ssyncset.done $0x0;
	(pc) =	sbr.rel @p1 .LBB2_4-.Ltmp2, $4  }
0x1d8: {  	s15 =	rddreg [dreg:$0x3];
	[sflag:s7] =	ssyncadd.s32 $0xFFFFFF80  }
0x1d9: {  	[hbm4b:s15+s2] =	stream.linear.scatter [tilespmem:s4], [sflag:$0x2], $0x3880, $0x38;
	[tilespmem:$0x5388] =	vst v63  }
0x1da: {  	_ =	swait.ge [sflag:s3], $0x3880  }
0x1db: {  	s1 =	sadd.s32 $0xFFFFFFFF, s1;
	s0 =	rddreg [dreg:$0x2];
	[sflag:s3] =	ssyncset.done $0x0  }
0x1dc: {  	s24 =	simm.s32 $0xF80;
	s30 =	simm.s32 $0xF00;
	s29 =	simm.s32 $0xE80  }
0x1dd: {  	s28 =	simm.s32 $0xE00;
	s26 =	simm.s32 $0xD80;
	s25 =	simm.s32 $0xD00  }
0x1de: {  	s23 =	simm.s32 $0x8;
	s22 =	simm.s32 $0x1300;
	s21 =	simm.s32 $0x1280  }
0x1df: {  	s20 =	simm.s32 $0x1200;
	s19 =	simm.s32 $0x1180;
	s18 =	simm.s32 $0x1100  }
0x1e0: {  	s17 =	simm.s32 $0x1080;
	s16 =	simm.s32 $0x1000;
	s15 =	stileid.u32  }
.LBB2_6:
0x1e1: {  	[sflag:s3] =	ssyncadd.s32 @p0 $0xFFFFC780  }
0x1e2: {  	[tilespmem:s2], [sflag:$0x2] =	stream.linear.gather [hbm4b:s0+s2], $0x1388, $0x38;
	[tilespmem:$0x5388] =	vst v63  }
0x1e3: {  	_ =	swait.ge [sflag:s3], $0x1388  }
0x1e4: {  	[sflag:s3] =	ssyncset.done $0x0  }
0x1e5: {  	[sflag:s3] =	ssyncadd.s32 $0xFFFFEC78  }
0x1e6: {  	[tilespmem:s4], [sflag:$0x1] =	stream.indirect.gather [hbm4b:s5+s6], $0x10, s2, s6, $0xb8;
	[tilespmem:$0x5388] =	vst v63  }
0x1e7: {  	_ = 	snop  }
0x1e8: {  	[tilespmem:s8], [sflag:$0x1] =	stream.indirect.gather [hbm4b:s5+s6], $0x10, s6, s6, $0xb8;
	[tilespmem:$0x5388] =	vst v63  }
0x1e9: {  	s0 =	rddreg [dreg:$0x7]  }
0x1ea: {  	[tilespmem:s9], [sflag:$0x1] =	stream.indirect.gather [hbm4b:s5+s6], $0x10, s0, s6, $0xb8;
	[tilespmem:$0x5388] =	vst v63  }
0x1eb: {  	s1 =	rddreg [dreg:$0x8]  }
0x1ec: {  	[tilespmem:s10], [sflag:$0x1] =	stream.indirect.gather [hbm4b:s5+s6], $0x10, s1, s6, $0xb8;
	[tilespmem:$0x5388] =	vst v63  }
0x1ed: {  	s0 =	rddreg [dreg:$0x9]  }
0x1ee: {  	[tilespmem:s11], [sflag:$0x1] =	stream.indirect.gather [hbm4b:s5+s6], $0x10, s0, s6, $0xb8;
	[tilespmem:$0x5388] =	vst v63  }
0x1ef: {  	s1 =	rddreg [dreg:$0xa]  }
0x1f0: {  	[tilespmem:s12], [sflag:$0x1] =	stream.indirect.gather [hbm4b:s5+s6], $0x10, s1, s6, $0xb8;
	[tilespmem:$0x5388] =	vst v63  }
0x1f1: {  	s0 =	rddreg [dreg:$0xb]  }
0x1f2: {  	[tilespmem:s13], [sflag:$0x1] =	stream.indirect.gather [hbm4b:s5+s6], $0x10, s0, s6, $0xb8;
	[tilespmem:$0x5388] =	vst v63  }
0x1f3: {  	s1 =	rddreg [dreg:$0xc]  }
0x1f4: {  	[tilespmem:s14], [sflag:$0x1] =	stream.indirect.gather [hbm4b:s5+s6], $0x10, s1, s6, $0xb8;
	[tilespmem:$0x5388] =	vst v63  }
0x1f5: {  	_ =	swait.ge [sflag:s7], $0x800  }
0x1f6: {  	[sflag:s7] =	ssyncset.done $0x0  }
0x1f7: {  	[sflag:s7] =	ssyncadd.s32 $0xFFFFF800  }
0x1f8: {  	_ =	swait.ge [sflag:s7], $0x800  }
0x1f9: {  	[sflag:s7] =	ssyncset.done $0x0  }
0x1fa: {  	[sflag:s7] =	ssyncadd.s32 $0xFFFFF800  }
0x1fb: {  	_ =	swait.ge [sflag:s7], $0x800  }
0x1fc: {  	[sflag:s7] =	ssyncset.done $0x0  }
0x1fd: {  	[sflag:s7] =	ssyncadd.s32 $0xFFFFF800  }
0x1fe: {  	_ =	swait.ge [sflag:s7], $0x800  }
0x1ff: {  	[sflag:s7] =	ssyncset.done $0x0  }
0x200: {  	[sflag:s7] =	ssyncadd.s32 $0xFFFFF800  }
0x201: {  	_ =	swait.ge [sflag:s7], $0x800  }
0x202: {  	[sflag:s7] =	ssyncset.done $0x0  }
0x203: {  	[sflag:s7] =	ssyncadd.s32 $0xFFFFF800  }
0x204: {  	_ =	swait.ge [sflag:s7], $0x800  }
0x205: {  	[sflag:s7] =	ssyncset.done $0x0  }
0x206: {  	[sflag:s7] =	ssyncadd.s32 $0xFFFFF800  }
0x207: {  	_ =	swait.ge [sflag:s7], $0x800  }
0x208: {  	[sflag:s7] =	ssyncset.done $0x0  }
0x209: {  	[sflag:s7] =	ssyncadd.s32 $0xFFFFF800  }
0x20a: {  	_ =	swait.ge [sflag:s7], $0x800  }
0x20b: {  	[sflag:s7] =	ssyncset.done $0x0  }
0x20c: {  	[sflag:s7] =	ssyncadd.s32 $0xFFFFF800  }
0x20d: {  	[hbm4b:s31+s2] =	stream.linear.scatter [tilespmem:s4], [sflag:$0x2], $0x4000, $0x38;
	[tilespmem:$0x5388] =	vst v63  }
0x20e: {  	_ =	swait.ge [sflag:s3], $0x4000  }
0x20f: {  	[sflag:s3] =	ssyncset.done $0x0  }
0x210: {  	s1 =	rddreg [dreg:$0xd];
	[sflag:s3] =	ssyncadd.s32 $0xFFFFC000  }
0x211: {  	[tilespmem:s4], [sflag:$0x1] =	stream.indirect.gather [hbm4b:s5+s6], $0x10, s1, s6, $0xb8;
	[tilespmem:$0x5388] =	vst v63  }
0x212: {  	s31 =	rddreg [dreg:$0xe]  }
0x213: {  	[tilespmem:s8], [sflag:$0x1] =	stream.indirect.gather [hbm4b:s5+s6], $0x10, s31, s6, $0xb8;
	[tilespmem:$0x5388] =	vst v63  }
0x214: {  	s0 =	rddreg [dreg:$0xf]  }
0x215: {  	[tilespmem:s9], [sflag:$0x1] =	stream.indirect.gather [hbm4b:s5+s6], $0x10, s0, s6, $0xb8;
	[tilespmem:$0x5388] =	vst v63  }
0x216: {  	s31 =	rddreg [dreg:$0x10]  }
0x217: {  	[tilespmem:s10], [sflag:$0x1] =	stream.indirect.gather [hbm4b:s5+s6], $0x10, s31, s6, $0xb8;
	[tilespmem:$0x5388] =	vst v63  }
0x218: {  	s0 =	rddreg [dreg:$0x11]  }
0x219: {  	[tilespmem:s11], [sflag:$0x1] =	stream.indirect.gather [hbm4b:s5+s6], $0x10, s0, s6, $0xb8;
	[tilespmem:$0x5388] =	vst v63  }
0x21a: {  	s31 =	rddreg [dreg:$0x12]  }
0x21b: {  	[tilespmem:s12], [sflag:$0x1] =	stream.indirect.gather [hbm4b:s5+s6], $0x10, s31, s6, $0xb8;
	[tilespmem:$0x5388] =	vst v63  }
0x21c: {  	s0 =	rddreg [dreg:$0x13]  }
0x21d: {  	[tilespmem:s13], [sflag:$0x1] =	stream.indirect.gather [hbm4b:s5+s6], $0x10, s0, s6, $0xb8;
	[tilespmem:$0x5388] =	vst v63  }
0x21e: {  	s31 =	rddreg [dreg:$0x14]  }
0x21f: {  	[tilespmem:s14], [sflag:$0x1] =	stream.indirect.gather [hbm4b:s5+s6], $0x10, s31, s6, $0xb8;
	[tilespmem:$0x5388] =	vst v63  }
0x220: {  	_ =	swait.ge [sflag:s7], $0x800  }
0x221: {  	[sflag:s7] =	ssyncset.done $0x0  }
0x222: {  	[sflag:s7] =	ssyncadd.s32 $0xFFFFF800  }
0x223: {  	_ =	swait.ge [sflag:s7], $0x800  }
0x224: {  	[sflag:s7] =	ssyncset.done $0x0  }
0x225: {  	[sflag:s7] =	ssyncadd.s32 $0xFFFFF800  }
0x226: {  	_ =	swait.ge [sflag:s7], $0x800  }
0x227: {  	[sflag:s7] =	ssyncset.done $0x0  }
0x228: {  	[sflag:s7] =	ssyncadd.s32 $0xFFFFF800  }
0x229: {  	_ =	swait.ge [sflag:s7], $0x800  }
0x22a: {  	[sflag:s7] =	ssyncset.done $0x0  }
0x22b: {  	[sflag:s7] =	ssyncadd.s32 $0xFFFFF800  }
0x22c: {  	_ =	swait.ge [sflag:s7], $0x800  }
0x22d: {  	[sflag:s7] =	ssyncset.done $0x0  }
0x22e: {  	[sflag:s7] =	ssyncadd.s32 $0xFFFFF800  }
0x22f: {  	_ =	swait.ge [sflag:s7], $0x800  }
0x230: {  	[sflag:s7] =	ssyncset.done $0x0  }
0x231: {  	[sflag:s7] =	ssyncadd.s32 $0xFFFFF800  }
0x232: {  	_ =	swait.ge [sflag:s7], $0x800  }
0x233: {  	[sflag:s7] =	ssyncset.done $0x0  }
0x234: {  	[sflag:s7] =	ssyncadd.s32 $0xFFFFF800  }
0x235: {  	_ =	swait.ge [sflag:s7], $0x800  }
0x236: {  	[sflag:s7] =	ssyncset.done $0x0  }
0x237: {  	s31 =	rddreg [dreg:$0x4];
	[sflag:s7] =	ssyncadd.s32 $0xFFFFF800  }
0x238: {  	[hbm4b:s31+s2] =	stream.linear.scatter [tilespmem:s4], [sflag:$0x2], $0x4000, $0x38;
	[tilespmem:$0x5388] =	vst v63  }
0x239: {  	_ =	swait.ge [sflag:s3], $0x4000  }
0x23a: {  	[sflag:s3] =	ssyncset.done $0x0  }
0x23b: {  	s1 =	rddreg [dreg:$0x15];
	[sflag:s3] =	ssyncadd.s32 $0xFFFFC000  }
0x23c: {  	[tilespmem:s4], [sflag:$0x1] =	stream.indirect.gather [hbm4b:s5+s6], $0x10, s1, s6, $0xb8;
	[tilespmem:$0x5388] =	vst v63  }
0x23d: {  	s31 =	rddreg [dreg:$0x16]  }
0x23e: {  	[tilespmem:s8], [sflag:$0x1] =	stream.indirect.gather [hbm4b:s5+s6], $0x10, s31, s6, $0xb8;
	[tilespmem:$0x5388] =	vst v63  }
0x23f: {  	s0 =	rddreg [dreg:$0x17]  }
0x240: {  	[tilespmem:s9], [sflag:$0x1] =	stream.indirect.gather [hbm4b:s5+s6], $0x10, s0, s6, $0xb8;
	[tilespmem:$0x5388] =	vst v63  }
0x241: {  	s31 =	rddreg [dreg:$0x18]  }
0x242: {  	[tilespmem:s10], [sflag:$0x1] =	stream.indirect.gather [hbm4b:s5+s6], $0x10, s31, s6, $0xb8;
	[tilespmem:$0x5388] =	vst v63  }
0x243: {  	s0 =	rddreg [dreg:$0x19]  }
0x244: {  	[tilespmem:s11], [sflag:$0x1] =	stream.indirect.gather [hbm4b:s5+s6], $0x10, s0, s6, $0xb8;
	[tilespmem:$0x5388] =	vst v63  }
0x245: {  	s31 =	rddreg [dreg:$0x1a]  }
0x246: {  	[tilespmem:s12], [sflag:$0x1] =	stream.indirect.gather [hbm4b:s5+s6], $0x10, s31, s6, $0xb8;
	[tilespmem:$0x5388] =	vst v63  }
0x247: {  	s0 =	rddreg [dreg:$0x1b]  }
0x248: {  	[tilespmem:s13], [sflag:$0x1] =	stream.indirect.gather [hbm4b:s5+s6], $0x10, s0, s6, $0xb8;
	[tilespmem:$0x5388] =	vst v63  }
0x249: {  	s31 =	rddreg [dreg:$0x1c]  }
0x24a: {  	[tilespmem:s14], [sflag:$0x1] =	stream.indirect.gather [hbm4b:s5+s6], $0x10, s31, s6, $0xb8;
	[tilespmem:$0x5388] =	vst v63  }
0x24b: {  	_ =	swait.ge [sflag:s7], $0x800  }
0x24c: {  	[sflag:s7] =	ssyncset.done $0x0  }
0x24d: {  	[sflag:s7] =	ssyncadd.s32 $0xFFFFF800  }
0x24e: {  	_ =	swait.ge [sflag:s7], $0x800  }
0x24f: {  	[sflag:s7] =	ssyncset.done $0x0  }
0x250: {  	[sflag:s7] =	ssyncadd.s32 $0xFFFFF800  }
0x251: {  	_ =	swait.ge [sflag:s7], $0x800  }
0x252: {  	[sflag:s7] =	ssyncset.done $0x0  }
0x253: {  	[sflag:s7] =	ssyncadd.s32 $0xFFFFF800  }
0x254: {  	_ =	swait.ge [sflag:s7], $0x800  }
0x255: {  	[sflag:s7] =	ssyncset.done $0x0  }
0x256: {  	[sflag:s7] =	ssyncadd.s32 $0xFFFFF800  }
0x257: {  	_ =	swait.ge [sflag:s7], $0x800  }
0x258: {  	[sflag:s7] =	ssyncset.done $0x0  }
0x259: {  	[sflag:s7] =	ssyncadd.s32 $0xFFFFF800  }
0x25a: {  	_ =	swait.ge [sflag:s7], $0x800  }
0x25b: {  	[sflag:s7] =	ssyncset.done $0x0  }
0x25c: {  	[sflag:s7] =	ssyncadd.s32 $0xFFFFF800  }
0x25d: {  	_ =	swait.ge [sflag:s7], $0x800  }
0x25e: {  	[sflag:s7] =	ssyncset.done $0x0  }
0x25f: {  	[sflag:s7] =	ssyncadd.s32 $0xFFFFF800  }
0x260: {  	_ =	swait.ge [sflag:s7], $0x800  }
0x261: {  	[sflag:s7] =	ssyncset.done $0x0  }
0x262: {  	s31 =	rddreg [dreg:$0x5];
	[sflag:s7] =	ssyncadd.s32 $0xFFFFF800  }
0x263: {  	[hbm4b:s31+s2] =	stream.linear.scatter [tilespmem:s4], [sflag:$0x2], $0x4000, $0x38;
	[tilespmem:$0x5388] =	vst v63  }
0x264: {  	_ =	swait.ge [sflag:s3], $0x4000  }
0x265: {  	[sflag:s3] =	ssyncset.done $0x0  }
0x266: {  	s1 =	rddreg [dreg:$0x1d];
	[sflag:s3] =	ssyncadd.s32 $0xFFFFC000  }
0x267: {  	[tilespmem:s4], [sflag:$0x1] =	stream.indirect.gather [hbm4b:s5+s6], $0x10, s1, s6, $0xb8;
	[tilespmem:$0x5388] =	vst v63  }
0x268: {  	s31 =	rddreg [dreg:$0x1e]  }
0x269: {  	[tilespmem:s8], [sflag:$0x1] =	stream.indirect.gather [hbm4b:s5+s6], $0x10, s31, s6, $0xb8;
	[tilespmem:$0x5388] =	vst v63  }
0x26a: {  	_ = 	snop  }
0x26b: {  	[tilespmem:s9], [sflag:$0x1] =	stream.indirect.gather [hbm4b:s5+s6], $0x10, s25, s6, $0xb8;
	[tilespmem:$0x5388] =	vst v63  }
0x26c: {  	_ = 	snop  }
0x26d: {  	[tilespmem:s10], [sflag:$0x1] =	stream.indirect.gather [hbm4b:s5+s6], $0x10, s26, s6, $0xb8;
	[tilespmem:$0x5388] =	vst v63  }
0x26e: {  	_ = 	snop  }
0x26f: {  	[tilespmem:s11], [sflag:$0x1] =	stream.indirect.gather [hbm4b:s5+s6], $0x10, s28, s6, $0xb8;
	[tilespmem:$0x5388] =	vst v63  }
0x270: {  	_ = 	snop  }
0x271: {  	[tilespmem:s12], [sflag:$0x1] =	stream.indirect.gather [hbm4b:s5+s6], $0x10, s29, s6, $0xb8;
	[tilespmem:$0x5388] =	vst v63  }
0x272: {  	_ = 	snop  }
0x273: {  	[tilespmem:s13], [sflag:$0x1] =	stream.indirect.gather [hbm4b:s5+s6], $0x10, s30, s6, $0xb8;
	[tilespmem:$0x5388] =	vst v63  }
0x274: {  	_ = 	snop  }
0x275: {  	[tilespmem:s14], [sflag:$0x1] =	stream.indirect.gather [hbm4b:s5+s6], $0x10, s24, s6, $0xb8;
	[tilespmem:$0x5388] =	vst v63  }
0x276: {  	_ =	swait.ge [sflag:s7], $0x800  }
0x277: {  	[sflag:s7] =	ssyncset.done $0x0  }
0x278: {  	[sflag:s7] =	ssyncadd.s32 $0xFFFFF800  }
0x279: {  	_ =	swait.ge [sflag:s7], $0x800  }
0x27a: {  	[sflag:s7] =	ssyncset.done $0x0  }
0x27b: {  	[sflag:s7] =	ssyncadd.s32 $0xFFFFF800  }
0x27c: {  	_ =	swait.ge [sflag:s7], $0x800  }
0x27d: {  	[sflag:s7] =	ssyncset.done $0x0  }
0x27e: {  	[sflag:s7] =	ssyncadd.s32 $0xFFFFF800  }
0x27f: {  	_ =	swait.ge [sflag:s7], $0x800  }
0x280: {  	[sflag:s7] =	ssyncset.done $0x0  }
0x281: {  	[sflag:s7] =	ssyncadd.s32 $0xFFFFF800  }
0x282: {  	_ =	swait.ge [sflag:s7], $0x800  }
0x283: {  	[sflag:s7] =	ssyncset.done $0x0  }
0x284: {  	[sflag:s7] =	ssyncadd.s32 $0xFFFFF800  }
0x285: {  	_ =	swait.ge [sflag:s7], $0x800  }
0x286: {  	[sflag:s7] =	ssyncset.done $0x0  }
0x287: {  	[sflag:s7] =	ssyncadd.s32 $0xFFFFF800  }
0x288: {  	_ =	swait.ge [sflag:s7], $0x800  }
0x289: {  	[sflag:s7] =	ssyncset.done $0x0  }
0x28a: {  	[sflag:s7] =	ssyncadd.s32 $0xFFFFF800  }
0x28b: {  	_ =	swait.ge [sflag:s7], $0x800  }
0x28c: {  	[sflag:s7] =	ssyncset.done $0x0  }
0x28d: {  	s29 =	rddreg [dreg:$0x6];
	[sflag:s7] =	ssyncadd.s32 $0xFFFFF800  }
0x28e: {  	[hbm4b:s29+s2] =	stream.linear.scatter [tilespmem:s4], [sflag:$0x2], $0x4000, $0x38;
	[tilespmem:$0x5388] =	vst v63  }
0x28f: {  	_ =	swait.ge [sflag:s3], $0x4000  }
0x290: {  	[sflag:s3] =	ssyncset.done $0x0  }
0x291: {  	[sflag:s3] =	ssyncadd.s32 $0xFFFFC000  }
0x292: {  	[tilespmem:s4], [sflag:$0x1] =	stream.indirect.gather [hbm4b:s5+s6], $0x10, s16, s6, $0xb8;
	[tilespmem:$0x5388] =	vst v63  }
0x293: {  	_ = 	snop  }
0x294: {  	[tilespmem:s8], [sflag:$0x1] =	stream.indirect.gather [hbm4b:s5+s6], $0x10, s17, s6, $0xb8;
	[tilespmem:$0x5388] =	vst v63  }
0x295: {  	_ = 	snop  }
0x296: {  	[tilespmem:s9], [sflag:$0x1] =	stream.indirect.gather [hbm4b:s5+s6], $0x10, s18, s6, $0xb8;
	[tilespmem:$0x5388] =	vst v63  }
0x297: {  	_ = 	snop  }
0x298: {  	[tilespmem:s10], [sflag:$0x1] =	stream.indirect.gather [hbm4b:s5+s6], $0x10, s19, s6, $0xb8;
	[tilespmem:$0x5388] =	vst v63  }
0x299: {  	_ = 	snop  }
0x29a: {  	[tilespmem:s11], [sflag:$0x1] =	stream.indirect.gather [hbm4b:s5+s6], $0x10, s20, s6, $0xb8;
	[tilespmem:$0x5388] =	vst v63  }
0x29b: {  	_ = 	snop  }
0x29c: {  	[tilespmem:s12], [sflag:$0x1] =	stream.indirect.gather [hbm4b:s5+s6], $0x10, s21, s6, $0xb8;
	[tilespmem:$0x5388] =	vst v63  }
0x29d: {  	_ = 	snop  }
0x29e: {  	[tilespmem:s13], [sflag:$0x1] =	stream.indirect.gather [hbm4b:s5+s6], $0x10, s22, s6, $0xb8;
	[tilespmem:$0x5388] =	vst v63  }
0x29f: {  	s30 =	simm.s32 $0x1380  }
0x2a0: {  	[tilespmem:s14], [sflag:$0x1] =	stream.indirect.gather [hbm4b:s5+s23], $0x10, s30, s23, $0xb8;
	[tilespmem:$0x5388] =	vst v63  }
0x2a1: {  	_ =	swait.ge [sflag:s7], $0x800  }
0x2a2: {  	[sflag:s7] =	ssyncset.done $0x0  }
0x2a3: {  	[sflag:s7] =	ssyncadd.s32 $0xFFFFF800  }
0x2a4: {  	_ =	swait.ge [sflag:s7], $0x800  }
0x2a5: {  	[sflag:s7] =	ssyncset.done $0x0  }
0x2a6: {  	[sflag:s7] =	ssyncadd.s32 $0xFFFFF800  }
0x2a7: {  	_ =	swait.ge [sflag:s7], $0x800  }
0x2a8: {  	[sflag:s7] =	ssyncset.done $0x0  }
0x2a9: {  	[sflag:s7] =	ssyncadd.s32 $0xFFFFF800  }
0x2aa: {  	_ =	swait.ge [sflag:s7], $0x800  }
0x2ab: {  	[sflag:s7] =	ssyncset.done $0x0  }
0x2ac: {  	[sflag:s7] =	ssyncadd.s32 $0xFFFFF800  }
0x2ad: {  	_ =	swait.ge [sflag:s7], $0x800  }
0x2ae: {  	[sflag:s7] =	ssyncset.done $0x0  }
0x2af: {  	[sflag:s7] =	ssyncadd.s32 $0xFFFFF800  }
0x2b0: {  	_ =	swait.ge [sflag:s7], $0x800  }
0x2b1: {  	[sflag:s7] =	ssyncset.done $0x0  }
0x2b2: {  	[sflag:s7] =	ssyncadd.s32 $0xFFFFF800  }
0x2b3: {  	_ =	swait.ge [sflag:s7], $0x800  }
0x2b4: {  	[sflag:s7] =	ssyncset.done $0x0  }
0x2b5: {  	[sflag:s7] =	ssyncadd.s32 $0xFFFFF800  }
0x2b6: {  	_ =	swait.ge [sflag:s7], $0x80  }
0x2b7: {  	[sflag:s7] =	ssyncset.done $0x0  }
0x2b8: {  	s31 =	rddreg [dreg:$0x3];
	[sflag:s7] =	ssyncadd.s32 $0xFFFFFF80  }
0x2b9: {  	[hbm4b:s31+s2] =	stream.linear.scatter [tilespmem:s4], [sflag:$0x2], $0x3880, $0x38;
	[tilespmem:$0x5388] =	vst v63  }
0x2ba: {  	_ =	swait.ge [sflag:s3], $0x3880  }
0x2bb: {  	[sflag:s3] =	ssyncset.done $0x0  }
0x2bc: {  	[sflag:s3] =	ssyncadd.s32 $0xFFFFC780  }
0x2bd: {  	_ =	sfence.sel $0x180000  }
0x2be: {  	[bflag:$0x0] =	sbarrier.arrive $0xFFFF  }
0x2bf: {  	_ =	strace $0x9000004D  }
0x2c0: {  	[bflag:$0x2] =	sbarrier.arrive $0xFFFF  }
0x2c1: {  	p0 =	sne.s32 s15, $0x0;
	s0 =	rddreg [dreg:$0x1]  }
0x2c2: {  	s0 =	sadd.s32 @!p0 $0x100000, s0  }
0x2c3: {  	[sflag:s0] =	ssyncadd.tile.s32 @!p0 $0x1;
	_ =	shalt  }
.LBB2_1:
.Ltmp3:
0x2c4: {  	s24 =	simm.s32 $0xF80;
	s30 =	simm.s32 $0xF00;
	(pc) =	sbr.rel .LBB2_6-.Ltmp3, $4  }
0x2c5: {  	s29 =	simm.s32 $0xE80;
	s28 =	simm.s32 $0xE00;
	s26 =	simm.s32 $0xD80  }
0x2c6: {  	s25 =	simm.s32 $0xD00;
	s23 =	simm.s32 $0x8;
	s22 =	simm.s32 $0x1300  }
0x2c7: {  	s21 =	simm.s32 $0x1280;
	s20 =	simm.s32 $0x1200;
	s19 =	simm.s32 $0x1180  }
0x2c8: {  	s18 =	simm.s32 $0x1100;
	s17 =	simm.s32 $0x1080;
	s16 =	simm.s32 $0x1000  }
.LBB2_3:
0x2c9: {  	s24 =	simm.s32 $0xF80  }
.Ltmp4:
0x2ca: {  	s30 =	simm.s32 $0xF00;
	s29 =	simm.s32 $0xE80;
	(pc) =	sbr.rel .LBB2_6-.Ltmp4, $4  }
0x2cb: {  	s28 =	simm.s32 $0xE00;
	s26 =	simm.s32 $0xD80;
	s25 =	simm.s32 $0xD00  }
0x2cc: {  	s23 =	simm.s32 $0x8;
	s22 =	simm.s32 $0x1300;
	s21 =	simm.s32 $0x1280  }
0x2cd: {  	s20 =	simm.s32 $0x1200;
	s19 =	simm.s32 $0x1180;
	s18 =	simm.s32 $0x1100  }
0x2ce: {  	s17 =	simm.s32 $0x1080;
	s16 =	simm.s32 $0x1000;
	s15 =	stileid.u32  }
.Lfunc_end2:
_tile_overlayer_lowered:
.L_overlay_start_2:
0x2cf: {  	(tag) =	ssettag $0x2  }
0x2d0: {  	s0 =	rddreg [dreg:$0x0];
	s2 =	stileid.u32  }
0x2d1: {  	s1 =	rddreg [dreg:$0x1];
	p0 =	sne.s32 s2, $0x0  }
0x2d2: {  	s3 =	rddreg [dreg:$0x2];
	[bflag:$0x3] =	sbarrier.arrive $0xFFFF;
	s2 =	simm.s32 @!p0 $0x1C02  }
0x2d3: {  	[timem:s3], [sflag:s2] =	dma.local @!p0 [hbm:s0], s1  }
0x2d4: {  	s0 =	simm.s32 @!p0 $0x2  }
0x2d5: {  	_ =	swait.ge @!p0 [sflag:s0], s1  }
0x2d6: {  	s1 =	ssub.s32 @!p0 $0x0, s1;
	[sflag:s0] =	ssyncset.done @!p0 $0x0  }
0x2d7: {  	[sflag:s0] =	ssyncadd.s32 @!p0 s1  }
0x2d8: {  	[bflag:$0x3] =	sbarrier.arrive $0xFFFF  }
0x2d9: {  	_ =	shalt  }

// kernel: kernel.21.cloned.1.call-start
scs
__scs_entry_jumppad:
0x0: {  	(pc) =	sbr.rel $0x88, $3  }
0x1: {  	(tag) =	ssettag $0x0;
	lr =	simm.s32 $0x1  }
0x2: {  	[smem:$0x3F93] =	sst lr;
	_ =	strace $0xD0000000  }
0x3: {  	_ = 	snop  }
0x4: {  	_ = 	snop  }
0x5: {  	_ = 	snop  }
0x6: {  	_ = 	snop  }
0x7: {  	_ = 	snop  }
__scs_overlays_trampoline_lowered:
0x8: {  	[smem:$0x3FA2] =	sst s0  }
0x9: {  	[smem:$0x3FA3] =	sst s1  }
0xa: {  	[smem:$0x3FA4] =	sst s2  }
0xb: {  	[smem:$0x3FA5] =	sst s3  }
0xc: {  	[smem:$0x3FA6] =	sst s4  }
0xd: {  	[smem:$0x3FA7] =	sst s5  }
0xe: {  	[smem:$0x3FA8] =	sst s6  }
0xf: {  	[smem:$0x3FA9] =	sst s7  }
0x10: {  	[smem:$0x3FAA] =	sst s8  }
0x11: {  	[smem:$0x3FAB] =	sst s9;
	s0 =	simm.s32 @!p0 $0x0  }
0x12: {  	s1 =	sld [smem:$0x3F91];
	s0 =	simm.s32 @p0 $0x1  }
0x13: {  	[smem:$0x3FAC] =	sst s0;
	s0 =	simm.s32 @!p1 $0x0  }
0x14: {  	s2 =	sld [smem:$0x3F90];
	s0 =	simm.s32 @p1 $0x1  }
0x15: {  	[smem:$0x3FAD] =	sst s0;
	s0 =	simm.s32 @!p2 $0x0  }
0x16: {  	s3 =	sld [smem:$0x3FDB];
	s0 =	simm.s32 @p2 $0x1  }
0x17: {  	s4 =	simm.s32 $0x1BF5;
	[smem:$0x3FAF] =	sst s0  }
0x18: {  	s0 =	sld [smem:$0x3F92];
	_ =	swait.ge [sflag:s4], $0x0  }
0x19: {  	s7 =	sld [smem:$0x3F93]  }
0x1a: {  	s8 =	sadd.s32 $0xFFFFE003, lr  }
0x1b: {  	s9 =	sadd.s32 $0xFFFFFEF7, lr;
	s5 =	simm.s32 $0xFFFFFFFF;
	p2 =	slt.u32 s8, $0xFFFFF086  }
0x1c: {  	p1 =	slt.u32 s9, $0xF7A;
	s5 =	simm.s32 @!p2 $0x0  }
0x1d: {  	s5 =	simm.s32 @p1 $0x1;
	p0 =	seq.s32 s7, s2  }
0x1e: {  	s7 =	smul.u32 @!p0 $0xF7A, s2;
	p2 =	seq.s32 @!p0 s5, $0x0  }
0x1f: {  	s9 =	smul.u32 $0xF7A, s1;
	s8 =	simm.s32 @!p0 $0x1BF5;
	p2 =	por !p2, p0  }
0x20: {  	[sflag:s8] =	ssyncset.s32 @!p0 $0xFFFFF086;
	s6 =	sadd.s32 @!p0 s3, s7;
	s7 =	simm.s32 @!p0 $0x108  }
0x21: {  	s3 =	sadd.s32 s3, s9;
	s6 =	sadd.s32 @!p0 $0x88, s6;
	s7 =	simm.s32 @p2 $0x1082  }
0x22: {  	[simem:s7], [sflag:s8] =	dma.local @!p0 [hbm:s6], $0xF7A  }
0x23: {  	s9 =	sor.u32 $0xD0000000, s2;
	s6 =	simm.s32 $0x108;
	_ =	swait.ge @!p0 [sflag:s8], $0x0  }
0x24: {  	s3 =	sadd.s32 $0x88, s3;
	s6 =	simm.s32 @!p1 $0x1082;
	[sflag:s4] =	ssyncset.s32 $0xFFFFF086  }
0x25: {  	[simem:s6], [sflag:s4] =	dma.local [hbm:s3], $0xF7A  }
0x26: {  	[smem:$0x3F93] =	sst s1;
	(tag) =	ssettag s2;
	_ =	strace s9  }
0x27: {  	s1 =	sld [smem:$0x3FA3]  }
0x28: {  	s2 =	sld [smem:$0x3FA4]  }
0x29: {  	s4 =	sld [smem:$0x3FA6]  }
0x2a: {  	p0 =	seq.s32 s5, $0x0;
	s5 =	sld [smem:$0x3FA7]  }
0x2b: {  	s6 =	sld [smem:$0x3FA8]  }
0x2c: {  	s7 =	sld [smem:$0x3FA9]  }
0x2d: {  	s3 =	simm.s32 $0x108;
	s8 =	sld [smem:$0x3FAA]  }
0x2e: {  	s3 =	simm.s32 @!p0 $0x1082;
	s9 =	sld [smem:$0x3FAB]  }
0x2f: {  	lr =	sadd.s32 s0, s3;
	s0 =	sld [smem:$0x3FA2]  }
0x30: {  	s3 =	sld [smem:$0x3FA5]  }
0x31: {  	[smem:$0x3FAE] =	sst s10  }
0x32: {  	s10 =	sld [smem:$0x3FAC];
	_ =	sdelay $0x3  }
0x33: {  	p0 =	seq.s32 s10, $0x1;
	s10 =	sld [smem:$0x3FAE];
	_ =	sdelay $0x3  }
0x34: {  	[smem:$0x3FAE] =	sst s10  }
0x35: {  	s10 =	sld [smem:$0x3FAD];
	_ =	sdelay $0x3  }
0x36: {  	p1 =	seq.s32 s10, $0x1;
	s10 =	sld [smem:$0x3FAE];
	_ =	sdelay $0x3  }
0x37: {  	[smem:$0x3FAE] =	sst s10  }
0x38: {  	s10 =	sld [smem:$0x3FAF]  }
0x39: {  	_ = 	snop;
	(pc) =	sbr.ind lr, $3  }
0x3a: {  	_ = 	snop  }
0x3b: {  	_ = 	snop  }
0x3c: {  	p2 =	seq.s32 s10, $0x1;
	s10 =	sld [smem:$0x3FAE]  }
0x3d: {  	_ =	shalt  }
0x3e: {  	_ =	shalt  }
0x3f: {  	_ =	shalt  }
0x40: {  	_ =	shalt  }
0x41: {  	_ =	shalt  }
0x42: {  	_ =	shalt  }
0x43: {  	_ =	shalt  }
0x44: {  	_ =	shalt  }
0x45: {  	_ =	shalt  }
0x46: {  	_ =	shalt  }
0x47: {  	_ =	shalt  }
0x48: {  	_ =	shalt  }
0x49: {  	_ =	shalt  }
0x4a: {  	_ =	shalt  }
0x4b: {  	_ =	shalt  }
0x4c: {  	_ =	shalt  }
0x4d: {  	_ =	shalt  }
0x4e: {  	_ =	shalt  }
0x4f: {  	_ =	shalt  }
0x50: {  	_ =	shalt  }
0x51: {  	_ =	shalt  }
0x52: {  	_ =	shalt  }
0x53: {  	_ =	shalt  }
0x54: {  	_ =	shalt  }
0x55: {  	_ =	shalt  }
0x56: {  	_ =	shalt  }
0x57: {  	_ =	shalt  }
0x58: {  	_ =	shalt  }
0x59: {  	_ =	shalt  }
0x5a: {  	_ =	shalt  }
0x5b: {  	_ =	shalt  }
0x5c: {  	_ =	shalt  }
0x5d: {  	_ =	shalt  }
0x5e: {  	_ =	shalt  }
0x5f: {  	_ =	shalt  }
0x60: {  	_ =	shalt  }
0x61: {  	_ =	shalt  }
0x62: {  	_ =	shalt  }
0x63: {  	_ =	shalt  }
0x64: {  	_ =	shalt  }
0x65: {  	_ =	shalt  }
0x66: {  	_ =	shalt  }
0x67: {  	_ =	shalt  }
0x68: {  	_ =	shalt  }
0x69: {  	_ =	shalt  }
0x6a: {  	_ =	shalt  }
0x6b: {  	_ =	shalt  }
0x6c: {  	_ =	shalt  }
0x6d: {  	_ =	shalt  }
0x6e: {  	_ =	shalt  }
0x6f: {  	_ =	shalt  }
0x70: {  	_ =	shalt  }
0x71: {  	_ =	shalt  }
0x72: {  	_ =	shalt  }
0x73: {  	_ =	shalt  }
0x74: {  	_ =	shalt  }
0x75: {  	_ =	shalt  }
0x76: {  	_ =	shalt  }
0x77: {  	_ =	shalt  }
0x78: {  	_ =	shalt  }
0x79: {  	_ =	shalt  }
0x7a: {  	_ =	shalt  }
0x7b: {  	_ =	shalt  }
0x7c: {  	_ =	shalt  }
0x7d: {  	_ =	shalt  }
0x7e: {  	_ =	shalt  }
0x7f: {  	_ =	shalt  }
0x80: {  	_ =	shalt  }
0x81: {  	_ =	shalt  }
0x82: {  	_ =	shalt  }
0x83: {  	_ =	shalt  }
0x84: {  	_ =	shalt  }
0x85: {  	_ =	shalt  }
0x86: {  	_ =	shalt  }
0x87: {  	_ =	shalt  }
.Lfunc_end0:
.L_simem_size_0:
called_computation.3_lowered:
.L_overlay_start_0:
0x88: {  	s2 =	sld [smem:$0x3FD9]  }
0x89: {  	s3 =	sld [smem:$0x3FFE];
	_ =	sdelay $0x1  }
0x8a: {  	s1 =	srdreg.scid  }
0x8b: {  	s0 =	sand.u32 $0x1, s1  }
0x8c: {  	s16 =	sshll.u32 s0, $0xA;
	s2 =	sadd.s32 s3, s2  }
0x8d: {  	s2 =	sadd.s32 s2, s16  }
0x8e: {  	[smem:$0x3FBA] =	sst s2  }
0x8f: {  	_ = 	snop  }
0x90: {  	(tm) =	ssettm $0x1  }
0x91: {  	s17 =	sld [smem:$0x3FFB];
	_ =	sdelay $0x3  }
0x92: {  	_ =	strace s17  }
0x93: {  	s2 =	sld [smem:$0x3FFC];
	_ =	sdelay $0x3  }
0x94: {  	_ =	strace s2  }
0x95: {  	s2 =	sld [smem:$0x3FFD];
	_ =	sdelay $0x3  }
0x96: {  	_ =	strace s2  }
0x97: {  	_ =	strace $0x8FFFFFFF  }
0x98: {  	s18 =	sld [smem:$0x3FDB];
	_ =	sdelay $0x1  }
0x99: {  	s19 =	simm.s32 $_scs_section_size  }
0x9a: {  	s4 =	simm.s32 $_size__tile_overlayer_lowered;
	s5 =	simm.s32 $_tile_overlayer_lowered  }
0x9b: {  	s22 =	simm.s32 $0x1BFF;
	s21 =	sshll.u32 s5, $0x1;
	s2 =	sadd.s32 s19, s18  }
0x9c: {  	s6 =	simm.s32 $0x0;
	s20 =	sshll.u32 s4, $0x1;
	s4 =	sadd.s32 s21, s2  }
0x9d: {  	[timem:s6], [sflag:s22] =	dma.local [hbm:s4], s20  }
0x9e: {  	_ =	swait.ge [sflag:s22], s20  }
0x9f: {  	s3 =	ssub.s32 $0x0, s20;
	[sflag:s22] =	ssyncset.done $0x0  }
0xa0: {  	[sflag:s22] =	ssyncadd.s32 s3;
	_ =	sdelay $0x1  }
0xa1: {  	s23 =	simm.s32 $0x1B8B  }
0xa2: {  	_ =	swait.ge [sflag:s23], $0x1  }
0xa3: {  	[sflag:s23] =	ssyncset.done $0x0  }
0xa4: {  	s25 =	simm.s32 $0x1B8E;
	s24 =	sld [smem:$0x3FFE];
	[sflag:s23] =	ssyncadd.s32 $0xFFFFFFFF  }
0xa5: {  	s26 =	simm.s32 $execute0_lowered;
	[smem:$0x3FD2] =	sst s25  }
0xa6: {  	s4 =	sshll.u32 s26, $0x1;
	_ =	strace $0x8000004F;
	[dreg:$0x1] =	wrdreg $0xFFFFFFFF  }
0xa7: {  	s28 =	simm.s32 $_size_execute0_lowered;
	s2 =	sadd.s32 s2, s4;
	[dreg:$0x0] =	wrdreg $0x0  }
0xa8: {  	s4 =	sshll.u32 s28, $0x1;
	[dreg:$0x2] =	wrdreg s2  }
0xa9: {  	[dreg:$0x3] =	wrdreg s4  }
0xaa: {  	[dreg:$0x4] =	wrdreg $0xC0  }
0xab: {  	_ =	task [dreg:s6], $0x5FFFF  }
0xac: {  	[dreg:$0x1] =	wrdreg $0xFFFFFFFF  }
0xad: {  	[dreg:$0x0] =	wrdreg $0x60  }
0xae: {  	[dreg:$0x2] =	wrdreg s24  }
0xaf: {  	[dreg:$0x3] =	wrdreg $0x42980  }
0xb0: {  	[dreg:$0x4] =	wrdreg $0x9  }
0xb1: {  	_ =	task.clear_ibuf [dreg:s6], $0x5FFFF;
	_ =	strace $0x9000004F  }
0xb2: {  	s29 =	simm.s32 $0x9;
	_ =	strace $0x80000051  }
0xb3: {  	_ =	swait.ge [sflag:s29], $0x1  }
0xb4: {  	[sflag:s29] =	ssyncadd.s32 $0xFFFFFFFF  }
0xb5: {  	_ =	strace $0x90000051  }
0xb6: {  	_ =	sfence  }
0xb7: {  	s30 =	sld [smem:$0x0];
	_ =	sdelay $0x2  }
0xb8: {  	s31 =	sshll.u32 s1, $0xD;
	s1 =	sshrl.u32 s1, $0x2  }
0xb9: {  	s3 =	sand.u32 $0x4000, s31;
	s1 =	sadd.s32 s1, s30  }
0xba: {  	s0 =	sor.u32 s3, s0;
	s1 =	sshll.u32 s1, $0x11  }
0xbb: {  	s0 =	sor.u32 s1, s0  }
0xbc: {  	s0 =	sadd.s32 $0x8F2B, s0  }
0xbd: {  	[sflag:s0] =	ssyncadd.remote.s32 $0x1  }
0xbe: {  	_ =	sfence.sel $0xFFFF  }
0xbf: {  	[dreg:$0x0] =	wrdreg $0xFFFFFFFF;
	(pc) =	sbr.abs _section_cstart, $3  }
0xc0: {  	[dreg:$0x1] =	wrdreg $0xFFFFFFFF  }
0xc1: {  	_ =	task.clear_ibuf [dreg:s6], $0x2FFFF;
	_ =	strace $0x9FFFFFFF  }
0xc2: {  	(tm) =	ssettm $0x7FFFFFFF  }
0xc3: {  	_ =	shalt  }
tec
execute0_lowered:
.L_overlay_start_1:
0x0: {  	(tag) =	ssettag $0x1  }
0x1: {  	s0 =	srdreg.scid;
	s5 =	rddreg [dreg:$0x0]  }
0x2: {  	s2 =	rddreg [dreg:$0x1];
	s3 =	simm.s32 $0x0;
	s15 =	simm.s32 $0x1388  }
0x3: {  	s16 =	simm.s32 $0x80;
	s17 =	simm.s32 $0x8;
	s18 =	simm.s32 $0x0  }
0x4: {  	s4 =	sand.u32 $0x1, s0;
	s0 =	stileid.u32;
	[smem:$0x7FF] =	sst s3  }
0x5: {  	s11 =	sadd.s32 $0xD600, s5;
	s1 =	sshll.u32 s4, $0x4;
	s8 =	smul.u32 $0x2710, s0  }
0x6: {  	s10 =	smul.u32 $0x27100, s4;
	s4 =	ssub.s32 $0x2, s4;
	s6 =	sor.u32 s0, s1  }
0x7: {  	s1 =	rddreg [dreg:$0x2];
	_ =	strace $0x80000050;
	s7 =	smul.u32 $0x1388, s6  }
0x8: {  	s14 =	sshrl.u32 s4, $0x1;
	s6 =	smul.u32 $0x270, s6;
	s12 =	sshrl.u32 s8, $0x3  }
0x9: {  	s13 =	sadd.s32 s8, s10;
	s14 =	ssub.s32 s4, s14;
	s29 =	sadd.s32 s12, s5  }
0xa: {  	s30 =	sshrl.u32 s13, $0x3;
	s10 =	smax.u32 s14, $0x1;
	s14 =	simm.s32 $0x1380  }
0xb: {  	s7 =	sadd.s32 $0x1380, s7;
	s6 =	sadd.s32 s6, s5;
	s12 =	sadd.s32 s30, s5  }
0xc: {  	s4 =	sadd.s32 $0x82A00, s29;
	s9 =	sshrl.u32 s7, $0x3;
	s6 =	sadd.s32 $0x2F8A00, s6  }
0xd: {  	s31 =	sshll.u32 s7, $0x1;
	s9 =	sadd.s32 s9, s5;
	s5 =	sadd.s32 s8, s2  }
0xe: {  	s8 =	sadd.s32 s11, s31;
	s11 =	sadd.s32 s11, s13;
	s13 =	simm.s32 $0x1  }
0xf: {  	s7 =	sadd.s32 $0x8600, s9;
	s9 =	sadd.s32 $0x5B800, s12;
	s12 =	simm.s32 $0x1B88  }
.LBB2_1:
0x10: {  	[tilespmem:s12], [sflag:$0x1] =	stream.linear.gather [hbm4b:s4+s3], $0x2710, $0x38;
	[tilespmem:$0x69A8] =	vst v63  }
0x11: {  	_ =	swait.ge [sflag:s13], $0x2710  }
0x12: {  	[sflag:s13] =	ssyncset.done $0x0  }
0x13: {  	[sflag:s13] =	ssyncadd.s32 $0xFFFFD8F0  }
0x14: {  	[spmem:s5] =	stream.linear.scatter [tilespmem:s12], [sflag:$0x1], $0x2710, $0x38;
	[tilespmem:$0x69A8] =	vst v63  }
0x15: {  	_ =	swait.ge [sflag:s13], $0x2710  }
0x16: {  	[sflag:s13] =	ssyncset.done $0x0  }
0x17: {  	[sflag:s13] =	ssyncadd.s32 $0xFFFFD8F0  }
0x18: {  	[bflag:$0x0] =	sbarrier.arrive $0xFFFF  }
0x19: {  	[tilespmem:s3], [sflag:$0x1] =	stream.linear.gather [hbm4b:s6+s3], $0x1380, $0x38;
	[tilespmem:$0x69A8] =	vst v63  }
0x1a: {  	_ =	swait.ge [sflag:s13], $0x1380  }
0x1b: {  	[sflag:s13] =	ssyncset.done $0x0  }
0x1c: {  	[sflag:s13] =	ssyncadd.s32 $0xFFFFEC80  }
0x1d: {  	[tilespmem:s14], [sflag:$0x1] =	stream.linear.gather [hbm4b:s7+s3], $0x8, $0x38;
	[tilespmem:$0x69A8] =	vst v63  }
0x1e: {  	_ =	swait.ge [sflag:s13], $0x8  }
0x1f: {  	[sflag:s13] =	ssyncset.done $0x0  }
0x20: {  	s19 =	sadd.s32 $0x0, s11;
	[sflag:s13] =	ssyncadd.s32 $0xFFFFFFF8  }
0x21: {  	[tilespmem:s15], [sflag:$0x1] =	stream.linear.gather [hbm4b:s19+s3], $0x800, $0x38;
	[tilespmem:$0x69A8] =	vst v63  }
0x22: {  	_ =	swait.ge [sflag:s13], $0x800  }
0x23: {  	[sflag:s13] =	ssyncset.done $0x0  }
0x24: {  	[sflag:s13] =	ssyncadd.s32 $0xFFFFF800  }
0x25: {  	[spmem:s2] =	stream.indirect.scatter.add.f32 [tilespmem:s15], [sflag:$0x1], $0x10, s3, s16, $0xb8;
	[tilespmem:$0x69A8] =	vst v63  }
0x26: {  	s20 =	simm.s32 $0x100;
	_ =	swait.ge [sflag:s13], $0x800  }
0x27: {  	s21 =	simm.s32 $0x200;
	s19 =	simm.s32 $0x80;
	[sflag:s13] =	ssyncset.done $0x0  }
.LBB2_2:
0x28: {  	s22 =	sadd.s32 s20, s11  }
0x29: {  	[sflag:s13] =	ssyncadd.s32 $0xFFFFF800;
	s20 =	smov.u32 s21;
	s23 =	sadd.s32 $0x100, s21  }
0x2a: {  	[tilespmem:s15], [sflag:$0x1] =	stream.linear.gather [hbm4b:s22+s3], $0x800, $0x38;
	[tilespmem:$0x69A8] =	vst v63  }
0x2b: {  	p0 =	sne.s32 s21, $0x2600;
	_ =	swait.ge [sflag:s13], $0x800  }
.Ltmp0:
0x2c: {  	[sflag:s13] =	ssyncset.done $0x0;
	(pc) =	sbr.rel @p0 .LBB2_2-.Ltmp0, $4  }
0x2d: {  	[sflag:s13] =	ssyncadd.s32 $0xFFFFF800  }
0x2e: {  	[spmem:s2] =	stream.indirect.scatter.add.f32 [tilespmem:s15], [sflag:$0x1], $0x10, s19, s16, $0xb8;
	[tilespmem:$0x69A8] =	vst v63  }
0x2f: {  	_ =	swait.ge [sflag:s13], $0x800  }
0x30: {  	s21 =	smov.u32 s23;
	s19 =	sadd.s32 $0x80, s19;
	[sflag:s13] =	ssyncset.done $0x0  }
0x31: {  	s20 =	sadd.s32 s20, s11;
	[sflag:s13] =	ssyncadd.s32 $0xFFFFF800  }
0x32: {  	[tilespmem:s15], [sflag:$0x1] =	stream.linear.gather [hbm4b:s20+s3], $0x800, $0x38;
	[tilespmem:$0x69A8] =	vst v63  }
0x33: {  	_ =	swait.ge [sflag:s13], $0x800  }
0x34: {  	[sflag:s13] =	ssyncset.done $0x0  }
0x35: {  	[sflag:s13] =	ssyncadd.s32 $0xFFFFF800  }
0x36: {  	[spmem:s2] =	stream.indirect.scatter.add.f32 [tilespmem:s15], [sflag:$0x1], $0x10, s19, s16, $0xb8;
	[tilespmem:$0x69A8] =	vst v63  }
0x37: {  	_ =	swait.ge [sflag:s13], $0x800  }
0x38: {  	[sflag:s13] =	ssyncset.done $0x0  }
0x39: {  	[sflag:s13] =	ssyncadd.s32 $0xFFFFF800  }
0x3a: {  	[tilespmem:s15], [sflag:$0x1] =	stream.linear.gather [hbm4b:s8+s3], $0x80, $0x38;
	[tilespmem:$0x69A8] =	vst v63  }
0x3b: {  	_ =	swait.ge [sflag:s13], $0x80  }
0x3c: {  	[sflag:s13] =	ssyncset.done $0x0  }
0x3d: {  	[sflag:s13] =	ssyncadd.s32 $0xFFFFFF80  }
0x3e: {  	[spmem:s2] =	stream.indirect.scatter.add.f32 [tilespmem:s15], [sflag:$0x1], $0x10, s14, s17, $0xb8;
	[tilespmem:$0x69A8] =	vst v63  }
0x3f: {  	_ =	swait.ge [sflag:s13], $0x80  }
0x40: {  	[sflag:s13] =	ssyncset.done $0x0  }
0x41: {  	[sflag:s13] =	ssyncadd.s32 $0xFFFFFF80  }
0x42: {  	[bflag:$0x0] =	sbarrier.arrive $0xFFFF  }
0x43: {  	[tilespmem:s12], [sflag:$0x1] =	stream.linear.gather [spmem:s5], $0x2710, $0x38;
	[tilespmem:$0x69A8] =	vst v63  }
0x44: {  	s18 =	sadd.s32 $0x1, s18;
	_ =	swait.ge [sflag:s13], $0x2710  }
0x45: {  	p0 =	sne.s32 s18, s10;
	[sflag:s13] =	ssyncset.done $0x0  }
.Ltmp1:
0x46: {  	[sflag:s13] =	ssyncadd.s32 $0xFFFFD8F0;
	(pc) =	sbr.rel @p0 .LBB2_1-.Ltmp1, $4  }
0x47: {  	[hbm4b:s9+s3] =	stream.linear.scatter [tilespmem:s12], [sflag:$0x1], $0x2710, $0x38;
	[tilespmem:$0x69A8] =	vst v63  }
0x48: {  	_ =	swait.ge [sflag:s13], $0x2710  }
0x49: {  	[sflag:s13] =	ssyncset.done $0x0  }
0x4a: {  	[sflag:s13] =	ssyncadd.s32 $0xFFFFD8F0  }
0x4b: {  	_ =	sfence.sel $0x180000  }
0x4c: {  	[bflag:$0x0] =	sbarrier.arrive $0xFFFF  }
0x4d: {  	p0 =	sne.s32 s0, $0x0;
	_ =	strace $0x90000050  }
0x4e: {  	s0 =	sadd.s32 @!p0 $0x100000, s1;
	[bflag:$0x2] =	sbarrier.arrive $0xFFFF  }
0x4f: {  	[sflag:s0] =	ssyncadd.tile.s32 @!p0 $0x1;
	_ =	shalt  }
.Lfunc_end2:
_tile_overlayer_lowered:
.L_overlay_start_2:
0x50: {  	(tag) =	ssettag $0x2  }
0x51: {  	s0 =	rddreg [dreg:$0x0];
	s2 =	stileid.u32  }
0x52: {  	s1 =	rddreg [dreg:$0x1];
	p0 =	sne.s32 s2, $0x0  }
0x53: {  	s3 =	rddreg [dreg:$0x2];
	[bflag:$0x3] =	sbarrier.arrive $0xFFFF;
	s2 =	simm.s32 @!p0 $0x1C01  }
0x54: {  	[timem:s3], [sflag:s2] =	dma.local @!p0 [hbm:s0], s1  }
0x55: {  	s0 =	simm.s32 @!p0 $0x1  }
0x56: {  	_ =	swait.ge @!p0 [sflag:s0], s1  }
0x57: {  	s1 =	ssub.s32 @!p0 $0x0, s1;
	[sflag:s0] =	ssyncset.done @!p0 $0x0  }
0x58: {  	[sflag:s0] =	ssyncadd.s32 @!p0 s1  }
0x59: {  	[bflag:$0x3] =	sbarrier.arrive $0xFFFF  }
0x5a: {  	_ =	shalt  }

</sc_bundles>
